<compile_context>
chip_gen: v7x
topology: tpu7x:2x2x1
jax: 0.10.2.dev20260603
libtpu: 0.0.44.dev20260713+nightly
codegen_flags: <defaults>
</compile_context>

<pallas_src>
import functools

import jax
import jax.numpy as jnp
from jax import lax
from jax.experimental import pallas as pl
from jax.experimental.pallas import tpu as pltpu
from jax.experimental.pallas import tpu_sc as plsc

N = 10000
E = 320000
C = 128

NC = 2
NS = 16
NW = NC * NS
KB = 128
NB = 80
EPW = NB * KB
EPAD = NW * EPW
N_ACC = 10240
RPS = N_ACC // NS
F32 = jnp.float32

_mesh = plsc.VectorSubcoreMesh(core_axis_name="c", subcore_axis_name="s",
                               num_cores=NC, num_subcores=NS)


def _reg_gather(arr, idx):
  return arr.at[idx].get(mode="promise_in_bounds")


def _evolve_body(x_ref, p_ref, wih_ref, whh_ref, bih_ref, bhh_ref, winit_ref,
                 xw_out_ref, sc_ref, xt_ref):
  p_row = p_ref[...]
  nrm = jnp.sqrt(jnp.sum(p_row * p_row))

  def srow(r, _):
    xc = x_ref[pl.ds(r * C, C), :]
    s = lax.dot_general(p_row, xc, (((1,), (1,)), ((), ())),
                        preferred_element_type=F32)
    sc_ref[pl.ds(r, 1), :] = jnp.tanh(s / nrm)
    return 0

  lax.fori_loop(0, 80, srow, 0)

  row_i = lax.broadcasted_iota(jnp.int32, (80, C), 0)
  col_i = lax.broadcasted_iota(jnp.int32, (80, C), 1)
  idx2d = row_i * C + col_i
  sc_ref[...] = jnp.where(idx2d < N, sc_ref[...], -2.0)

  def step(i, _):
    s = sc_ref[...]
    m = jnp.max(s)
    sel = jnp.min(jnp.where(s == m, idx2d, jnp.int32(1 << 30)))
    xrow = x_ref[pl.ds(sel, 1), :]
    xt_ref[pl.ds(i, 1), :] = xrow * m
    sc_ref[...] = jnp.where(idx2d == sel, -3.0, s)
    return 0

  lax.fori_loop(0, C, step, 0)

  xt = xt_ref[...]
  gi = lax.dot_general(xt, wih_ref[...], (((1,), (1,)), ((), ())),
                       preferred_element_type=F32)
  gi = gi + bih_ref[...]
  gh = lax.dot_general(winit_ref[...], whh_ref[...], (((1,), (1,)), ((), ())),
                       preferred_element_type=F32)
  gh = gh + bhh_ref[...]
  r = jax.nn.sigmoid(gi[:, :C] + gh[:, :C])
  z = jax.nn.sigmoid(gi[:, C:2 * C] + gh[:, C:2 * C])
  n_ = jnp.tanh(gi[:, 2 * C:] + r * gh[:, 2 * C:])
  w_ev = (1.0 - z) * n_ + z * winit_ref[...]
  xw_out_ref[...] = lax.dot_general(
      x_ref[pl.ds(0, N), :], w_ev, (((1,), (0,)), ((), ())),
      preferred_element_type=F32)


def _evolve_xw(x_pad, p_row, w_ih, w_hh, bih, bhh, w_init):
  return pl.pallas_call(
      _evolve_body,
      out_shape=jax.ShapeDtypeStruct((N, C), F32),
      scratch_shapes=[pltpu.VMEM((80, C), F32), pltpu.VMEM((C, C), F32)],
  )(x_pad, p_row, w_ih, w_hh, bih, bhh, w_init)


def _deg_body(dst_hbm, w_hbm, out_hbm, dst_v, w_v, acc_v):
  wid = lax.axis_index("s") * NC + lax.axis_index("c")
  base = wid * EPW
  pltpu.sync_copy(dst_hbm.at[pl.ds(base, EPW)], dst_v)
  pltpu.sync_copy(w_hbm.at[pl.ds(base, EPW)], w_v)

  zeros16 = jnp.zeros((16,), F32)

  def zstep(i, _):
    acc_v[pl.ds(i * 16, 16)] = zeros16
    return 0

  lax.fori_loop(0, N // 16, zstep, 0)

  iota = lax.iota(jnp.int32, 16)

  def estep(g, _):
    d16 = dst_v[pl.ds(g * 16, 16)]
    w16 = w_v[pl.ds(g * 16, 16)]
    d_s, acc = plsc.sort_key_val(d16, w16)
    for k in (1, 2, 4, 8):
      idxk = jnp.maximum(iota - k, 0)
      dsh = _reg_gather(d_s, idxk)
      ash = _reg_gather(acc, idxk)
      same = (iota >= k) & (dsh == d_s)
      acc = acc + jnp.where(same, ash, 0.0)
    dnx = _reg_gather(d_s, jnp.minimum(iota + 1, 15))
    end = (d_s != dnx) | (iota == 15)
    plsc.addupdate_scatter(acc_v, [d_s], acc, mask=end)
    return 0

  lax.fori_loop(0, EPW // 16, estep, 0)
  pltpu.sync_copy(acc_v, out_hbm.at[pl.ds(wid * N, N)])


_deg_partials = functools.partial(
    pl.kernel,
    out_type=jax.ShapeDtypeStruct((NW * N,), F32),
    mesh=_mesh,
    compiler_params=pltpu.CompilerParams(needs_layout_passes=False),
    scratch_types=[
        pltpu.VMEM((EPW,), jnp.int32),
        pltpu.VMEM((EPW,), F32),
        pltpu.VMEM((N,), F32),
    ],
)(_deg_body)


def _dis_body(degp_ref, dis_ref):
  deg = 1.0 + jnp.sum(degp_ref[...], axis=0, keepdims=True)
  dis_ref[...] = lax.rsqrt(deg)


def _dis_row(degp):
  return pl.pallas_call(
      _dis_body,
      out_shape=jax.ShapeDtypeStruct((1, N), F32),
  )(degp)


def _msg_body(y_hbm, dis_hbm, pk_hbm, w_hbm, out_hbm,
              pkb_v, dis_v, sidx0, sidx1, didx0, didx1, wb0, wb1,
              rows0, rows1, gsem0, gsem1, ssem0, ssem1, acc_sh):
  cid = lax.axis_index("c")
  sid = lax.axis_index("s")
  wid = sid * NC + cid
  base = wid * EPW
  sidx = (sidx0, sidx1)
  didx = (didx0, didx1)
  wb = (wb0, wb1)
  rows = (rows0, rows1)
  gsem = (gsem0, gsem1)
  ssem = (ssem0, ssem1)

  pltpu.sync_copy(dis_hbm, dis_v)

  zeros16 = jnp.zeros((16,), F32)

  def zrow(r, _):
    for cc in range(C // 16):
      rows0[r, pl.ds(cc * 16, 16)] = zeros16
    return 0

  lax.fori_loop(0, KB, zrow, 0)

  def zacc(i, _):
    pltpu.sync_copy(rows0, acc_sh.at[pl.ds(sid * RPS + i * KB, KB)])
    return 0

  lax.fori_loop(0, RPS // KB, zacc, 0)
  plsc.subcore_barrier()

  QS = KB // 4

  def stage(b, s):
    pltpu.sync_copy(pk_hbm.at[pl.ds(base + b * KB, KB)], pkb_v)
    pltpu.sync_copy(w_hbm.at[pl.ds(base + b * KB, KB)], wb[s])

    def unpack(g, _):
      pk16 = pkb_v[pl.ds(g * 16, 16)]
      sl = pl.ds(g * 16, 16)
      sidx[s][sl] = lax.shift_right_arithmetic(pk16, 14)
      didx[s][g // (QS // 16), pl.ds((g % (QS // 16)) * 16, 16)] = (
          lax.bitwise_and(pk16, 16383))
      return 0

    lax.fori_loop(0, KB // 16, unpack, 0)
    pltpu.async_copy(y_hbm.at[sidx[s]], rows[s], gsem[s])

  def wait_gather(s):
    pltpu.make_async_copy(y_hbm.at[sidx[s]], rows[s], gsem[s]).wait()

  def wait_scatter(s):
    for q in range(4):
      pltpu.make_async_copy(rows[s].at[pl.ds(q * QS, QS)],
                            acc_sh.at[didx[s].at[q]], ssem[s]).wait()

  def scale_and_scatter(s):
    def chunk(q, _):
      def group(gg, _):
        g = q * (QS // 16) + gg
        d16 = didx[s][q, pl.ds(gg * 16, 16)]
        s16_ = sidx[s][pl.ds(g * 16, 16)]
        w16 = wb[s][pl.ds(g * 16, 16)]
        s16 = (w16 * plsc.load_gather(dis_v, [d16])
               * plsc.load_gather(dis_v, [s16_]))
        for j in range(16):
          sj = _reg_gather(s16, jnp.full((16,), j, jnp.int32))
          r = g * 16 + j
          for cc in range(C // 16):
            sl = pl.ds(cc * 16, 16)
            rows[s][r, sl] = rows[s][r, sl] * sj
        return 0

      lax.fori_loop(0, QS // 16, group, 0)
      pltpu.async_copy(rows[s].at[pl.ds(q * QS, QS)],
                       acc_sh.at[didx[s].at[q]], ssem[s], add=True)
      return 0

    lax.fori_loop(0, 4, chunk, 0)

  stage(0, 0)

  def pair(g, _):
    for s in (0, 1):
      b = 2 * g + s

      @pl.when(b >= 1)
      def _():
        wait_scatter(1 - s)

      @pl.when(b + 1 < NB)
      def _():
        stage(b + 1, 1 - s)

      wait_gather(s)
      scale_and_scatter(s)
    return 0

  lax.fori_loop(0, NB // 2, pair, 0)
  wait_scatter((NB - 1) % 2)
  plsc.subcore_barrier()

  def wout(i, _):
    r0 = sid * RPS + i * KB
    pltpu.sync_copy(acc_sh.at[pl.ds(r0, KB)], rows0)
    pltpu.sync_copy(rows0, out_hbm.at[pl.ds(cid * N_ACC + r0, KB)])
    return 0

  lax.fori_loop(0, RPS // KB, wout, 0)


_msg_partials = functools.partial(
    pl.kernel,
    out_type=jax.ShapeDtypeStruct((NC * N_ACC, C), F32),
    mesh=_mesh,
    compiler_params=pltpu.CompilerParams(needs_layout_passes=False),
    scratch_types=[
        pltpu.VMEM((KB,), jnp.int32),
        pltpu.VMEM((N,), F32),
        pltpu.VMEM((KB,), jnp.int32),
        pltpu.VMEM((KB,), jnp.int32),
        pltpu.VMEM((4, KB // 4), jnp.int32),
        pltpu.VMEM((4, KB // 4), jnp.int32),
        pltpu.VMEM((KB,), F32),
        pltpu.VMEM((KB,), F32),
        pltpu.VMEM((KB, C), F32),
        pltpu.VMEM((KB, C), F32),
        pltpu.SemaphoreType.DMA,
        pltpu.SemaphoreType.DMA,
        pltpu.SemaphoreType.DMA,
        pltpu.SemaphoreType.DMA,
        pltpu.VMEM_SHARED((N_ACC, C), F32),
    ],
)(_msg_body)


def _final_body(a0_ref, a1_ref, y_ref, dis_ref, wlin_ref, blin_ref, o_ref):
  d = dis_ref[...]
  pre = a0_ref[0] + a1_ref[0] + (d * d) * y_ref[...]
  h = jnp.maximum(pre, 0.0)
  o_ref[...] = lax.dot_general(h, wlin_ref[...], (((1,), (0,)), ((), ())),
                               preferred_element_type=F32) + blin_ref[...]


def _head(macc3, y, dis_col, wlin, blin):
  rb = 1000
  nb = N // rb
  return pl.pallas_call(
      _final_body,
      grid=(nb,),
      in_specs=[
          pl.BlockSpec((1, rb, C), lambda i: (0, i, 0)),
          pl.BlockSpec((1, rb, C), lambda i: (1, i, 0)),
          pl.BlockSpec((rb, C), lambda i: (i, 0)),
          pl.BlockSpec((rb, 1), lambda i: (i, 0)),
          pl.BlockSpec((C, 1), lambda i: (0, 0)),
          pl.BlockSpec((1, 1), lambda i: (0, 0)),
      ],
      out_specs=pl.BlockSpec((rb, 1), lambda i: (i, 0)),
      out_shape=jax.ShapeDtypeStruct((N, 1), F32),
  )(macc3, macc3, y, dis_col, wlin, blin)


def kernel(x, edge_index, edge_weight, p, W_ih, W_hh, b_ih, b_hh, W_init,
           W_lin, b_lin):
  x = x.astype(F32)
  src = edge_index[0].astype(jnp.int32)
  dst = edge_index[1].astype(jnp.int32)
  w = edge_weight.astype(F32)

  npad = EPAD - E
  pad_idx = jnp.arange(npad, dtype=jnp.int32) % N
  src_p = jnp.concatenate([src, pad_idx])
  dst_p = jnp.concatenate([dst, pad_idx])
  w_p = jnp.concatenate([w, jnp.zeros((npad,), F32)])

  x_pad = jnp.concatenate([x, jnp.zeros((80 * C - N, C), F32)])
  p_row = p.astype(F32).reshape(1, C)
  bih = b_ih.astype(F32).reshape(1, 3 * C)
  bhh = b_hh.astype(F32).reshape(1, 3 * C)

  xw = _evolve_xw(x_pad, p_row, W_ih.astype(F32), W_hh.astype(F32), bih, bhh,
                  W_init.astype(F32))
  degp = _deg_partials(dst_p, w_p)
  disr = _dis_row(degp.reshape(NW, N))
  dis_col = disr.reshape(N, 1)
  packed = src_p * 16384 + dst_p
  macc = _msg_partials(xw, disr.reshape(N), packed, w_p)
  return _head(macc.reshape(NC, N_ACC, C), xw, dis_col, W_lin.astype(F32),
               b_lin.astype(F32).reshape(1, 1))

# --- scband reference (transcript-rebuilt; emitter-appended) ---
"""Pipeline reference for scband-evolve-gcnh-recurrent-gcn-16192026706533 (READ-ONLY COPY).

The authoritative reference and input builder live on the scoring server;
editing this copy changes nothing except your own understanding.
"""

import jax, jax.numpy as jnp
import numpy as np

N = 10000
E = 320000
C = 128

def setup_inputs(seed: int = 0) -> dict:
    key = jax.random.key(seed)
    ks = jax.random.split(key, 12)
    x = jax.random.normal(ks[0], (N, C), dtype=jnp.float32)
    edge_index = jax.random.randint(ks[1], (2, E), 0, N, dtype=jnp.int64)
    edge_weight = jax.random.uniform(ks[2], (E,), dtype=jnp.float32)
    s = 1.0 / np.sqrt(C)
    p = jax.random.uniform(ks[3], (C,), dtype=jnp.float32, minval=-s, maxval=s)
    W_ih = jax.random.uniform(ks[4], (3 * C, C), dtype=jnp.float32, minval=-s, maxval=s)
    W_hh = jax.random.uniform(ks[5], (3 * C, C), dtype=jnp.float32, minval=-s, maxval=s)
    b_ih = jax.random.uniform(ks[6], (3 * C,), dtype=jnp.float32, minval=-s, maxval=s)
    b_hh = jax.random.uniform(ks[7], (3 * C,), dtype=jnp.float32, minval=-s, maxval=s)
    W_init = jax.random.uniform(ks[8], (C, C), dtype=jnp.float32, minval=-s, maxval=s)
    W_lin = jax.random.uniform(ks[9], (C, 1), dtype=jnp.float32, minval=-s, maxval=s)
    b_lin = jax.random.uniform(ks[10], (1,), dtype=jnp.float32, minval=-s, maxval=s)
    return {"x": x, "edge_index": edge_index, "edge_weight": edge_weight, "p": p,
            "W_ih": W_ih, "W_hh": W_hh, "b_ih": b_ih, "b_hh": b_hh,
            "W_init": W_init, "W_lin": W_lin, "b_lin": b_lin}

def reference(x, edge_index, edge_weight, p, W_ih, W_hh, b_ih, b_hh, W_init, W_lin, b_lin):
    n, c = x.shape
    # --- TopKPooling (ratio = in_channels / num_of_nodes -> k = in_channels) ---
    score = jnp.tanh((x @ p) / jnp.linalg.norm(p))
    topv, perm = jax.lax.top_k(score, c)
    X_tilde = x[perm] * topv[:, None]  # [C, C]
    # --- GRU cell: input X_tilde (batch=C), hidden = evolving weight W_init ---
    gi = X_tilde @ W_ih.T + b_ih
    gh = W_init @ W_hh.T + b_hh
    i_r, i_z, i_n = jnp.split(gi, 3, axis=1)
    h_r, h_z, h_n = jnp.split(gh, 3, axis=1)
    r = jax.nn.sigmoid(i_r + h_r)
    z = jax.nn.sigmoid(i_z + h_z)
    ncand = jnp.tanh(i_n + r * h_n)
    W = (1.0 - z) * ncand + z * W_init  # evolved GCN weight [C, C]
    # --- GCNConv_Fixed_W: symmetric gcn_norm with self loops ---
    XW = x @ W
    src = edge_index[0]
    dst = edge_index[1]
    loop = jnp.arange(n)
    src_full = jnp.concatenate([src, loop])
    dst_full = jnp.concatenate([dst, loop])
    w_full = jnp.concatenate([edge_weight, jnp.ones((n,), dtype=x.dtype)])
    deg = jnp.zeros((n,), dtype=x.dtype).at[dst_full].add(w_full)
    dis = jnp.where(deg > 0, jax.lax.rsqrt(jnp.maximum(deg, 1e-12)), 0.0)
    norm = dis[src_full] * w_full * dis[dst_full]
    msg = XW[src_full] * norm[:, None]
    out = jnp.zeros_like(XW).at[dst_full].add(msg)
    # --- relu + linear head ---
    h = jax.nn.relu(out)
    return h @ W_lin + b_lin

if __name__ == "__main__":
    import jax
    _d = setup_inputs()
    print(jax.jit(kernel)(*tuple(_d.values())))

</pallas_src>

<mosaic_0001>
#map = affine_map<(d0, d1) -> (0, 0)>
#map1 = affine_map<(d0, d1) -> (0)>
module attributes {stable_mosaic.version = 14 : i64} {
  func.func @_msg_body(%arg0: i32, %arg1: i32, %arg2: memref<10000x128xf32, #tpu.memory_space<hbm>>, %arg3: memref<10000xf32, #tpu.memory_space<hbm>>, %arg4: memref<327680xi32, #tpu.memory_space<hbm>>, %arg5: memref<327680xf32, #tpu.memory_space<hbm>>, %arg6: memref<20480x128xf32, #tpu.memory_space<hbm>>, %arg7: memref<128xi32, #tpu.memory_space<vmem>>, %arg8: memref<10000xf32, #tpu.memory_space<vmem>>, %arg9: memref<128xi32, #tpu.memory_space<vmem>>, %arg10: memref<128xi32, #tpu.memory_space<vmem>>, %arg11: memref<4x32xi32, #tpu.memory_space<vmem>>, %arg12: memref<4x32xi32, #tpu.memory_space<vmem>>, %arg13: memref<128xf32, #tpu.memory_space<vmem>>, %arg14: memref<128xf32, #tpu.memory_space<vmem>>, %arg15: memref<128x128xf32, #tpu.memory_space<vmem>>, %arg16: memref<128x128xf32, #tpu.memory_space<vmem>>, %arg17: memref<!tpu.dma_semaphore, #tpu.memory_space<semaphore_mem>>, %arg18: memref<!tpu.dma_semaphore, #tpu.memory_space<semaphore_mem>>, %arg19: memref<!tpu.dma_semaphore, #tpu.memory_space<semaphore_mem>>, %arg20: memref<!tpu.dma_semaphore, #tpu.memory_space<semaphore_mem>>, %arg21: memref<10240x128xf32, #tpu.memory_space<vmem_shared>>) attributes {dimension_semantics = [#tpu.dimension_semantics<core_parallel>, #tpu.dimension_semantics<subcore_parallel>], iteration_bounds = array<i64: 2, 16>, scalar_prefetch = 0 : i64, scratch_operands = 15 : i64, tpu.core_type = #tpu.core_type<sc_vector_subcore>, window_params = [{transform_indices = #map}, {transform_indices = #map1}, {transform_indices = #map1}, {transform_indices = #map1}, {transform_indices = #map}]} {
    %mul3A = arith.constant 2 : i32
    %mul3A_0 = arith.muli %arg1, %mul3A : i32
    %add3A = arith.addi %mul3A_0, %arg0 : i32
    %mul3A_1 = arith.constant 10240 : i32
    %mul3A_2 = arith.muli %add3A, %mul3A_1 : i32
    "tpu.region"() ({
      %run_scoped3A = tpu.sem_alloc : memref<!tpu.dma_semaphore, #tpu.memory_space<semaphore_mem>>
      tpu.enqueue_dma source(%arg3 : memref<10000xf32, #tpu.memory_space<hbm>>) target(%arg8 : memref<10000xf32, #tpu.memory_space<vmem>>) target_semaphore(%run_scoped3A : memref<!tpu.dma_semaphore, #tpu.memory_space<semaphore_mem>>)
      tpu.wait_dma2 semaphore(%run_scoped3A : memref<!tpu.dma_semaphore, #tpu.memory_space<semaphore_mem>>) src(%arg3 : memref<10000xf32, #tpu.memory_space<hbm>>) dst(%arg8 : memref<10000xf32, #tpu.memory_space<vmem>>)
      tpu.yield
    }) : () -> ()
    %broadcast_in_dim3A = arith.constant 0.000000e+00 : f32
    %broadcast_in_dim3A_3 = vector.broadcast %broadcast_in_dim3A : f32 to vector<16xf32>
    %scan3A = arith.constant 0 : i32
    %scan3A_4 = arith.constant 0 : i32
    %scan3A_5 = arith.constant 128 : i32
    %scan3A_6 = arith.addi %scan3A_4, %scan3A_5 : i32
    %scan3A_7 = arith.constant 1 : i32
    %scan3A_8 = scf.for %scan3A_84 = %scan3A_4 to %scan3A_6 step %scan3A_7 iter_args(%scan3A_85 = %scan3A) -> (i32)  : i32 {
      %swap3A = arith.index_cast %scan3A_84 : i32 to index
      %swap3A_86 = arith.constant 0 : index
      %swap3A_87 = tpu.vector_load %arg15[%swap3A, %swap3A_86] {strides = array<i32>} : memref<128x128xf32, #tpu.memory_space<vmem>>, vector<16xf32>,
      tpu.vector_store %arg15[%swap3A, %swap3A_86], %broadcast_in_dim3A_3 {strides = array<i32>} : memref<128x128xf32, #tpu.memory_space<vmem>>, vector<16xf32>,
      %swap3A_88 = arith.index_cast %scan3A_84 : i32 to index
      %swap3A_89 = arith.constant 16 : index
      %swap3A_90 = tpu.vector_load %arg15[%swap3A_88, %swap3A_89] {strides = array<i32>} : memref<128x128xf32, #tpu.memory_space<vmem>>, vector<16xf32>,
      tpu.vector_store %arg15[%swap3A_88, %swap3A_89], %broadcast_in_dim3A_3 {strides = array<i32>} : memref<128x128xf32, #tpu.memory_space<vmem>>, vector<16xf32>,
      %swap3A_91 = arith.index_cast %scan3A_84 : i32 to index
      %swap3A_92 = arith.constant 32 : index
      %swap3A_93 = tpu.vector_load %arg15[%swap3A_91, %swap3A_92] {strides = array<i32>} : memref<128x128xf32, #tpu.memory_space<vmem>>, vector<16xf32>,
      tpu.vector_store %arg15[%swap3A_91, %swap3A_92], %broadcast_in_dim3A_3 {strides = array<i32>} : memref<128x128xf32, #tpu.memory_space<vmem>>, vector<16xf32>,
      %swap3A_94 = arith.index_cast %scan3A_84 : i32 to index
      %swap3A_95 = arith.constant 48 : index
      %swap3A_96 = tpu.vector_load %arg15[%swap3A_94, %swap3A_95] {strides = array<i32>} : memref<128x128xf32, #tpu.memory_space<vmem>>, vector<16xf32>,
      tpu.vector_store %arg15[%swap3A_94, %swap3A_95], %broadcast_in_dim3A_3 {strides = array<i32>} : memref<128x128xf32, #tpu.memory_space<vmem>>, vector<16xf32>,
      %swap3A_97 = arith.index_cast %scan3A_84 : i32 to index
      %swap3A_98 = arith.constant 64 : index
      %swap3A_99 = tpu.vector_load %arg15[%swap3A_97, %swap3A_98] {strides = array<i32>} : memref<128x128xf32, #tpu.memory_space<vmem>>, vector<16xf32>,
      tpu.vector_store %arg15[%swap3A_97, %swap3A_98], %broadcast_in_dim3A_3 {strides = array<i32>} : memref<128x128xf32, #tpu.memory_space<vmem>>, vector<16xf32>,
      %swap3A_100 = arith.index_cast %scan3A_84 : i32 to index
      %swap3A_101 = arith.constant 80 : index
      %swap3A_102 = tpu.vector_load %arg15[%swap3A_100, %swap3A_101] {strides = array<i32>} : memref<128x128xf32, #tpu.memory_space<vmem>>, vector<16xf32>,
      tpu.vector_store %arg15[%swap3A_100, %swap3A_101], %broadcast_in_dim3A_3 {strides = array<i32>} : memref<128x128xf32, #tpu.memory_space<vmem>>, vector<16xf32>,
      %swap3A_103 = arith.index_cast %scan3A_84 : i32 to index
      %swap3A_104 = arith.constant 96 : index
      %swap3A_105 = tpu.vector_load %arg15[%swap3A_103, %swap3A_104] {strides = array<i32>} : memref<128x128xf32, #tpu.memory_space<vmem>>, vector<16xf32>,
      tpu.vector_store %arg15[%swap3A_103, %swap3A_104], %broadcast_in_dim3A_3 {strides = array<i32>} : memref<128x128xf32, #tpu.memory_space<vmem>>, vector<16xf32>,
      %swap3A_106 = arith.index_cast %scan3A_84 : i32 to index
      %swap3A_107 = arith.constant 112 : index
      %swap3A_108 = tpu.vector_load %arg15[%swap3A_106, %swap3A_107] {strides = array<i32>} : memref<128x128xf32, #tpu.memory_space<vmem>>, vector<16xf32>,
      tpu.vector_store %arg15[%swap3A_106, %swap3A_107], %broadcast_in_dim3A_3 {strides = array<i32>} : memref<128x128xf32, #tpu.memory_space<vmem>>, vector<16xf32>,
      %scan3A_109 = arith.constant 0 : i32
      scf.yield %scan3A_109 : i32
    }
    %scan3A_9 = arith.constant 128 : i32
    %scan3A_10 = arith.constant 0 : i32
    %scan3A_11 = arith.constant 0 : i32
    %scan3A_12 = arith.constant 5 : i32
    %scan3A_13 = arith.addi %scan3A_11, %scan3A_12 : i32
    %scan3A_14 = arith.constant 1 : i32
    %scan3A_15 = scf.for %scan3A_84 = %scan3A_11 to %scan3A_13 step %scan3A_14 iter_args(%scan3A_85 = %scan3A_10) -> (i32)  : i32 {
      %mul3A_86 = arith.constant 640 : i32
      %mul3A_87 = arith.muli %arg1, %mul3A_86 : i32
      %mul3A_88 = arith.constant 128 : i32
      %mul3A_89 = arith.muli %scan3A_84, %mul3A_88 : i32
      %add3A_90 = arith.addi %mul3A_87, %mul3A_89 : i32
      "tpu.region"() ({
        %run_scoped3A = tpu.sem_alloc : memref<!tpu.dma_semaphore, #tpu.memory_space<semaphore_mem>>
        %dma_start3A_92 = arith.constant 0 : i32
        %dma_start3A_93 = tpu.memref_slice %arg21[%add3A_90, %dma_start3A_92] : memref<10240x128xf32, #tpu.memory_space<vmem_shared>> -> memref<128x128xf32, #tpu.memory_space<vmem_shared>>
        %dma_start3A_94 = arith.constant 0 : i32
        %dma_start3A_95 = tpu.memref_slice %arg21[%add3A_90, %dma_start3A_94] : memref<10240x128xf32, #tpu.memory_space<vmem_shared>> -> memref<128x128xf32, #tpu.memory_space<vmem_shared>>
        tpu.enqueue_dma source(%arg15 : memref<128x128xf32, #tpu.memory_space<vmem>>) target(%dma_start3A_95 : memref<128x128xf32, #tpu.memory_space<vmem_shared>>) target_semaphore(%run_scoped3A : memref<!tpu.dma_semaphore, #tpu.memory_space<semaphore_mem>>)
        %dma_wait3A_96 = arith.constant 0 : i32
        %dma_wait3A_97 = tpu.memref_slice %arg21[%add3A_90, %dma_wait3A_96] : memref<10240x128xf32, #tpu.memory_space<vmem_shared>> -> memref<128x128xf32, #tpu.memory_space<vmem_shared>>
        %dma_wait3A_98 = arith.constant 0 : i32
        %dma_wait3A_99 = tpu.memref_slice %arg21[%add3A_90, %dma_wait3A_98] : memref<10240x128xf32, #tpu.memory_space<vmem_shared>> -> memref<128x128xf32, #tpu.memory_space<vmem_shared>>
        tpu.wait_dma2 semaphore(%run_scoped3A : memref<!tpu.dma_semaphore, #tpu.memory_space<semaphore_mem>>) src(%arg15 : memref<128x128xf32, #tpu.memory_space<vmem>>) dst(%dma_wait3A_99 : memref<128x128xf32, #tpu.memory_space<vmem_shared>>)
        tpu.yield
      }) : () -> ()
      %scan3A_91 = arith.constant 0 : i32
      scf.yield %scan3A_91 : i32
    }
    %scan3A_16 = arith.constant 5 : i32
    %barrier3A = arith.constant 0 : index
    tpu.barrier barrier_id(%barrier3A)
    %add3A_17 = arith.constant 0 : i32
    %add3A_18 = arith.addi %mul3A_2, %add3A_17 : i32
    "tpu.region"() ({
      %run_scoped3A = tpu.sem_alloc : memref<!tpu.dma_semaphore, #tpu.memory_space<semaphore_mem>>
      %dma_start3A_84 = tpu.memref_slice %arg4[%add3A_18] : memref<327680xi32, #tpu.memory_space<hbm>> -> memref<128xi32, #tpu.memory_space<hbm>>
      %dma_start3A_85 = tpu.memref_slice %arg4[%add3A_18] : memref<327680xi32, #tpu.memory_space<hbm>> -> memref<128xi32, #tpu.memory_space<hbm>>
      tpu.enqueue_dma source(%dma_start3A_85 : memref<128xi32, #tpu.memory_space<hbm>>) target(%arg7 : memref<128xi32, #tpu.memory_space<vmem>>) target_semaphore(%run_scoped3A : memref<!tpu.dma_semaphore, #tpu.memory_space<semaphore_mem>>)
      %dma_wait3A_86 = tpu.memref_slice %arg4[%add3A_18] : memref<327680xi32, #tpu.memory_space<hbm>> -> memref<128xi32, #tpu.memory_space<hbm>>
      %dma_wait3A_87 = tpu.memref_slice %arg4[%add3A_18] : memref<327680xi32, #tpu.memory_space<hbm>> -> memref<128xi32, #tpu.memory_space<hbm>>
      tpu.wait_dma2 semaphore(%run_scoped3A : memref<!tpu.dma_semaphore, #tpu.memory_space<semaphore_mem>>) src(%dma_wait3A_87 : memref<128xi32, #tpu.memory_space<hbm>>) dst(%arg7 : memref<128xi32, #tpu.memory_space<vmem>>)
      tpu.yield
    }) : () -> ()
    %add3A_19 = arith.constant 0 : i32
    %add3A_20 = arith.addi %mul3A_2, %add3A_19 : i32
    "tpu.region"() ({
      %run_scoped3A = tpu.sem_alloc : memref<!tpu.dma_semaphore, #tpu.memory_space<semaphore_mem>>
      %dma_start3A_84 = tpu.memref_slice %arg5[%add3A_20] : memref<327680xf32, #tpu.memory_space<hbm>> -> memref<128xf32, #tpu.memory_space<hbm>>
      %dma_start3A_85 = tpu.memref_slice %arg5[%add3A_20] : memref<327680xf32, #tpu.memory_space<hbm>> -> memref<128xf32, #tpu.memory_space<hbm>>
      tpu.enqueue_dma source(%dma_start3A_85 : memref<128xf32, #tpu.memory_space<hbm>>) target(%arg13 : memref<128xf32, #tpu.memory_space<vmem>>) target_semaphore(%run_scoped3A : memref<!tpu.dma_semaphore, #tpu.memory_space<semaphore_mem>>)
      %dma_wait3A_86 = tpu.memref_slice %arg5[%add3A_20] : memref<327680xf32, #tpu.memory_space<hbm>> -> memref<128xf32, #tpu.memory_space<hbm>>
      %dma_wait3A_87 = tpu.memref_slice %arg5[%add3A_20] : memref<327680xf32, #tpu.memory_space<hbm>> -> memref<128xf32, #tpu.memory_space<hbm>>
      tpu.wait_dma2 semaphore(%run_scoped3A : memref<!tpu.dma_semaphore, #tpu.memory_space<semaphore_mem>>) src(%dma_wait3A_87 : memref<128xf32, #tpu.memory_space<hbm>>) dst(%arg13 : memref<128xf32, #tpu.memory_space<vmem>>)
      tpu.yield
    }) : () -> ()
    %scan3A_21 = arith.constant 0 : i32
    %scan3A_22 = arith.constant 0 : i32
    %scan3A_23 = arith.constant 8 : i32
    %scan3A_24 = arith.addi %scan3A_22, %scan3A_23 : i32
    %scan3A_25 = arith.constant 1 : i32
    %scan3A_26 = scf.for %scan3A_84 = %scan3A_22 to %scan3A_24 step %scan3A_25 iter_args(%scan3A_85 = %scan3A_21) -> (i32)  : i32 {
      %mul3A_86 = arith.constant 16 : i32
      %mul3A_87 = arith.muli %scan3A_84, %mul3A_86 : i32
      %get3A = arith.index_cast %mul3A_87 : i32 to index
      %get3A_88 = tpu.vector_load %arg7[%get3A] {strides = array<i32>} : memref<128xi32, #tpu.memory_space<vmem>>, vector<16xi32>,
      %mul3A_89 = arith.constant 16 : i32
      %mul3A_90 = arith.muli %scan3A_84, %mul3A_89 : i32
      %shift_right_arithmetic3A = arith.constant 14 : i32
      %shift_right_arithmetic3A_91 = vector.broadcast %shift_right_arithmetic3A : i32 to vector<16xi32>
      %shift_right_arithmetic3A_92 = arith.shrsi %get3A_88, %shift_right_arithmetic3A_91 : vector<16xi32>
      %swap3A = arith.index_cast %mul3A_90 : i32 to index
      %swap3A_93 = tpu.vector_load %arg9[%swap3A] {strides = array<i32>} : memref<128xi32, #tpu.memory_space<vmem>>, vector<16xi32>,
      tpu.vector_store %arg9[%swap3A], %shift_right_arithmetic3A_92 {strides = array<i32>} : memref<128xi32, #tpu.memory_space<vmem>>, vector<16xi32>,
      %and3A = arith.constant 16383 : i32
      %and3A_94 = vector.broadcast %and3A : i32 to vector<16xi32>
      %and3A_95 = arith.andi %get3A_88, %and3A_94 : vector<16xi32>
      %jit3A = arith.constant 2 : i32
      %div3A = arith.divsi %scan3A_84, %jit3A : i32
      %sign3A = arith.constant 0 : i32
      %sign3A_96 = arith.cmpi sgt, %scan3A_84, %sign3A : i32
      %sign3A_97 = arith.extui %sign3A_96 : i1 to i32
      %sign3A_98 = arith.constant 0 : i32
      %sign3A_99 = arith.cmpi slt, %scan3A_84, %sign3A_98 : i32
      %sign3A_100 = arith.extui %sign3A_99 : i1 to i32
      %sign3A_101 = arith.subi %sign3A_97, %sign3A_100 : i32
      %sign3A_102 = arith.constant 0 : i32
      %sign3A_103 = arith.cmpi sgt, %jit3A, %sign3A_102 : i32
      %sign3A_104 = arith.extui %sign3A_103 : i1 to i32
      %sign3A_105 = arith.constant 0 : i32
      %sign3A_106 = arith.cmpi slt, %jit3A, %sign3A_105 : i32
      %sign3A_107 = arith.extui %sign3A_106 : i1 to i32
      %sign3A_108 = arith.subi %sign3A_104, %sign3A_107 : i32
      %ne3A = arith.cmpi ne, %sign3A_101, %sign3A_108 : i32
      %rem3A = arith.remsi %scan3A_84, %jit3A : i32
      %ne3A_109 = arith.constant 0 : i32
      %ne3A_110 = arith.cmpi ne, %rem3A, %ne3A_109 : i32
      %and3A_111 = arith.andi %ne3A, %ne3A_110 : i1
      %sub3A = arith.constant 1 : i32
      %sub3A_112 = arith.subi %div3A, %sub3A : i32
      %select_n3A = arith.select %and3A_111, %sub3A_112, %div3A : i32
      %jit3A_113 = arith.constant 2 : i32
      %eq3A = arith.constant 0 : i32
      %eq3A_114 = arith.cmpi eq, %jit3A_113, %eq3A : i32
      %jit3A_115 = arith.constant 1 : i32
      %select_n3A_116 = arith.select %eq3A_114, %jit3A_115, %jit3A_113 : i32
      %rem3A_117 = arith.remsi %scan3A_84, %select_n3A_116 : i32
      %ne3A_118 = arith.constant 0 : i32
      %ne3A_119 = arith.cmpi ne, %rem3A_117, %ne3A_118 : i32
      %lt3A = arith.constant 0 : i32
      %lt3A_120 = arith.cmpi slt, %rem3A_117, %lt3A : i32
      %lt3A_121 = arith.constant 0 : i32
      %lt3A_122 = arith.cmpi slt, %select_n3A_116, %lt3A_121 : i32
      %ne3A_123 = arith.xori %lt3A_120, %lt3A_122 : i1
      %and3A_124 = arith.andi %ne3A_123, %ne3A_119 : i1
      %add3A_125 = arith.addi %rem3A_117, %select_n3A_116 : i32
      %select_n3A_126 = arith.select %and3A_124, %add3A_125, %rem3A_117 : i32
      %mul3A_127 = arith.constant 16 : i32
      %mul3A_128 = arith.muli %select_n3A_126, %mul3A_127 : i32
      %swap3A_129 = arith.index_cast %select_n3A : i32 to index
      %swap3A_130 = arith.index_cast %mul3A_128 : i32 to index
      %swap3A_131 = tpu.vector_load %arg11[%swap3A_129, %swap3A_130] {strides = array<i32>} : memref<4x32xi32, #tpu.memory_space<vmem>>, vector<16xi32>,
      tpu.vector_store %arg11[%swap3A_129, %swap3A_130], %and3A_95 {strides = array<i32>} : memref<4x32xi32, #tpu.memory_space<vmem>>, vector<16xi32>,
      %scan3A_132 = arith.constant 0 : i32
      scf.yield %scan3A_132 : i32
    }
    %scan3A_27 = arith.constant 8 : i32
    %dma_start3A = arith.constant 0 : i32
    %dma_start3A_28 = arith.constant 0 : i32
    %dma_start3A_29 = tpu.memref_slice %arg2[%dma_start3A, %dma_start3A_28] : memref<10000x128xf32, #tpu.memory_space<hbm>> -> memref<10000x128xf32, #tpu.memory_space<hbm>>
    tpu.enqueue_indirect_dma source(%dma_start3A_29 : memref<10000x128xf32, #tpu.memory_space<hbm>>) target(%arg15 : memref<128x128xf32, #tpu.memory_space<vmem>>) offsets(%arg9 : memref<128xi32, #tpu.memory_space<vmem>>) semaphore(%arg17 : memref<!tpu.dma_semaphore, #tpu.memory_space<semaphore_mem>>)
    %scan3A_30 = arith.constant 0 : i32
    %scan3A_31 = arith.constant 0 : i32
    %scan3A_32 = arith.constant 40 : i32
    %scan3A_33 = arith.addi %scan3A_31, %scan3A_32 : i32
    %scan3A_34 = arith.constant 1 : i32
    %scan3A_35 = scf.for %scan3A_84 = %scan3A_31 to %scan3A_33 step %scan3A_34 iter_args(%scan3A_85 = %scan3A_30) -> (i32)  : i32 {
      %mul3A_86 = arith.constant 2 : i32
      %mul3A_87 = arith.muli %mul3A_86, %scan3A_84 : i32
      %add3A_88 = arith.constant 0 : i32
      %add3A_89 = arith.addi %mul3A_87, %add3A_88 : i32
      %ge3A = arith.constant 1 : i32
      %ge3A_90 = arith.cmpi sge, %add3A_89, %ge3A : i32
      %convert_element_type3A = arith.extui %ge3A_90 : i1 to i32
      %cond3A = arith.constant 0 : i32
      %cond3A_91 = arith.cmpi ne, %convert_element_type3A, %cond3A : i32
      scf.if %cond3A_91 {
        %dma_wait3A_135 = arith.constant 0 : i32
        %dma_wait3A_136 = arith.constant 0 : i32
        %dma_wait3A_137 = arith.constant 0 : i32
        %dma_wait3A_138 = tpu.memref_slice %arg16[%dma_wait3A_136, %dma_wait3A_137] : memref<128x128xf32, #tpu.memory_space<vmem>> -> memref<32x128xf32, #tpu.memory_space<vmem>>
        %dma_wait3A_139 = arith.constant 0 : i32
        %dma_wait3A_140 = tpu.memref_slice %arg12[%dma_wait3A_135, %dma_wait3A_139] : memref<4x32xi32, #tpu.memory_space<vmem>> -> memref<1x32xi32, #tpu.memory_space<vmem>>
        %dma_wait3A_141 = tpu.memref_squeeze %dma_wait3A_140 : memref<1x32xi32, #tpu.memory_space<vmem>> -> memref<32xi32, #tpu.memory_space<vmem>>
        %dma_wait3A_142 = arith.constant 0 : i32
        %dma_wait3A_143 = arith.constant 0 : i32
        %dma_wait3A_144 = tpu.memref_slice %arg21[%dma_wait3A_142, %dma_wait3A_143] : memref<10240x128xf32, #tpu.memory_space<vmem_shared>> -> memref<10240x128xf32, #tpu.memory_space<vmem_shared>>
        tpu.wait_indirect_dma semaphore(%arg20 : memref<!tpu.dma_semaphore, #tpu.memory_space<semaphore_mem>>) src(%dma_wait3A_138 : memref<32x128xf32, #tpu.memory_space<vmem>>) dst(%dma_wait3A_144 : memref<10240x128xf32, #tpu.memory_space<vmem_shared>>)
        %dma_wait3A_145 = arith.constant 1 : i32
        %dma_wait3A_146 = arith.constant 32 : i32
        %dma_wait3A_147 = arith.constant 0 : i32
        %dma_wait3A_148 = tpu.memref_slice %arg16[%dma_wait3A_146, %dma_wait3A_147] : memref<128x128xf32, #tpu.memory_space<vmem>> -> memref<32x128xf32, #tpu.memory_space<vmem>>
        %dma_wait3A_149 = arith.constant 0 : i32
        %dma_wait3A_150 = tpu.memref_slice %arg12[%dma_wait3A_145, %dma_wait3A_149] : memref<4x32xi32, #tpu.memory_space<vmem>> -> memref<1x32xi32, #tpu.memory_space<vmem>>
        %dma_wait3A_151 = tpu.memref_squeeze %dma_wait3A_150 : memref<1x32xi32, #tpu.memory_space<vmem>> -> memref<32xi32, #tpu.memory_space<vmem>>
        %dma_wait3A_152 = arith.constant 0 : i32
        %dma_wait3A_153 = arith.constant 0 : i32
        %dma_wait3A_154 = tpu.memref_slice %arg21[%dma_wait3A_152, %dma_wait3A_153] : memref<10240x128xf32, #tpu.memory_space<vmem_shared>> -> memref<10240x128xf32, #tpu.memory_space<vmem_shared>>
        tpu.wait_indirect_dma semaphore(%arg20 : memref<!tpu.dma_semaphore, #tpu.memory_space<semaphore_mem>>) src(%dma_wait3A_148 : memref<32x128xf32, #tpu.memory_space<vmem>>) dst(%dma_wait3A_154 : memref<10240x128xf32, #tpu.memory_space<vmem_shared>>)
        %dma_wait3A_155 = arith.constant 2 : i32
        %dma_wait3A_156 = arith.constant 64 : i32
        %dma_wait3A_157 = arith.constant 0 : i32
        %dma_wait3A_158 = tpu.memref_slice %arg16[%dma_wait3A_156, %dma_wait3A_157] : memref<128x128xf32, #tpu.memory_space<vmem>> -> memref<32x128xf32, #tpu.memory_space<vmem>>
        %dma_wait3A_159 = arith.constant 0 : i32
        %dma_wait3A_160 = tpu.memref_slice %arg12[%dma_wait3A_155, %dma_wait3A_159] : memref<4x32xi32, #tpu.memory_space<vmem>> -> memref<1x32xi32, #tpu.memory_space<vmem>>
        %dma_wait3A_161 = tpu.memref_squeeze %dma_wait3A_160 : memref<1x32xi32, #tpu.memory_space<vmem>> -> memref<32xi32, #tpu.memory_space<vmem>>
        %dma_wait3A_162 = arith.constant 0 : i32
        %dma_wait3A_163 = arith.constant 0 : i32
        %dma_wait3A_164 = tpu.memref_slice %arg21[%dma_wait3A_162, %dma_wait3A_163] : memref<10240x128xf32, #tpu.memory_space<vmem_shared>> -> memref<10240x128xf32, #tpu.memory_space<vmem_shared>>
        tpu.wait_indirect_dma semaphore(%arg20 : memref<!tpu.dma_semaphore, #tpu.memory_space<semaphore_mem>>) src(%dma_wait3A_158 : memref<32x128xf32, #tpu.memory_space<vmem>>) dst(%dma_wait3A_164 : memref<10240x128xf32, #tpu.memory_space<vmem_shared>>)
        %dma_wait3A_165 = arith.constant 3 : i32
        %dma_wait3A_166 = arith.constant 96 : i32
        %dma_wait3A_167 = arith.constant 0 : i32
        %dma_wait3A_168 = tpu.memref_slice %arg16[%dma_wait3A_166, %dma_wait3A_167] : memref<128x128xf32, #tpu.memory_space<vmem>> -> memref<32x128xf32, #tpu.memory_space<vmem>>
        %dma_wait3A_169 = arith.constant 0 : i32
        %dma_wait3A_170 = tpu.memref_slice %arg12[%dma_wait3A_165, %dma_wait3A_169] : memref<4x32xi32, #tpu.memory_space<vmem>> -> memref<1x32xi32, #tpu.memory_space<vmem>>
        %dma_wait3A_171 = tpu.memref_squeeze %dma_wait3A_170 : memref<1x32xi32, #tpu.memory_space<vmem>> -> memref<32xi32, #tpu.memory_space<vmem>>
        %dma_wait3A_172 = arith.constant 0 : i32
        %dma_wait3A_173 = arith.constant 0 : i32
        %dma_wait3A_174 = tpu.memref_slice %arg21[%dma_wait3A_172, %dma_wait3A_173] : memref<10240x128xf32, #tpu.memory_space<vmem_shared>> -> memref<10240x128xf32, #tpu.memory_space<vmem_shared>>
        tpu.wait_indirect_dma semaphore(%arg20 : memref<!tpu.dma_semaphore, #tpu.memory_space<semaphore_mem>>) src(%dma_wait3A_168 : memref<32x128xf32, #tpu.memory_space<vmem>>) dst(%dma_wait3A_174 : memref<10240x128xf32, #tpu.memory_space<vmem_shared>>)
      } else {
      }
      %add3A_92 = arith.constant 1 : i32
      %add3A_93 = arith.addi %add3A_89, %add3A_92 : i32
      %lt3A = arith.constant 80 : i32
      %lt3A_94 = arith.cmpi slt, %add3A_93, %lt3A : i32
      %convert_element_type3A_95 = arith.extui %lt3A_94 : i1 to i32
      %cond3A_96 = arith.constant 0 : i32
      %cond3A_97 = arith.cmpi ne, %convert_element_type3A_95, %cond3A_96 : i32
      scf.if %cond3A_97 {
        %add3A_135 = arith.constant 1 : i32
        %add3A_136 = arith.addi %add3A_89, %add3A_135 : i32
        %mul3A_137 = arith.constant 128 : i32
        %mul3A_138 = arith.muli %add3A_136, %mul3A_137 : i32
        %add3A_139 = arith.addi %mul3A_2, %mul3A_138 : i32
        "tpu.region"() ({
          %run_scoped3A = tpu.sem_alloc : memref<!tpu.dma_semaphore, #tpu.memory_space<semaphore_mem>>
          %dma_start3A_153 = tpu.memref_slice %arg4[%add3A_139] : memref<327680xi32, #tpu.memory_space<hbm>> -> memref<128xi32, #tpu.memory_space<hbm>>
          %dma_start3A_154 = tpu.memref_slice %arg4[%add3A_139] : memref<327680xi32, #tpu.memory_space<hbm>> -> memref<128xi32, #tpu.memory_space<hbm>>
          tpu.enqueue_dma source(%dma_start3A_154 : memref<128xi32, #tpu.memory_space<hbm>>) target(%arg7 : memref<128xi32, #tpu.memory_space<vmem>>) target_semaphore(%run_scoped3A : memref<!tpu.dma_semaphore, #tpu.memory_space<semaphore_mem>>)
          %dma_wait3A_155 = tpu.memref_slice %arg4[%add3A_139] : memref<327680xi32, #tpu.memory_space<hbm>> -> memref<128xi32, #tpu.memory_space<hbm>>
          %dma_wait3A_156 = tpu.memref_slice %arg4[%add3A_139] : memref<327680xi32, #tpu.memory_space<hbm>> -> memref<128xi32, #tpu.memory_space<hbm>>
          tpu.wait_dma2 semaphore(%run_scoped3A : memref<!tpu.dma_semaphore, #tpu.memory_space<semaphore_mem>>) src(%dma_wait3A_156 : memref<128xi32, #tpu.memory_space<hbm>>) dst(%arg7 : memref<128xi32, #tpu.memory_space<vmem>>)
          tpu.yield
        }) : () -> ()
        %mul3A_140 = arith.constant 128 : i32
        %mul3A_141 = arith.muli %add3A_136, %mul3A_140 : i32
        %add3A_142 = arith.addi %mul3A_2, %mul3A_141 : i32
        "tpu.region"() ({
          %run_scoped3A = tpu.sem_alloc : memref<!tpu.dma_semaphore, #tpu.memory_space<semaphore_mem>>
          %dma_start3A_153 = tpu.memref_slice %arg5[%add3A_142] : memref<327680xf32, #tpu.memory_space<hbm>> -> memref<128xf32, #tpu.memory_space<hbm>>
          %dma_start3A_154 = tpu.memref_slice %arg5[%add3A_142] : memref<327680xf32, #tpu.memory_space<hbm>> -> memref<128xf32, #tpu.memory_space<hbm>>
          tpu.enqueue_dma source(%dma_start3A_154 : memref<128xf32, #tpu.memory_space<hbm>>) target(%arg14 : memref<128xf32, #tpu.memory_space<vmem>>) target_semaphore(%run_scoped3A : memref<!tpu.dma_semaphore, #tpu.memory_space<semaphore_mem>>)
          %dma_wait3A_155 = tpu.memref_slice %arg5[%add3A_142] : memref<327680xf32, #tpu.memory_space<hbm>> -> memref<128xf32, #tpu.memory_space<hbm>>
          %dma_wait3A_156 = tpu.memref_slice %arg5[%add3A_142] : memref<327680xf32, #tpu.memory_space<hbm>> -> memref<128xf32, #tpu.memory_space<hbm>>
          tpu.wait_dma2 semaphore(%run_scoped3A : memref<!tpu.dma_semaphore, #tpu.memory_space<semaphore_mem>>) src(%dma_wait3A_156 : memref<128xf32, #tpu.memory_space<hbm>>) dst(%arg14 : memref<128xf32, #tpu.memory_space<vmem>>)
          tpu.yield
        }) : () -> ()
        %scan3A_143 = arith.constant 0 : i32
        %scan3A_144 = arith.constant 0 : i32
        %scan3A_145 = arith.constant 8 : i32
        %scan3A_146 = arith.addi %scan3A_144, %scan3A_145 : i32
        %scan3A_147 = arith.constant 1 : i32
        %scan3A_148 = scf.for %scan3A_153 = %scan3A_144 to %scan3A_146 step %scan3A_147 iter_args(%scan3A_154 = %scan3A_143) -> (i32)  : i32 {
          %mul3A_155 = arith.constant 16 : i32
          %mul3A_156 = arith.muli %scan3A_153, %mul3A_155 : i32
          %get3A = arith.index_cast %mul3A_156 : i32 to index
          %get3A_157 = tpu.vector_load %arg7[%get3A] {strides = array<i32>} : memref<128xi32, #tpu.memory_space<vmem>>, vector<16xi32>,
          %mul3A_158 = arith.constant 16 : i32
          %mul3A_159 = arith.muli %scan3A_153, %mul3A_158 : i32
          %shift_right_arithmetic3A = arith.constant 14 : i32
          %shift_right_arithmetic3A_160 = vector.broadcast %shift_right_arithmetic3A : i32 to vector<16xi32>
          %shift_right_arithmetic3A_161 = arith.shrsi %get3A_157, %shift_right_arithmetic3A_160 : vector<16xi32>
          %swap3A = arith.index_cast %mul3A_159 : i32 to index
          %swap3A_162 = tpu.vector_load %arg10[%swap3A] {strides = array<i32>} : memref<128xi32, #tpu.memory_space<vmem>>, vector<16xi32>,
          tpu.vector_store %arg10[%swap3A], %shift_right_arithmetic3A_161 {strides = array<i32>} : memref<128xi32, #tpu.memory_space<vmem>>, vector<16xi32>,
          %and3A = arith.constant 16383 : i32
          %and3A_163 = vector.broadcast %and3A : i32 to vector<16xi32>
          %and3A_164 = arith.andi %get3A_157, %and3A_163 : vector<16xi32>
          %jit3A = arith.constant 2 : i32
          %div3A = arith.divsi %scan3A_153, %jit3A : i32
          %sign3A = arith.constant 0 : i32
          %sign3A_165 = arith.cmpi sgt, %scan3A_153, %sign3A : i32
          %sign3A_166 = arith.extui %sign3A_165 : i1 to i32
          %sign3A_167 = arith.constant 0 : i32
          %sign3A_168 = arith.cmpi slt, %scan3A_153, %sign3A_167 : i32
          %sign3A_169 = arith.extui %sign3A_168 : i1 to i32
          %sign3A_170 = arith.subi %sign3A_166, %sign3A_169 : i32
          %sign3A_171 = arith.constant 0 : i32
          %sign3A_172 = arith.cmpi sgt, %jit3A, %sign3A_171 : i32
          %sign3A_173 = arith.extui %sign3A_172 : i1 to i32
          %sign3A_174 = arith.constant 0 : i32
          %sign3A_175 = arith.cmpi slt, %jit3A, %sign3A_174 : i32
          %sign3A_176 = arith.extui %sign3A_175 : i1 to i32
          %sign3A_177 = arith.subi %sign3A_173, %sign3A_176 : i32
          %ne3A = arith.cmpi ne, %sign3A_170, %sign3A_177 : i32
          %rem3A = arith.remsi %scan3A_153, %jit3A : i32
          %ne3A_178 = arith.constant 0 : i32
          %ne3A_179 = arith.cmpi ne, %rem3A, %ne3A_178 : i32
          %and3A_180 = arith.andi %ne3A, %ne3A_179 : i1
          %sub3A = arith.constant 1 : i32
          %sub3A_181 = arith.subi %div3A, %sub3A : i32
          %select_n3A = arith.select %and3A_180, %sub3A_181, %div3A : i32
          %jit3A_182 = arith.constant 2 : i32
          %eq3A = arith.constant 0 : i32
          %eq3A_183 = arith.cmpi eq, %jit3A_182, %eq3A : i32
          %jit3A_184 = arith.constant 1 : i32
          %select_n3A_185 = arith.select %eq3A_183, %jit3A_184, %jit3A_182 : i32
          %rem3A_186 = arith.remsi %scan3A_153, %select_n3A_185 : i32
          %ne3A_187 = arith.constant 0 : i32
          %ne3A_188 = arith.cmpi ne, %rem3A_186, %ne3A_187 : i32
          %lt3A_189 = arith.constant 0 : i32
          %lt3A_190 = arith.cmpi slt, %rem3A_186, %lt3A_189 : i32
          %lt3A_191 = arith.constant 0 : i32
          %lt3A_192 = arith.cmpi slt, %select_n3A_185, %lt3A_191 : i32
          %ne3A_193 = arith.xori %lt3A_190, %lt3A_192 : i1
          %and3A_194 = arith.andi %ne3A_193, %ne3A_188 : i1
          %add3A_195 = arith.addi %rem3A_186, %select_n3A_185 : i32
          %select_n3A_196 = arith.select %and3A_194, %add3A_195, %rem3A_186 : i32
          %mul3A_197 = arith.constant 16 : i32
          %mul3A_198 = arith.muli %select_n3A_196, %mul3A_197 : i32
          %swap3A_199 = arith.index_cast %select_n3A : i32 to index
          %swap3A_200 = arith.index_cast %mul3A_198 : i32 to index
          %swap3A_201 = tpu.vector_load %arg12[%swap3A_199, %swap3A_200] {strides = array<i32>} : memref<4x32xi32, #tpu.memory_space<vmem>>, vector<16xi32>,
          tpu.vector_store %arg12[%swap3A_199, %swap3A_200], %and3A_164 {strides = array<i32>} : memref<4x32xi32, #tpu.memory_space<vmem>>, vector<16xi32>,
          %scan3A_202 = arith.constant 0 : i32
          scf.yield %scan3A_202 : i32
        }
        %scan3A_149 = arith.constant 8 : i32
        %dma_start3A_150 = arith.constant 0 : i32
        %dma_start3A_151 = arith.constant 0 : i32
        %dma_start3A_152 = tpu.memref_slice %arg2[%dma_start3A_150, %dma_start3A_151] : memref<10000x128xf32, #tpu.memory_space<hbm>> -> memref<10000x128xf32, #tpu.memory_space<hbm>>
        tpu.enqueue_indirect_dma source(%dma_start3A_152 : memref<10000x128xf32, #tpu.memory_space<hbm>>) target(%arg16 : memref<128x128xf32, #tpu.memory_space<vmem>>) offsets(%arg10 : memref<128xi32, #tpu.memory_space<vmem>>) semaphore(%arg18 : memref<!tpu.dma_semaphore, #tpu.memory_space<semaphore_mem>>)
      } else {
      }
      %dma_wait3A_98 = arith.constant 0 : i32
      %dma_wait3A_99 = arith.constant 0 : i32
      %dma_wait3A_100 = tpu.memref_slice %arg2[%dma_wait3A_98, %dma_wait3A_99] : memref<10000x128xf32, #tpu.memory_space<hbm>> -> memref<10000x128xf32, #tpu.memory_space<hbm>>
      tpu.wait_indirect_dma semaphore(%arg17 : memref<!tpu.dma_semaphore, #tpu.memory_space<semaphore_mem>>) src(%dma_wait3A_100 : memref<10000x128xf32, #tpu.memory_space<hbm>>) dst(%arg15 : memref<128x128xf32, #tpu.memory_space<vmem>>)
      %scan3A_101 = arith.constant 0 : i32
      %scan3A_102 = arith.constant 0 : i32
      %scan3A_103 = arith.constant 4 : i32
      %scan3A_104 = arith.addi %scan3A_102, %scan3A_103 : i32
      %scan3A_105 = arith.constant 1 : i32
      %scan3A_106 = scf.for %scan3A_135 = %scan3A_102 to %scan3A_104 step %scan3A_105 iter_args(%scan3A_136 = %scan3A_101) -> (i32)  : i32 {
        %scan3A_137 = arith.constant 0 : i32
        %scan3A_138 = arith.constant 0 : i32
        %scan3A_139 = arith.constant 2 : i32
        %scan3A_140 = arith.addi %scan3A_138, %scan3A_139 : i32
        %scan3A_141 = arith.constant 1 : i32
        %scan3A_142 = scf.for %scan3A_155 = %scan3A_138 to %scan3A_140 step %scan3A_141 iter_args(%scan3A_156 = %scan3A_137) -> (i32)  : i32 {
          %mul3A_157 = arith.constant 2 : i32
          %mul3A_158 = arith.muli %scan3A_135, %mul3A_157 : i32
          %add3A_159 = arith.addi %mul3A_158, %scan3A_155 : i32
          %mul3A_160 = arith.constant 16 : i32
          %mul3A_161 = arith.muli %scan3A_155, %mul3A_160 : i32
          %get3A = arith.index_cast %scan3A_135 : i32 to index
          %get3A_162 = arith.index_cast %mul3A_161 : i32 to index
          %get3A_163 = tpu.vector_load %arg11[%get3A, %get3A_162] {strides = array<i32>} : memref<4x32xi32, #tpu.memory_space<vmem>>, vector<16xi32>,
          %mul3A_164 = arith.constant 16 : i32
          %mul3A_165 = arith.muli %add3A_159, %mul3A_164 : i32
          %get3A_166 = arith.index_cast %mul3A_165 : i32 to index
          %get3A_167 = tpu.vector_load %arg9[%get3A_166] {strides = array<i32>} : memref<128xi32, #tpu.memory_space<vmem>>, vector<16xi32>,
          %mul3A_168 = arith.constant 16 : i32
          %mul3A_169 = arith.muli %add3A_159, %mul3A_168 : i32
          %get3A_170 = arith.index_cast %mul3A_169 : i32 to index
          %get3A_171 = tpu.vector_load %arg13[%get3A_170] {strides = array<i32>} : memref<128xf32, #tpu.memory_space<vmem>>, vector<16xf32>,
          %gather3A = tpu.vector_load_idx %arg8[%get3A_163] : memref<10000xf32, #tpu.memory_space<vmem>>[vector<16xi32>], vector<16xf32>,
          %mul3A_172 = arith.mulf %get3A_171, %gather3A : vector<16xf32>
          %gather3A_173 = tpu.vector_load_idx %arg8[%get3A_167] : memref<10000xf32, #tpu.memory_space<vmem>>[vector<16xi32>], vector<16xf32>,
          %mul3A_174 = arith.mulf %mul3A_172, %gather3A_173 : vector<16xf32>
          %broadcast_in_dim3A_175 = arith.constant 0 : i32
          %broadcast_in_dim3A_176 = vector.broadcast %broadcast_in_dim3A_175 : i32 to vector<16xi32>
          %lt3A_177 = arith.constant 0 : i32
          %lt3A_178 = vector.broadcast %lt3A_177 : i32 to vector<16xi32>
          %lt3A_179 = arith.cmpi slt, %broadcast_in_dim3A_176, %lt3A_178 : vector<16xi32>
          %add3A_180 = arith.constant 16 : i32
          %add3A_181 = vector.broadcast %add3A_180 : i32 to vector<16xi32>
          %add3A_182 = arith.addi %broadcast_in_dim3A_176, %add3A_181 : vector<16xi32>
          %select_n3A = arith.select %lt3A_179, %add3A_182, %broadcast_in_dim3A_176 : vector<16xi1>, vector<16xi32>
          %broadcast_in_dim3A_183 = vector.shape_cast %select_n3A : vector<16xi32> to vector<16x1xi32>
          %gather3A_184 = vector.shape_cast %broadcast_in_dim3A_183 : vector<16x1xi32> to vector<16xi32>
          %gather3A_185 = tpu.dynamic_gather %mul3A_174[%gather3A_184] in [0] : vector<16xf32>, vector<16xi32> -> vector<16xf32>
          %mul3A_186 = arith.constant 16 : i32
          %mul3A_187 = arith.muli %add3A_159, %mul3A_186 : i32
          %add3A_188 = arith.constant 0 : i32
          %add3A_189 = arith.addi %mul3A_187, %add3A_188 : i32
          %get3A_190 = arith.index_cast %add3A_189 : i32 to index
          %get3A_191 = arith.constant 0 : index
          %get3A_192 = tpu.vector_load %arg15[%get3A_190, %get3A_191] {strides = array<i32>} : memref<128x128xf32, #tpu.memory_space<vmem>>, vector<16xf32>,
          %mul3A_193 = arith.mulf %get3A_192, %gather3A_185 : vector<16xf32>
          %swap3A = arith.index_cast %add3A_189 : i32 to index
          %swap3A_194 = arith.constant 0 : index
          %swap3A_195 = tpu.vector_load %arg15[%swap3A, %swap3A_194] {strides = array<i32>} : memref<128x128xf32, #tpu.memory_space<vmem>>, vector<16xf32>,
          tpu.vector_store %arg15[%swap3A, %swap3A_194], %mul3A_193 {strides = array<i32>} : memref<128x128xf32, #tpu.memory_space<vmem>>, vector<16xf32>,
          %get3A_196 = arith.index_cast %add3A_189 : i32 to index
          %get3A_197 = arith.constant 16 : index
          %get3A_198 = tpu.vector_load %arg15[%get3A_196, %get3A_197] {strides = array<i32>} : memref<128x128xf32, #tpu.memory_space<vmem>>, vector<16xf32>,
          %mul3A_199 = arith.mulf %get3A_198, %gather3A_185 : vector<16xf32>
          %swap3A_200 = arith.index_cast %add3A_189 : i32 to index
          %swap3A_201 = arith.constant 16 : index
          %swap3A_202 = tpu.vector_load %arg15[%swap3A_200, %swap3A_201] {strides = array<i32>} : memref<128x128xf32, #tpu.memory_space<vmem>>, vector<16xf32>,
          tpu.vector_store %arg15[%swap3A_200, %swap3A_201], %mul3A_199 {strides = array<i32>} : memref<128x128xf32, #tpu.memory_space<vmem>>, vector<16xf32>,
          %get3A_203 = arith.index_cast %add3A_189 : i32 to index
          %get3A_204 = arith.constant 32 : index
          %get3A_205 = tpu.vector_load %arg15[%get3A_203, %get3A_204] {strides = array<i32>} : memref<128x128xf32, #tpu.memory_space<vmem>>, vector<16xf32>,
          %mul3A_206 = arith.mulf %get3A_205, %gather3A_185 : vector<16xf32>
          %swap3A_207 = arith.index_cast %add3A_189 : i32 to index
          %swap3A_208 = arith.constant 32 : index
          %swap3A_209 = tpu.vector_load %arg15[%swap3A_207, %swap3A_208] {strides = array<i32>} : memref<128x128xf32, #tpu.memory_space<vmem>>, vector<16xf32>,
          tpu.vector_store %arg15[%swap3A_207, %swap3A_208], %mul3A_206 {strides = array<i32>} : memref<128x128xf32, #tpu.memory_space<vmem>>, vector<16xf32>,
          %get3A_210 = arith.index_cast %add3A_189 : i32 to index
          %get3A_211 = arith.constant 48 : index
          %get3A_212 = tpu.vector_load %arg15[%get3A_210, %get3A_211] {strides = array<i32>} : memref<128x128xf32, #tpu.memory_space<vmem>>, vector<16xf32>,
          %mul3A_213 = arith.mulf %get3A_212, %gather3A_185 : vector<16xf32>
          %swap3A_214 = arith.index_cast %add3A_189 : i32 to index
          %swap3A_215 = arith.constant 48 : index
          %swap3A_216 = tpu.vector_load %arg15[%swap3A_214, %swap3A_215] {strides = array<i32>} : memref<128x128xf32, #tpu.memory_space<vmem>>, vector<16xf32>,
          tpu.vector_store %arg15[%swap3A_214, %swap3A_215], %mul3A_213 {strides = array<i32>} : memref<128x128xf32, #tpu.memory_space<vmem>>, vector<16xf32>,
          %get3A_217 = arith.index_cast %add3A_189 : i32 to index
          %get3A_218 = arith.constant 64 : index
          %get3A_219 = tpu.vector_load %arg15[%get3A_217, %get3A_218] {strides = array<i32>} : memref<128x128xf32, #tpu.memory_space<vmem>>, vector<16xf32>,
          %mul3A_220 = arith.mulf %get3A_219, %gather3A_185 : vector<16xf32>
          %swap3A_221 = arith.index_cast %add3A_189 : i32 to index
          %swap3A_222 = arith.constant 64 : index
          %swap3A_223 = tpu.vector_load %arg15[%swap3A_221, %swap3A_222] {strides = array<i32>} : memref<128x128xf32, #tpu.memory_space<vmem>>, vector<16xf32>,
          tpu.vector_store %arg15[%swap3A_221, %swap3A_222], %mul3A_220 {strides = array<i32>} : memref<128x128xf32, #tpu.memory_space<vmem>>, vector<16xf32>,
          %get3A_224 = arith.index_cast %add3A_189 : i32 to index
          %get3A_225 = arith.constant 80 : index
          %get3A_226 = tpu.vector_load %arg15[%get3A_224, %get3A_225] {strides = array<i32>} : memref<128x128xf32, #tpu.memory_space<vmem>>, vector<16xf32>,
          %mul3A_227 = arith.mulf %get3A_226, %gather3A_185 : vector<16xf32>
          %swap3A_228 = arith.index_cast %add3A_189 : i32 to index
          %swap3A_229 = arith.constant 80 : index
          %swap3A_230 = tpu.vector_load %arg15[%swap3A_228, %swap3A_229] {strides = array<i32>} : memref<128x128xf32, #tpu.memory_space<vmem>>, vector<16xf32>,
          tpu.vector_store %arg15[%swap3A_228, %swap3A_229], %mul3A_227 {strides = array<i32>} : memref<128x128xf32, #tpu.memory_space<vmem>>, vector<16xf32>,
          %get3A_231 = arith.index_cast %add3A_189 : i32 to index
          %get3A_232 = arith.constant 96 : index
          %get3A_233 = tpu.vector_load %arg15[%get3A_231, %get3A_232] {strides = array<i32>} : memref<128x128xf32, #tpu.memory_space<vmem>>, vector<16xf32>,
          %mul3A_234 = arith.mulf %get3A_233, %gather3A_185 : vector<16xf32>
          %swap3A_235 = arith.index_cast %add3A_189 : i32 to index
          %swap3A_236 = arith.constant 96 : index
          %swap3A_237 = tpu.vector_load %arg15[%swap3A_235, %swap3A_236] {strides = array<i32>} : memref<128x128xf32, #tpu.memory_space<vmem>>, vector<16xf32>,
          tpu.vector_store %arg15[%swap3A_235, %swap3A_236], %mul3A_234 {strides = array<i32>} : memref<128x128xf32, #tpu.memory_space<vmem>>, vector<16xf32>,
          %get3A_238 = arith.index_cast %add3A_189 : i32 to index
          %get3A_239 = arith.constant 112 : index
          %get3A_240 = tpu.vector_load %arg15[%get3A_238, %get3A_239] {strides = array<i32>} : memref<128x128xf32, #tpu.memory_space<vmem>>, vector<16xf32>,
          %mul3A_241 = arith.mulf %get3A_240, %gather3A_185 : vector<16xf32>
          %swap3A_242 = arith.index_cast %add3A_189 : i32 to index
          %swap3A_243 = arith.constant 112 : index
          %swap3A_244 = tpu.vector_load %arg15[%swap3A_242, %swap3A_243] {strides = array<i32>} : memref<128x128xf32, #tpu.memory_space<vmem>>, vector<16xf32>,
          tpu.vector_store %arg15[%swap3A_242, %swap3A_243], %mul3A_241 {strides = array<i32>} : memref<128x128xf32, #tpu.memory_space<vmem>>, vector<16xf32>,
          %broadcast_in_dim3A_245 = arith.constant 1 : i32
          %broadcast_in_dim3A_246 = vector.broadcast %broadcast_in_dim3A_245 : i32 to vector<16xi32>
          %lt3A_247 = arith.constant 0 : i32
          %lt3A_248 = vector.broadcast %lt3A_247 : i32 to vector<16xi32>
          %lt3A_249 = arith.cmpi slt, %broadcast_in_dim3A_246, %lt3A_248 : vector<16xi32>
          %add3A_250 = arith.constant 16 : i32
          %add3A_251 = vector.broadcast %add3A_250 : i32 to vector<16xi32>
          %add3A_252 = arith.addi %broadcast_in_dim3A_246, %add3A_251 : vector<16xi32>
          %select_n3A_253 = arith.select %lt3A_249, %add3A_252, %broadcast_in_dim3A_246 : vector<16xi1>, vector<16xi32>
          %broadcast_in_dim3A_254 = vector.shape_cast %select_n3A_253 : vector<16xi32> to vector<16x1xi32>
          %gather3A_255 = vector.shape_cast %broadcast_in_dim3A_254 : vector<16x1xi32> to vector<16xi32>
          %gather3A_256 = tpu.dynamic_gather %mul3A_174[%gather3A_255] in [0] : vector<16xf32>, vector<16xi32> -> vector<16xf32>
          %mul3A_257 = arith.constant 16 : i32
          %mul3A_258 = arith.muli %add3A_159, %mul3A_257 : i32
          %add3A_259 = arith.constant 1 : i32
          %add3A_260 = arith.addi %mul3A_258, %add3A_259 : i32
          %get3A_261 = arith.index_cast %add3A_260 : i32 to index
          %get3A_262 = arith.constant 0 : index
          %get3A_263 = tpu.vector_load %arg15[%get3A_261, %get3A_262] {strides = array<i32>} : memref<128x128xf32, #tpu.memory_space<vmem>>, vector<16xf32>,
          %mul3A_264 = arith.mulf %get3A_263, %gather3A_256 : vector<16xf32>
          %swap3A_265 = arith.index_cast %add3A_260 : i32 to index
          %swap3A_266 = arith.constant 0 : index
          %swap3A_267 = tpu.vector_load %arg15[%swap3A_265, %swap3A_266] {strides = array<i32>} : memref<128x128xf32, #tpu.memory_space<vmem>>, vector<16xf32>,
          tpu.vector_store %arg15[%swap3A_265, %swap3A_266], %mul3A_264 {strides = array<i32>} : memref<128x128xf32, #tpu.memory_space<vmem>>, vector<16xf32>,
          %get3A_268 = arith.index_cast %add3A_260 : i32 to index
          %get3A_269 = arith.constant 16 : index
          %get3A_270 = tpu.vector_load %arg15[%get3A_268, %get3A_269] {strides = array<i32>} : memref<128x128xf32, #tpu.memory_space<vmem>>, vector<16xf32>,
          %mul3A_271 = arith.mulf %get3A_270, %gather3A_256 : vector<16xf32>
          %swap3A_272 = arith.index_cast %add3A_260 : i32 to index
          %swap3A_273 = arith.constant 16 : index
          %swap3A_274 = tpu.vector_load %arg15[%swap3A_272, %swap3A_273] {strides = array<i32>} : memref<128x128xf32, #tpu.memory_space<vmem>>, vector<16xf32>,
          tpu.vector_store %arg15[%swap3A_272, %swap3A_273], %mul3A_271 {strides = array<i32>} : memref<128x128xf32, #tpu.memory_space<vmem>>, vector<16xf32>,
          %get3A_275 = arith.index_cast %add3A_260 : i32 to index
          %get3A_276 = arith.constant 32 : index
          %get3A_277 = tpu.vector_load %arg15[%get3A_275, %get3A_276] {strides = array<i32>} : memref<128x128xf32, #tpu.memory_space<vmem>>, vector<16xf32>,
          %mul3A_278 = arith.mulf %get3A_277, %gather3A_256 : vector<16xf32>
          %swap3A_279 = arith.index_cast %add3A_260 : i32 to index
          %swap3A_280 = arith.constant 32 : index
          %swap3A_281 = tpu.vector_load %arg15[%swap3A_279, %swap3A_280] {strides = array<i32>} : memref<128x128xf32, #tpu.memory_space<vmem>>, vector<16xf32>,
          tpu.vector_store %arg15[%swap3A_279, %swap3A_280], %mul3A_278 {strides = array<i32>} : memref<128x128xf32, #tpu.memory_space<vmem>>, vector<16xf32>,
          %get3A_282 = arith.index_cast %add3A_260 : i32 to index
          %get3A_283 = arith.constant 48 : index
          %get3A_284 = tpu.vector_load %arg15[%get3A_282, %get3A_283] {strides = array<i32>} : memref<128x128xf32, #tpu.memory_space<vmem>>, vector<16xf32>,
          %mul3A_285 = arith.mulf %get3A_284, %gather3A_256 : vector<16xf32>
          %swap3A_286 = arith.index_cast %add3A_260 : i32 to index
          %swap3A_287 = arith.constant 48 : index
          %swap3A_288 = tpu.vector_load %arg15[%swap3A_286, %swap3A_287] {strides = array<i32>} : memref<128x128xf32, #tpu.memory_space<vmem>>, vector<16xf32>,
          tpu.vector_store %arg15[%swap3A_286, %swap3A_287], %mul3A_285 {strides = array<i32>} : memref<128x128xf32, #tpu.memory_space<vmem>>, vector<16xf32>,
          %get3A_289 = arith.index_cast %add3A_260 : i32 to index
          %get3A_290 = arith.constant 64 : index
          %get3A_291 = tpu.vector_load %arg15[%get3A_289, %get3A_290] {strides = array<i32>} : memref<128x128xf32, #tpu.memory_space<vmem>>, vector<16xf32>,
          %mul3A_292 = arith.mulf %get3A_291, %gather3A_256 : vector<16xf32>
          %swap3A_293 = arith.index_cast %add3A_260 : i32 to index
          %swap3A_294 = arith.constant 64 : index
          %swap3A_295 = tpu.vector_load %arg15[%swap3A_293, %swap3A_294] {strides = array<i32>} : memref<128x128xf32, #tpu.memory_space<vmem>>, vector<16xf32>,
          tpu.vector_store %arg15[%swap3A_293, %swap3A_294], %mul3A_292 {strides = array<i32>} : memref<128x128xf32, #tpu.memory_space<vmem>>, vector<16xf32>,
          %get3A_296 = arith.index_cast %add3A_260 : i32 to index
          %get3A_297 = arith.constant 80 : index
          %get3A_298 = tpu.vector_load %arg15[%get3A_296, %get3A_297] {strides = array<i32>} : memref<128x128xf32, #tpu.memory_space<vmem>>, vector<16xf32>,
          %mul3A_299 = arith.mulf %get3A_298, %gather3A_256 : vector<16xf32>
          %swap3A_300 = arith.index_cast %add3A_260 : i32 to index
          %swap3A_301 = arith.constant 80 : index
          %swap3A_302 = tpu.vector_load %arg15[%swap3A_300, %swap3A_301] {strides = array<i32>} : memref<128x128xf32, #tpu.memory_space<vmem>>, vector<16xf32>,
          tpu.vector_store %arg15[%swap3A_300, %swap3A_301], %mul3A_299 {strides = array<i32>} : memref<128x128xf32, #tpu.memory_space<vmem>>, vector<16xf32>,
          %get3A_303 = arith.index_cast %add3A_260 : i32 to index
          %get3A_304 = arith.constant 96 : index
          %get3A_305 = tpu.vector_load %arg15[%get3A_303, %get3A_304] {strides = array<i32>} : memref<128x128xf32, #tpu.memory_space<vmem>>, vector<16xf32>,
          %mul3A_306 = arith.mulf %get3A_305, %gather3A_256 : vector<16xf32>
          %swap3A_307 = arith.index_cast %add3A_260 : i32 to index
          %swap3A_308 = arith.constant 96 : index
          %swap3A_309 = tpu.vector_load %arg15[%swap3A_307, %swap3A_308] {strides = array<i32>} : memref<128x128xf32, #tpu.memory_space<vmem>>, vector<16xf32>,
          tpu.vector_store %arg15[%swap3A_307, %swap3A_308], %mul3A_306 {strides = array<i32>} : memref<128x128xf32, #tpu.memory_space<vmem>>, vector<16xf32>,
          %get3A_310 = arith.index_cast %add3A_260 : i32 to index
          %get3A_311 = arith.constant 112 : index
          %get3A_312 = tpu.vector_load %arg15[%get3A_310, %get3A_311] {strides = array<i32>} : memref<128x128xf32, #tpu.memory_space<vmem>>, vector<16xf32>,
          %mul3A_313 = arith.mulf %get3A_312, %gather3A_256 : vector<16xf32>
          %swap3A_314 = arith.index_cast %add3A_260 : i32 to index
          %swap3A_315 = arith.constant 112 : index
          %swap3A_316 = tpu.vector_load %arg15[%swap3A_314, %swap3A_315] {strides = array<i32>} : memref<128x128xf32, #tpu.memory_space<vmem>>, vector<16xf32>,
          tpu.vector_store %arg15[%swap3A_314, %swap3A_315], %mul3A_313 {strides = array<i32>} : memref<128x128xf32, #tpu.memory_space<vmem>>, vector<16xf32>,
          %broadcast_in_dim3A_317 = arith.constant 2 : i32
          %broadcast_in_dim3A_318 = vector.broadcast %broadcast_in_dim3A_317 : i32 to vector<16xi32>
          %lt3A_319 = arith.constant 0 : i32
          %lt3A_320 = vector.broadcast %lt3A_319 : i32 to vector<16xi32>
          %lt3A_321 = arith.cmpi slt, %broadcast_in_dim3A_318, %lt3A_320 : vector<16xi32>
          %add3A_322 = arith.constant 16 : i32
          %add3A_323 = vector.broadcast %add3A_322 : i32 to vector<16xi32>
          %add3A_324 = arith.addi %broadcast_in_dim3A_318, %add3A_323 : vector<16xi32>
          %select_n3A_325 = arith.select %lt3A_321, %add3A_324, %broadcast_in_dim3A_318 : vector<16xi1>, vector<16xi32>
          %broadcast_in_dim3A_326 = vector.shape_cast %select_n3A_325 : vector<16xi32> to vector<16x1xi32>
          %gather3A_327 = vector.shape_cast %broadcast_in_dim3A_326 : vector<16x1xi32> to vector<16xi32>
          %gather3A_328 = tpu.dynamic_gather %mul3A_174[%gather3A_327] in [0] : vector<16xf32>, vector<16xi32> -> vector<16xf32>
          %mul3A_329 = arith.constant 16 : i32
          %mul3A_330 = arith.muli %add3A_159, %mul3A_329 : i32
          %add3A_331 = arith.constant 2 : i32
          %add3A_332 = arith.addi %mul3A_330, %add3A_331 : i32
          %get3A_333 = arith.index_cast %add3A_332 : i32 to index
          %get3A_334 = arith.constant 0 : index
          %get3A_335 = tpu.vector_load %arg15[%get3A_333, %get3A_334] {strides = array<i32>} : memref<128x128xf32, #tpu.memory_space<vmem>>, vector<16xf32>,
          %mul3A_336 = arith.mulf %get3A_335, %gather3A_328 : vector<16xf32>
          %swap3A_337 = arith.index_cast %add3A_332 : i32 to index
          %swap3A_338 = arith.constant 0 : index
          %swap3A_339 = tpu.vector_load %arg15[%swap3A_337, %swap3A_338] {strides = array<i32>} : memref<128x128xf32, #tpu.memory_space<vmem>>, vector<16xf32>,
          tpu.vector_store %arg15[%swap3A_337, %swap3A_338], %mul3A_336 {strides = array<i32>} : memref<128x128xf32, #tpu.memory_space<vmem>>, vector<16xf32>,
          %get3A_340 = arith.index_cast %add3A_332 : i32 to index
          %get3A_341 = arith.constant 16 : index
          %get3A_342 = tpu.vector_load %arg15[%get3A_340, %get3A_341] {strides = array<i32>} : memref<128x128xf32, #tpu.memory_space<vmem>>, vector<16xf32>,
          %mul3A_343 = arith.mulf %get3A_342, %gather3A_328 : vector<16xf32>
          %swap3A_344 = arith.index_cast %add3A_332 : i32 to index
          %swap3A_345 = arith.constant 16 : index
          %swap3A_346 = tpu.vector_load %arg15[%swap3A_344, %swap3A_345] {strides = array<i32>} : memref<128x128xf32, #tpu.memory_space<vmem>>, vector<16xf32>,
          tpu.vector_store %arg15[%swap3A_344, %swap3A_345], %mul3A_343 {strides = array<i32>} : memref<128x128xf32, #tpu.memory_space<vmem>>, vector<16xf32>,
          %get3A_347 = arith.index_cast %add3A_332 : i32 to index
          %get3A_348 = arith.constant 32 : index
          %get3A_349 = tpu.vector_load %arg15[%get3A_347, %get3A_348] {strides = array<i32>} : memref<128x128xf32, #tpu.memory_space<vmem>>, vector<16xf32>,
          %mul3A_350 = arith.mulf %get3A_349, %gather3A_328 : vector<16xf32>
          %swap3A_351 = arith.index_cast %add3A_332 : i32 to index
          %swap3A_352 = arith.constant 32 : index
          %swap3A_353 = tpu.vector_load %arg15[%swap3A_351, %swap3A_352] {strides = array<i32>} : memref<128x128xf32, #tpu.memory_space<vmem>>, vector<16xf32>,
          tpu.vector_store %arg15[%swap3A_351, %swap3A_352], %mul3A_350 {strides = array<i32>} : memref<128x128xf32, #tpu.memory_space<vmem>>, vector<16xf32>,
          %get3A_354 = arith.index_cast %add3A_332 : i32 to index
          %get3A_355 = arith.constant 48 : index
          %get3A_356 = tpu.vector_load %arg15[%get3A_354, %get3A_355] {strides = array<i32>} : memref<128x128xf32, #tpu.memory_space<vmem>>, vector<16xf32>,
          %mul3A_357 = arith.mulf %get3A_356, %gather3A_328 : vector<16xf32>
          %swap3A_358 = arith.index_cast %add3A_332 : i32 to index
          %swap3A_359 = arith.constant 48 : index
          %swap3A_360 = tpu.vector_load %arg15[%swap3A_358, %swap3A_359] {strides = array<i32>} : memref<128x128xf32, #tpu.memory_space<vmem>>, vector<16xf32>,
          tpu.vector_store %arg15[%swap3A_358, %swap3A_359], %mul3A_357 {strides = array<i32>} : memref<128x128xf32, #tpu.memory_space<vmem>>, vector<16xf32>,
          %get3A_361 = arith.index_cast %add3A_332 : i32 to index
          %get3A_362 = arith.constant 64 : index
          %get3A_363 = tpu.vector_load %arg15[%get3A_361, %get3A_362] {strides = array<i32>} : memref<128x128xf32, #tpu.memory_space<vmem>>, vector<16xf32>,
          %mul3A_364 = arith.mulf %get3A_363, %gather3A_328 : vector<16xf32>
          %swap3A_365 = arith.index_cast %add3A_332 : i32 to index
          %swap3A_366 = arith.constant 64 : index
          %swap3A_367 = tpu.vector_load %arg15[%swap3A_365, %swap3A_366] {strides = array<i32>} : memref<128x128xf32, #tpu.memory_space<vmem>>, vector<16xf32>,
          tpu.vector_store %arg15[%swap3A_365, %swap3A_366], %mul3A_364 {strides = array<i32>} : memref<128x128xf32, #tpu.memory_space<vmem>>, vector<16xf32>,
          %get3A_368 = arith.index_cast %add3A_332 : i32 to index
          %get3A_369 = arith.constant 80 : index
          %get3A_370 = tpu.vector_load %arg15[%get3A_368, %get3A_369] {strides = array<i32>} : memref<128x128xf32, #tpu.memory_space<vmem>>, vector<16xf32>,
          %mul3A_371 = arith.mulf %get3A_370, %gather3A_328 : vector<16xf32>
          %swap3A_372 = arith.index_cast %add3A_332 : i32 to index
          %swap3A_373 = arith.constant 80 : index
          %swap3A_374 = tpu.vector_load %arg15[%swap3A_372, %swap3A_373] {strides = array<i32>} : memref<128x128xf32, #tpu.memory_space<vmem>>, vector<16xf32>,
          tpu.vector_store %arg15[%swap3A_372, %swap3A_373], %mul3A_371 {strides = array<i32>} : memref<128x128xf32, #tpu.memory_space<vmem>>, vector<16xf32>,
          %get3A_375 = arith.index_cast %add3A_332 : i32 to index
          %get3A_376 = arith.constant 96 : index
          %get3A_377 = tpu.vector_load %arg15[%get3A_375, %get3A_376] {strides = array<i32>} : memref<128x128xf32, #tpu.memory_space<vmem>>, vector<16xf32>,
          %mul3A_378 = arith.mulf %get3A_377, %gather3A_328 : vector<16xf32>
          %swap3A_379 = arith.index_cast %add3A_332 : i32 to index
          %swap3A_380 = arith.constant 96 : index
          %swap3A_381 = tpu.vector_load %arg15[%swap3A_379, %swap3A_380] {strides = array<i32>} : memref<128x128xf32, #tpu.memory_space<vmem>>, vector<16xf32>,
          tpu.vector_store %arg15[%swap3A_379, %swap3A_380], %mul3A_378 {strides = array<i32>} : memref<128x128xf32, #tpu.memory_space<vmem>>, vector<16xf32>,
          %get3A_382 = arith.index_cast %add3A_332 : i32 to index
          %get3A_383 = arith.constant 112 : index
          %get3A_384 = tpu.vector_load %arg15[%get3A_382, %get3A_383] {strides = array<i32>} : memref<128x128xf32, #tpu.memory_space<vmem>>, vector<16xf32>,
          %mul3A_385 = arith.mulf %get3A_384, %gather3A_328 : vector<16xf32>
          %swap3A_386 = arith.index_cast %add3A_332 : i32 to index
          %swap3A_387 = arith.constant 112 : index
          %swap3A_388 = tpu.vector_load %arg15[%swap3A_386, %swap3A_387] {strides = array<i32>} : memref<128x128xf32, #tpu.memory_space<vmem>>, vector<16xf32>,
          tpu.vector_store %arg15[%swap3A_386, %swap3A_387], %mul3A_385 {strides = array<i32>} : memref<128x128xf32, #tpu.memory_space<vmem>>, vector<16xf32>,
          %broadcast_in_dim3A_389 = arith.constant 3 : i32
          %broadcast_in_dim3A_390 = vector.broadcast %broadcast_in_dim3A_389 : i32 to vector<16xi32>
          %lt3A_391 = arith.constant 0 : i32
          %lt3A_392 = vector.broadcast %lt3A_391 : i32 to vector<16xi32>
          %lt3A_393 = arith.cmpi slt, %broadcast_in_dim3A_390, %lt3A_392 : vector<16xi32>
          %add3A_394 = arith.constant 16 : i32
          %add3A_395 = vector.broadcast %add3A_394 : i32 to vector<16xi32>
          %add3A_396 = arith.addi %broadcast_in_dim3A_390, %add3A_395 : vector<16xi32>
          %select_n3A_397 = arith.select %lt3A_393, %add3A_396, %broadcast_in_dim3A_390 : vector<16xi1>, vector<16xi32>
          %broadcast_in_dim3A_398 = vector.shape_cast %select_n3A_397 : vector<16xi32> to vector<16x1xi32>
          %gather3A_399 = vector.shape_cast %broadcast_in_dim3A_398 : vector<16x1xi32> to vector<16xi32>
          %gather3A_400 = tpu.dynamic_gather %mul3A_174[%gather3A_399] in [0] : vector<16xf32>, vector<16xi32> -> vector<16xf32>
          %mul3A_401 = arith.constant 16 : i32
          %mul3A_402 = arith.muli %add3A_159, %mul3A_401 : i32
          %add3A_403 = arith.constant 3 : i32
          %add3A_404 = arith.addi %mul3A_402, %add3A_403 : i32
          %get3A_405 = arith.index_cast %add3A_404 : i32 to index
          %get3A_406 = arith.constant 0 : index
          %get3A_407 = tpu.vector_load %arg15[%get3A_405, %get3A_406] {strides = array<i32>} : memref<128x128xf32, #tpu.memory_space<vmem>>, vector<16xf32>,
          %mul3A_408 = arith.mulf %get3A_407, %gather3A_400 : vector<16xf32>
          %swap3A_409 = arith.index_cast %add3A_404 : i32 to index
          %swap3A_410 = arith.constant 0 : index
          %swap3A_411 = tpu.vector_load %arg15[%swap3A_409, %swap3A_410] {strides = array<i32>} : memref<128x128xf32, #tpu.memory_space<vmem>>, vector<16xf32>,
          tpu.vector_store %arg15[%swap3A_409, %swap3A_410], %mul3A_408 {strides = array<i32>} : memref<128x128xf32, #tpu.memory_space<vmem>>, vector<16xf32>,
          %get3A_412 = arith.index_cast %add3A_404 : i32 to index
          %get3A_413 = arith.constant 16 : index
          %get3A_414 = tpu.vector_load %arg15[%get3A_412, %get3A_413] {strides = array<i32>} : memref<128x128xf32, #tpu.memory_space<vmem>>, vector<16xf32>,
          %mul3A_415 = arith.mulf %get3A_414, %gather3A_400 : vector<16xf32>
          %swap3A_416 = arith.index_cast %add3A_404 : i32 to index
          %swap3A_417 = arith.constant 16 : index
          %swap3A_418 = tpu.vector_load %arg15[%swap3A_416, %swap3A_417] {strides = array<i32>} : memref<128x128xf32, #tpu.memory_space<vmem>>, vector<16xf32>,
          tpu.vector_store %arg15[%swap3A_416, %swap3A_417], %mul3A_415 {strides = array<i32>} : memref<128x128xf32, #tpu.memory_space<vmem>>, vector<16xf32>,
          %get3A_419 = arith.index_cast %add3A_404 : i32 to index
          %get3A_420 = arith.constant 32 : index
          %get3A_421 = tpu.vector_load %arg15[%get3A_419, %get3A_420] {strides = array<i32>} : memref<128x128xf32, #tpu.memory_space<vmem>>, vector<16xf32>,
          %mul3A_422 = arith.mulf %get3A_421, %gather3A_400 : vector<16xf32>
          %swap3A_423 = arith.index_cast %add3A_404 : i32 to index
          %swap3A_424 = arith.constant 32 : index
          %swap3A_425 = tpu.vector_load %arg15[%swap3A_423, %swap3A_424] {strides = array<i32>} : memref<128x128xf32, #tpu.memory_space<vmem>>, vector<16xf32>,
          tpu.vector_store %arg15[%swap3A_423, %swap3A_424], %mul3A_422 {strides = array<i32>} : memref<128x128xf32, #tpu.memory_space<vmem>>, vector<16xf32>,
          %get3A_426 = arith.index_cast %add3A_404 : i32 to index
          %get3A_427 = arith.constant 48 : index
          %get3A_428 = tpu.vector_load %arg15[%get3A_426, %get3A_427] {strides = array<i32>} : memref<128x128xf32, #tpu.memory_space<vmem>>, vector<16xf32>,
          %mul3A_429 = arith.mulf %get3A_428, %gather3A_400 : vector<16xf32>
          %swap3A_430 = arith.index_cast %add3A_404 : i32 to index
          %swap3A_431 = arith.constant 48 : index
          %swap3A_432 = tpu.vector_load %arg15[%swap3A_430, %swap3A_431] {strides = array<i32>} : memref<128x128xf32, #tpu.memory_space<vmem>>, vector<16xf32>,
          tpu.vector_store %arg15[%swap3A_430, %swap3A_431], %mul3A_429 {strides = array<i32>} : memref<128x128xf32, #tpu.memory_space<vmem>>, vector<16xf32>,
          %get3A_433 = arith.index_cast %add3A_404 : i32 to index
          %get3A_434 = arith.constant 64 : index
          %get3A_435 = tpu.vector_load %arg15[%get3A_433, %get3A_434] {strides = array<i32>} : memref<128x128xf32, #tpu.memory_space<vmem>>, vector<16xf32>,
          %mul3A_436 = arith.mulf %get3A_435, %gather3A_400 : vector<16xf32>
          %swap3A_437 = arith.index_cast %add3A_404 : i32 to index
          %swap3A_438 = arith.constant 64 : index
          %swap3A_439 = tpu.vector_load %arg15[%swap3A_437, %swap3A_438] {strides = array<i32>} : memref<128x128xf32, #tpu.memory_space<vmem>>, vector<16xf32>,
          tpu.vector_store %arg15[%swap3A_437, %swap3A_438], %mul3A_436 {strides = array<i32>} : memref<128x128xf32, #tpu.memory_space<vmem>>, vector<16xf32>,
          %get3A_440 = arith.index_cast %add3A_404 : i32 to index
          %get3A_441 = arith.constant 80 : index
          %get3A_442 = tpu.vector_load %arg15[%get3A_440, %get3A_441] {strides = array<i32>} : memref<128x128xf32, #tpu.memory_space<vmem>>, vector<16xf32>,
          %mul3A_443 = arith.mulf %get3A_442, %gather3A_400 : vector<16xf32>
          %swap3A_444 = arith.index_cast %add3A_404 : i32 to index
          %swap3A_445 = arith.constant 80 : index
          %swap3A_446 = tpu.vector_load %arg15[%swap3A_444, %swap3A_445] {strides = array<i32>} : memref<128x128xf32, #tpu.memory_space<vmem>>, vector<16xf32>,
          tpu.vector_store %arg15[%swap3A_444, %swap3A_445], %mul3A_443 {strides = array<i32>} : memref<128x128xf32, #tpu.memory_space<vmem>>, vector<16xf32>,
          %get3A_447 = arith.index_cast %add3A_404 : i32 to index
          %get3A_448 = arith.constant 96 : index
          %get3A_449 = tpu.vector_load %arg15[%get3A_447, %get3A_448] {strides = array<i32>} : memref<128x128xf32, #tpu.memory_space<vmem>>, vector<16xf32>,
          %mul3A_450 = arith.mulf %get3A_449, %gather3A_400 : vector<16xf32>
          %swap3A_451 = arith.index_cast %add3A_404 : i32 to index
          %swap3A_452 = arith.constant 96 : index
          %swap3A_453 = tpu.vector_load %arg15[%swap3A_451, %swap3A_452] {strides = array<i32>} : memref<128x128xf32, #tpu.memory_space<vmem>>, vector<16xf32>,
          tpu.vector_store %arg15[%swap3A_451, %swap3A_452], %mul3A_450 {strides = array<i32>} : memref<128x128xf32, #tpu.memory_space<vmem>>, vector<16xf32>,
          %get3A_454 = arith.index_cast %add3A_404 : i32 to index
          %get3A_455 = arith.constant 112 : index
          %get3A_456 = tpu.vector_load %arg15[%get3A_454, %get3A_455] {strides = array<i32>} : memref<128x128xf32, #tpu.memory_space<vmem>>, vector<16xf32>,
          %mul3A_457 = arith.mulf %get3A_456, %gather3A_400 : vector<16xf32>
          %swap3A_458 = arith.index_cast %add3A_404 : i32 to index
          %swap3A_459 = arith.constant 112 : index
          %swap3A_460 = tpu.vector_load %arg15[%swap3A_458, %swap3A_459] {strides = array<i32>} : memref<128x128xf32, #tpu.memory_space<vmem>>, vector<16xf32>,
          tpu.vector_store %arg15[%swap3A_458, %swap3A_459], %mul3A_457 {strides = array<i32>} : memref<128x128xf32, #tpu.memory_space<vmem>>, vector<16xf32>,
          %broadcast_in_dim3A_461 = arith.constant 4 : i32
          %broadcast_in_dim3A_462 = vector.broadcast %broadcast_in_dim3A_461 : i32 to vector<16xi32>
          %lt3A_463 = arith.constant 0 : i32
          %lt3A_464 = vector.broadcast %lt3A_463 : i32 to vector<16xi32>
          %lt3A_465 = arith.cmpi slt, %broadcast_in_dim3A_462, %lt3A_464 : vector<16xi32>
          %add3A_466 = arith.constant 16 : i32
          %add3A_467 = vector.broadcast %add3A_466 : i32 to vector<16xi32>
          %add3A_468 = arith.addi %broadcast_in_dim3A_462, %add3A_467 : vector<16xi32>
          %select_n3A_469 = arith.select %lt3A_465, %add3A_468, %broadcast_in_dim3A_462 : vector<16xi1>, vector<16xi32>
          %broadcast_in_dim3A_470 = vector.shape_cast %select_n3A_469 : vector<16xi32> to vector<16x1xi32>
          %gather3A_471 = vector.shape_cast %broadcast_in_dim3A_470 : vector<16x1xi32> to vector<16xi32>
          %gather3A_472 = tpu.dynamic_gather %mul3A_174[%gather3A_471] in [0] : vector<16xf32>, vector<16xi32> -> vector<16xf32>
          %mul3A_473 = arith.constant 16 : i32
          %mul3A_474 = arith.muli %add3A_159, %mul3A_473 : i32
          %add3A_475 = arith.constant 4 : i32
          %add3A_476 = arith.addi %mul3A_474, %add3A_475 : i32
          %get3A_477 = arith.index_cast %add3A_476 : i32 to index
          %get3A_478 = arith.constant 0 : index
          %get3A_479 = tpu.vector_load %arg15[%get3A_477, %get3A_478] {strides = array<i32>} : memref<128x128xf32, #tpu.memory_space<vmem>>, vector<16xf32>,
          %mul3A_480 = arith.mulf %get3A_479, %gather3A_472 : vector<16xf32>
          %swap3A_481 = arith.index_cast %add3A_476 : i32 to index
          %swap3A_482 = arith.constant 0 : index
          %swap3A_483 = tpu.vector_load %arg15[%swap3A_481, %swap3A_482] {strides = array<i32>} : memref<128x128xf32, #tpu.memory_space<vmem>>, vector<16xf32>,
          tpu.vector_store %arg15[%swap3A_481, %swap3A_482], %mul3A_480 {strides = array<i32>} : memref<128x128xf32, #tpu.memory_space<vmem>>, vector<16xf32>,
          %get3A_484 = arith.index_cast %add3A_476 : i32 to index
          %get3A_485 = arith.constant 16 : index
          %get3A_486 = tpu.vector_load %arg15[%get3A_484, %get3A_485] {strides = array<i32>} : memref<128x128xf32, #tpu.memory_space<vmem>>, vector<16xf32>,
          %mul3A_487 = arith.mulf %get3A_486, %gather3A_472 : vector<16xf32>
          %swap3A_488 = arith.index_cast %add3A_476 : i32 to index
          %swap3A_489 = arith.constant 16 : index
          %swap3A_490 = tpu.vector_load %arg15[%swap3A_488, %swap3A_489] {strides = array<i32>} : memref<128x128xf32, #tpu.memory_space<vmem>>, vector<16xf32>,
          tpu.vector_store %arg15[%swap3A_488, %swap3A_489], %mul3A_487 {strides = array<i32>} : memref<128x128xf32, #tpu.memory_space<vmem>>, vector<16xf32>,
          %get3A_491 = arith.index_cast %add3A_476 : i32 to index
          %get3A_492 = arith.constant 32 : index
          %get3A_493 = tpu.vector_load %arg15[%get3A_491, %get3A_492] {strides = array<i32>} : memref<128x128xf32, #tpu.memory_space<vmem>>, vector<16xf32>,
          %mul3A_494 = arith.mulf %get3A_493, %gather3A_472 : vector<16xf32>
          %swap3A_495 = arith.index_cast %add3A_476 : i32 to index
          %swap3A_496 = arith.constant 32 : index
          %swap3A_497 = tpu.vector_load %arg15[%swap3A_495, %swap3A_496] {strides = array<i32>} : memref<128x128xf32, #tpu.memory_space<vmem>>, vector<16xf32>,
          tpu.vector_store %arg15[%swap3A_495, %swap3A_496], %mul3A_494 {strides = array<i32>} : memref<128x128xf32, #tpu.memory_space<vmem>>, vector<16xf32>,
          %get3A_498 = arith.index_cast %add3A_476 : i32 to index
          %get3A_499 = arith.constant 48 : index
          %get3A_500 = tpu.vector_load %arg15[%get3A_498, %get3A_499] {strides = array<i32>} : memref<128x128xf32, #tpu.memory_space<vmem>>, vector<16xf32>,
          %mul3A_501 = arith.mulf %get3A_500, %gather3A_472 : vector<16xf32>
          %swap3A_502 = arith.index_cast %add3A_476 : i32 to index
          %swap3A_503 = arith.constant 48 : index
          %swap3A_504 = tpu.vector_load %arg15[%swap3A_502, %swap3A_503] {strides = array<i32>} : memref<128x128xf32, #tpu.memory_space<vmem>>, vector<16xf32>,
          tpu.vector_store %arg15[%swap3A_502, %swap3A_503], %mul3A_501 {strides = array<i32>} : memref<128x128xf32, #tpu.memory_space<vmem>>, vector<16xf32>,
          %get3A_505 = arith.index_cast %add3A_476 : i32 to index
          %get3A_506 = arith.constant 64 : index
          %get3A_507 = tpu.vector_load %arg15[%get3A_505, %get3A_506] {strides = array<i32>} : memref<128x128xf32, #tpu.memory_space<vmem>>, vector<16xf32>,
          %mul3A_508 = arith.mulf %get3A_507, %gather3A_472 : vector<16xf32>
          %swap3A_509 = arith.index_cast %add3A_476 : i32 to index
          %swap3A_510 = arith.constant 64 : index
          %swap3A_511 = tpu.vector_load %arg15[%swap3A_509, %swap3A_510] {strides = array<i32>} : memref<128x128xf32, #tpu.memory_space<vmem>>, vector<16xf32>,
          tpu.vector_store %arg15[%swap3A_509, %swap3A_510], %mul3A_508 {strides = array<i32>} : memref<128x128xf32, #tpu.memory_space<vmem>>, vector<16xf32>,
          %get3A_512 = arith.index_cast %add3A_476 : i32 to index
          %get3A_513 = arith.constant 80 : index
          %get3A_514 = tpu.vector_load %arg15[%get3A_512, %get3A_513] {strides = array<i32>} : memref<128x128xf32, #tpu.memory_space<vmem>>, vector<16xf32>,
          %mul3A_515 = arith.mulf %get3A_514, %gather3A_472 : vector<16xf32>
          %swap3A_516 = arith.index_cast %add3A_476 : i32 to index
          %swap3A_517 = arith.constant 80 : index
          %swap3A_518 = tpu.vector_load %arg15[%swap3A_516, %swap3A_517] {strides = array<i32>} : memref<128x128xf32, #tpu.memory_space<vmem>>, vector<16xf32>,
          tpu.vector_store %arg15[%swap3A_516, %swap3A_517], %mul3A_515 {strides = array<i32>} : memref<128x128xf32, #tpu.memory_space<vmem>>, vector<16xf32>,
          %get3A_519 = arith.index_cast %add3A_476 : i32 to index
          %get3A_520 = arith.constant 96 : index
          %get3A_521 = tpu.vector_load %arg15[%get3A_519, %get3A_520] {strides = array<i32>} : memref<128x128xf32, #tpu.memory_space<vmem>>, vector<16xf32>,
          %mul3A_522 = arith.mulf %get3A_521, %gather3A_472 : vector<16xf32>
          %swap3A_523 = arith.index_cast %add3A_476 : i32 to index
          %swap3A_524 = arith.constant 96 : index
          %swap3A_525 = tpu.vector_load %arg15[%swap3A_523, %swap3A_524] {strides = array<i32>} : memref<128x128xf32, #tpu.memory_space<vmem>>, vector<16xf32>,
          tpu.vector_store %arg15[%swap3A_523, %swap3A_524], %mul3A_522 {strides = array<i32>} : memref<128x128xf32, #tpu.memory_space<vmem>>, vector<16xf32>,
          %get3A_526 = arith.index_cast %add3A_476 : i32 to index
          %get3A_527 = arith.constant 112 : index
          %get3A_528 = tpu.vector_load %arg15[%get3A_526, %get3A_527] {strides = array<i32>} : memref<128x128xf32, #tpu.memory_space<vmem>>, vector<16xf32>,
          %mul3A_529 = arith.mulf %get3A_528, %gather3A_472 : vector<16xf32>
          %swap3A_530 = arith.index_cast %add3A_476 : i32 to index
          %swap3A_531 = arith.constant 112 : index
          %swap3A_532 = tpu.vector_load %arg15[%swap3A_530, %swap3A_531] {strides = array<i32>} : memref<128x128xf32, #tpu.memory_space<vmem>>, vector<16xf32>,
          tpu.vector_store %arg15[%swap3A_530, %swap3A_531], %mul3A_529 {strides = array<i32>} : memref<128x128xf32, #tpu.memory_space<vmem>>, vector<16xf32>,
          %broadcast_in_dim3A_533 = arith.constant 5 : i32
          %broadcast_in_dim3A_534 = vector.broadcast %broadcast_in_dim3A_533 : i32 to vector<16xi32>
          %lt3A_535 = arith.constant 0 : i32
          %lt3A_536 = vector.broadcast %lt3A_535 : i32 to vector<16xi32>
          %lt3A_537 = arith.cmpi slt, %broadcast_in_dim3A_534, %lt3A_536 : vector<16xi32>
          %add3A_538 = arith.constant 16 : i32
          %add3A_539 = vector.broadcast %add3A_538 : i32 to vector<16xi32>
          %add3A_540 = arith.addi %broadcast_in_dim3A_534, %add3A_539 : vector<16xi32>
          %select_n3A_541 = arith.select %lt3A_537, %add3A_540, %broadcast_in_dim3A_534 : vector<16xi1>, vector<16xi32>
          %broadcast_in_dim3A_542 = vector.shape_cast %select_n3A_541 : vector<16xi32> to vector<16x1xi32>
          %gather3A_543 = vector.shape_cast %broadcast_in_dim3A_542 : vector<16x1xi32> to vector<16xi32>
          %gather3A_544 = tpu.dynamic_gather %mul3A_174[%gather3A_543] in [0] : vector<16xf32>, vector<16xi32> -> vector<16xf32>
          %mul3A_545 = arith.constant 16 : i32
          %mul3A_546 = arith.muli %add3A_159, %mul3A_545 : i32
          %add3A_547 = arith.constant 5 : i32
          %add3A_548 = arith.addi %mul3A_546, %add3A_547 : i32
          %get3A_549 = arith.index_cast %add3A_548 : i32 to index
          %get3A_550 = arith.constant 0 : index
          %get3A_551 = tpu.vector_load %arg15[%get3A_549, %get3A_550] {strides = array<i32>} : memref<128x128xf32, #tpu.memory_space<vmem>>, vector<16xf32>,
          %mul3A_552 = arith.mulf %get3A_551, %gather3A_544 : vector<16xf32>
          %swap3A_553 = arith.index_cast %add3A_548 : i32 to index
          %swap3A_554 = arith.constant 0 : index
          %swap3A_555 = tpu.vector_load %arg15[%swap3A_553, %swap3A_554] {strides = array<i32>} : memref<128x128xf32, #tpu.memory_space<vmem>>, vector<16xf32>,
          tpu.vector_store %arg15[%swap3A_553, %swap3A_554], %mul3A_552 {strides = array<i32>} : memref<128x128xf32, #tpu.memory_space<vmem>>, vector<16xf32>,
          %get3A_556 = arith.index_cast %add3A_548 : i32 to index
          %get3A_557 = arith.constant 16 : index
          %get3A_558 = tpu.vector_load %arg15[%get3A_556, %get3A_557] {strides = array<i32>} : memref<128x128xf32, #tpu.memory_space<vmem>>, vector<16xf32>,
          %mul3A_559 = arith.mulf %get3A_558, %gather3A_544 : vector<16xf32>
          %swap3A_560 = arith.index_cast %add3A_548 : i32 to index
          %swap3A_561 = arith.constant 16 : index
          %swap3A_562 = tpu.vector_load %arg15[%swap3A_560, %swap3A_561] {strides = array<i32>} : memref<128x128xf32, #tpu.memory_space<vmem>>, vector<16xf32>,
          tpu.vector_store %arg15[%swap3A_560, %swap3A_561], %mul3A_559 {strides = array<i32>} : memref<128x128xf32, #tpu.memory_space<vmem>>, vector<16xf32>,
          %get3A_563 = arith.index_cast %add3A_548 : i32 to index
          %get3A_564 = arith.constant 32 : index
          %get3A_565 = tpu.vector_load %arg15[%get3A_563, %get3A_564] {strides = array<i32>} : memref<128x128xf32, #tpu.memory_space<vmem>>, vector<16xf32>,
          %mul3A_566 = arith.mulf %get3A_565, %gather3A_544 : vector<16xf32>
          %swap3A_567 = arith.index_cast %add3A_548 : i32 to index
          %swap3A_568 = arith.constant 32 : index
          %swap3A_569 = tpu.vector_load %arg15[%swap3A_567, %swap3A_568] {strides = array<i32>} : memref<128x128xf32, #tpu.memory_space<vmem>>, vector<16xf32>,
          tpu.vector_store %arg15[%swap3A_567, %swap3A_568], %mul3A_566 {strides = array<i32>} : memref<128x128xf32, #tpu.memory_space<vmem>>, vector<16xf32>,
          %get3A_570 = arith.index_cast %add3A_548 : i32 to index
          %get3A_571 = arith.constant 48 : index
          %get3A_572 = tpu.vector_load %arg15[%get3A_570, %get3A_571] {strides = array<i32>} : memref<128x128xf32, #tpu.memory_space<vmem>>, vector<16xf32>,
          %mul3A_573 = arith.mulf %get3A_572, %gather3A_544 : vector<16xf32>
          %swap3A_574 = arith.index_cast %add3A_548 : i32 to index
          %swap3A_575 = arith.constant 48 : index
          %swap3A_576 = tpu.vector_load %arg15[%swap3A_574, %swap3A_575] {strides = array<i32>} : memref<128x128xf32, #tpu.memory_space<vmem>>, vector<16xf32>,
          tpu.vector_store %arg15[%swap3A_574, %swap3A_575], %mul3A_573 {strides = array<i32>} : memref<128x128xf32, #tpu.memory_space<vmem>>, vector<16xf32>,
          %get3A_577 = arith.index_cast %add3A_548 : i32 to index
          %get3A_578 = arith.constant 64 : index
          %get3A_579 = tpu.vector_load %arg15[%get3A_577, %get3A_578] {strides = array<i32>} : memref<128x128xf32, #tpu.memory_space<vmem>>, vector<16xf32>,
          %mul3A_580 = arith.mulf %get3A_579, %gather3A_544 : vector<16xf32>
          %swap3A_581 = arith.index_cast %add3A_548 : i32 to index
          %swap3A_582 = arith.constant 64 : index
          %swap3A_583 = tpu.vector_load %arg15[%swap3A_581, %swap3A_582] {strides = array<i32>} : memref<128x128xf32, #tpu.memory_space<vmem>>, vector<16xf32>,
          tpu.vector_store %arg15[%swap3A_581, %swap3A_582], %mul3A_580 {strides = array<i32>} : memref<128x128xf32, #tpu.memory_space<vmem>>, vector<16xf32>,
          %get3A_584 = arith.index_cast %add3A_548 : i32 to index
          %get3A_585 = arith.constant 80 : index
          %get3A_586 = tpu.vector_load %arg15[%get3A_584, %get3A_585] {strides = array<i32>} : memref<128x128xf32, #tpu.memory_space<vmem>>, vector<16xf32>,
          %mul3A_587 = arith.mulf %get3A_586, %gather3A_544 : vector<16xf32>
          %swap3A_588 = arith.index_cast %add3A_548 : i32 to index
          %swap3A_589 = arith.constant 80 : index
          %swap3A_590 = tpu.vector_load %arg15[%swap3A_588, %swap3A_589] {strides = array<i32>} : memref<128x128xf32, #tpu.memory_space<vmem>>, vector<16xf32>,
          tpu.vector_store %arg15[%swap3A_588, %swap3A_589], %mul3A_587 {strides = array<i32>} : memref<128x128xf32, #tpu.memory_space<vmem>>, vector<16xf32>,
          %get3A_591 = arith.index_cast %add3A_548 : i32 to index
          %get3A_592 = arith.constant 96 : index
          %get3A_593 = tpu.vector_load %arg15[%get3A_591, %get3A_592] {strides = array<i32>} : memref<128x128xf32, #tpu.memory_space<vmem>>, vector<16xf32>,
          %mul3A_594 = arith.mulf %get3A_593, %gather3A_544 : vector<16xf32>
          %swap3A_595 = arith.index_cast %add3A_548 : i32 to index
          %swap3A_596 = arith.constant 96 : index
          %swap3A_597 = tpu.vector_load %arg15[%swap3A_595, %swap3A_596] {strides = array<i32>} : memref<128x128xf32, #tpu.memory_space<vmem>>, vector<16xf32>,
          tpu.vector_store %arg15[%swap3A_595, %swap3A_596], %mul3A_594 {strides = array<i32>} : memref<128x128xf32, #tpu.memory_space<vmem>>, vector<16xf32>,
          %get3A_598 = arith.index_cast %add3A_548 : i32 to index
          %get3A_599 = arith.constant 112 : index
          %get3A_600 = tpu.vector_load %arg15[%get3A_598, %get3A_599] {strides = array<i32>} : memref<128x128xf32, #tpu.memory_space<vmem>>, vector<16xf32>,
          %mul3A_601 = arith.mulf %get3A_600, %gather3A_544 : vector<16xf32>
          %swap3A_602 = arith.index_cast %add3A_548 : i32 to index
          %swap3A_603 = arith.constant 112 : index
          %swap3A_604 = tpu.vector_load %arg15[%swap3A_602, %swap3A_603] {strides = array<i32>} : memref<128x128xf32, #tpu.memory_space<vmem>>, vector<16xf32>,
          tpu.vector_store %arg15[%swap3A_602, %swap3A_603], %mul3A_601 {strides = array<i32>} : memref<128x128xf32, #tpu.memory_space<vmem>>, vector<16xf32>,
          %broadcast_in_dim3A_605 = arith.constant 6 : i32
          %broadcast_in_dim3A_606 = vector.broadcast %broadcast_in_dim3A_605 : i32 to vector<16xi32>
          %lt3A_607 = arith.constant 0 : i32
          %lt3A_608 = vector.broadcast %lt3A_607 : i32 to vector<16xi32>
          %lt3A_609 = arith.cmpi slt, %broadcast_in_dim3A_606, %lt3A_608 : vector<16xi32>
          %add3A_610 = arith.constant 16 : i32
          %add3A_611 = vector.broadcast %add3A_610 : i32 to vector<16xi32>
          %add3A_612 = arith.addi %broadcast_in_dim3A_606, %add3A_611 : vector<16xi32>
          %select_n3A_613 = arith.select %lt3A_609, %add3A_612, %broadcast_in_dim3A_606 : vector<16xi1>, vector<16xi32>
          %broadcast_in_dim3A_614 = vector.shape_cast %select_n3A_613 : vector<16xi32> to vector<16x1xi32>
          %gather3A_615 = vector.shape_cast %broadcast_in_dim3A_614 : vector<16x1xi32> to vector<16xi32>
          %gather3A_616 = tpu.dynamic_gather %mul3A_174[%gather3A_615] in [0] : vector<16xf32>, vector<16xi32> -> vector<16xf32>
          %mul3A_617 = arith.constant 16 : i32
          %mul3A_618 = arith.muli %add3A_159, %mul3A_617 : i32
          %add3A_619 = arith.constant 6 : i32
          %add3A_620 = arith.addi %mul3A_618, %add3A_619 : i32
          %get3A_621 = arith.index_cast %add3A_620 : i32 to index
          %get3A_622 = arith.constant 0 : index
          %get3A_623 = tpu.vector_load %arg15[%get3A_621, %get3A_622] {strides = array<i32>} : memref<128x128xf32, #tpu.memory_space<vmem>>, vector<16xf32>,
          %mul3A_624 = arith.mulf %get3A_623, %gather3A_616 : vector<16xf32>
          %swap3A_625 = arith.index_cast %add3A_620 : i32 to index
          %swap3A_626 = arith.constant 0 : index
          %swap3A_627 = tpu.vector_load %arg15[%swap3A_625, %swap3A_626] {strides = array<i32>} : memref<128x128xf32, #tpu.memory_space<vmem>>, vector<16xf32>,
          tpu.vector_store %arg15[%swap3A_625, %swap3A_626], %mul3A_624 {strides = array<i32>} : memref<128x128xf32, #tpu.memory_space<vmem>>, vector<16xf32>,
          %get3A_628 = arith.index_cast %add3A_620 : i32 to index
          %get3A_629 = arith.constant 16 : index
          %get3A_630 = tpu.vector_load %arg15[%get3A_628, %get3A_629] {strides = array<i32>} : memref<128x128xf32, #tpu.memory_space<vmem>>, vector<16xf32>,
          %mul3A_631 = arith.mulf %get3A_630, %gather3A_616 : vector<16xf32>
          %swap3A_632 = arith.index_cast %add3A_620 : i32 to index
          %swap3A_633 = arith.constant 16 : index
          %swap3A_634 = tpu.vector_load %arg15[%swap3A_632, %swap3A_633] {strides = array<i32>} : memref<128x128xf32, #tpu.memory_space<vmem>>, vector<16xf32>,
          tpu.vector_store %arg15[%swap3A_632, %swap3A_633], %mul3A_631 {strides = array<i32>} : memref<128x128xf32, #tpu.memory_space<vmem>>, vector<16xf32>,
          %get3A_635 = arith.index_cast %add3A_620 : i32 to index
          %get3A_636 = arith.constant 32 : index
          %get3A_637 = tpu.vector_load %arg15[%get3A_635, %get3A_636] {strides = array<i32>} : memref<128x128xf32, #tpu.memory_space<vmem>>, vector<16xf32>,
          %mul3A_638 = arith.mulf %get3A_637, %gather3A_616 : vector<16xf32>
          %swap3A_639 = arith.index_cast %add3A_620 : i32 to index
          %swap3A_640 = arith.constant 32 : index
          %swap3A_641 = tpu.vector_load %arg15[%swap3A_639, %swap3A_640] {strides = array<i32>} : memref<128x128xf32, #tpu.memory_space<vmem>>, vector<16xf32>,
          tpu.vector_store %arg15[%swap3A_639, %swap3A_640], %mul3A_638 {strides = array<i32>} : memref<128x128xf32, #tpu.memory_space<vmem>>, vector<16xf32>,
          %get3A_642 = arith.index_cast %add3A_620 : i32 to index
          %get3A_643 = arith.constant 48 : index
          %get3A_644 = tpu.vector_load %arg15[%get3A_642, %get3A_643] {strides = array<i32>} : memref<128x128xf32, #tpu.memory_space<vmem>>, vector<16xf32>,
          %mul3A_645 = arith.mulf %get3A_644, %gather3A_616 : vector<16xf32>
          %swap3A_646 = arith.index_cast %add3A_620 : i32 to index
          %swap3A_647 = arith.constant 48 : index
          %swap3A_648 = tpu.vector_load %arg15[%swap3A_646, %swap3A_647] {strides = array<i32>} : memref<128x128xf32, #tpu.memory_space<vmem>>, vector<16xf32>,
          tpu.vector_store %arg15[%swap3A_646, %swap3A_647], %mul3A_645 {strides = array<i32>} : memref<128x128xf32, #tpu.memory_space<vmem>>, vector<16xf32>,
          %get3A_649 = arith.index_cast %add3A_620 : i32 to index
          %get3A_650 = arith.constant 64 : index
          %get3A_651 = tpu.vector_load %arg15[%get3A_649, %get3A_650] {strides = array<i32>} : memref<128x128xf32, #tpu.memory_space<vmem>>, vector<16xf32>,
          %mul3A_652 = arith.mulf %get3A_651, %gather3A_616 : vector<16xf32>
          %swap3A_653 = arith.index_cast %add3A_620 : i32 to index
          %swap3A_654 = arith.constant 64 : index
          %swap3A_655 = tpu.vector_load %arg15[%swap3A_653, %swap3A_654] {strides = array<i32>} : memref<128x128xf32, #tpu.memory_space<vmem>>, vector<16xf32>,
          tpu.vector_store %arg15[%swap3A_653, %swap3A_654], %mul3A_652 {strides = array<i32>} : memref<128x128xf32, #tpu.memory_space<vmem>>, vector<16xf32>,
          %get3A_656 = arith.index_cast %add3A_620 : i32 to index
          %get3A_657 = arith.constant 80 : index
          %get3A_658 = tpu.vector_load %arg15[%get3A_656, %get3A_657] {strides = array<i32>} : memref<128x128xf32, #tpu.memory_space<vmem>>, vector<16xf32>,
          %mul3A_659 = arith.mulf %get3A_658, %gather3A_616 : vector<16xf32>
          %swap3A_660 = arith.index_cast %add3A_620 : i32 to index
          %swap3A_661 = arith.constant 80 : index
          %swap3A_662 = tpu.vector_load %arg15[%swap3A_660, %swap3A_661] {strides = array<i32>} : memref<128x128xf32, #tpu.memory_space<vmem>>, vector<16xf32>,
          tpu.vector_store %arg15[%swap3A_660, %swap3A_661], %mul3A_659 {strides = array<i32>} : memref<128x128xf32, #tpu.memory_space<vmem>>, vector<16xf32>,
          %get3A_663 = arith.index_cast %add3A_620 : i32 to index
          %get3A_664 = arith.constant 96 : index
          %get3A_665 = tpu.vector_load %arg15[%get3A_663, %get3A_664] {strides = array<i32>} : memref<128x128xf32, #tpu.memory_space<vmem>>, vector<16xf32>,
          %mul3A_666 = arith.mulf %get3A_665, %gather3A_616 : vector<16xf32>
          %swap3A_667 = arith.index_cast %add3A_620 : i32 to index
          %swap3A_668 = arith.constant 96 : index
          %swap3A_669 = tpu.vector_load %arg15[%swap3A_667, %swap3A_668] {strides = array<i32>} : memref<128x128xf32, #tpu.memory_space<vmem>>, vector<16xf32>,
          tpu.vector_store %arg15[%swap3A_667, %swap3A_668], %mul3A_666 {strides = array<i32>} : memref<128x128xf32, #tpu.memory_space<vmem>>, vector<16xf32>,
          %get3A_670 = arith.index_cast %add3A_620 : i32 to index
          %get3A_671 = arith.constant 112 : index
          %get3A_672 = tpu.vector_load %arg15[%get3A_670, %get3A_671] {strides = array<i32>} : memref<128x128xf32, #tpu.memory_space<vmem>>, vector<16xf32>,
          %mul3A_673 = arith.mulf %get3A_672, %gather3A_616 : vector<16xf32>
          %swap3A_674 = arith.index_cast %add3A_620 : i32 to index
          %swap3A_675 = arith.constant 112 : index
          %swap3A_676 = tpu.vector_load %arg15[%swap3A_674, %swap3A_675] {strides = array<i32>} : memref<128x128xf32, #tpu.memory_space<vmem>>, vector<16xf32>,
          tpu.vector_store %arg15[%swap3A_674, %swap3A_675], %mul3A_673 {strides = array<i32>} : memref<128x128xf32, #tpu.memory_space<vmem>>, vector<16xf32>,
          %broadcast_in_dim3A_677 = arith.constant 7 : i32
          %broadcast_in_dim3A_678 = vector.broadcast %broadcast_in_dim3A_677 : i32 to vector<16xi32>
          %lt3A_679 = arith.constant 0 : i32
          %lt3A_680 = vector.broadcast %lt3A_679 : i32 to vector<16xi32>
          %lt3A_681 = arith.cmpi slt, %broadcast_in_dim3A_678, %lt3A_680 : vector<16xi32>
          %add3A_682 = arith.constant 16 : i32
          %add3A_683 = vector.broadcast %add3A_682 : i32 to vector<16xi32>
          %add3A_684 = arith.addi %broadcast_in_dim3A_678, %add3A_683 : vector<16xi32>
          %select_n3A_685 = arith.select %lt3A_681, %add3A_684, %broadcast_in_dim3A_678 : vector<16xi1>, vector<16xi32>
          %broadcast_in_dim3A_686 = vector.shape_cast %select_n3A_685 : vector<16xi32> to vector<16x1xi32>
          %gather3A_687 = vector.shape_cast %broadcast_in_dim3A_686 : vector<16x1xi32> to vector<16xi32>
          %gather3A_688 = tpu.dynamic_gather %mul3A_174[%gather3A_687] in [0] : vector<16xf32>, vector<16xi32> -> vector<16xf32>
          %mul3A_689 = arith.constant 16 : i32
          %mul3A_690 = arith.muli %add3A_159, %mul3A_689 : i32
          %add3A_691 = arith.constant 7 : i32
          %add3A_692 = arith.addi %mul3A_690, %add3A_691 : i32
          %get3A_693 = arith.index_cast %add3A_692 : i32 to index
          %get3A_694 = arith.constant 0 : index
          %get3A_695 = tpu.vector_load %arg15[%get3A_693, %get3A_694] {strides = array<i32>} : memref<128x128xf32, #tpu.memory_space<vmem>>, vector<16xf32>,
          %mul3A_696 = arith.mulf %get3A_695, %gather3A_688 : vector<16xf32>
          %swap3A_697 = arith.index_cast %add3A_692 : i32 to index
          %swap3A_698 = arith.constant 0 : index
          %swap3A_699 = tpu.vector_load %arg15[%swap3A_697, %swap3A_698] {strides = array<i32>} : memref<128x128xf32, #tpu.memory_space<vmem>>, vector<16xf32>,
          tpu.vector_store %arg15[%swap3A_697, %swap3A_698], %mul3A_696 {strides = array<i32>} : memref<128x128xf32, #tpu.memory_space<vmem>>, vector<16xf32>,
          %get3A_700 = arith.index_cast %add3A_692 : i32 to index
          %get3A_701 = arith.constant 16 : index
          %get3A_702 = tpu.vector_load %arg15[%get3A_700, %get3A_701] {strides = array<i32>} : memref<128x128xf32, #tpu.memory_space<vmem>>, vector<16xf32>,
          %mul3A_703 = arith.mulf %get3A_702, %gather3A_688 : vector<16xf32>
          %swap3A_704 = arith.index_cast %add3A_692 : i32 to index
          %swap3A_705 = arith.constant 16 : index
          %swap3A_706 = tpu.vector_load %arg15[%swap3A_704, %swap3A_705] {strides = array<i32>} : memref<128x128xf32, #tpu.memory_space<vmem>>, vector<16xf32>,
          tpu.vector_store %arg15[%swap3A_704, %swap3A_705], %mul3A_703 {strides = array<i32>} : memref<128x128xf32, #tpu.memory_space<vmem>>, vector<16xf32>,
          %get3A_707 = arith.index_cast %add3A_692 : i32 to index
          %get3A_708 = arith.constant 32 : index
          %get3A_709 = tpu.vector_load %arg15[%get3A_707, %get3A_708] {strides = array<i32>} : memref<128x128xf32, #tpu.memory_space<vmem>>, vector<16xf32>,
          %mul3A_710 = arith.mulf %get3A_709, %gather3A_688 : vector<16xf32>
          %swap3A_711 = arith.index_cast %add3A_692 : i32 to index
          %swap3A_712 = arith.constant 32 : index
          %swap3A_713 = tpu.vector_load %arg15[%swap3A_711, %swap3A_712] {strides = array<i32>} : memref<128x128xf32, #tpu.memory_space<vmem>>, vector<16xf32>,
          tpu.vector_store %arg15[%swap3A_711, %swap3A_712], %mul3A_710 {strides = array<i32>} : memref<128x128xf32, #tpu.memory_space<vmem>>, vector<16xf32>,
          %get3A_714 = arith.index_cast %add3A_692 : i32 to index
          %get3A_715 = arith.constant 48 : index
          %get3A_716 = tpu.vector_load %arg15[%get3A_714, %get3A_715] {strides = array<i32>} : memref<128x128xf32, #tpu.memory_space<vmem>>, vector<16xf32>,
          %mul3A_717 = arith.mulf %get3A_716, %gather3A_688 : vector<16xf32>
          %swap3A_718 = arith.index_cast %add3A_692 : i32 to index
          %swap3A_719 = arith.constant 48 : index
          %swap3A_720 = tpu.vector_load %arg15[%swap3A_718, %swap3A_719] {strides = array<i32>} : memref<128x128xf32, #tpu.memory_space<vmem>>, vector<16xf32>,
          tpu.vector_store %arg15[%swap3A_718, %swap3A_719], %mul3A_717 {strides = array<i32>} : memref<128x128xf32, #tpu.memory_space<vmem>>, vector<16xf32>,
          %get3A_721 = arith.index_cast %add3A_692 : i32 to index
          %get3A_722 = arith.constant 64 : index
          %get3A_723 = tpu.vector_load %arg15[%get3A_721, %get3A_722] {strides = array<i32>} : memref<128x128xf32, #tpu.memory_space<vmem>>, vector<16xf32>,
          %mul3A_724 = arith.mulf %get3A_723, %gather3A_688 : vector<16xf32>
          %swap3A_725 = arith.index_cast %add3A_692 : i32 to index
          %swap3A_726 = arith.constant 64 : index
          %swap3A_727 = tpu.vector_load %arg15[%swap3A_725, %swap3A_726] {strides = array<i32>} : memref<128x128xf32, #tpu.memory_space<vmem>>, vector<16xf32>,
          tpu.vector_store %arg15[%swap3A_725, %swap3A_726], %mul3A_724 {strides = array<i32>} : memref<128x128xf32, #tpu.memory_space<vmem>>, vector<16xf32>,
          %get3A_728 = arith.index_cast %add3A_692 : i32 to index
          %get3A_729 = arith.constant 80 : index
          %get3A_730 = tpu.vector_load %arg15[%get3A_728, %get3A_729] {strides = array<i32>} : memref<128x128xf32, #tpu.memory_space<vmem>>, vector<16xf32>,
          %mul3A_731 = arith.mulf %get3A_730, %gather3A_688 : vector<16xf32>
          %swap3A_732 = arith.index_cast %add3A_692 : i32 to index
          %swap3A_733 = arith.constant 80 : index
          %swap3A_734 = tpu.vector_load %arg15[%swap3A_732, %swap3A_733] {strides = array<i32>} : memref<128x128xf32, #tpu.memory_space<vmem>>, vector<16xf32>,
          tpu.vector_store %arg15[%swap3A_732, %swap3A_733], %mul3A_731 {strides = array<i32>} : memref<128x128xf32, #tpu.memory_space<vmem>>, vector<16xf32>,
          %get3A_735 = arith.index_cast %add3A_692 : i32 to index
          %get3A_736 = arith.constant 96 : index
          %get3A_737 = tpu.vector_load %arg15[%get3A_735, %get3A_736] {strides = array<i32>} : memref<128x128xf32, #tpu.memory_space<vmem>>, vector<16xf32>,
          %mul3A_738 = arith.mulf %get3A_737, %gather3A_688 : vector<16xf32>
          %swap3A_739 = arith.index_cast %add3A_692 : i32 to index
          %swap3A_740 = arith.constant 96 : index
          %swap3A_741 = tpu.vector_load %arg15[%swap3A_739, %swap3A_740] {strides = array<i32>} : memref<128x128xf32, #tpu.memory_space<vmem>>, vector<16xf32>,
          tpu.vector_store %arg15[%swap3A_739, %swap3A_740], %mul3A_738 {strides = array<i32>} : memref<128x128xf32, #tpu.memory_space<vmem>>, vector<16xf32>,
          %get3A_742 = arith.index_cast %add3A_692 : i32 to index
          %get3A_743 = arith.constant 112 : index
          %get3A_744 = tpu.vector_load %arg15[%get3A_742, %get3A_743] {strides = array<i32>} : memref<128x128xf32, #tpu.memory_space<vmem>>, vector<16xf32>,
          %mul3A_745 = arith.mulf %get3A_744, %gather3A_688 : vector<16xf32>
          %swap3A_746 = arith.index_cast %add3A_692 : i32 to index
          %swap3A_747 = arith.constant 112 : index
          %swap3A_748 = tpu.vector_load %arg15[%swap3A_746, %swap3A_747] {strides = array<i32>} : memref<128x128xf32, #tpu.memory_space<vmem>>, vector<16xf32>,
          tpu.vector_store %arg15[%swap3A_746, %swap3A_747], %mul3A_745 {strides = array<i32>} : memref<128x128xf32, #tpu.memory_space<vmem>>, vector<16xf32>,
          %broadcast_in_dim3A_749 = arith.constant 8 : i32
          %broadcast_in_dim3A_750 = vector.broadcast %broadcast_in_dim3A_749 : i32 to vector<16xi32>
          %lt3A_751 = arith.constant 0 : i32
          %lt3A_752 = vector.broadcast %lt3A_751 : i32 to vector<16xi32>
          %lt3A_753 = arith.cmpi slt, %broadcast_in_dim3A_750, %lt3A_752 : vector<16xi32>
          %add3A_754 = arith.constant 16 : i32
          %add3A_755 = vector.broadcast %add3A_754 : i32 to vector<16xi32>
          %add3A_756 = arith.addi %broadcast_in_dim3A_750, %add3A_755 : vector<16xi32>
          %select_n3A_757 = arith.select %lt3A_753, %add3A_756, %broadcast_in_dim3A_750 : vector<16xi1>, vector<16xi32>
          %broadcast_in_dim3A_758 = vector.shape_cast %select_n3A_757 : vector<16xi32> to vector<16x1xi32>
          %gather3A_759 = vector.shape_cast %broadcast_in_dim3A_758 : vector<16x1xi32> to vector<16xi32>
          %gather3A_760 = tpu.dynamic_gather %mul3A_174[%gather3A_759] in [0] : vector<16xf32>, vector<16xi32> -> vector<16xf32>
          %mul3A_761 = arith.constant 16 : i32
          %mul3A_762 = arith.muli %add3A_159, %mul3A_761 : i32
          %add3A_763 = arith.constant 8 : i32
          %add3A_764 = arith.addi %mul3A_762, %add3A_763 : i32
          %get3A_765 = arith.index_cast %add3A_764 : i32 to index
          %get3A_766 = arith.constant 0 : index
          %get3A_767 = tpu.vector_load %arg15[%get3A_765, %get3A_766] {strides = array<i32>} : memref<128x128xf32, #tpu.memory_space<vmem>>, vector<16xf32>,
          %mul3A_768 = arith.mulf %get3A_767, %gather3A_760 : vector<16xf32>
          %swap3A_769 = arith.index_cast %add3A_764 : i32 to index
          %swap3A_770 = arith.constant 0 : index
          %swap3A_771 = tpu.vector_load %arg15[%swap3A_769, %swap3A_770] {strides = array<i32>} : memref<128x128xf32, #tpu.memory_space<vmem>>, vector<16xf32>,
          tpu.vector_store %arg15[%swap3A_769, %swap3A_770], %mul3A_768 {strides = array<i32>} : memref<128x128xf32, #tpu.memory_space<vmem>>, vector<16xf32>,
          %get3A_772 = arith.index_cast %add3A_764 : i32 to index
          %get3A_773 = arith.constant 16 : index
          %get3A_774 = tpu.vector_load %arg15[%get3A_772, %get3A_773] {strides = array<i32>} : memref<128x128xf32, #tpu.memory_space<vmem>>, vector<16xf32>,
          %mul3A_775 = arith.mulf %get3A_774, %gather3A_760 : vector<16xf32>
          %swap3A_776 = arith.index_cast %add3A_764 : i32 to index
          %swap3A_777 = arith.constant 16 : index
          %swap3A_778 = tpu.vector_load %arg15[%swap3A_776, %swap3A_777] {strides = array<i32>} : memref<128x128xf32, #tpu.memory_space<vmem>>, vector<16xf32>,
          tpu.vector_store %arg15[%swap3A_776, %swap3A_777], %mul3A_775 {strides = array<i32>} : memref<128x128xf32, #tpu.memory_space<vmem>>, vector<16xf32>,
          %get3A_779 = arith.index_cast %add3A_764 : i32 to index
          %get3A_780 = arith.constant 32 : index
          %get3A_781 = tpu.vector_load %arg15[%get3A_779, %get3A_780] {strides = array<i32>} : memref<128x128xf32, #tpu.memory_space<vmem>>, vector<16xf32>,
          %mul3A_782 = arith.mulf %get3A_781, %gather3A_760 : vector<16xf32>
          %swap3A_783 = arith.index_cast %add3A_764 : i32 to index
          %swap3A_784 = arith.constant 32 : index
          %swap3A_785 = tpu.vector_load %arg15[%swap3A_783, %swap3A_784] {strides = array<i32>} : memref<128x128xf32, #tpu.memory_space<vmem>>, vector<16xf32>,
          tpu.vector_store %arg15[%swap3A_783, %swap3A_784], %mul3A_782 {strides = array<i32>} : memref<128x128xf32, #tpu.memory_space<vmem>>, vector<16xf32>,
          %get3A_786 = arith.index_cast %add3A_764 : i32 to index
          %get3A_787 = arith.constant 48 : index
          %get3A_788 = tpu.vector_load %arg15[%get3A_786, %get3A_787] {strides = array<i32>} : memref<128x128xf32, #tpu.memory_space<vmem>>, vector<16xf32>,
          %mul3A_789 = arith.mulf %get3A_788, %gather3A_760 : vector<16xf32>
          %swap3A_790 = arith.index_cast %add3A_764 : i32 to index
          %swap3A_791 = arith.constant 48 : index
          %swap3A_792 = tpu.vector_load %arg15[%swap3A_790, %swap3A_791] {strides = array<i32>} : memref<128x128xf32, #tpu.memory_space<vmem>>, vector<16xf32>,
          tpu.vector_store %arg15[%swap3A_790, %swap3A_791], %mul3A_789 {strides = array<i32>} : memref<128x128xf32, #tpu.memory_space<vmem>>, vector<16xf32>,
          %get3A_793 = arith.index_cast %add3A_764 : i32 to index
          %get3A_794 = arith.constant 64 : index
          %get3A_795 = tpu.vector_load %arg15[%get3A_793, %get3A_794] {strides = array<i32>} : memref<128x128xf32, #tpu.memory_space<vmem>>, vector<16xf32>,
          %mul3A_796 = arith.mulf %get3A_795, %gather3A_760 : vector<16xf32>
          %swap3A_797 = arith.index_cast %add3A_764 : i32 to index
          %swap3A_798 = arith.constant 64 : index
          %swap3A_799 = tpu.vector_load %arg15[%swap3A_797, %swap3A_798] {strides = array<i32>} : memref<128x128xf32, #tpu.memory_space<vmem>>, vector<16xf32>,
          tpu.vector_store %arg15[%swap3A_797, %swap3A_798], %mul3A_796 {strides = array<i32>} : memref<128x128xf32, #tpu.memory_space<vmem>>, vector<16xf32>,
          %get3A_800 = arith.index_cast %add3A_764 : i32 to index
          %get3A_801 = arith.constant 80 : index
          %get3A_802 = tpu.vector_load %arg15[%get3A_800, %get3A_801] {strides = array<i32>} : memref<128x128xf32, #tpu.memory_space<vmem>>, vector<16xf32>,
          %mul3A_803 = arith.mulf %get3A_802, %gather3A_760 : vector<16xf32>
          %swap3A_804 = arith.index_cast %add3A_764 : i32 to index
          %swap3A_805 = arith.constant 80 : index
          %swap3A_806 = tpu.vector_load %arg15[%swap3A_804, %swap3A_805] {strides = array<i32>} : memref<128x128xf32, #tpu.memory_space<vmem>>, vector<16xf32>,
          tpu.vector_store %arg15[%swap3A_804, %swap3A_805], %mul3A_803 {strides = array<i32>} : memref<128x128xf32, #tpu.memory_space<vmem>>, vector<16xf32>,
          %get3A_807 = arith.index_cast %add3A_764 : i32 to index
          %get3A_808 = arith.constant 96 : index
          %get3A_809 = tpu.vector_load %arg15[%get3A_807, %get3A_808] {strides = array<i32>} : memref<128x128xf32, #tpu.memory_space<vmem>>, vector<16xf32>,
          %mul3A_810 = arith.mulf %get3A_809, %gather3A_760 : vector<16xf32>
          %swap3A_811 = arith.index_cast %add3A_764 : i32 to index
          %swap3A_812 = arith.constant 96 : index
          %swap3A_813 = tpu.vector_load %arg15[%swap3A_811, %swap3A_812] {strides = array<i32>} : memref<128x128xf32, #tpu.memory_space<vmem>>, vector<16xf32>,
          tpu.vector_store %arg15[%swap3A_811, %swap3A_812], %mul3A_810 {strides = array<i32>} : memref<128x128xf32, #tpu.memory_space<vmem>>, vector<16xf32>,
          %get3A_814 = arith.index_cast %add3A_764 : i32 to index
          %get3A_815 = arith.constant 112 : index
          %get3A_816 = tpu.vector_load %arg15[%get3A_814, %get3A_815] {strides = array<i32>} : memref<128x128xf32, #tpu.memory_space<vmem>>, vector<16xf32>,
          %mul3A_817 = arith.mulf %get3A_816, %gather3A_760 : vector<16xf32>
          %swap3A_818 = arith.index_cast %add3A_764 : i32 to index
          %swap3A_819 = arith.constant 112 : index
          %swap3A_820 = tpu.vector_load %arg15[%swap3A_818, %swap3A_819] {strides = array<i32>} : memref<128x128xf32, #tpu.memory_space<vmem>>, vector<16xf32>,
          tpu.vector_store %arg15[%swap3A_818, %swap3A_819], %mul3A_817 {strides = array<i32>} : memref<128x128xf32, #tpu.memory_space<vmem>>, vector<16xf32>,
          %broadcast_in_dim3A_821 = arith.constant 9 : i32
          %broadcast_in_dim3A_822 = vector.broadcast %broadcast_in_dim3A_821 : i32 to vector<16xi32>
          %lt3A_823 = arith.constant 0 : i32
          %lt3A_824 = vector.broadcast %lt3A_823 : i32 to vector<16xi32>
          %lt3A_825 = arith.cmpi slt, %broadcast_in_dim3A_822, %lt3A_824 : vector<16xi32>
          %add3A_826 = arith.constant 16 : i32
          %add3A_827 = vector.broadcast %add3A_826 : i32 to vector<16xi32>
          %add3A_828 = arith.addi %broadcast_in_dim3A_822, %add3A_827 : vector<16xi32>
          %select_n3A_829 = arith.select %lt3A_825, %add3A_828, %broadcast_in_dim3A_822 : vector<16xi1>, vector<16xi32>
          %broadcast_in_dim3A_830 = vector.shape_cast %select_n3A_829 : vector<16xi32> to vector<16x1xi32>
          %gather3A_831 = vector.shape_cast %broadcast_in_dim3A_830 : vector<16x1xi32> to vector<16xi32>
          %gather3A_832 = tpu.dynamic_gather %mul3A_174[%gather3A_831] in [0] : vector<16xf32>, vector<16xi32> -> vector<16xf32>
          %mul3A_833 = arith.constant 16 : i32
          %mul3A_834 = arith.muli %add3A_159, %mul3A_833 : i32
          %add3A_835 = arith.constant 9 : i32
          %add3A_836 = arith.addi %mul3A_834, %add3A_835 : i32
          %get3A_837 = arith.index_cast %add3A_836 : i32 to index
          %get3A_838 = arith.constant 0 : index
          %get3A_839 = tpu.vector_load %arg15[%get3A_837, %get3A_838] {strides = array<i32>} : memref<128x128xf32, #tpu.memory_space<vmem>>, vector<16xf32>,
          %mul3A_840 = arith.mulf %get3A_839, %gather3A_832 : vector<16xf32>
          %swap3A_841 = arith.index_cast %add3A_836 : i32 to index
          %swap3A_842 = arith.constant 0 : index
          %swap3A_843 = tpu.vector_load %arg15[%swap3A_841, %swap3A_842] {strides = array<i32>} : memref<128x128xf32, #tpu.memory_space<vmem>>, vector<16xf32>,
          tpu.vector_store %arg15[%swap3A_841, %swap3A_842], %mul3A_840 {strides = array<i32>} : memref<128x128xf32, #tpu.memory_space<vmem>>, vector<16xf32>,
          %get3A_844 = arith.index_cast %add3A_836 : i32 to index
          %get3A_845 = arith.constant 16 : index
          %get3A_846 = tpu.vector_load %arg15[%get3A_844, %get3A_845] {strides = array<i32>} : memref<128x128xf32, #tpu.memory_space<vmem>>, vector<16xf32>,
          %mul3A_847 = arith.mulf %get3A_846, %gather3A_832 : vector<16xf32>
          %swap3A_848 = arith.index_cast %add3A_836 : i32 to index
          %swap3A_849 = arith.constant 16 : index
          %swap3A_850 = tpu.vector_load %arg15[%swap3A_848, %swap3A_849] {strides = array<i32>} : memref<128x128xf32, #tpu.memory_space<vmem>>, vector<16xf32>,
          tpu.vector_store %arg15[%swap3A_848, %swap3A_849], %mul3A_847 {strides = array<i32>} : memref<128x128xf32, #tpu.memory_space<vmem>>, vector<16xf32>,
          %get3A_851 = arith.index_cast %add3A_836 : i32 to index
          %get3A_852 = arith.constant 32 : index
          %get3A_853 = tpu.vector_load %arg15[%get3A_851, %get3A_852] {strides = array<i32>} : memref<128x128xf32, #tpu.memory_space<vmem>>, vector<16xf32>,
          %mul3A_854 = arith.mulf %get3A_853, %gather3A_832 : vector<16xf32>
          %swap3A_855 = arith.index_cast %add3A_836 : i32 to index
          %swap3A_856 = arith.constant 32 : index
          %swap3A_857 = tpu.vector_load %arg15[%swap3A_855, %swap3A_856] {strides = array<i32>} : memref<128x128xf32, #tpu.memory_space<vmem>>, vector<16xf32>,
          tpu.vector_store %arg15[%swap3A_855, %swap3A_856], %mul3A_854 {strides = array<i32>} : memref<128x128xf32, #tpu.memory_space<vmem>>, vector<16xf32>,
          %get3A_858 = arith.index_cast %add3A_836 : i32 to index
          %get3A_859 = arith.constant 48 : index
          %get3A_860 = tpu.vector_load %arg15[%get3A_858, %get3A_859] {strides = array<i32>} : memref<128x128xf32, #tpu.memory_space<vmem>>, vector<16xf32>,
          %mul3A_861 = arith.mulf %get3A_860, %gather3A_832 : vector<16xf32>
          %swap3A_862 = arith.index_cast %add3A_836 : i32 to index
          %swap3A_863 = arith.constant 48 : index
          %swap3A_864 = tpu.vector_load %arg15[%swap3A_862, %swap3A_863] {strides = array<i32>} : memref<128x128xf32, #tpu.memory_space<vmem>>, vector<16xf32>,
          tpu.vector_store %arg15[%swap3A_862, %swap3A_863], %mul3A_861 {strides = array<i32>} : memref<128x128xf32, #tpu.memory_space<vmem>>, vector<16xf32>,
          %get3A_865 = arith.index_cast %add3A_836 : i32 to index
          %get3A_866 = arith.constant 64 : index
          %get3A_867 = tpu.vector_load %arg15[%get3A_865, %get3A_866] {strides = array<i32>} : memref<128x128xf32, #tpu.memory_space<vmem>>, vector<16xf32>,
          %mul3A_868 = arith.mulf %get3A_867, %gather3A_832 : vector<16xf32>
          %swap3A_869 = arith.index_cast %add3A_836 : i32 to index
          %swap3A_870 = arith.constant 64 : index
          %swap3A_871 = tpu.vector_load %arg15[%swap3A_869, %swap3A_870] {strides = array<i32>} : memref<128x128xf32, #tpu.memory_space<vmem>>, vector<16xf32>,
          tpu.vector_store %arg15[%swap3A_869, %swap3A_870], %mul3A_868 {strides = array<i32>} : memref<128x128xf32, #tpu.memory_space<vmem>>, vector<16xf32>,
          %get3A_872 = arith.index_cast %add3A_836 : i32 to index
          %get3A_873 = arith.constant 80 : index
          %get3A_874 = tpu.vector_load %arg15[%get3A_872, %get3A_873] {strides = array<i32>} : memref<128x128xf32, #tpu.memory_space<vmem>>, vector<16xf32>,
          %mul3A_875 = arith.mulf %get3A_874, %gather3A_832 : vector<16xf32>
          %swap3A_876 = arith.index_cast %add3A_836 : i32 to index
          %swap3A_877 = arith.constant 80 : index
          %swap3A_878 = tpu.vector_load %arg15[%swap3A_876, %swap3A_877] {strides = array<i32>} : memref<128x128xf32, #tpu.memory_space<vmem>>, vector<16xf32>,
          tpu.vector_store %arg15[%swap3A_876, %swap3A_877], %mul3A_875 {strides = array<i32>} : memref<128x128xf32, #tpu.memory_space<vmem>>, vector<16xf32>,
          %get3A_879 = arith.index_cast %add3A_836 : i32 to index
          %get3A_880 = arith.constant 96 : index
          %get3A_881 = tpu.vector_load %arg15[%get3A_879, %get3A_880] {strides = array<i32>} : memref<128x128xf32, #tpu.memory_space<vmem>>, vector<16xf32>,
          %mul3A_882 = arith.mulf %get3A_881, %gather3A_832 : vector<16xf32>
          %swap3A_883 = arith.index_cast %add3A_836 : i32 to index
          %swap3A_884 = arith.constant 96 : index
          %swap3A_885 = tpu.vector_load %arg15[%swap3A_883, %swap3A_884] {strides = array<i32>} : memref<128x128xf32, #tpu.memory_space<vmem>>, vector<16xf32>,
          tpu.vector_store %arg15[%swap3A_883, %swap3A_884], %mul3A_882 {strides = array<i32>} : memref<128x128xf32, #tpu.memory_space<vmem>>, vector<16xf32>,
          %get3A_886 = arith.index_cast %add3A_836 : i32 to index
          %get3A_887 = arith.constant 112 : index
          %get3A_888 = tpu.vector_load %arg15[%get3A_886, %get3A_887] {strides = array<i32>} : memref<128x128xf32, #tpu.memory_space<vmem>>, vector<16xf32>,
          %mul3A_889 = arith.mulf %get3A_888, %gather3A_832 : vector<16xf32>
          %swap3A_890 = arith.index_cast %add3A_836 : i32 to index
          %swap3A_891 = arith.constant 112 : index
          %swap3A_892 = tpu.vector_load %arg15[%swap3A_890, %swap3A_891] {strides = array<i32>} : memref<128x128xf32, #tpu.memory_space<vmem>>, vector<16xf32>,
          tpu.vector_store %arg15[%swap3A_890, %swap3A_891], %mul3A_889 {strides = array<i32>} : memref<128x128xf32, #tpu.memory_space<vmem>>, vector<16xf32>,
          %broadcast_in_dim3A_893 = arith.constant 10 : i32
          %broadcast_in_dim3A_894 = vector.broadcast %broadcast_in_dim3A_893 : i32 to vector<16xi32>
          %lt3A_895 = arith.constant 0 : i32
          %lt3A_896 = vector.broadcast %lt3A_895 : i32 to vector<16xi32>
          %lt3A_897 = arith.cmpi slt, %broadcast_in_dim3A_894, %lt3A_896 : vector<16xi32>
          %add3A_898 = arith.constant 16 : i32
          %add3A_899 = vector.broadcast %add3A_898 : i32 to vector<16xi32>
          %add3A_900 = arith.addi %broadcast_in_dim3A_894, %add3A_899 : vector<16xi32>
          %select_n3A_901 = arith.select %lt3A_897, %add3A_900, %broadcast_in_dim3A_894 : vector<16xi1>, vector<16xi32>
          %broadcast_in_dim3A_902 = vector.shape_cast %select_n3A_901 : vector<16xi32> to vector<16x1xi32>
          %gather3A_903 = vector.shape_cast %broadcast_in_dim3A_902 : vector<16x1xi32> to vector<16xi32>
          %gather3A_904 = tpu.dynamic_gather %mul3A_174[%gather3A_903] in [0] : vector<16xf32>, vector<16xi32> -> vector<16xf32>
          %mul3A_905 = arith.constant 16 : i32
          %mul3A_906 = arith.muli %add3A_159, %mul3A_905 : i32
          %add3A_907 = arith.constant 10 : i32
          %add3A_908 = arith.addi %mul3A_906, %add3A_907 : i32
          %get3A_909 = arith.index_cast %add3A_908 : i32 to index
          %get3A_910 = arith.constant 0 : index
          %get3A_911 = tpu.vector_load %arg15[%get3A_909, %get3A_910] {strides = array<i32>} : memref<128x128xf32, #tpu.memory_space<vmem>>, vector<16xf32>,
          %mul3A_912 = arith.mulf %get3A_911, %gather3A_904 : vector<16xf32>
          %swap3A_913 = arith.index_cast %add3A_908 : i32 to index
          %swap3A_914 = arith.constant 0 : index
          %swap3A_915 = tpu.vector_load %arg15[%swap3A_913, %swap3A_914] {strides = array<i32>} : memref<128x128xf32, #tpu.memory_space<vmem>>, vector<16xf32>,
          tpu.vector_store %arg15[%swap3A_913, %swap3A_914], %mul3A_912 {strides = array<i32>} : memref<128x128xf32, #tpu.memory_space<vmem>>, vector<16xf32>,
          %get3A_916 = arith.index_cast %add3A_908 : i32 to index
          %get3A_917 = arith.constant 16 : index
          %get3A_918 = tpu.vector_load %arg15[%get3A_916, %get3A_917] {strides = array<i32>} : memref<128x128xf32, #tpu.memory_space<vmem>>, vector<16xf32>,
          %mul3A_919 = arith.mulf %get3A_918, %gather3A_904 : vector<16xf32>
          %swap3A_920 = arith.index_cast %add3A_908 : i32 to index
          %swap3A_921 = arith.constant 16 : index
          %swap3A_922 = tpu.vector_load %arg15[%swap3A_920, %swap3A_921] {strides = array<i32>} : memref<128x128xf32, #tpu.memory_space<vmem>>, vector<16xf32>,
          tpu.vector_store %arg15[%swap3A_920, %swap3A_921], %mul3A_919 {strides = array<i32>} : memref<128x128xf32, #tpu.memory_space<vmem>>, vector<16xf32>,
          %get3A_923 = arith.index_cast %add3A_908 : i32 to index
          %get3A_924 = arith.constant 32 : index
          %get3A_925 = tpu.vector_load %arg15[%get3A_923, %get3A_924] {strides = array<i32>} : memref<128x128xf32, #tpu.memory_space<vmem>>, vector<16xf32>,
          %mul3A_926 = arith.mulf %get3A_925, %gather3A_904 : vector<16xf32>
          %swap3A_927 = arith.index_cast %add3A_908 : i32 to index
          %swap3A_928 = arith.constant 32 : index
          %swap3A_929 = tpu.vector_load %arg15[%swap3A_927, %swap3A_928] {strides = array<i32>} : memref<128x128xf32, #tpu.memory_space<vmem>>, vector<16xf32>,
          tpu.vector_store %arg15[%swap3A_927, %swap3A_928], %mul3A_926 {strides = array<i32>} : memref<128x128xf32, #tpu.memory_space<vmem>>, vector<16xf32>,
          %get3A_930 = arith.index_cast %add3A_908 : i32 to index
          %get3A_931 = arith.constant 48 : index
          %get3A_932 = tpu.vector_load %arg15[%get3A_930, %get3A_931] {strides = array<i32>} : memref<128x128xf32, #tpu.memory_space<vmem>>, vector<16xf32>,
          %mul3A_933 = arith.mulf %get3A_932, %gather3A_904 : vector<16xf32>
          %swap3A_934 = arith.index_cast %add3A_908 : i32 to index
          %swap3A_935 = arith.constant 48 : index
          %swap3A_936 = tpu.vector_load %arg15[%swap3A_934, %swap3A_935] {strides = array<i32>} : memref<128x128xf32, #tpu.memory_space<vmem>>, vector<16xf32>,
          tpu.vector_store %arg15[%swap3A_934, %swap3A_935], %mul3A_933 {strides = array<i32>} : memref<128x128xf32, #tpu.memory_space<vmem>>, vector<16xf32>,
          %get3A_937 = arith.index_cast %add3A_908 : i32 to index
          %get3A_938 = arith.constant 64 : index
          %get3A_939 = tpu.vector_load %arg15[%get3A_937, %get3A_938] {strides = array<i32>} : memref<128x128xf32, #tpu.memory_space<vmem>>, vector<16xf32>,
          %mul3A_940 = arith.mulf %get3A_939, %gather3A_904 : vector<16xf32>
          %swap3A_941 = arith.index_cast %add3A_908 : i32 to index
          %swap3A_942 = arith.constant 64 : index
          %swap3A_943 = tpu.vector_load %arg15[%swap3A_941, %swap3A_942] {strides = array<i32>} : memref<128x128xf32, #tpu.memory_space<vmem>>, vector<16xf32>,
          tpu.vector_store %arg15[%swap3A_941, %swap3A_942], %mul3A_940 {strides = array<i32>} : memref<128x128xf32, #tpu.memory_space<vmem>>, vector<16xf32>,
          %get3A_944 = arith.index_cast %add3A_908 : i32 to index
          %get3A_945 = arith.constant 80 : index
          %get3A_946 = tpu.vector_load %arg15[%get3A_944, %get3A_945] {strides = array<i32>} : memref<128x128xf32, #tpu.memory_space<vmem>>, vector<16xf32>,
          %mul3A_947 = arith.mulf %get3A_946, %gather3A_904 : vector<16xf32>
          %swap3A_948 = arith.index_cast %add3A_908 : i32 to index
          %swap3A_949 = arith.constant 80 : index
          %swap3A_950 = tpu.vector_load %arg15[%swap3A_948, %swap3A_949] {strides = array<i32>} : memref<128x128xf32, #tpu.memory_space<vmem>>, vector<16xf32>,
          tpu.vector_store %arg15[%swap3A_948, %swap3A_949], %mul3A_947 {strides = array<i32>} : memref<128x128xf32, #tpu.memory_space<vmem>>, vector<16xf32>,
          %get3A_951 = arith.index_cast %add3A_908 : i32 to index
          %get3A_952 = arith.constant 96 : index
          %get3A_953 = tpu.vector_load %arg15[%get3A_951, %get3A_952] {strides = array<i32>} : memref<128x128xf32, #tpu.memory_space<vmem>>, vector<16xf32>,
          %mul3A_954 = arith.mulf %get3A_953, %gather3A_904 : vector<16xf32>
          %swap3A_955 = arith.index_cast %add3A_908 : i32 to index
          %swap3A_956 = arith.constant 96 : index
          %swap3A_957 = tpu.vector_load %arg15[%swap3A_955, %swap3A_956] {strides = array<i32>} : memref<128x128xf32, #tpu.memory_space<vmem>>, vector<16xf32>,
          tpu.vector_store %arg15[%swap3A_955, %swap3A_956], %mul3A_954 {strides = array<i32>} : memref<128x128xf32, #tpu.memory_space<vmem>>, vector<16xf32>,
          %get3A_958 = arith.index_cast %add3A_908 : i32 to index
          %get3A_959 = arith.constant 112 : index
          %get3A_960 = tpu.vector_load %arg15[%get3A_958, %get3A_959] {strides = array<i32>} : memref<128x128xf32, #tpu.memory_space<vmem>>, vector<16xf32>,
          %mul3A_961 = arith.mulf %get3A_960, %gather3A_904 : vector<16xf32>
          %swap3A_962 = arith.index_cast %add3A_908 : i32 to index
          %swap3A_963 = arith.constant 112 : index
          %swap3A_964 = tpu.vector_load %arg15[%swap3A_962, %swap3A_963] {strides = array<i32>} : memref<128x128xf32, #tpu.memory_space<vmem>>, vector<16xf32>,
          tpu.vector_store %arg15[%swap3A_962, %swap3A_963], %mul3A_961 {strides = array<i32>} : memref<128x128xf32, #tpu.memory_space<vmem>>, vector<16xf32>,
          %broadcast_in_dim3A_965 = arith.constant 11 : i32
          %broadcast_in_dim3A_966 = vector.broadcast %broadcast_in_dim3A_965 : i32 to vector<16xi32>
          %lt3A_967 = arith.constant 0 : i32
          %lt3A_968 = vector.broadcast %lt3A_967 : i32 to vector<16xi32>
          %lt3A_969 = arith.cmpi slt, %broadcast_in_dim3A_966, %lt3A_968 : vector<16xi32>
          %add3A_970 = arith.constant 16 : i32
          %add3A_971 = vector.broadcast %add3A_970 : i32 to vector<16xi32>
          %add3A_972 = arith.addi %broadcast_in_dim3A_966, %add3A_971 : vector<16xi32>
          %select_n3A_973 = arith.select %lt3A_969, %add3A_972, %broadcast_in_dim3A_966 : vector<16xi1>, vector<16xi32>
          %broadcast_in_dim3A_974 = vector.shape_cast %select_n3A_973 : vector<16xi32> to vector<16x1xi32>
          %gather3A_975 = vector.shape_cast %broadcast_in_dim3A_974 : vector<16x1xi32> to vector<16xi32>
          %gather3A_976 = tpu.dynamic_gather %mul3A_174[%gather3A_975] in [0] : vector<16xf32>, vector<16xi32> -> vector<16xf32>
          %mul3A_977 = arith.constant 16 : i32
          %mul3A_978 = arith.muli %add3A_159, %mul3A_977 : i32
          %add3A_979 = arith.constant 11 : i32
          %add3A_980 = arith.addi %mul3A_978, %add3A_979 : i32
          %get3A_981 = arith.index_cast %add3A_980 : i32 to index
          %get3A_982 = arith.constant 0 : index
          %get3A_983 = tpu.vector_load %arg15[%get3A_981, %get3A_982] {strides = array<i32>} : memref<128x128xf32, #tpu.memory_space<vmem>>, vector<16xf32>,
          %mul3A_984 = arith.mulf %get3A_983, %gather3A_976 : vector<16xf32>
          %swap3A_985 = arith.index_cast %add3A_980 : i32 to index
          %swap3A_986 = arith.constant 0 : index
          %swap3A_987 = tpu.vector_load %arg15[%swap3A_985, %swap3A_986] {strides = array<i32>} : memref<128x128xf32, #tpu.memory_space<vmem>>, vector<16xf32>,
          tpu.vector_store %arg15[%swap3A_985, %swap3A_986], %mul3A_984 {strides = array<i32>} : memref<128x128xf32, #tpu.memory_space<vmem>>, vector<16xf32>,
          %get3A_988 = arith.index_cast %add3A_980 : i32 to index
          %get3A_989 = arith.constant 16 : index
          %get3A_990 = tpu.vector_load %arg15[%get3A_988, %get3A_989] {strides = array<i32>} : memref<128x128xf32, #tpu.memory_space<vmem>>, vector<16xf32>,
          %mul3A_991 = arith.mulf %get3A_990, %gather3A_976 : vector<16xf32>
          %swap3A_992 = arith.index_cast %add3A_980 : i32 to index
          %swap3A_993 = arith.constant 16 : index
          %swap3A_994 = tpu.vector_load %arg15[%swap3A_992, %swap3A_993] {strides = array<i32>} : memref<128x128xf32, #tpu.memory_space<vmem>>, vector<16xf32>,
          tpu.vector_store %arg15[%swap3A_992, %swap3A_993], %mul3A_991 {strides = array<i32>} : memref<128x128xf32, #tpu.memory_space<vmem>>, vector<16xf32>,
          %get3A_995 = arith.index_cast %add3A_980 : i32 to index
          %get3A_996 = arith.constant 32 : index
          %get3A_997 = tpu.vector_load %arg15[%get3A_995, %get3A_996] {strides = array<i32>} : memref<128x128xf32, #tpu.memory_space<vmem>>, vector<16xf32>,
          %mul3A_998 = arith.mulf %get3A_997, %gather3A_976 : vector<16xf32>
          %swap3A_999 = arith.index_cast %add3A_980 : i32 to index
          %swap3A_1000 = arith.constant 32 : index
          %swap3A_1001 = tpu.vector_load %arg15[%swap3A_999, %swap3A_1000] {strides = array<i32>} : memref<128x128xf32, #tpu.memory_space<vmem>>, vector<16xf32>,
          tpu.vector_store %arg15[%swap3A_999, %swap3A_1000], %mul3A_998 {strides = array<i32>} : memref<128x128xf32, #tpu.memory_space<vmem>>, vector<16xf32>,
          %get3A_1002 = arith.index_cast %add3A_980 : i32 to index
          %get3A_1003 = arith.constant 48 : index
          %get3A_1004 = tpu.vector_load %arg15[%get3A_1002, %get3A_1003] {strides = array<i32>} : memref<128x128xf32, #tpu.memory_space<vmem>>, vector<16xf32>,
          %mul3A_1005 = arith.mulf %get3A_1004, %gather3A_976 : vector<16xf32>
          %swap3A_1006 = arith.index_cast %add3A_980 : i32 to index
          %swap3A_1007 = arith.constant 48 : index
          %swap3A_1008 = tpu.vector_load %arg15[%swap3A_1006, %swap3A_1007] {strides = array<i32>} : memref<128x128xf32, #tpu.memory_space<vmem>>, vector<16xf32>,
          tpu.vector_store %arg15[%swap3A_1006, %swap3A_1007], %mul3A_1005 {strides = array<i32>} : memref<128x128xf32, #tpu.memory_space<vmem>>, vector<16xf32>,
          %get3A_1009 = arith.index_cast %add3A_980 : i32 to index
          %get3A_1010 = arith.constant 64 : index
          %get3A_1011 = tpu.vector_load %arg15[%get3A_1009, %get3A_1010] {strides = array<i32>} : memref<128x128xf32, #tpu.memory_space<vmem>>, vector<16xf32>,
          %mul3A_1012 = arith.mulf %get3A_1011, %gather3A_976 : vector<16xf32>
          %swap3A_1013 = arith.index_cast %add3A_980 : i32 to index
          %swap3A_1014 = arith.constant 64 : index
          %swap3A_1015 = tpu.vector_load %arg15[%swap3A_1013, %swap3A_1014] {strides = array<i32>} : memref<128x128xf32, #tpu.memory_space<vmem>>, vector<16xf32>,
          tpu.vector_store %arg15[%swap3A_1013, %swap3A_1014], %mul3A_1012 {strides = array<i32>} : memref<128x128xf32, #tpu.memory_space<vmem>>, vector<16xf32>,
          %get3A_1016 = arith.index_cast %add3A_980 : i32 to index
          %get3A_1017 = arith.constant 80 : index
          %get3A_1018 = tpu.vector_load %arg15[%get3A_1016, %get3A_1017] {strides = array<i32>} : memref<128x128xf32, #tpu.memory_space<vmem>>, vector<16xf32>,
          %mul3A_1019 = arith.mulf %get3A_1018, %gather3A_976 : vector<16xf32>
          %swap3A_1020 = arith.index_cast %add3A_980 : i32 to index
          %swap3A_1021 = arith.constant 80 : index
          %swap3A_1022 = tpu.vector_load %arg15[%swap3A_1020, %swap3A_1021] {strides = array<i32>} : memref<128x128xf32, #tpu.memory_space<vmem>>, vector<16xf32>,
          tpu.vector_store %arg15[%swap3A_1020, %swap3A_1021], %mul3A_1019 {strides = array<i32>} : memref<128x128xf32, #tpu.memory_space<vmem>>, vector<16xf32>,
          %get3A_1023 = arith.index_cast %add3A_980 : i32 to index
          %get3A_1024 = arith.constant 96 : index
          %get3A_1025 = tpu.vector_load %arg15[%get3A_1023, %get3A_1024] {strides = array<i32>} : memref<128x128xf32, #tpu.memory_space<vmem>>, vector<16xf32>,
          %mul3A_1026 = arith.mulf %get3A_1025, %gather3A_976 : vector<16xf32>
          %swap3A_1027 = arith.index_cast %add3A_980 : i32 to index
          %swap3A_1028 = arith.constant 96 : index
          %swap3A_1029 = tpu.vector_load %arg15[%swap3A_1027, %swap3A_1028] {strides = array<i32>} : memref<128x128xf32, #tpu.memory_space<vmem>>, vector<16xf32>,
          tpu.vector_store %arg15[%swap3A_1027, %swap3A_1028], %mul3A_1026 {strides = array<i32>} : memref<128x128xf32, #tpu.memory_space<vmem>>, vector<16xf32>,
          %get3A_1030 = arith.index_cast %add3A_980 : i32 to index
          %get3A_1031 = arith.constant 112 : index
          %get3A_1032 = tpu.vector_load %arg15[%get3A_1030, %get3A_1031] {strides = array<i32>} : memref<128x128xf32, #tpu.memory_space<vmem>>, vector<16xf32>,
          %mul3A_1033 = arith.mulf %get3A_1032, %gather3A_976 : vector<16xf32>
          %swap3A_1034 = arith.index_cast %add3A_980 : i32 to index
          %swap3A_1035 = arith.constant 112 : index
          %swap3A_1036 = tpu.vector_load %arg15[%swap3A_1034, %swap3A_1035] {strides = array<i32>} : memref<128x128xf32, #tpu.memory_space<vmem>>, vector<16xf32>,
          tpu.vector_store %arg15[%swap3A_1034, %swap3A_1035], %mul3A_1033 {strides = array<i32>} : memref<128x128xf32, #tpu.memory_space<vmem>>, vector<16xf32>,
          %broadcast_in_dim3A_1037 = arith.constant 12 : i32
          %broadcast_in_dim3A_1038 = vector.broadcast %broadcast_in_dim3A_1037 : i32 to vector<16xi32>
          %lt3A_1039 = arith.constant 0 : i32
          %lt3A_1040 = vector.broadcast %lt3A_1039 : i32 to vector<16xi32>
          %lt3A_1041 = arith.cmpi slt, %broadcast_in_dim3A_1038, %lt3A_1040 : vector<16xi32>
          %add3A_1042 = arith.constant 16 : i32
          %add3A_1043 = vector.broadcast %add3A_1042 : i32 to vector<16xi32>
          %add3A_1044 = arith.addi %broadcast_in_dim3A_1038, %add3A_1043 : vector<16xi32>
          %select_n3A_1045 = arith.select %lt3A_1041, %add3A_1044, %broadcast_in_dim3A_1038 : vector<16xi1>, vector<16xi32>
          %broadcast_in_dim3A_1046 = vector.shape_cast %select_n3A_1045 : vector<16xi32> to vector<16x1xi32>
          %gather3A_1047 = vector.shape_cast %broadcast_in_dim3A_1046 : vector<16x1xi32> to vector<16xi32>
          %gather3A_1048 = tpu.dynamic_gather %mul3A_174[%gather3A_1047] in [0] : vector<16xf32>, vector<16xi32> -> vector<16xf32>
          %mul3A_1049 = arith.constant 16 : i32
          %mul3A_1050 = arith.muli %add3A_159, %mul3A_1049 : i32
          %add3A_1051 = arith.constant 12 : i32
          %add3A_1052 = arith.addi %mul3A_1050, %add3A_1051 : i32
          %get3A_1053 = arith.index_cast %add3A_1052 : i32 to index
          %get3A_1054 = arith.constant 0 : index
          %get3A_1055 = tpu.vector_load %arg15[%get3A_1053, %get3A_1054] {strides = array<i32>} : memref<128x128xf32, #tpu.memory_space<vmem>>, vector<16xf32>,
          %mul3A_1056 = arith.mulf %get3A_1055, %gather3A_1048 : vector<16xf32>
          %swap3A_1057 = arith.index_cast %add3A_1052 : i32 to index
          %swap3A_1058 = arith.constant 0 : index
          %swap3A_1059 = tpu.vector_load %arg15[%swap3A_1057, %swap3A_1058] {strides = array<i32>} : memref<128x128xf32, #tpu.memory_space<vmem>>, vector<16xf32>,
          tpu.vector_store %arg15[%swap3A_1057, %swap3A_1058], %mul3A_1056 {strides = array<i32>} : memref<128x128xf32, #tpu.memory_space<vmem>>, vector<16xf32>,
          %get3A_1060 = arith.index_cast %add3A_1052 : i32 to index
          %get3A_1061 = arith.constant 16 : index
          %get3A_1062 = tpu.vector_load %arg15[%get3A_1060, %get3A_1061] {strides = array<i32>} : memref<128x128xf32, #tpu.memory_space<vmem>>, vector<16xf32>,
          %mul3A_1063 = arith.mulf %get3A_1062, %gather3A_1048 : vector<16xf32>
          %swap3A_1064 = arith.index_cast %add3A_1052 : i32 to index
          %swap3A_1065 = arith.constant 16 : index
          %swap3A_1066 = tpu.vector_load %arg15[%swap3A_1064, %swap3A_1065] {strides = array<i32>} : memref<128x128xf32, #tpu.memory_space<vmem>>, vector<16xf32>,
          tpu.vector_store %arg15[%swap3A_1064, %swap3A_1065], %mul3A_1063 {strides = array<i32>} : memref<128x128xf32, #tpu.memory_space<vmem>>, vector<16xf32>,
          %get3A_1067 = arith.index_cast %add3A_1052 : i32 to index
          %get3A_1068 = arith.constant 32 : index
          %get3A_1069 = tpu.vector_load %arg15[%get3A_1067, %get3A_1068] {strides = array<i32>} : memref<128x128xf32, #tpu.memory_space<vmem>>, vector<16xf32>,
          %mul3A_1070 = arith.mulf %get3A_1069, %gather3A_1048 : vector<16xf32>
          %swap3A_1071 = arith.index_cast %add3A_1052 : i32 to index
          %swap3A_1072 = arith.constant 32 : index
          %swap3A_1073 = tpu.vector_load %arg15[%swap3A_1071, %swap3A_1072] {strides = array<i32>} : memref<128x128xf32, #tpu.memory_space<vmem>>, vector<16xf32>,
          tpu.vector_store %arg15[%swap3A_1071, %swap3A_1072], %mul3A_1070 {strides = array<i32>} : memref<128x128xf32, #tpu.memory_space<vmem>>, vector<16xf32>,
          %get3A_1074 = arith.index_cast %add3A_1052 : i32 to index
          %get3A_1075 = arith.constant 48 : index
          %get3A_1076 = tpu.vector_load %arg15[%get3A_1074, %get3A_1075] {strides = array<i32>} : memref<128x128xf32, #tpu.memory_space<vmem>>, vector<16xf32>,
          %mul3A_1077 = arith.mulf %get3A_1076, %gather3A_1048 : vector<16xf32>
          %swap3A_1078 = arith.index_cast %add3A_1052 : i32 to index
          %swap3A_1079 = arith.constant 48 : index
          %swap3A_1080 = tpu.vector_load %arg15[%swap3A_1078, %swap3A_1079] {strides = array<i32>} : memref<128x128xf32, #tpu.memory_space<vmem>>, vector<16xf32>,
          tpu.vector_store %arg15[%swap3A_1078, %swap3A_1079], %mul3A_1077 {strides = array<i32>} : memref<128x128xf32, #tpu.memory_space<vmem>>, vector<16xf32>,
          %get3A_1081 = arith.index_cast %add3A_1052 : i32 to index
          %get3A_1082 = arith.constant 64 : index
          %get3A_1083 = tpu.vector_load %arg15[%get3A_1081, %get3A_1082] {strides = array<i32>} : memref<128x128xf32, #tpu.memory_space<vmem>>, vector<16xf32>,
          %mul3A_1084 = arith.mulf %get3A_1083, %gather3A_1048 : vector<16xf32>
          %swap3A_1085 = arith.index_cast %add3A_1052 : i32 to index
          %swap3A_1086 = arith.constant 64 : index
          %swap3A_1087 = tpu.vector_load %arg15[%swap3A_1085, %swap3A_1086] {strides = array<i32>} : memref<128x128xf32, #tpu.memory_space<vmem>>, vector<16xf32>,
          tpu.vector_store %arg15[%swap3A_1085, %swap3A_1086], %mul3A_1084 {strides = array<i32>} : memref<128x128xf32, #tpu.memory_space<vmem>>, vector<16xf32>,
          %get3A_1088 = arith.index_cast %add3A_1052 : i32 to index
          %get3A_1089 = arith.constant 80 : index
          %get3A_1090 = tpu.vector_load %arg15[%get3A_1088, %get3A_1089] {strides = array<i32>} : memref<128x128xf32, #tpu.memory_space<vmem>>, vector<16xf32>,
          %mul3A_1091 = arith.mulf %get3A_1090, %gather3A_1048 : vector<16xf32>
          %swap3A_1092 = arith.index_cast %add3A_1052 : i32 to index
          %swap3A_1093 = arith.constant 80 : index
          %swap3A_1094 = tpu.vector_load %arg15[%swap3A_1092, %swap3A_1093] {strides = array<i32>} : memref<128x128xf32, #tpu.memory_space<vmem>>, vector<16xf32>,
          tpu.vector_store %arg15[%swap3A_1092, %swap3A_1093], %mul3A_1091 {strides = array<i32>} : memref<128x128xf32, #tpu.memory_space<vmem>>, vector<16xf32>,
          %get3A_1095 = arith.index_cast %add3A_1052 : i32 to index
          %get3A_1096 = arith.constant 96 : index
          %get3A_1097 = tpu.vector_load %arg15[%get3A_1095, %get3A_1096] {strides = array<i32>} : memref<128x128xf32, #tpu.memory_space<vmem>>, vector<16xf32>,
          %mul3A_1098 = arith.mulf %get3A_1097, %gather3A_1048 : vector<16xf32>
          %swap3A_1099 = arith.index_cast %add3A_1052 : i32 to index
          %swap3A_1100 = arith.constant 96 : index
          %swap3A_1101 = tpu.vector_load %arg15[%swap3A_1099, %swap3A_1100] {strides = array<i32>} : memref<128x128xf32, #tpu.memory_space<vmem>>, vector<16xf32>,
          tpu.vector_store %arg15[%swap3A_1099, %swap3A_1100], %mul3A_1098 {strides = array<i32>} : memref<128x128xf32, #tpu.memory_space<vmem>>, vector<16xf32>,
          %get3A_1102 = arith.index_cast %add3A_1052 : i32 to index
          %get3A_1103 = arith.constant 112 : index
          %get3A_1104 = tpu.vector_load %arg15[%get3A_1102, %get3A_1103] {strides = array<i32>} : memref<128x128xf32, #tpu.memory_space<vmem>>, vector<16xf32>,
          %mul3A_1105 = arith.mulf %get3A_1104, %gather3A_1048 : vector<16xf32>
          %swap3A_1106 = arith.index_cast %add3A_1052 : i32 to index
          %swap3A_1107 = arith.constant 112 : index
          %swap3A_1108 = tpu.vector_load %arg15[%swap3A_1106, %swap3A_1107] {strides = array<i32>} : memref<128x128xf32, #tpu.memory_space<vmem>>, vector<16xf32>,
          tpu.vector_store %arg15[%swap3A_1106, %swap3A_1107], %mul3A_1105 {strides = array<i32>} : memref<128x128xf32, #tpu.memory_space<vmem>>, vector<16xf32>,
          %broadcast_in_dim3A_1109 = arith.constant 13 : i32
          %broadcast_in_dim3A_1110 = vector.broadcast %broadcast_in_dim3A_1109 : i32 to vector<16xi32>
          %lt3A_1111 = arith.constant 0 : i32
          %lt3A_1112 = vector.broadcast %lt3A_1111 : i32 to vector<16xi32>
          %lt3A_1113 = arith.cmpi slt, %broadcast_in_dim3A_1110, %lt3A_1112 : vector<16xi32>
          %add3A_1114 = arith.constant 16 : i32
          %add3A_1115 = vector.broadcast %add3A_1114 : i32 to vector<16xi32>
          %add3A_1116 = arith.addi %broadcast_in_dim3A_1110, %add3A_1115 : vector<16xi32>
          %select_n3A_1117 = arith.select %lt3A_1113, %add3A_1116, %broadcast_in_dim3A_1110 : vector<16xi1>, vector<16xi32>
          %broadcast_in_dim3A_1118 = vector.shape_cast %select_n3A_1117 : vector<16xi32> to vector<16x1xi32>
          %gather3A_1119 = vector.shape_cast %broadcast_in_dim3A_1118 : vector<16x1xi32> to vector<16xi32>
          %gather3A_1120 = tpu.dynamic_gather %mul3A_174[%gather3A_1119] in [0] : vector<16xf32>, vector<16xi32> -> vector<16xf32>
          %mul3A_1121 = arith.constant 16 : i32
          %mul3A_1122 = arith.muli %add3A_159, %mul3A_1121 : i32
          %add3A_1123 = arith.constant 13 : i32
          %add3A_1124 = arith.addi %mul3A_1122, %add3A_1123 : i32
          %get3A_1125 = arith.index_cast %add3A_1124 : i32 to index
          %get3A_1126 = arith.constant 0 : index
          %get3A_1127 = tpu.vector_load %arg15[%get3A_1125, %get3A_1126] {strides = array<i32>} : memref<128x128xf32, #tpu.memory_space<vmem>>, vector<16xf32>,
          %mul3A_1128 = arith.mulf %get3A_1127, %gather3A_1120 : vector<16xf32>
          %swap3A_1129 = arith.index_cast %add3A_1124 : i32 to index
          %swap3A_1130 = arith.constant 0 : index
          %swap3A_1131 = tpu.vector_load %arg15[%swap3A_1129, %swap3A_1130] {strides = array<i32>} : memref<128x128xf32, #tpu.memory_space<vmem>>, vector<16xf32>,
          tpu.vector_store %arg15[%swap3A_1129, %swap3A_1130], %mul3A_1128 {strides = array<i32>} : memref<128x128xf32, #tpu.memory_space<vmem>>, vector<16xf32>,
          %get3A_1132 = arith.index_cast %add3A_1124 : i32 to index
          %get3A_1133 = arith.constant 16 : index
          %get3A_1134 = tpu.vector_load %arg15[%get3A_1132, %get3A_1133] {strides = array<i32>} : memref<128x128xf32, #tpu.memory_space<vmem>>, vector<16xf32>,
          %mul3A_1135 = arith.mulf %get3A_1134, %gather3A_1120 : vector<16xf32>
          %swap3A_1136 = arith.index_cast %add3A_1124 : i32 to index
          %swap3A_1137 = arith.constant 16 : index
          %swap3A_1138 = tpu.vector_load %arg15[%swap3A_1136, %swap3A_1137] {strides = array<i32>} : memref<128x128xf32, #tpu.memory_space<vmem>>, vector<16xf32>,
          tpu.vector_store %arg15[%swap3A_1136, %swap3A_1137], %mul3A_1135 {strides = array<i32>} : memref<128x128xf32, #tpu.memory_space<vmem>>, vector<16xf32>,
          %get3A_1139 = arith.index_cast %add3A_1124 : i32 to index
          %get3A_1140 = arith.constant 32 : index
          %get3A_1141 = tpu.vector_load %arg15[%get3A_1139, %get3A_1140] {strides = array<i32>} : memref<128x128xf32, #tpu.memory_space<vmem>>, vector<16xf32>,
          %mul3A_1142 = arith.mulf %get3A_1141, %gather3A_1120 : vector<16xf32>
          %swap3A_1143 = arith.index_cast %add3A_1124 : i32 to index
          %swap3A_1144 = arith.constant 32 : index
          %swap3A_1145 = tpu.vector_load %arg15[%swap3A_1143, %swap3A_1144] {strides = array<i32>} : memref<128x128xf32, #tpu.memory_space<vmem>>, vector<16xf32>,
          tpu.vector_store %arg15[%swap3A_1143, %swap3A_1144], %mul3A_1142 {strides = array<i32>} : memref<128x128xf32, #tpu.memory_space<vmem>>, vector<16xf32>,
          %get3A_1146 = arith.index_cast %add3A_1124 : i32 to index
          %get3A_1147 = arith.constant 48 : index
          %get3A_1148 = tpu.vector_load %arg15[%get3A_1146, %get3A_1147] {strides = array<i32>} : memref<128x128xf32, #tpu.memory_space<vmem>>, vector<16xf32>,
          %mul3A_1149 = arith.mulf %get3A_1148, %gather3A_1120 : vector<16xf32>
          %swap3A_1150 = arith.index_cast %add3A_1124 : i32 to index
          %swap3A_1151 = arith.constant 48 : index
          %swap3A_1152 = tpu.vector_load %arg15[%swap3A_1150, %swap3A_1151] {strides = array<i32>} : memref<128x128xf32, #tpu.memory_space<vmem>>, vector<16xf32>,
          tpu.vector_store %arg15[%swap3A_1150, %swap3A_1151], %mul3A_1149 {strides = array<i32>} : memref<128x128xf32, #tpu.memory_space<vmem>>, vector<16xf32>,
          %get3A_1153 = arith.index_cast %add3A_1124 : i32 to index
          %get3A_1154 = arith.constant 64 : index
          %get3A_1155 = tpu.vector_load %arg15[%get3A_1153, %get3A_1154] {strides = array<i32>} : memref<128x128xf32, #tpu.memory_space<vmem>>, vector<16xf32>,
          %mul3A_1156 = arith.mulf %get3A_1155, %gather3A_1120 : vector<16xf32>
          %swap3A_1157 = arith.index_cast %add3A_1124 : i32 to index
          %swap3A_1158 = arith.constant 64 : index
          %swap3A_1159 = tpu.vector_load %arg15[%swap3A_1157, %swap3A_1158] {strides = array<i32>} : memref<128x128xf32, #tpu.memory_space<vmem>>, vector<16xf32>,
          tpu.vector_store %arg15[%swap3A_1157, %swap3A_1158], %mul3A_1156 {strides = array<i32>} : memref<128x128xf32, #tpu.memory_space<vmem>>, vector<16xf32>,
          %get3A_1160 = arith.index_cast %add3A_1124 : i32 to index
          %get3A_1161 = arith.constant 80 : index
          %get3A_1162 = tpu.vector_load %arg15[%get3A_1160, %get3A_1161] {strides = array<i32>} : memref<128x128xf32, #tpu.memory_space<vmem>>, vector<16xf32>,
          %mul3A_1163 = arith.mulf %get3A_1162, %gather3A_1120 : vector<16xf32>
          %swap3A_1164 = arith.index_cast %add3A_1124 : i32 to index
          %swap3A_1165 = arith.constant 80 : index
          %swap3A_1166 = tpu.vector_load %arg15[%swap3A_1164, %swap3A_1165] {strides = array<i32>} : memref<128x128xf32, #tpu.memory_space<vmem>>, vector<16xf32>,
          tpu.vector_store %arg15[%swap3A_1164, %swap3A_1165], %mul3A_1163 {strides = array<i32>} : memref<128x128xf32, #tpu.memory_space<vmem>>, vector<16xf32>,
          %get3A_1167 = arith.index_cast %add3A_1124 : i32 to index
          %get3A_1168 = arith.constant 96 : index
          %get3A_1169 = tpu.vector_load %arg15[%get3A_1167, %get3A_1168] {strides = array<i32>} : memref<128x128xf32, #tpu.memory_space<vmem>>, vector<16xf32>,
          %mul3A_1170 = arith.mulf %get3A_1169, %gather3A_1120 : vector<16xf32>
          %swap3A_1171 = arith.index_cast %add3A_1124 : i32 to index
          %swap3A_1172 = arith.constant 96 : index
          %swap3A_1173 = tpu.vector_load %arg15[%swap3A_1171, %swap3A_1172] {strides = array<i32>} : memref<128x128xf32, #tpu.memory_space<vmem>>, vector<16xf32>,
          tpu.vector_store %arg15[%swap3A_1171, %swap3A_1172], %mul3A_1170 {strides = array<i32>} : memref<128x128xf32, #tpu.memory_space<vmem>>, vector<16xf32>,
          %get3A_1174 = arith.index_cast %add3A_1124 : i32 to index
          %get3A_1175 = arith.constant 112 : index
          %get3A_1176 = tpu.vector_load %arg15[%get3A_1174, %get3A_1175] {strides = array<i32>} : memref<128x128xf32, #tpu.memory_space<vmem>>, vector<16xf32>,
          %mul3A_1177 = arith.mulf %get3A_1176, %gather3A_1120 : vector<16xf32>
          %swap3A_1178 = arith.index_cast %add3A_1124 : i32 to index
          %swap3A_1179 = arith.constant 112 : index
          %swap3A_1180 = tpu.vector_load %arg15[%swap3A_1178, %swap3A_1179] {strides = array<i32>} : memref<128x128xf32, #tpu.memory_space<vmem>>, vector<16xf32>,
          tpu.vector_store %arg15[%swap3A_1178, %swap3A_1179], %mul3A_1177 {strides = array<i32>} : memref<128x128xf32, #tpu.memory_space<vmem>>, vector<16xf32>,
          %broadcast_in_dim3A_1181 = arith.constant 14 : i32
          %broadcast_in_dim3A_1182 = vector.broadcast %broadcast_in_dim3A_1181 : i32 to vector<16xi32>
          %lt3A_1183 = arith.constant 0 : i32
          %lt3A_1184 = vector.broadcast %lt3A_1183 : i32 to vector<16xi32>
          %lt3A_1185 = arith.cmpi slt, %broadcast_in_dim3A_1182, %lt3A_1184 : vector<16xi32>
          %add3A_1186 = arith.constant 16 : i32
          %add3A_1187 = vector.broadcast %add3A_1186 : i32 to vector<16xi32>
          %add3A_1188 = arith.addi %broadcast_in_dim3A_1182, %add3A_1187 : vector<16xi32>
          %select_n3A_1189 = arith.select %lt3A_1185, %add3A_1188, %broadcast_in_dim3A_1182 : vector<16xi1>, vector<16xi32>
          %broadcast_in_dim3A_1190 = vector.shape_cast %select_n3A_1189 : vector<16xi32> to vector<16x1xi32>
          %gather3A_1191 = vector.shape_cast %broadcast_in_dim3A_1190 : vector<16x1xi32> to vector<16xi32>
          %gather3A_1192 = tpu.dynamic_gather %mul3A_174[%gather3A_1191] in [0] : vector<16xf32>, vector<16xi32> -> vector<16xf32>
          %mul3A_1193 = arith.constant 16 : i32
          %mul3A_1194 = arith.muli %add3A_159, %mul3A_1193 : i32
          %add3A_1195 = arith.constant 14 : i32
          %add3A_1196 = arith.addi %mul3A_1194, %add3A_1195 : i32
          %get3A_1197 = arith.index_cast %add3A_1196 : i32 to index
          %get3A_1198 = arith.constant 0 : index
          %get3A_1199 = tpu.vector_load %arg15[%get3A_1197, %get3A_1198] {strides = array<i32>} : memref<128x128xf32, #tpu.memory_space<vmem>>, vector<16xf32>,
          %mul3A_1200 = arith.mulf %get3A_1199, %gather3A_1192 : vector<16xf32>
          %swap3A_1201 = arith.index_cast %add3A_1196 : i32 to index
          %swap3A_1202 = arith.constant 0 : index
          %swap3A_1203 = tpu.vector_load %arg15[%swap3A_1201, %swap3A_1202] {strides = array<i32>} : memref<128x128xf32, #tpu.memory_space<vmem>>, vector<16xf32>,
          tpu.vector_store %arg15[%swap3A_1201, %swap3A_1202], %mul3A_1200 {strides = array<i32>} : memref<128x128xf32, #tpu.memory_space<vmem>>, vector<16xf32>,
          %get3A_1204 = arith.index_cast %add3A_1196 : i32 to index
          %get3A_1205 = arith.constant 16 : index
          %get3A_1206 = tpu.vector_load %arg15[%get3A_1204, %get3A_1205] {strides = array<i32>} : memref<128x128xf32, #tpu.memory_space<vmem>>, vector<16xf32>,
          %mul3A_1207 = arith.mulf %get3A_1206, %gather3A_1192 : vector<16xf32>
          %swap3A_1208 = arith.index_cast %add3A_1196 : i32 to index
          %swap3A_1209 = arith.constant 16 : index
          %swap3A_1210 = tpu.vector_load %arg15[%swap3A_1208, %swap3A_1209] {strides = array<i32>} : memref<128x128xf32, #tpu.memory_space<vmem>>, vector<16xf32>,
          tpu.vector_store %arg15[%swap3A_1208, %swap3A_1209], %mul3A_1207 {strides = array<i32>} : memref<128x128xf32, #tpu.memory_space<vmem>>, vector<16xf32>,
          %get3A_1211 = arith.index_cast %add3A_1196 : i32 to index
          %get3A_1212 = arith.constant 32 : index
          %get3A_1213 = tpu.vector_load %arg15[%get3A_1211, %get3A_1212] {strides = array<i32>} : memref<128x128xf32, #tpu.memory_space<vmem>>, vector<16xf32>,
          %mul3A_1214 = arith.mulf %get3A_1213, %gather3A_1192 : vector<16xf32>
          %swap3A_1215 = arith.index_cast %add3A_1196 : i32 to index
          %swap3A_1216 = arith.constant 32 : index
          %swap3A_1217 = tpu.vector_load %arg15[%swap3A_1215, %swap3A_1216] {strides = array<i32>} : memref<128x128xf32, #tpu.memory_space<vmem>>, vector<16xf32>,
          tpu.vector_store %arg15[%swap3A_1215, %swap3A_1216], %mul3A_1214 {strides = array<i32>} : memref<128x128xf32, #tpu.memory_space<vmem>>, vector<16xf32>,
          %get3A_1218 = arith.index_cast %add3A_1196 : i32 to index
          %get3A_1219 = arith.constant 48 : index
          %get3A_1220 = tpu.vector_load %arg15[%get3A_1218, %get3A_1219] {strides = array<i32>} : memref<128x128xf32, #tpu.memory_space<vmem>>, vector<16xf32>,
          %mul3A_1221 = arith.mulf %get3A_1220, %gather3A_1192 : vector<16xf32>
          %swap3A_1222 = arith.index_cast %add3A_1196 : i32 to index
          %swap3A_1223 = arith.constant 48 : index
          %swap3A_1224 = tpu.vector_load %arg15[%swap3A_1222, %swap3A_1223] {strides = array<i32>} : memref<128x128xf32, #tpu.memory_space<vmem>>, vector<16xf32>,
          tpu.vector_store %arg15[%swap3A_1222, %swap3A_1223], %mul3A_1221 {strides = array<i32>} : memref<128x128xf32, #tpu.memory_space<vmem>>, vector<16xf32>,
          %get3A_1225 = arith.index_cast %add3A_1196 : i32 to index
          %get3A_1226 = arith.constant 64 : index
          %get3A_1227 = tpu.vector_load %arg15[%get3A_1225, %get3A_1226] {strides = array<i32>} : memref<128x128xf32, #tpu.memory_space<vmem>>, vector<16xf32>,
          %mul3A_1228 = arith.mulf %get3A_1227, %gather3A_1192 : vector<16xf32>
          %swap3A_1229 = arith.index_cast %add3A_1196 : i32 to index
          %swap3A_1230 = arith.constant 64 : index
          %swap3A_1231 = tpu.vector_load %arg15[%swap3A_1229, %swap3A_1230] {strides = array<i32>} : memref<128x128xf32, #tpu.memory_space<vmem>>, vector<16xf32>,
          tpu.vector_store %arg15[%swap3A_1229, %swap3A_1230], %mul3A_1228 {strides = array<i32>} : memref<128x128xf32, #tpu.memory_space<vmem>>, vector<16xf32>,
          %get3A_1232 = arith.index_cast %add3A_1196 : i32 to index
          %get3A_1233 = arith.constant 80 : index
          %get3A_1234 = tpu.vector_load %arg15[%get3A_1232, %get3A_1233] {strides = array<i32>} : memref<128x128xf32, #tpu.memory_space<vmem>>, vector<16xf32>,
          %mul3A_1235 = arith.mulf %get3A_1234, %gather3A_1192 : vector<16xf32>
          %swap3A_1236 = arith.index_cast %add3A_1196 : i32 to index
          %swap3A_1237 = arith.constant 80 : index
          %swap3A_1238 = tpu.vector_load %arg15[%swap3A_1236, %swap3A_1237] {strides = array<i32>} : memref<128x128xf32, #tpu.memory_space<vmem>>, vector<16xf32>,
          tpu.vector_store %arg15[%swap3A_1236, %swap3A_1237], %mul3A_1235 {strides = array<i32>} : memref<128x128xf32, #tpu.memory_space<vmem>>, vector<16xf32>,
          %get3A_1239 = arith.index_cast %add3A_1196 : i32 to index
          %get3A_1240 = arith.constant 96 : index
          %get3A_1241 = tpu.vector_load %arg15[%get3A_1239, %get3A_1240] {strides = array<i32>} : memref<128x128xf32, #tpu.memory_space<vmem>>, vector<16xf32>,
          %mul3A_1242 = arith.mulf %get3A_1241, %gather3A_1192 : vector<16xf32>
          %swap3A_1243 = arith.index_cast %add3A_1196 : i32 to index
          %swap3A_1244 = arith.constant 96 : index
          %swap3A_1245 = tpu.vector_load %arg15[%swap3A_1243, %swap3A_1244] {strides = array<i32>} : memref<128x128xf32, #tpu.memory_space<vmem>>, vector<16xf32>,
          tpu.vector_store %arg15[%swap3A_1243, %swap3A_1244], %mul3A_1242 {strides = array<i32>} : memref<128x128xf32, #tpu.memory_space<vmem>>, vector<16xf32>,
          %get3A_1246 = arith.index_cast %add3A_1196 : i32 to index
          %get3A_1247 = arith.constant 112 : index
          %get3A_1248 = tpu.vector_load %arg15[%get3A_1246, %get3A_1247] {strides = array<i32>} : memref<128x128xf32, #tpu.memory_space<vmem>>, vector<16xf32>,
          %mul3A_1249 = arith.mulf %get3A_1248, %gather3A_1192 : vector<16xf32>
          %swap3A_1250 = arith.index_cast %add3A_1196 : i32 to index
          %swap3A_1251 = arith.constant 112 : index
          %swap3A_1252 = tpu.vector_load %arg15[%swap3A_1250, %swap3A_1251] {strides = array<i32>} : memref<128x128xf32, #tpu.memory_space<vmem>>, vector<16xf32>,
          tpu.vector_store %arg15[%swap3A_1250, %swap3A_1251], %mul3A_1249 {strides = array<i32>} : memref<128x128xf32, #tpu.memory_space<vmem>>, vector<16xf32>,
          %broadcast_in_dim3A_1253 = arith.constant 15 : i32
          %broadcast_in_dim3A_1254 = vector.broadcast %broadcast_in_dim3A_1253 : i32 to vector<16xi32>
          %lt3A_1255 = arith.constant 0 : i32
          %lt3A_1256 = vector.broadcast %lt3A_1255 : i32 to vector<16xi32>
          %lt3A_1257 = arith.cmpi slt, %broadcast_in_dim3A_1254, %lt3A_1256 : vector<16xi32>
          %add3A_1258 = arith.constant 16 : i32
          %add3A_1259 = vector.broadcast %add3A_1258 : i32 to vector<16xi32>
          %add3A_1260 = arith.addi %broadcast_in_dim3A_1254, %add3A_1259 : vector<16xi32>
          %select_n3A_1261 = arith.select %lt3A_1257, %add3A_1260, %broadcast_in_dim3A_1254 : vector<16xi1>, vector<16xi32>
          %broadcast_in_dim3A_1262 = vector.shape_cast %select_n3A_1261 : vector<16xi32> to vector<16x1xi32>
          %gather3A_1263 = vector.shape_cast %broadcast_in_dim3A_1262 : vector<16x1xi32> to vector<16xi32>
          %gather3A_1264 = tpu.dynamic_gather %mul3A_174[%gather3A_1263] in [0] : vector<16xf32>, vector<16xi32> -> vector<16xf32>
          %mul3A_1265 = arith.constant 16 : i32
          %mul3A_1266 = arith.muli %add3A_159, %mul3A_1265 : i32
          %add3A_1267 = arith.constant 15 : i32
          %add3A_1268 = arith.addi %mul3A_1266, %add3A_1267 : i32
          %get3A_1269 = arith.index_cast %add3A_1268 : i32 to index
          %get3A_1270 = arith.constant 0 : index
          %get3A_1271 = tpu.vector_load %arg15[%get3A_1269, %get3A_1270] {strides = array<i32>} : memref<128x128xf32, #tpu.memory_space<vmem>>, vector<16xf32>,
          %mul3A_1272 = arith.mulf %get3A_1271, %gather3A_1264 : vector<16xf32>
          %swap3A_1273 = arith.index_cast %add3A_1268 : i32 to index
          %swap3A_1274 = arith.constant 0 : index
          %swap3A_1275 = tpu.vector_load %arg15[%swap3A_1273, %swap3A_1274] {strides = array<i32>} : memref<128x128xf32, #tpu.memory_space<vmem>>, vector<16xf32>,
          tpu.vector_store %arg15[%swap3A_1273, %swap3A_1274], %mul3A_1272 {strides = array<i32>} : memref<128x128xf32, #tpu.memory_space<vmem>>, vector<16xf32>,
          %get3A_1276 = arith.index_cast %add3A_1268 : i32 to index
          %get3A_1277 = arith.constant 16 : index
          %get3A_1278 = tpu.vector_load %arg15[%get3A_1276, %get3A_1277] {strides = array<i32>} : memref<128x128xf32, #tpu.memory_space<vmem>>, vector<16xf32>,
          %mul3A_1279 = arith.mulf %get3A_1278, %gather3A_1264 : vector<16xf32>
          %swap3A_1280 = arith.index_cast %add3A_1268 : i32 to index
          %swap3A_1281 = arith.constant 16 : index
          %swap3A_1282 = tpu.vector_load %arg15[%swap3A_1280, %swap3A_1281] {strides = array<i32>} : memref<128x128xf32, #tpu.memory_space<vmem>>, vector<16xf32>,
          tpu.vector_store %arg15[%swap3A_1280, %swap3A_1281], %mul3A_1279 {strides = array<i32>} : memref<128x128xf32, #tpu.memory_space<vmem>>, vector<16xf32>,
          %get3A_1283 = arith.index_cast %add3A_1268 : i32 to index
          %get3A_1284 = arith.constant 32 : index
          %get3A_1285 = tpu.vector_load %arg15[%get3A_1283, %get3A_1284] {strides = array<i32>} : memref<128x128xf32, #tpu.memory_space<vmem>>, vector<16xf32>,
          %mul3A_1286 = arith.mulf %get3A_1285, %gather3A_1264 : vector<16xf32>
          %swap3A_1287 = arith.index_cast %add3A_1268 : i32 to index
          %swap3A_1288 = arith.constant 32 : index
          %swap3A_1289 = tpu.vector_load %arg15[%swap3A_1287, %swap3A_1288] {strides = array<i32>} : memref<128x128xf32, #tpu.memory_space<vmem>>, vector<16xf32>,
          tpu.vector_store %arg15[%swap3A_1287, %swap3A_1288], %mul3A_1286 {strides = array<i32>} : memref<128x128xf32, #tpu.memory_space<vmem>>, vector<16xf32>,
          %get3A_1290 = arith.index_cast %add3A_1268 : i32 to index
          %get3A_1291 = arith.constant 48 : index
          %get3A_1292 = tpu.vector_load %arg15[%get3A_1290, %get3A_1291] {strides = array<i32>} : memref<128x128xf32, #tpu.memory_space<vmem>>, vector<16xf32>,
          %mul3A_1293 = arith.mulf %get3A_1292, %gather3A_1264 : vector<16xf32>
          %swap3A_1294 = arith.index_cast %add3A_1268 : i32 to index
          %swap3A_1295 = arith.constant 48 : index
          %swap3A_1296 = tpu.vector_load %arg15[%swap3A_1294, %swap3A_1295] {strides = array<i32>} : memref<128x128xf32, #tpu.memory_space<vmem>>, vector<16xf32>,
          tpu.vector_store %arg15[%swap3A_1294, %swap3A_1295], %mul3A_1293 {strides = array<i32>} : memref<128x128xf32, #tpu.memory_space<vmem>>, vector<16xf32>,
          %get3A_1297 = arith.index_cast %add3A_1268 : i32 to index
          %get3A_1298 = arith.constant 64 : index
          %get3A_1299 = tpu.vector_load %arg15[%get3A_1297, %get3A_1298] {strides = array<i32>} : memref<128x128xf32, #tpu.memory_space<vmem>>, vector<16xf32>,
          %mul3A_1300 = arith.mulf %get3A_1299, %gather3A_1264 : vector<16xf32>
          %swap3A_1301 = arith.index_cast %add3A_1268 : i32 to index
          %swap3A_1302 = arith.constant 64 : index
          %swap3A_1303 = tpu.vector_load %arg15[%swap3A_1301, %swap3A_1302] {strides = array<i32>} : memref<128x128xf32, #tpu.memory_space<vmem>>, vector<16xf32>,
          tpu.vector_store %arg15[%swap3A_1301, %swap3A_1302], %mul3A_1300 {strides = array<i32>} : memref<128x128xf32, #tpu.memory_space<vmem>>, vector<16xf32>,
          %get3A_1304 = arith.index_cast %add3A_1268 : i32 to index
          %get3A_1305 = arith.constant 80 : index
          %get3A_1306 = tpu.vector_load %arg15[%get3A_1304, %get3A_1305] {strides = array<i32>} : memref<128x128xf32, #tpu.memory_space<vmem>>, vector<16xf32>,
          %mul3A_1307 = arith.mulf %get3A_1306, %gather3A_1264 : vector<16xf32>
          %swap3A_1308 = arith.index_cast %add3A_1268 : i32 to index
          %swap3A_1309 = arith.constant 80 : index
          %swap3A_1310 = tpu.vector_load %arg15[%swap3A_1308, %swap3A_1309] {strides = array<i32>} : memref<128x128xf32, #tpu.memory_space<vmem>>, vector<16xf32>,
          tpu.vector_store %arg15[%swap3A_1308, %swap3A_1309], %mul3A_1307 {strides = array<i32>} : memref<128x128xf32, #tpu.memory_space<vmem>>, vector<16xf32>,
          %get3A_1311 = arith.index_cast %add3A_1268 : i32 to index
          %get3A_1312 = arith.constant 96 : index
          %get3A_1313 = tpu.vector_load %arg15[%get3A_1311, %get3A_1312] {strides = array<i32>} : memref<128x128xf32, #tpu.memory_space<vmem>>, vector<16xf32>,
          %mul3A_1314 = arith.mulf %get3A_1313, %gather3A_1264 : vector<16xf32>
          %swap3A_1315 = arith.index_cast %add3A_1268 : i32 to index
          %swap3A_1316 = arith.constant 96 : index
          %swap3A_1317 = tpu.vector_load %arg15[%swap3A_1315, %swap3A_1316] {strides = array<i32>} : memref<128x128xf32, #tpu.memory_space<vmem>>, vector<16xf32>,
          tpu.vector_store %arg15[%swap3A_1315, %swap3A_1316], %mul3A_1314 {strides = array<i32>} : memref<128x128xf32, #tpu.memory_space<vmem>>, vector<16xf32>,
          %get3A_1318 = arith.index_cast %add3A_1268 : i32 to index
          %get3A_1319 = arith.constant 112 : index
          %get3A_1320 = tpu.vector_load %arg15[%get3A_1318, %get3A_1319] {strides = array<i32>} : memref<128x128xf32, #tpu.memory_space<vmem>>, vector<16xf32>,
          %mul3A_1321 = arith.mulf %get3A_1320, %gather3A_1264 : vector<16xf32>
          %swap3A_1322 = arith.index_cast %add3A_1268 : i32 to index
          %swap3A_1323 = arith.constant 112 : index
          %swap3A_1324 = tpu.vector_load %arg15[%swap3A_1322, %swap3A_1323] {strides = array<i32>} : memref<128x128xf32, #tpu.memory_space<vmem>>, vector<16xf32>,
          tpu.vector_store %arg15[%swap3A_1322, %swap3A_1323], %mul3A_1321 {strides = array<i32>} : memref<128x128xf32, #tpu.memory_space<vmem>>, vector<16xf32>,
          %scan3A_1325 = arith.constant 0 : i32
          scf.yield %scan3A_1325 : i32
        }
        %scan3A_143 = arith.constant 2 : i32
        %mul3A_144 = arith.constant 32 : i32
        %mul3A_145 = arith.muli %scan3A_135, %mul3A_144 : i32
        %dma_start3A_146 = arith.constant 0 : i32
        %dma_start3A_147 = tpu.memref_slice %arg15[%mul3A_145, %dma_start3A_146] : memref<128x128xf32, #tpu.memory_space<vmem>> -> memref<32x128xf32, #tpu.memory_space<vmem>>
        %dma_start3A_148 = arith.constant 0 : i32
        %dma_start3A_149 = tpu.memref_slice %arg11[%scan3A_135, %dma_start3A_148] : memref<4x32xi32, #tpu.memory_space<vmem>> -> memref<1x32xi32, #tpu.memory_space<vmem>>
        %dma_start3A_150 = tpu.memref_squeeze %dma_start3A_149 : memref<1x32xi32, #tpu.memory_space<vmem>> -> memref<32xi32, #tpu.memory_space<vmem>>
        %dma_start3A_151 = arith.constant 0 : i32
        %dma_start3A_152 = arith.constant 0 : i32
        %dma_start3A_153 = tpu.memref_slice %arg21[%dma_start3A_151, %dma_start3A_152] : memref<10240x128xf32, #tpu.memory_space<vmem_shared>> -> memref<10240x128xf32, #tpu.memory_space<vmem_shared>>
        tpu.enqueue_indirect_dma source(%dma_start3A_147 : memref<32x128xf32, #tpu.memory_space<vmem>>) target(%dma_start3A_153 : memref<10240x128xf32, #tpu.memory_space<vmem_shared>>) offsets(%dma_start3A_150 : memref<32xi32, #tpu.memory_space<vmem>>) semaphore(%arg19 : memref<!tpu.dma_semaphore, #tpu.memory_space<semaphore_mem>>) {add = true}
        %scan3A_154 = arith.constant 0 : i32
        scf.yield %scan3A_154 : i32
      }
      %scan3A_107 = arith.constant 4 : i32
      %mul3A_108 = arith.constant 2 : i32
      %mul3A_109 = arith.muli %mul3A_108, %scan3A_84 : i32
      %add3A_110 = arith.constant 1 : i32
      %add3A_111 = arith.addi %mul3A_109, %add3A_110 : i32
      %ge3A_112 = arith.constant 1 : i32
      %ge3A_113 = arith.cmpi sge, %add3A_111, %ge3A_112 : i32
      %convert_element_type3A_114 = arith.extui %ge3A_113 : i1 to i32
      %cond3A_115 = arith.constant 0 : i32
      %cond3A_116 = arith.cmpi ne, %convert_element_type3A_114, %cond3A_115 : i32
      scf.if %cond3A_116 {
        %dma_wait3A_135 = arith.constant 0 : i32
        %dma_wait3A_136 = arith.constant 0 : i32
        %dma_wait3A_137 = arith.constant 0 : i32
        %dma_wait3A_138 = tpu.memref_slice %arg15[%dma_wait3A_136, %dma_wait3A_137] : memref<128x128xf32, #tpu.memory_space<vmem>> -> memref<32x128xf32, #tpu.memory_space<vmem>>
        %dma_wait3A_139 = arith.constant 0 : i32
        %dma_wait3A_140 = tpu.memref_slice %arg11[%dma_wait3A_135, %dma_wait3A_139] : memref<4x32xi32, #tpu.memory_space<vmem>> -> memref<1x32xi32, #tpu.memory_space<vmem>>
        %dma_wait3A_141 = tpu.memref_squeeze %dma_wait3A_140 : memref<1x32xi32, #tpu.memory_space<vmem>> -> memref<32xi32, #tpu.memory_space<vmem>>
        %dma_wait3A_142 = arith.constant 0 : i32
        %dma_wait3A_143 = arith.constant 0 : i32
        %dma_wait3A_144 = tpu.memref_slice %arg21[%dma_wait3A_142, %dma_wait3A_143] : memref<10240x128xf32, #tpu.memory_space<vmem_shared>> -> memref<10240x128xf32, #tpu.memory_space<vmem_shared>>
        tpu.wait_indirect_dma semaphore(%arg19 : memref<!tpu.dma_semaphore, #tpu.memory_space<semaphore_mem>>) src(%dma_wait3A_138 : memref<32x128xf32, #tpu.memory_space<vmem>>) dst(%dma_wait3A_144 : memref<10240x128xf32, #tpu.memory_space<vmem_shared>>)
        %dma_wait3A_145 = arith.constant 1 : i32
        %dma_wait3A_146 = arith.constant 32 : i32
        %dma_wait3A_147 = arith.constant 0 : i32
        %dma_wait3A_148 = tpu.memref_slice %arg15[%dma_wait3A_146, %dma_wait3A_147] : memref<128x128xf32, #tpu.memory_space<vmem>> -> memref<32x128xf32, #tpu.memory_space<vmem>>
        %dma_wait3A_149 = arith.constant 0 : i32
        %dma_wait3A_150 = tpu.memref_slice %arg11[%dma_wait3A_145, %dma_wait3A_149] : memref<4x32xi32, #tpu.memory_space<vmem>> -> memref<1x32xi32, #tpu.memory_space<vmem>>
        %dma_wait3A_151 = tpu.memref_squeeze %dma_wait3A_150 : memref<1x32xi32, #tpu.memory_space<vmem>> -> memref<32xi32, #tpu.memory_space<vmem>>
        %dma_wait3A_152 = arith.constant 0 : i32
        %dma_wait3A_153 = arith.constant 0 : i32
        %dma_wait3A_154 = tpu.memref_slice %arg21[%dma_wait3A_152, %dma_wait3A_153] : memref<10240x128xf32, #tpu.memory_space<vmem_shared>> -> memref<10240x128xf32, #tpu.memory_space<vmem_shared>>
        tpu.wait_indirect_dma semaphore(%arg19 : memref<!tpu.dma_semaphore, #tpu.memory_space<semaphore_mem>>) src(%dma_wait3A_148 : memref<32x128xf32, #tpu.memory_space<vmem>>) dst(%dma_wait3A_154 : memref<10240x128xf32, #tpu.memory_space<vmem_shared>>)
        %dma_wait3A_155 = arith.constant 2 : i32
        %dma_wait3A_156 = arith.constant 64 : i32
        %dma_wait3A_157 = arith.constant 0 : i32
        %dma_wait3A_158 = tpu.memref_slice %arg15[%dma_wait3A_156, %dma_wait3A_157] : memref<128x128xf32, #tpu.memory_space<vmem>> -> memref<32x128xf32, #tpu.memory_space<vmem>>
        %dma_wait3A_159 = arith.constant 0 : i32
        %dma_wait3A_160 = tpu.memref_slice %arg11[%dma_wait3A_155, %dma_wait3A_159] : memref<4x32xi32, #tpu.memory_space<vmem>> -> memref<1x32xi32, #tpu.memory_space<vmem>>
        %dma_wait3A_161 = tpu.memref_squeeze %dma_wait3A_160 : memref<1x32xi32, #tpu.memory_space<vmem>> -> memref<32xi32, #tpu.memory_space<vmem>>
        %dma_wait3A_162 = arith.constant 0 : i32
        %dma_wait3A_163 = arith.constant 0 : i32
        %dma_wait3A_164 = tpu.memref_slice %arg21[%dma_wait3A_162, %dma_wait3A_163] : memref<10240x128xf32, #tpu.memory_space<vmem_shared>> -> memref<10240x128xf32, #tpu.memory_space<vmem_shared>>
        tpu.wait_indirect_dma semaphore(%arg19 : memref<!tpu.dma_semaphore, #tpu.memory_space<semaphore_mem>>) src(%dma_wait3A_158 : memref<32x128xf32, #tpu.memory_space<vmem>>) dst(%dma_wait3A_164 : memref<10240x128xf32, #tpu.memory_space<vmem_shared>>)
        %dma_wait3A_165 = arith.constant 3 : i32
        %dma_wait3A_166 = arith.constant 96 : i32
        %dma_wait3A_167 = arith.constant 0 : i32
        %dma_wait3A_168 = tpu.memref_slice %arg15[%dma_wait3A_166, %dma_wait3A_167] : memref<128x128xf32, #tpu.memory_space<vmem>> -> memref<32x128xf32, #tpu.memory_space<vmem>>
        %dma_wait3A_169 = arith.constant 0 : i32
        %dma_wait3A_170 = tpu.memref_slice %arg11[%dma_wait3A_165, %dma_wait3A_169] : memref<4x32xi32, #tpu.memory_space<vmem>> -> memref<1x32xi32, #tpu.memory_space<vmem>>
        %dma_wait3A_171 = tpu.memref_squeeze %dma_wait3A_170 : memref<1x32xi32, #tpu.memory_space<vmem>> -> memref<32xi32, #tpu.memory_space<vmem>>
        %dma_wait3A_172 = arith.constant 0 : i32
        %dma_wait3A_173 = arith.constant 0 : i32
        %dma_wait3A_174 = tpu.memref_slice %arg21[%dma_wait3A_172, %dma_wait3A_173] : memref<10240x128xf32, #tpu.memory_space<vmem_shared>> -> memref<10240x128xf32, #tpu.memory_space<vmem_shared>>
        tpu.wait_indirect_dma semaphore(%arg19 : memref<!tpu.dma_semaphore, #tpu.memory_space<semaphore_mem>>) src(%dma_wait3A_168 : memref<32x128xf32, #tpu.memory_space<vmem>>) dst(%dma_wait3A_174 : memref<10240x128xf32, #tpu.memory_space<vmem_shared>>)
      } else {
      }
      %add3A_117 = arith.constant 1 : i32
      %add3A_118 = arith.addi %add3A_111, %add3A_117 : i32
      %lt3A_119 = arith.constant 80 : i32
      %lt3A_120 = arith.cmpi slt, %add3A_118, %lt3A_119 : i32
      %convert_element_type3A_121 = arith.extui %lt3A_120 : i1 to i32
      %cond3A_122 = arith.constant 0 : i32
      %cond3A_123 = arith.cmpi ne, %convert_element_type3A_121, %cond3A_122 : i32
      scf.if %cond3A_123 {
        %add3A_135 = arith.constant 1 : i32
        %add3A_136 = arith.addi %add3A_111, %add3A_135 : i32
        %mul3A_137 = arith.constant 128 : i32
        %mul3A_138 = arith.muli %add3A_136, %mul3A_137 : i32
        %add3A_139 = arith.addi %mul3A_2, %mul3A_138 : i32
        "tpu.region"() ({
          %run_scoped3A = tpu.sem_alloc : memref<!tpu.dma_semaphore, #tpu.memory_space<semaphore_mem>>
          %dma_start3A_153 = tpu.memref_slice %arg4[%add3A_139] : memref<327680xi32, #tpu.memory_space<hbm>> -> memref<128xi32, #tpu.memory_space<hbm>>
          %dma_start3A_154 = tpu.memref_slice %arg4[%add3A_139] : memref<327680xi32, #tpu.memory_space<hbm>> -> memref<128xi32, #tpu.memory_space<hbm>>
          tpu.enqueue_dma source(%dma_start3A_154 : memref<128xi32, #tpu.memory_space<hbm>>) target(%arg7 : memref<128xi32, #tpu.memory_space<vmem>>) target_semaphore(%run_scoped3A : memref<!tpu.dma_semaphore, #tpu.memory_space<semaphore_mem>>)
          %dma_wait3A_155 = tpu.memref_slice %arg4[%add3A_139] : memref<327680xi32, #tpu.memory_space<hbm>> -> memref<128xi32, #tpu.memory_space<hbm>>
          %dma_wait3A_156 = tpu.memref_slice %arg4[%add3A_139] : memref<327680xi32, #tpu.memory_space<hbm>> -> memref<128xi32, #tpu.memory_space<hbm>>
          tpu.wait_dma2 semaphore(%run_scoped3A : memref<!tpu.dma_semaphore, #tpu.memory_space<semaphore_mem>>) src(%dma_wait3A_156 : memref<128xi32, #tpu.memory_space<hbm>>) dst(%arg7 : memref<128xi32, #tpu.memory_space<vmem>>)
          tpu.yield
        }) : () -> ()
        %mul3A_140 = arith.constant 128 : i32
        %mul3A_141 = arith.muli %add3A_136, %mul3A_140 : i32
        %add3A_142 = arith.addi %mul3A_2, %mul3A_141 : i32
        "tpu.region"() ({
          %run_scoped3A = tpu.sem_alloc : memref<!tpu.dma_semaphore, #tpu.memory_space<semaphore_mem>>
          %dma_start3A_153 = tpu.memref_slice %arg5[%add3A_142] : memref<327680xf32, #tpu.memory_space<hbm>> -> memref<128xf32, #tpu.memory_space<hbm>>
          %dma_start3A_154 = tpu.memref_slice %arg5[%add3A_142] : memref<327680xf32, #tpu.memory_space<hbm>> -> memref<128xf32, #tpu.memory_space<hbm>>
          tpu.enqueue_dma source(%dma_start3A_154 : memref<128xf32, #tpu.memory_space<hbm>>) target(%arg13 : memref<128xf32, #tpu.memory_space<vmem>>) target_semaphore(%run_scoped3A : memref<!tpu.dma_semaphore, #tpu.memory_space<semaphore_mem>>)
          %dma_wait3A_155 = tpu.memref_slice %arg5[%add3A_142] : memref<327680xf32, #tpu.memory_space<hbm>> -> memref<128xf32, #tpu.memory_space<hbm>>
          %dma_wait3A_156 = tpu.memref_slice %arg5[%add3A_142] : memref<327680xf32, #tpu.memory_space<hbm>> -> memref<128xf32, #tpu.memory_space<hbm>>
          tpu.wait_dma2 semaphore(%run_scoped3A : memref<!tpu.dma_semaphore, #tpu.memory_space<semaphore_mem>>) src(%dma_wait3A_156 : memref<128xf32, #tpu.memory_space<hbm>>) dst(%arg13 : memref<128xf32, #tpu.memory_space<vmem>>)
          tpu.yield
        }) : () -> ()
        %scan3A_143 = arith.constant 0 : i32
        %scan3A_144 = arith.constant 0 : i32
        %scan3A_145 = arith.constant 8 : i32
        %scan3A_146 = arith.addi %scan3A_144, %scan3A_145 : i32
        %scan3A_147 = arith.constant 1 : i32
        %scan3A_148 = scf.for %scan3A_153 = %scan3A_144 to %scan3A_146 step %scan3A_147 iter_args(%scan3A_154 = %scan3A_143) -> (i32)  : i32 {
          %mul3A_155 = arith.constant 16 : i32
          %mul3A_156 = arith.muli %scan3A_153, %mul3A_155 : i32
          %get3A = arith.index_cast %mul3A_156 : i32 to index
          %get3A_157 = tpu.vector_load %arg7[%get3A] {strides = array<i32>} : memref<128xi32, #tpu.memory_space<vmem>>, vector<16xi32>,
          %mul3A_158 = arith.constant 16 : i32
          %mul3A_159 = arith.muli %scan3A_153, %mul3A_158 : i32
          %shift_right_arithmetic3A = arith.constant 14 : i32
          %shift_right_arithmetic3A_160 = vector.broadcast %shift_right_arithmetic3A : i32 to vector<16xi32>
          %shift_right_arithmetic3A_161 = arith.shrsi %get3A_157, %shift_right_arithmetic3A_160 : vector<16xi32>
          %swap3A = arith.index_cast %mul3A_159 : i32 to index
          %swap3A_162 = tpu.vector_load %arg9[%swap3A] {strides = array<i32>} : memref<128xi32, #tpu.memory_space<vmem>>, vector<16xi32>,
          tpu.vector_store %arg9[%swap3A], %shift_right_arithmetic3A_161 {strides = array<i32>} : memref<128xi32, #tpu.memory_space<vmem>>, vector<16xi32>,
          %and3A = arith.constant 16383 : i32
          %and3A_163 = vector.broadcast %and3A : i32 to vector<16xi32>
          %and3A_164 = arith.andi %get3A_157, %and3A_163 : vector<16xi32>
          %jit3A = arith.constant 2 : i32
          %div3A = arith.divsi %scan3A_153, %jit3A : i32
          %sign3A = arith.constant 0 : i32
          %sign3A_165 = arith.cmpi sgt, %scan3A_153, %sign3A : i32
          %sign3A_166 = arith.extui %sign3A_165 : i1 to i32
          %sign3A_167 = arith.constant 0 : i32
          %sign3A_168 = arith.cmpi slt, %scan3A_153, %sign3A_167 : i32
          %sign3A_169 = arith.extui %sign3A_168 : i1 to i32
          %sign3A_170 = arith.subi %sign3A_166, %sign3A_169 : i32
          %sign3A_171 = arith.constant 0 : i32
          %sign3A_172 = arith.cmpi sgt, %jit3A, %sign3A_171 : i32
          %sign3A_173 = arith.extui %sign3A_172 : i1 to i32
          %sign3A_174 = arith.constant 0 : i32
          %sign3A_175 = arith.cmpi slt, %jit3A, %sign3A_174 : i32
          %sign3A_176 = arith.extui %sign3A_175 : i1 to i32
          %sign3A_177 = arith.subi %sign3A_173, %sign3A_176 : i32
          %ne3A = arith.cmpi ne, %sign3A_170, %sign3A_177 : i32
          %rem3A = arith.remsi %scan3A_153, %jit3A : i32
          %ne3A_178 = arith.constant 0 : i32
          %ne3A_179 = arith.cmpi ne, %rem3A, %ne3A_178 : i32
          %and3A_180 = arith.andi %ne3A, %ne3A_179 : i1
          %sub3A = arith.constant 1 : i32
          %sub3A_181 = arith.subi %div3A, %sub3A : i32
          %select_n3A = arith.select %and3A_180, %sub3A_181, %div3A : i32
          %jit3A_182 = arith.constant 2 : i32
          %eq3A = arith.constant 0 : i32
          %eq3A_183 = arith.cmpi eq, %jit3A_182, %eq3A : i32
          %jit3A_184 = arith.constant 1 : i32
          %select_n3A_185 = arith.select %eq3A_183, %jit3A_184, %jit3A_182 : i32
          %rem3A_186 = arith.remsi %scan3A_153, %select_n3A_185 : i32
          %ne3A_187 = arith.constant 0 : i32
          %ne3A_188 = arith.cmpi ne, %rem3A_186, %ne3A_187 : i32
          %lt3A_189 = arith.constant 0 : i32
          %lt3A_190 = arith.cmpi slt, %rem3A_186, %lt3A_189 : i32
          %lt3A_191 = arith.constant 0 : i32
          %lt3A_192 = arith.cmpi slt, %select_n3A_185, %lt3A_191 : i32
          %ne3A_193 = arith.xori %lt3A_190, %lt3A_192 : i1
          %and3A_194 = arith.andi %ne3A_193, %ne3A_188 : i1
          %add3A_195 = arith.addi %rem3A_186, %select_n3A_185 : i32
          %select_n3A_196 = arith.select %and3A_194, %add3A_195, %rem3A_186 : i32
          %mul3A_197 = arith.constant 16 : i32
          %mul3A_198 = arith.muli %select_n3A_196, %mul3A_197 : i32
          %swap3A_199 = arith.index_cast %select_n3A : i32 to index
          %swap3A_200 = arith.index_cast %mul3A_198 : i32 to index
          %swap3A_201 = tpu.vector_load %arg11[%swap3A_199, %swap3A_200] {strides = array<i32>} : memref<4x32xi32, #tpu.memory_space<vmem>>, vector<16xi32>,
          tpu.vector_store %arg11[%swap3A_199, %swap3A_200], %and3A_164 {strides = array<i32>} : memref<4x32xi32, #tpu.memory_space<vmem>>, vector<16xi32>,
          %scan3A_202 = arith.constant 0 : i32
          scf.yield %scan3A_202 : i32
        }
        %scan3A_149 = arith.constant 8 : i32
        %dma_start3A_150 = arith.constant 0 : i32
        %dma_start3A_151 = arith.constant 0 : i32
        %dma_start3A_152 = tpu.memref_slice %arg2[%dma_start3A_150, %dma_start3A_151] : memref<10000x128xf32, #tpu.memory_space<hbm>> -> memref<10000x128xf32, #tpu.memory_space<hbm>>
        tpu.enqueue_indirect_dma source(%dma_start3A_152 : memref<10000x128xf32, #tpu.memory_space<hbm>>) target(%arg15 : memref<128x128xf32, #tpu.memory_space<vmem>>) offsets(%arg9 : memref<128xi32, #tpu.memory_space<vmem>>) semaphore(%arg17 : memref<!tpu.dma_semaphore, #tpu.memory_space<semaphore_mem>>)
      } else {
      }
      %dma_wait3A_124 = arith.constant 0 : i32
      %dma_wait3A_125 = arith.constant 0 : i32
      %dma_wait3A_126 = tpu.memref_slice %arg2[%dma_wait3A_124, %dma_wait3A_125] : memref<10000x128xf32, #tpu.memory_space<hbm>> -> memref<10000x128xf32, #tpu.memory_space<hbm>>
      tpu.wait_indirect_dma semaphore(%arg18 : memref<!tpu.dma_semaphore, #tpu.memory_space<semaphore_mem>>) src(%dma_wait3A_126 : memref<10000x128xf32, #tpu.memory_space<hbm>>) dst(%arg16 : memref<128x128xf32, #tpu.memory_space<vmem>>)
      %scan3A_127 = arith.constant 0 : i32
      %scan3A_128 = arith.constant 0 : i32
      %scan3A_129 = arith.constant 4 : i32
      %scan3A_130 = arith.addi %scan3A_128, %scan3A_129 : i32
      %scan3A_131 = arith.constant 1 : i32
      %scan3A_132 = scf.for %scan3A_135 = %scan3A_128 to %scan3A_130 step %scan3A_131 iter_args(%scan3A_136 = %scan3A_127) -> (i32)  : i32 {
        %scan3A_137 = arith.constant 0 : i32
        %scan3A_138 = arith.constant 0 : i32
        %scan3A_139 = arith.constant 2 : i32
        %scan3A_140 = arith.addi %scan3A_138, %scan3A_139 : i32
        %scan3A_141 = arith.constant 1 : i32
        %scan3A_142 = scf.for %scan3A_155 = %scan3A_138 to %scan3A_140 step %scan3A_141 iter_args(%scan3A_156 = %scan3A_137) -> (i32)  : i32 {
          %mul3A_157 = arith.constant 2 : i32
          %mul3A_158 = arith.muli %scan3A_135, %mul3A_157 : i32
          %add3A_159 = arith.addi %mul3A_158, %scan3A_155 : i32
          %mul3A_160 = arith.constant 16 : i32
          %mul3A_161 = arith.muli %scan3A_155, %mul3A_160 : i32
          %get3A = arith.index_cast %scan3A_135 : i32 to index
          %get3A_162 = arith.index_cast %mul3A_161 : i32 to index
          %get3A_163 = tpu.vector_load %arg12[%get3A, %get3A_162] {strides = array<i32>} : memref<4x32xi32, #tpu.memory_space<vmem>>, vector<16xi32>,
          %mul3A_164 = arith.constant 16 : i32
          %mul3A_165 = arith.muli %add3A_159, %mul3A_164 : i32
          %get3A_166 = arith.index_cast %mul3A_165 : i32 to index
          %get3A_167 = tpu.vector_load %arg10[%get3A_166] {strides = array<i32>} : memref<128xi32, #tpu.memory_space<vmem>>, vector<16xi32>,
          %mul3A_168 = arith.constant 16 : i32
          %mul3A_169 = arith.muli %add3A_159, %mul3A_168 : i32
          %get3A_170 = arith.index_cast %mul3A_169 : i32 to index
          %get3A_171 = tpu.vector_load %arg14[%get3A_170] {strides = array<i32>} : memref<128xf32, #tpu.memory_space<vmem>>, vector<16xf32>,
          %gather3A = tpu.vector_load_idx %arg8[%get3A_163] : memref<10000xf32, #tpu.memory_space<vmem>>[vector<16xi32>], vector<16xf32>,
          %mul3A_172 = arith.mulf %get3A_171, %gather3A : vector<16xf32>
          %gather3A_173 = tpu.vector_load_idx %arg8[%get3A_167] : memref<10000xf32, #tpu.memory_space<vmem>>[vector<16xi32>], vector<16xf32>,
          %mul3A_174 = arith.mulf %mul3A_172, %gather3A_173 : vector<16xf32>
          %broadcast_in_dim3A_175 = arith.constant 0 : i32
          %broadcast_in_dim3A_176 = vector.broadcast %broadcast_in_dim3A_175 : i32 to vector<16xi32>
          %lt3A_177 = arith.constant 0 : i32
          %lt3A_178 = vector.broadcast %lt3A_177 : i32 to vector<16xi32>
          %lt3A_179 = arith.cmpi slt, %broadcast_in_dim3A_176, %lt3A_178 : vector<16xi32>
          %add3A_180 = arith.constant 16 : i32
          %add3A_181 = vector.broadcast %add3A_180 : i32 to vector<16xi32>
          %add3A_182 = arith.addi %broadcast_in_dim3A_176, %add3A_181 : vector<16xi32>
          %select_n3A = arith.select %lt3A_179, %add3A_182, %broadcast_in_dim3A_176 : vector<16xi1>, vector<16xi32>
          %broadcast_in_dim3A_183 = vector.shape_cast %select_n3A : vector<16xi32> to vector<16x1xi32>
          %gather3A_184 = vector.shape_cast %broadcast_in_dim3A_183 : vector<16x1xi32> to vector<16xi32>
          %gather3A_185 = tpu.dynamic_gather %mul3A_174[%gather3A_184] in [0] : vector<16xf32>, vector<16xi32> -> vector<16xf32>
          %mul3A_186 = arith.constant 16 : i32
          %mul3A_187 = arith.muli %add3A_159, %mul3A_186 : i32
          %add3A_188 = arith.constant 0 : i32
          %add3A_189 = arith.addi %mul3A_187, %add3A_188 : i32
          %get3A_190 = arith.index_cast %add3A_189 : i32 to index
          %get3A_191 = arith.constant 0 : index
          %get3A_192 = tpu.vector_load %arg16[%get3A_190, %get3A_191] {strides = array<i32>} : memref<128x128xf32, #tpu.memory_space<vmem>>, vector<16xf32>,
          %mul3A_193 = arith.mulf %get3A_192, %gather3A_185 : vector<16xf32>
          %swap3A = arith.index_cast %add3A_189 : i32 to index
          %swap3A_194 = arith.constant 0 : index
          %swap3A_195 = tpu.vector_load %arg16[%swap3A, %swap3A_194] {strides = array<i32>} : memref<128x128xf32, #tpu.memory_space<vmem>>, vector<16xf32>,
          tpu.vector_store %arg16[%swap3A, %swap3A_194], %mul3A_193 {strides = array<i32>} : memref<128x128xf32, #tpu.memory_space<vmem>>, vector<16xf32>,
          %get3A_196 = arith.index_cast %add3A_189 : i32 to index
          %get3A_197 = arith.constant 16 : index
          %get3A_198 = tpu.vector_load %arg16[%get3A_196, %get3A_197] {strides = array<i32>} : memref<128x128xf32, #tpu.memory_space<vmem>>, vector<16xf32>,
          %mul3A_199 = arith.mulf %get3A_198, %gather3A_185 : vector<16xf32>
          %swap3A_200 = arith.index_cast %add3A_189 : i32 to index
          %swap3A_201 = arith.constant 16 : index
          %swap3A_202 = tpu.vector_load %arg16[%swap3A_200, %swap3A_201] {strides = array<i32>} : memref<128x128xf32, #tpu.memory_space<vmem>>, vector<16xf32>,
          tpu.vector_store %arg16[%swap3A_200, %swap3A_201], %mul3A_199 {strides = array<i32>} : memref<128x128xf32, #tpu.memory_space<vmem>>, vector<16xf32>,
          %get3A_203 = arith.index_cast %add3A_189 : i32 to index
          %get3A_204 = arith.constant 32 : index
          %get3A_205 = tpu.vector_load %arg16[%get3A_203, %get3A_204] {strides = array<i32>} : memref<128x128xf32, #tpu.memory_space<vmem>>, vector<16xf32>,
          %mul3A_206 = arith.mulf %get3A_205, %gather3A_185 : vector<16xf32>
          %swap3A_207 = arith.index_cast %add3A_189 : i32 to index
          %swap3A_208 = arith.constant 32 : index
          %swap3A_209 = tpu.vector_load %arg16[%swap3A_207, %swap3A_208] {strides = array<i32>} : memref<128x128xf32, #tpu.memory_space<vmem>>, vector<16xf32>,
          tpu.vector_store %arg16[%swap3A_207, %swap3A_208], %mul3A_206 {strides = array<i32>} : memref<128x128xf32, #tpu.memory_space<vmem>>, vector<16xf32>,
          %get3A_210 = arith.index_cast %add3A_189 : i32 to index
          %get3A_211 = arith.constant 48 : index
          %get3A_212 = tpu.vector_load %arg16[%get3A_210, %get3A_211] {strides = array<i32>} : memref<128x128xf32, #tpu.memory_space<vmem>>, vector<16xf32>,
          %mul3A_213 = arith.mulf %get3A_212, %gather3A_185 : vector<16xf32>
          %swap3A_214 = arith.index_cast %add3A_189 : i32 to index
          %swap3A_215 = arith.constant 48 : index
          %swap3A_216 = tpu.vector_load %arg16[%swap3A_214, %swap3A_215] {strides = array<i32>} : memref<128x128xf32, #tpu.memory_space<vmem>>, vector<16xf32>,
          tpu.vector_store %arg16[%swap3A_214, %swap3A_215], %mul3A_213 {strides = array<i32>} : memref<128x128xf32, #tpu.memory_space<vmem>>, vector<16xf32>,
          %get3A_217 = arith.index_cast %add3A_189 : i32 to index
          %get3A_218 = arith.constant 64 : index
          %get3A_219 = tpu.vector_load %arg16[%get3A_217, %get3A_218] {strides = array<i32>} : memref<128x128xf32, #tpu.memory_space<vmem>>, vector<16xf32>,
          %mul3A_220 = arith.mulf %get3A_219, %gather3A_185 : vector<16xf32>
          %swap3A_221 = arith.index_cast %add3A_189 : i32 to index
          %swap3A_222 = arith.constant 64 : index
          %swap3A_223 = tpu.vector_load %arg16[%swap3A_221, %swap3A_222] {strides = array<i32>} : memref<128x128xf32, #tpu.memory_space<vmem>>, vector<16xf32>,
          tpu.vector_store %arg16[%swap3A_221, %swap3A_222], %mul3A_220 {strides = array<i32>} : memref<128x128xf32, #tpu.memory_space<vmem>>, vector<16xf32>,
          %get3A_224 = arith.index_cast %add3A_189 : i32 to index
          %get3A_225 = arith.constant 80 : index
          %get3A_226 = tpu.vector_load %arg16[%get3A_224, %get3A_225] {strides = array<i32>} : memref<128x128xf32, #tpu.memory_space<vmem>>, vector<16xf32>,
          %mul3A_227 = arith.mulf %get3A_226, %gather3A_185 : vector<16xf32>
          %swap3A_228 = arith.index_cast %add3A_189 : i32 to index
          %swap3A_229 = arith.constant 80 : index
          %swap3A_230 = tpu.vector_load %arg16[%swap3A_228, %swap3A_229] {strides = array<i32>} : memref<128x128xf32, #tpu.memory_space<vmem>>, vector<16xf32>,
          tpu.vector_store %arg16[%swap3A_228, %swap3A_229], %mul3A_227 {strides = array<i32>} : memref<128x128xf32, #tpu.memory_space<vmem>>, vector<16xf32>,
          %get3A_231 = arith.index_cast %add3A_189 : i32 to index
          %get3A_232 = arith.constant 96 : index
          %get3A_233 = tpu.vector_load %arg16[%get3A_231, %get3A_232] {strides = array<i32>} : memref<128x128xf32, #tpu.memory_space<vmem>>, vector<16xf32>,
          %mul3A_234 = arith.mulf %get3A_233, %gather3A_185 : vector<16xf32>
          %swap3A_235 = arith.index_cast %add3A_189 : i32 to index
          %swap3A_236 = arith.constant 96 : index
          %swap3A_237 = tpu.vector_load %arg16[%swap3A_235, %swap3A_236] {strides = array<i32>} : memref<128x128xf32, #tpu.memory_space<vmem>>, vector<16xf32>,
          tpu.vector_store %arg16[%swap3A_235, %swap3A_236], %mul3A_234 {strides = array<i32>} : memref<128x128xf32, #tpu.memory_space<vmem>>, vector<16xf32>,
          %get3A_238 = arith.index_cast %add3A_189 : i32 to index
          %get3A_239 = arith.constant 112 : index
          %get3A_240 = tpu.vector_load %arg16[%get3A_238, %get3A_239] {strides = array<i32>} : memref<128x128xf32, #tpu.memory_space<vmem>>, vector<16xf32>,
          %mul3A_241 = arith.mulf %get3A_240, %gather3A_185 : vector<16xf32>
          %swap3A_242 = arith.index_cast %add3A_189 : i32 to index
          %swap3A_243 = arith.constant 112 : index
          %swap3A_244 = tpu.vector_load %arg16[%swap3A_242, %swap3A_243] {strides = array<i32>} : memref<128x128xf32, #tpu.memory_space<vmem>>, vector<16xf32>,
          tpu.vector_store %arg16[%swap3A_242, %swap3A_243], %mul3A_241 {strides = array<i32>} : memref<128x128xf32, #tpu.memory_space<vmem>>, vector<16xf32>,
          %broadcast_in_dim3A_245 = arith.constant 1 : i32
          %broadcast_in_dim3A_246 = vector.broadcast %broadcast_in_dim3A_245 : i32 to vector<16xi32>
          %lt3A_247 = arith.constant 0 : i32
          %lt3A_248 = vector.broadcast %lt3A_247 : i32 to vector<16xi32>
          %lt3A_249 = arith.cmpi slt, %broadcast_in_dim3A_246, %lt3A_248 : vector<16xi32>
          %add3A_250 = arith.constant 16 : i32
          %add3A_251 = vector.broadcast %add3A_250 : i32 to vector<16xi32>
          %add3A_252 = arith.addi %broadcast_in_dim3A_246, %add3A_251 : vector<16xi32>
          %select_n3A_253 = arith.select %lt3A_249, %add3A_252, %broadcast_in_dim3A_246 : vector<16xi1>, vector<16xi32>
          %broadcast_in_dim3A_254 = vector.shape_cast %select_n3A_253 : vector<16xi32> to vector<16x1xi32>
          %gather3A_255 = vector.shape_cast %broadcast_in_dim3A_254 : vector<16x1xi32> to vector<16xi32>
          %gather3A_256 = tpu.dynamic_gather %mul3A_174[%gather3A_255] in [0] : vector<16xf32>, vector<16xi32> -> vector<16xf32>
          %mul3A_257 = arith.constant 16 : i32
          %mul3A_258 = arith.muli %add3A_159, %mul3A_257 : i32
          %add3A_259 = arith.constant 1 : i32
          %add3A_260 = arith.addi %mul3A_258, %add3A_259 : i32
          %get3A_261 = arith.index_cast %add3A_260 : i32 to index
          %get3A_262 = arith.constant 0 : index
          %get3A_263 = tpu.vector_load %arg16[%get3A_261, %get3A_262] {strides = array<i32>} : memref<128x128xf32, #tpu.memory_space<vmem>>, vector<16xf32>,
          %mul3A_264 = arith.mulf %get3A_263, %gather3A_256 : vector<16xf32>
          %swap3A_265 = arith.index_cast %add3A_260 : i32 to index
          %swap3A_266 = arith.constant 0 : index
          %swap3A_267 = tpu.vector_load %arg16[%swap3A_265, %swap3A_266] {strides = array<i32>} : memref<128x128xf32, #tpu.memory_space<vmem>>, vector<16xf32>,
          tpu.vector_store %arg16[%swap3A_265, %swap3A_266], %mul3A_264 {strides = array<i32>} : memref<128x128xf32, #tpu.memory_space<vmem>>, vector<16xf32>,
          %get3A_268 = arith.index_cast %add3A_260 : i32 to index
          %get3A_269 = arith.constant 16 : index
          %get3A_270 = tpu.vector_load %arg16[%get3A_268, %get3A_269] {strides = array<i32>} : memref<128x128xf32, #tpu.memory_space<vmem>>, vector<16xf32>,
          %mul3A_271 = arith.mulf %get3A_270, %gather3A_256 : vector<16xf32>
          %swap3A_272 = arith.index_cast %add3A_260 : i32 to index
          %swap3A_273 = arith.constant 16 : index
          %swap3A_274 = tpu.vector_load %arg16[%swap3A_272, %swap3A_273] {strides = array<i32>} : memref<128x128xf32, #tpu.memory_space<vmem>>, vector<16xf32>,
          tpu.vector_store %arg16[%swap3A_272, %swap3A_273], %mul3A_271 {strides = array<i32>} : memref<128x128xf32, #tpu.memory_space<vmem>>, vector<16xf32>,
          %get3A_275 = arith.index_cast %add3A_260 : i32 to index
          %get3A_276 = arith.constant 32 : index
          %get3A_277 = tpu.vector_load %arg16[%get3A_275, %get3A_276] {strides = array<i32>} : memref<128x128xf32, #tpu.memory_space<vmem>>, vector<16xf32>,
          %mul3A_278 = arith.mulf %get3A_277, %gather3A_256 : vector<16xf32>
          %swap3A_279 = arith.index_cast %add3A_260 : i32 to index
          %swap3A_280 = arith.constant 32 : index
          %swap3A_281 = tpu.vector_load %arg16[%swap3A_279, %swap3A_280] {strides = array<i32>} : memref<128x128xf32, #tpu.memory_space<vmem>>, vector<16xf32>,
          tpu.vector_store %arg16[%swap3A_279, %swap3A_280], %mul3A_278 {strides = array<i32>} : memref<128x128xf32, #tpu.memory_space<vmem>>, vector<16xf32>,
          %get3A_282 = arith.index_cast %add3A_260 : i32 to index
          %get3A_283 = arith.constant 48 : index
          %get3A_284 = tpu.vector_load %arg16[%get3A_282, %get3A_283] {strides = array<i32>} : memref<128x128xf32, #tpu.memory_space<vmem>>, vector<16xf32>,
          %mul3A_285 = arith.mulf %get3A_284, %gather3A_256 : vector<16xf32>
          %swap3A_286 = arith.index_cast %add3A_260 : i32 to index
          %swap3A_287 = arith.constant 48 : index
          %swap3A_288 = tpu.vector_load %arg16[%swap3A_286, %swap3A_287] {strides = array<i32>} : memref<128x128xf32, #tpu.memory_space<vmem>>, vector<16xf32>,
          tpu.vector_store %arg16[%swap3A_286, %swap3A_287], %mul3A_285 {strides = array<i32>} : memref<128x128xf32, #tpu.memory_space<vmem>>, vector<16xf32>,
          %get3A_289 = arith.index_cast %add3A_260 : i32 to index
          %get3A_290 = arith.constant 64 : index
          %get3A_291 = tpu.vector_load %arg16[%get3A_289, %get3A_290] {strides = array<i32>} : memref<128x128xf32, #tpu.memory_space<vmem>>, vector<16xf32>,
          %mul3A_292 = arith.mulf %get3A_291, %gather3A_256 : vector<16xf32>
          %swap3A_293 = arith.index_cast %add3A_260 : i32 to index
          %swap3A_294 = arith.constant 64 : index
          %swap3A_295 = tpu.vector_load %arg16[%swap3A_293, %swap3A_294] {strides = array<i32>} : memref<128x128xf32, #tpu.memory_space<vmem>>, vector<16xf32>,
          tpu.vector_store %arg16[%swap3A_293, %swap3A_294], %mul3A_292 {strides = array<i32>} : memref<128x128xf32, #tpu.memory_space<vmem>>, vector<16xf32>,
          %get3A_296 = arith.index_cast %add3A_260 : i32 to index
          %get3A_297 = arith.constant 80 : index
          %get3A_298 = tpu.vector_load %arg16[%get3A_296, %get3A_297] {strides = array<i32>} : memref<128x128xf32, #tpu.memory_space<vmem>>, vector<16xf32>,
          %mul3A_299 = arith.mulf %get3A_298, %gather3A_256 : vector<16xf32>
          %swap3A_300 = arith.index_cast %add3A_260 : i32 to index
          %swap3A_301 = arith.constant 80 : index
          %swap3A_302 = tpu.vector_load %arg16[%swap3A_300, %swap3A_301] {strides = array<i32>} : memref<128x128xf32, #tpu.memory_space<vmem>>, vector<16xf32>,
          tpu.vector_store %arg16[%swap3A_300, %swap3A_301], %mul3A_299 {strides = array<i32>} : memref<128x128xf32, #tpu.memory_space<vmem>>, vector<16xf32>,
          %get3A_303 = arith.index_cast %add3A_260 : i32 to index
          %get3A_304 = arith.constant 96 : index
          %get3A_305 = tpu.vector_load %arg16[%get3A_303, %get3A_304] {strides = array<i32>} : memref<128x128xf32, #tpu.memory_space<vmem>>, vector<16xf32>,
          %mul3A_306 = arith.mulf %get3A_305, %gather3A_256 : vector<16xf32>
          %swap3A_307 = arith.index_cast %add3A_260 : i32 to index
          %swap3A_308 = arith.constant 96 : index
          %swap3A_309 = tpu.vector_load %arg16[%swap3A_307, %swap3A_308] {strides = array<i32>} : memref<128x128xf32, #tpu.memory_space<vmem>>, vector<16xf32>,
          tpu.vector_store %arg16[%swap3A_307, %swap3A_308], %mul3A_306 {strides = array<i32>} : memref<128x128xf32, #tpu.memory_space<vmem>>, vector<16xf32>,
          %get3A_310 = arith.index_cast %add3A_260 : i32 to index
          %get3A_311 = arith.constant 112 : index
          %get3A_312 = tpu.vector_load %arg16[%get3A_310, %get3A_311] {strides = array<i32>} : memref<128x128xf32, #tpu.memory_space<vmem>>, vector<16xf32>,
          %mul3A_313 = arith.mulf %get3A_312, %gather3A_256 : vector<16xf32>
          %swap3A_314 = arith.index_cast %add3A_260 : i32 to index
          %swap3A_315 = arith.constant 112 : index
          %swap3A_316 = tpu.vector_load %arg16[%swap3A_314, %swap3A_315] {strides = array<i32>} : memref<128x128xf32, #tpu.memory_space<vmem>>, vector<16xf32>,
          tpu.vector_store %arg16[%swap3A_314, %swap3A_315], %mul3A_313 {strides = array<i32>} : memref<128x128xf32, #tpu.memory_space<vmem>>, vector<16xf32>,
          %broadcast_in_dim3A_317 = arith.constant 2 : i32
          %broadcast_in_dim3A_318 = vector.broadcast %broadcast_in_dim3A_317 : i32 to vector<16xi32>
          %lt3A_319 = arith.constant 0 : i32
          %lt3A_320 = vector.broadcast %lt3A_319 : i32 to vector<16xi32>
          %lt3A_321 = arith.cmpi slt, %broadcast_in_dim3A_318, %lt3A_320 : vector<16xi32>
          %add3A_322 = arith.constant 16 : i32
          %add3A_323 = vector.broadcast %add3A_322 : i32 to vector<16xi32>
          %add3A_324 = arith.addi %broadcast_in_dim3A_318, %add3A_323 : vector<16xi32>
          %select_n3A_325 = arith.select %lt3A_321, %add3A_324, %broadcast_in_dim3A_318 : vector<16xi1>, vector<16xi32>
          %broadcast_in_dim3A_326 = vector.shape_cast %select_n3A_325 : vector<16xi32> to vector<16x1xi32>
          %gather3A_327 = vector.shape_cast %broadcast_in_dim3A_326 : vector<16x1xi32> to vector<16xi32>
          %gather3A_328 = tpu.dynamic_gather %mul3A_174[%gather3A_327] in [0] : vector<16xf32>, vector<16xi32> -> vector<16xf32>
          %mul3A_329 = arith.constant 16 : i32
          %mul3A_330 = arith.muli %add3A_159, %mul3A_329 : i32
          %add3A_331 = arith.constant 2 : i32
          %add3A_332 = arith.addi %mul3A_330, %add3A_331 : i32
          %get3A_333 = arith.index_cast %add3A_332 : i32 to index
          %get3A_334 = arith.constant 0 : index
          %get3A_335 = tpu.vector_load %arg16[%get3A_333, %get3A_334] {strides = array<i32>} : memref<128x128xf32, #tpu.memory_space<vmem>>, vector<16xf32>,
          %mul3A_336 = arith.mulf %get3A_335, %gather3A_328 : vector<16xf32>
          %swap3A_337 = arith.index_cast %add3A_332 : i32 to index
          %swap3A_338 = arith.constant 0 : index
          %swap3A_339 = tpu.vector_load %arg16[%swap3A_337, %swap3A_338] {strides = array<i32>} : memref<128x128xf32, #tpu.memory_space<vmem>>, vector<16xf32>,
          tpu.vector_store %arg16[%swap3A_337, %swap3A_338], %mul3A_336 {strides = array<i32>} : memref<128x128xf32, #tpu.memory_space<vmem>>, vector<16xf32>,
          %get3A_340 = arith.index_cast %add3A_332 : i32 to index
          %get3A_341 = arith.constant 16 : index
          %get3A_342 = tpu.vector_load %arg16[%get3A_340, %get3A_341] {strides = array<i32>} : memref<128x128xf32, #tpu.memory_space<vmem>>, vector<16xf32>,
          %mul3A_343 = arith.mulf %get3A_342, %gather3A_328 : vector<16xf32>
          %swap3A_344 = arith.index_cast %add3A_332 : i32 to index
          %swap3A_345 = arith.constant 16 : index
          %swap3A_346 = tpu.vector_load %arg16[%swap3A_344, %swap3A_345] {strides = array<i32>} : memref<128x128xf32, #tpu.memory_space<vmem>>, vector<16xf32>,
          tpu.vector_store %arg16[%swap3A_344, %swap3A_345], %mul3A_343 {strides = array<i32>} : memref<128x128xf32, #tpu.memory_space<vmem>>, vector<16xf32>,
          %get3A_347 = arith.index_cast %add3A_332 : i32 to index
          %get3A_348 = arith.constant 32 : index
          %get3A_349 = tpu.vector_load %arg16[%get3A_347, %get3A_348] {strides = array<i32>} : memref<128x128xf32, #tpu.memory_space<vmem>>, vector<16xf32>,
          %mul3A_350 = arith.mulf %get3A_349, %gather3A_328 : vector<16xf32>
          %swap3A_351 = arith.index_cast %add3A_332 : i32 to index
          %swap3A_352 = arith.constant 32 : index
          %swap3A_353 = tpu.vector_load %arg16[%swap3A_351, %swap3A_352] {strides = array<i32>} : memref<128x128xf32, #tpu.memory_space<vmem>>, vector<16xf32>,
          tpu.vector_store %arg16[%swap3A_351, %swap3A_352], %mul3A_350 {strides = array<i32>} : memref<128x128xf32, #tpu.memory_space<vmem>>, vector<16xf32>,
          %get3A_354 = arith.index_cast %add3A_332 : i32 to index
          %get3A_355 = arith.constant 48 : index
          %get3A_356 = tpu.vector_load %arg16[%get3A_354, %get3A_355] {strides = array<i32>} : memref<128x128xf32, #tpu.memory_space<vmem>>, vector<16xf32>,
          %mul3A_357 = arith.mulf %get3A_356, %gather3A_328 : vector<16xf32>
          %swap3A_358 = arith.index_cast %add3A_332 : i32 to index
          %swap3A_359 = arith.constant 48 : index
          %swap3A_360 = tpu.vector_load %arg16[%swap3A_358, %swap3A_359] {strides = array<i32>} : memref<128x128xf32, #tpu.memory_space<vmem>>, vector<16xf32>,
          tpu.vector_store %arg16[%swap3A_358, %swap3A_359], %mul3A_357 {strides = array<i32>} : memref<128x128xf32, #tpu.memory_space<vmem>>, vector<16xf32>,
          %get3A_361 = arith.index_cast %add3A_332 : i32 to index
          %get3A_362 = arith.constant 64 : index
          %get3A_363 = tpu.vector_load %arg16[%get3A_361, %get3A_362] {strides = array<i32>} : memref<128x128xf32, #tpu.memory_space<vmem>>, vector<16xf32>,
          %mul3A_364 = arith.mulf %get3A_363, %gather3A_328 : vector<16xf32>
          %swap3A_365 = arith.index_cast %add3A_332 : i32 to index
          %swap3A_366 = arith.constant 64 : index
          %swap3A_367 = tpu.vector_load %arg16[%swap3A_365, %swap3A_366] {strides = array<i32>} : memref<128x128xf32, #tpu.memory_space<vmem>>, vector<16xf32>,
          tpu.vector_store %arg16[%swap3A_365, %swap3A_366], %mul3A_364 {strides = array<i32>} : memref<128x128xf32, #tpu.memory_space<vmem>>, vector<16xf32>,
          %get3A_368 = arith.index_cast %add3A_332 : i32 to index
          %get3A_369 = arith.constant 80 : index
          %get3A_370 = tpu.vector_load %arg16[%get3A_368, %get3A_369] {strides = array<i32>} : memref<128x128xf32, #tpu.memory_space<vmem>>, vector<16xf32>,
          %mul3A_371 = arith.mulf %get3A_370, %gather3A_328 : vector<16xf32>
          %swap3A_372 = arith.index_cast %add3A_332 : i32 to index
          %swap3A_373 = arith.constant 80 : index
          %swap3A_374 = tpu.vector_load %arg16[%swap3A_372, %swap3A_373] {strides = array<i32>} : memref<128x128xf32, #tpu.memory_space<vmem>>, vector<16xf32>,
          tpu.vector_store %arg16[%swap3A_372, %swap3A_373], %mul3A_371 {strides = array<i32>} : memref<128x128xf32, #tpu.memory_space<vmem>>, vector<16xf32>,
          %get3A_375 = arith.index_cast %add3A_332 : i32 to index
          %get3A_376 = arith.constant 96 : index
          %get3A_377 = tpu.vector_load %arg16[%get3A_375, %get3A_376] {strides = array<i32>} : memref<128x128xf32, #tpu.memory_space<vmem>>, vector<16xf32>,
          %mul3A_378 = arith.mulf %get3A_377, %gather3A_328 : vector<16xf32>
          %swap3A_379 = arith.index_cast %add3A_332 : i32 to index
          %swap3A_380 = arith.constant 96 : index
          %swap3A_381 = tpu.vector_load %arg16[%swap3A_379, %swap3A_380] {strides = array<i32>} : memref<128x128xf32, #tpu.memory_space<vmem>>, vector<16xf32>,
          tpu.vector_store %arg16[%swap3A_379, %swap3A_380], %mul3A_378 {strides = array<i32>} : memref<128x128xf32, #tpu.memory_space<vmem>>, vector<16xf32>,
          %get3A_382 = arith.index_cast %add3A_332 : i32 to index
          %get3A_383 = arith.constant 112 : index
          %get3A_384 = tpu.vector_load %arg16[%get3A_382, %get3A_383] {strides = array<i32>} : memref<128x128xf32, #tpu.memory_space<vmem>>, vector<16xf32>,
          %mul3A_385 = arith.mulf %get3A_384, %gather3A_328 : vector<16xf32>
          %swap3A_386 = arith.index_cast %add3A_332 : i32 to index
          %swap3A_387 = arith.constant 112 : index
          %swap3A_388 = tpu.vector_load %arg16[%swap3A_386, %swap3A_387] {strides = array<i32>} : memref<128x128xf32, #tpu.memory_space<vmem>>, vector<16xf32>,
          tpu.vector_store %arg16[%swap3A_386, %swap3A_387], %mul3A_385 {strides = array<i32>} : memref<128x128xf32, #tpu.memory_space<vmem>>, vector<16xf32>,
          %broadcast_in_dim3A_389 = arith.constant 3 : i32
          %broadcast_in_dim3A_390 = vector.broadcast %broadcast_in_dim3A_389 : i32 to vector<16xi32>
          %lt3A_391 = arith.constant 0 : i32
          %lt3A_392 = vector.broadcast %lt3A_391 : i32 to vector<16xi32>
          %lt3A_393 = arith.cmpi slt, %broadcast_in_dim3A_390, %lt3A_392 : vector<16xi32>
          %add3A_394 = arith.constant 16 : i32
          %add3A_395 = vector.broadcast %add3A_394 : i32 to vector<16xi32>
          %add3A_396 = arith.addi %broadcast_in_dim3A_390, %add3A_395 : vector<16xi32>
          %select_n3A_397 = arith.select %lt3A_393, %add3A_396, %broadcast_in_dim3A_390 : vector<16xi1>, vector<16xi32>
          %broadcast_in_dim3A_398 = vector.shape_cast %select_n3A_397 : vector<16xi32> to vector<16x1xi32>
          %gather3A_399 = vector.shape_cast %broadcast_in_dim3A_398 : vector<16x1xi32> to vector<16xi32>
          %gather3A_400 = tpu.dynamic_gather %mul3A_174[%gather3A_399] in [0] : vector<16xf32>, vector<16xi32> -> vector<16xf32>
          %mul3A_401 = arith.constant 16 : i32
          %mul3A_402 = arith.muli %add3A_159, %mul3A_401 : i32
          %add3A_403 = arith.constant 3 : i32
          %add3A_404 = arith.addi %mul3A_402, %add3A_403 : i32
          %get3A_405 = arith.index_cast %add3A_404 : i32 to index
          %get3A_406 = arith.constant 0 : index
          %get3A_407 = tpu.vector_load %arg16[%get3A_405, %get3A_406] {strides = array<i32>} : memref<128x128xf32, #tpu.memory_space<vmem>>, vector<16xf32>,
          %mul3A_408 = arith.mulf %get3A_407, %gather3A_400 : vector<16xf32>
          %swap3A_409 = arith.index_cast %add3A_404 : i32 to index
          %swap3A_410 = arith.constant 0 : index
          %swap3A_411 = tpu.vector_load %arg16[%swap3A_409, %swap3A_410] {strides = array<i32>} : memref<128x128xf32, #tpu.memory_space<vmem>>, vector<16xf32>,
          tpu.vector_store %arg16[%swap3A_409, %swap3A_410], %mul3A_408 {strides = array<i32>} : memref<128x128xf32, #tpu.memory_space<vmem>>, vector<16xf32>,
          %get3A_412 = arith.index_cast %add3A_404 : i32 to index
          %get3A_413 = arith.constant 16 : index
          %get3A_414 = tpu.vector_load %arg16[%get3A_412, %get3A_413] {strides = array<i32>} : memref<128x128xf32, #tpu.memory_space<vmem>>, vector<16xf32>,
          %mul3A_415 = arith.mulf %get3A_414, %gather3A_400 : vector<16xf32>
          %swap3A_416 = arith.index_cast %add3A_404 : i32 to index
          %swap3A_417 = arith.constant 16 : index
          %swap3A_418 = tpu.vector_load %arg16[%swap3A_416, %swap3A_417] {strides = array<i32>} : memref<128x128xf32, #tpu.memory_space<vmem>>, vector<16xf32>,
          tpu.vector_store %arg16[%swap3A_416, %swap3A_417], %mul3A_415 {strides = array<i32>} : memref<128x128xf32, #tpu.memory_space<vmem>>, vector<16xf32>,
          %get3A_419 = arith.index_cast %add3A_404 : i32 to index
          %get3A_420 = arith.constant 32 : index
          %get3A_421 = tpu.vector_load %arg16[%get3A_419, %get3A_420] {strides = array<i32>} : memref<128x128xf32, #tpu.memory_space<vmem>>, vector<16xf32>,
          %mul3A_422 = arith.mulf %get3A_421, %gather3A_400 : vector<16xf32>
          %swap3A_423 = arith.index_cast %add3A_404 : i32 to index
          %swap3A_424 = arith.constant 32 : index
          %swap3A_425 = tpu.vector_load %arg16[%swap3A_423, %swap3A_424] {strides = array<i32>} : memref<128x128xf32, #tpu.memory_space<vmem>>, vector<16xf32>,
          tpu.vector_store %arg16[%swap3A_423, %swap3A_424], %mul3A_422 {strides = array<i32>} : memref<128x128xf32, #tpu.memory_space<vmem>>, vector<16xf32>,
          %get3A_426 = arith.index_cast %add3A_404 : i32 to index
          %get3A_427 = arith.constant 48 : index
          %get3A_428 = tpu.vector_load %arg16[%get3A_426, %get3A_427] {strides = array<i32>} : memref<128x128xf32, #tpu.memory_space<vmem>>, vector<16xf32>,
          %mul3A_429 = arith.mulf %get3A_428, %gather3A_400 : vector<16xf32>
          %swap3A_430 = arith.index_cast %add3A_404 : i32 to index
          %swap3A_431 = arith.constant 48 : index
          %swap3A_432 = tpu.vector_load %arg16[%swap3A_430, %swap3A_431] {strides = array<i32>} : memref<128x128xf32, #tpu.memory_space<vmem>>, vector<16xf32>,
          tpu.vector_store %arg16[%swap3A_430, %swap3A_431], %mul3A_429 {strides = array<i32>} : memref<128x128xf32, #tpu.memory_space<vmem>>, vector<16xf32>,
          %get3A_433 = arith.index_cast %add3A_404 : i32 to index
          %get3A_434 = arith.constant 64 : index
          %get3A_435 = tpu.vector_load %arg16[%get3A_433, %get3A_434] {strides = array<i32>} : memref<128x128xf32, #tpu.memory_space<vmem>>, vector<16xf32>,
          %mul3A_436 = arith.mulf %get3A_435, %gather3A_400 : vector<16xf32>
          %swap3A_437 = arith.index_cast %add3A_404 : i32 to index
          %swap3A_438 = arith.constant 64 : index
          %swap3A_439 = tpu.vector_load %arg16[%swap3A_437, %swap3A_438] {strides = array<i32>} : memref<128x128xf32, #tpu.memory_space<vmem>>, vector<16xf32>,
          tpu.vector_store %arg16[%swap3A_437, %swap3A_438], %mul3A_436 {strides = array<i32>} : memref<128x128xf32, #tpu.memory_space<vmem>>, vector<16xf32>,
          %get3A_440 = arith.index_cast %add3A_404 : i32 to index
          %get3A_441 = arith.constant 80 : index
          %get3A_442 = tpu.vector_load %arg16[%get3A_440, %get3A_441] {strides = array<i32>} : memref<128x128xf32, #tpu.memory_space<vmem>>, vector<16xf32>,
          %mul3A_443 = arith.mulf %get3A_442, %gather3A_400 : vector<16xf32>
          %swap3A_444 = arith.index_cast %add3A_404 : i32 to index
          %swap3A_445 = arith.constant 80 : index
          %swap3A_446 = tpu.vector_load %arg16[%swap3A_444, %swap3A_445] {strides = array<i32>} : memref<128x128xf32, #tpu.memory_space<vmem>>, vector<16xf32>,
          tpu.vector_store %arg16[%swap3A_444, %swap3A_445], %mul3A_443 {strides = array<i32>} : memref<128x128xf32, #tpu.memory_space<vmem>>, vector<16xf32>,
          %get3A_447 = arith.index_cast %add3A_404 : i32 to index
          %get3A_448 = arith.constant 96 : index
          %get3A_449 = tpu.vector_load %arg16[%get3A_447, %get3A_448] {strides = array<i32>} : memref<128x128xf32, #tpu.memory_space<vmem>>, vector<16xf32>,
          %mul3A_450 = arith.mulf %get3A_449, %gather3A_400 : vector<16xf32>
          %swap3A_451 = arith.index_cast %add3A_404 : i32 to index
          %swap3A_452 = arith.constant 96 : index
          %swap3A_453 = tpu.vector_load %arg16[%swap3A_451, %swap3A_452] {strides = array<i32>} : memref<128x128xf32, #tpu.memory_space<vmem>>, vector<16xf32>,
          tpu.vector_store %arg16[%swap3A_451, %swap3A_452], %mul3A_450 {strides = array<i32>} : memref<128x128xf32, #tpu.memory_space<vmem>>, vector<16xf32>,
          %get3A_454 = arith.index_cast %add3A_404 : i32 to index
          %get3A_455 = arith.constant 112 : index
          %get3A_456 = tpu.vector_load %arg16[%get3A_454, %get3A_455] {strides = array<i32>} : memref<128x128xf32, #tpu.memory_space<vmem>>, vector<16xf32>,
          %mul3A_457 = arith.mulf %get3A_456, %gather3A_400 : vector<16xf32>
          %swap3A_458 = arith.index_cast %add3A_404 : i32 to index
          %swap3A_459 = arith.constant 112 : index
          %swap3A_460 = tpu.vector_load %arg16[%swap3A_458, %swap3A_459] {strides = array<i32>} : memref<128x128xf32, #tpu.memory_space<vmem>>, vector<16xf32>,
          tpu.vector_store %arg16[%swap3A_458, %swap3A_459], %mul3A_457 {strides = array<i32>} : memref<128x128xf32, #tpu.memory_space<vmem>>, vector<16xf32>,
          %broadcast_in_dim3A_461 = arith.constant 4 : i32
          %broadcast_in_dim3A_462 = vector.broadcast %broadcast_in_dim3A_461 : i32 to vector<16xi32>
          %lt3A_463 = arith.constant 0 : i32
          %lt3A_464 = vector.broadcast %lt3A_463 : i32 to vector<16xi32>
          %lt3A_465 = arith.cmpi slt, %broadcast_in_dim3A_462, %lt3A_464 : vector<16xi32>
          %add3A_466 = arith.constant 16 : i32
          %add3A_467 = vector.broadcast %add3A_466 : i32 to vector<16xi32>
          %add3A_468 = arith.addi %broadcast_in_dim3A_462, %add3A_467 : vector<16xi32>
          %select_n3A_469 = arith.select %lt3A_465, %add3A_468, %broadcast_in_dim3A_462 : vector<16xi1>, vector<16xi32>
          %broadcast_in_dim3A_470 = vector.shape_cast %select_n3A_469 : vector<16xi32> to vector<16x1xi32>
          %gather3A_471 = vector.shape_cast %broadcast_in_dim3A_470 : vector<16x1xi32> to vector<16xi32>
          %gather3A_472 = tpu.dynamic_gather %mul3A_174[%gather3A_471] in [0] : vector<16xf32>, vector<16xi32> -> vector<16xf32>
          %mul3A_473 = arith.constant 16 : i32
          %mul3A_474 = arith.muli %add3A_159, %mul3A_473 : i32
          %add3A_475 = arith.constant 4 : i32
          %add3A_476 = arith.addi %mul3A_474, %add3A_475 : i32
          %get3A_477 = arith.index_cast %add3A_476 : i32 to index
          %get3A_478 = arith.constant 0 : index
          %get3A_479 = tpu.vector_load %arg16[%get3A_477, %get3A_478] {strides = array<i32>} : memref<128x128xf32, #tpu.memory_space<vmem>>, vector<16xf32>,
          %mul3A_480 = arith.mulf %get3A_479, %gather3A_472 : vector<16xf32>
          %swap3A_481 = arith.index_cast %add3A_476 : i32 to index
          %swap3A_482 = arith.constant 0 : index
          %swap3A_483 = tpu.vector_load %arg16[%swap3A_481, %swap3A_482] {strides = array<i32>} : memref<128x128xf32, #tpu.memory_space<vmem>>, vector<16xf32>,
          tpu.vector_store %arg16[%swap3A_481, %swap3A_482], %mul3A_480 {strides = array<i32>} : memref<128x128xf32, #tpu.memory_space<vmem>>, vector<16xf32>,
          %get3A_484 = arith.index_cast %add3A_476 : i32 to index
          %get3A_485 = arith.constant 16 : index
          %get3A_486 = tpu.vector_load %arg16[%get3A_484, %get3A_485] {strides = array<i32>} : memref<128x128xf32, #tpu.memory_space<vmem>>, vector<16xf32>,
          %mul3A_487 = arith.mulf %get3A_486, %gather3A_472 : vector<16xf32>
          %swap3A_488 = arith.index_cast %add3A_476 : i32 to index
          %swap3A_489 = arith.constant 16 : index
          %swap3A_490 = tpu.vector_load %arg16[%swap3A_488, %swap3A_489] {strides = array<i32>} : memref<128x128xf32, #tpu.memory_space<vmem>>, vector<16xf32>,
          tpu.vector_store %arg16[%swap3A_488, %swap3A_489], %mul3A_487 {strides = array<i32>} : memref<128x128xf32, #tpu.memory_space<vmem>>, vector<16xf32>,
          %get3A_491 = arith.index_cast %add3A_476 : i32 to index
          %get3A_492 = arith.constant 32 : index
          %get3A_493 = tpu.vector_load %arg16[%get3A_491, %get3A_492] {strides = array<i32>} : memref<128x128xf32, #tpu.memory_space<vmem>>, vector<16xf32>,
          %mul3A_494 = arith.mulf %get3A_493, %gather3A_472 : vector<16xf32>
          %swap3A_495 = arith.index_cast %add3A_476 : i32 to index
          %swap3A_496 = arith.constant 32 : index
          %swap3A_497 = tpu.vector_load %arg16[%swap3A_495, %swap3A_496] {strides = array<i32>} : memref<128x128xf32, #tpu.memory_space<vmem>>, vector<16xf32>,
          tpu.vector_store %arg16[%swap3A_495, %swap3A_496], %mul3A_494 {strides = array<i32>} : memref<128x128xf32, #tpu.memory_space<vmem>>, vector<16xf32>,
          %get3A_498 = arith.index_cast %add3A_476 : i32 to index
          %get3A_499 = arith.constant 48 : index
          %get3A_500 = tpu.vector_load %arg16[%get3A_498, %get3A_499] {strides = array<i32>} : memref<128x128xf32, #tpu.memory_space<vmem>>, vector<16xf32>,
          %mul3A_501 = arith.mulf %get3A_500, %gather3A_472 : vector<16xf32>
          %swap3A_502 = arith.index_cast %add3A_476 : i32 to index
          %swap3A_503 = arith.constant 48 : index
          %swap3A_504 = tpu.vector_load %arg16[%swap3A_502, %swap3A_503] {strides = array<i32>} : memref<128x128xf32, #tpu.memory_space<vmem>>, vector<16xf32>,
          tpu.vector_store %arg16[%swap3A_502, %swap3A_503], %mul3A_501 {strides = array<i32>} : memref<128x128xf32, #tpu.memory_space<vmem>>, vector<16xf32>,
          %get3A_505 = arith.index_cast %add3A_476 : i32 to index
          %get3A_506 = arith.constant 64 : index
          %get3A_507 = tpu.vector_load %arg16[%get3A_505, %get3A_506] {strides = array<i32>} : memref<128x128xf32, #tpu.memory_space<vmem>>, vector<16xf32>,
          %mul3A_508 = arith.mulf %get3A_507, %gather3A_472 : vector<16xf32>
          %swap3A_509 = arith.index_cast %add3A_476 : i32 to index
          %swap3A_510 = arith.constant 64 : index
          %swap3A_511 = tpu.vector_load %arg16[%swap3A_509, %swap3A_510] {strides = array<i32>} : memref<128x128xf32, #tpu.memory_space<vmem>>, vector<16xf32>,
          tpu.vector_store %arg16[%swap3A_509, %swap3A_510], %mul3A_508 {strides = array<i32>} : memref<128x128xf32, #tpu.memory_space<vmem>>, vector<16xf32>,
          %get3A_512 = arith.index_cast %add3A_476 : i32 to index
          %get3A_513 = arith.constant 80 : index
          %get3A_514 = tpu.vector_load %arg16[%get3A_512, %get3A_513] {strides = array<i32>} : memref<128x128xf32, #tpu.memory_space<vmem>>, vector<16xf32>,
          %mul3A_515 = arith.mulf %get3A_514, %gather3A_472 : vector<16xf32>
          %swap3A_516 = arith.index_cast %add3A_476 : i32 to index
          %swap3A_517 = arith.constant 80 : index
          %swap3A_518 = tpu.vector_load %arg16[%swap3A_516, %swap3A_517] {strides = array<i32>} : memref<128x128xf32, #tpu.memory_space<vmem>>, vector<16xf32>,
          tpu.vector_store %arg16[%swap3A_516, %swap3A_517], %mul3A_515 {strides = array<i32>} : memref<128x128xf32, #tpu.memory_space<vmem>>, vector<16xf32>,
          %get3A_519 = arith.index_cast %add3A_476 : i32 to index
          %get3A_520 = arith.constant 96 : index
          %get3A_521 = tpu.vector_load %arg16[%get3A_519, %get3A_520] {strides = array<i32>} : memref<128x128xf32, #tpu.memory_space<vmem>>, vector<16xf32>,
          %mul3A_522 = arith.mulf %get3A_521, %gather3A_472 : vector<16xf32>
          %swap3A_523 = arith.index_cast %add3A_476 : i32 to index
          %swap3A_524 = arith.constant 96 : index
          %swap3A_525 = tpu.vector_load %arg16[%swap3A_523, %swap3A_524] {strides = array<i32>} : memref<128x128xf32, #tpu.memory_space<vmem>>, vector<16xf32>,
          tpu.vector_store %arg16[%swap3A_523, %swap3A_524], %mul3A_522 {strides = array<i32>} : memref<128x128xf32, #tpu.memory_space<vmem>>, vector<16xf32>,
          %get3A_526 = arith.index_cast %add3A_476 : i32 to index
          %get3A_527 = arith.constant 112 : index
          %get3A_528 = tpu.vector_load %arg16[%get3A_526, %get3A_527] {strides = array<i32>} : memref<128x128xf32, #tpu.memory_space<vmem>>, vector<16xf32>,
          %mul3A_529 = arith.mulf %get3A_528, %gather3A_472 : vector<16xf32>
          %swap3A_530 = arith.index_cast %add3A_476 : i32 to index
          %swap3A_531 = arith.constant 112 : index
          %swap3A_532 = tpu.vector_load %arg16[%swap3A_530, %swap3A_531] {strides = array<i32>} : memref<128x128xf32, #tpu.memory_space<vmem>>, vector<16xf32>,
          tpu.vector_store %arg16[%swap3A_530, %swap3A_531], %mul3A_529 {strides = array<i32>} : memref<128x128xf32, #tpu.memory_space<vmem>>, vector<16xf32>,
          %broadcast_in_dim3A_533 = arith.constant 5 : i32
          %broadcast_in_dim3A_534 = vector.broadcast %broadcast_in_dim3A_533 : i32 to vector<16xi32>
          %lt3A_535 = arith.constant 0 : i32
          %lt3A_536 = vector.broadcast %lt3A_535 : i32 to vector<16xi32>
          %lt3A_537 = arith.cmpi slt, %broadcast_in_dim3A_534, %lt3A_536 : vector<16xi32>
          %add3A_538 = arith.constant 16 : i32
          %add3A_539 = vector.broadcast %add3A_538 : i32 to vector<16xi32>
          %add3A_540 = arith.addi %broadcast_in_dim3A_534, %add3A_539 : vector<16xi32>
          %select_n3A_541 = arith.select %lt3A_537, %add3A_540, %broadcast_in_dim3A_534 : vector<16xi1>, vector<16xi32>
          %broadcast_in_dim3A_542 = vector.shape_cast %select_n3A_541 : vector<16xi32> to vector<16x1xi32>
          %gather3A_543 = vector.shape_cast %broadcast_in_dim3A_542 : vector<16x1xi32> to vector<16xi32>
          %gather3A_544 = tpu.dynamic_gather %mul3A_174[%gather3A_543] in [0] : vector<16xf32>, vector<16xi32> -> vector<16xf32>
          %mul3A_545 = arith.constant 16 : i32
          %mul3A_546 = arith.muli %add3A_159, %mul3A_545 : i32
          %add3A_547 = arith.constant 5 : i32
          %add3A_548 = arith.addi %mul3A_546, %add3A_547 : i32
          %get3A_549 = arith.index_cast %add3A_548 : i32 to index
          %get3A_550 = arith.constant 0 : index
          %get3A_551 = tpu.vector_load %arg16[%get3A_549, %get3A_550] {strides = array<i32>} : memref<128x128xf32, #tpu.memory_space<vmem>>, vector<16xf32>,
          %mul3A_552 = arith.mulf %get3A_551, %gather3A_544 : vector<16xf32>
          %swap3A_553 = arith.index_cast %add3A_548 : i32 to index
          %swap3A_554 = arith.constant 0 : index
          %swap3A_555 = tpu.vector_load %arg16[%swap3A_553, %swap3A_554] {strides = array<i32>} : memref<128x128xf32, #tpu.memory_space<vmem>>, vector<16xf32>,
          tpu.vector_store %arg16[%swap3A_553, %swap3A_554], %mul3A_552 {strides = array<i32>} : memref<128x128xf32, #tpu.memory_space<vmem>>, vector<16xf32>,
          %get3A_556 = arith.index_cast %add3A_548 : i32 to index
          %get3A_557 = arith.constant 16 : index
          %get3A_558 = tpu.vector_load %arg16[%get3A_556, %get3A_557] {strides = array<i32>} : memref<128x128xf32, #tpu.memory_space<vmem>>, vector<16xf32>,
          %mul3A_559 = arith.mulf %get3A_558, %gather3A_544 : vector<16xf32>
          %swap3A_560 = arith.index_cast %add3A_548 : i32 to index
          %swap3A_561 = arith.constant 16 : index
          %swap3A_562 = tpu.vector_load %arg16[%swap3A_560, %swap3A_561] {strides = array<i32>} : memref<128x128xf32, #tpu.memory_space<vmem>>, vector<16xf32>,
          tpu.vector_store %arg16[%swap3A_560, %swap3A_561], %mul3A_559 {strides = array<i32>} : memref<128x128xf32, #tpu.memory_space<vmem>>, vector<16xf32>,
          %get3A_563 = arith.index_cast %add3A_548 : i32 to index
          %get3A_564 = arith.constant 32 : index
          %get3A_565 = tpu.vector_load %arg16[%get3A_563, %get3A_564] {strides = array<i32>} : memref<128x128xf32, #tpu.memory_space<vmem>>, vector<16xf32>,
          %mul3A_566 = arith.mulf %get3A_565, %gather3A_544 : vector<16xf32>
          %swap3A_567 = arith.index_cast %add3A_548 : i32 to index
          %swap3A_568 = arith.constant 32 : index
          %swap3A_569 = tpu.vector_load %arg16[%swap3A_567, %swap3A_568] {strides = array<i32>} : memref<128x128xf32, #tpu.memory_space<vmem>>, vector<16xf32>,
          tpu.vector_store %arg16[%swap3A_567, %swap3A_568], %mul3A_566 {strides = array<i32>} : memref<128x128xf32, #tpu.memory_space<vmem>>, vector<16xf32>,
          %get3A_570 = arith.index_cast %add3A_548 : i32 to index
          %get3A_571 = arith.constant 48 : index
          %get3A_572 = tpu.vector_load %arg16[%get3A_570, %get3A_571] {strides = array<i32>} : memref<128x128xf32, #tpu.memory_space<vmem>>, vector<16xf32>,
          %mul3A_573 = arith.mulf %get3A_572, %gather3A_544 : vector<16xf32>
          %swap3A_574 = arith.index_cast %add3A_548 : i32 to index
          %swap3A_575 = arith.constant 48 : index
          %swap3A_576 = tpu.vector_load %arg16[%swap3A_574, %swap3A_575] {strides = array<i32>} : memref<128x128xf32, #tpu.memory_space<vmem>>, vector<16xf32>,
          tpu.vector_store %arg16[%swap3A_574, %swap3A_575], %mul3A_573 {strides = array<i32>} : memref<128x128xf32, #tpu.memory_space<vmem>>, vector<16xf32>,
          %get3A_577 = arith.index_cast %add3A_548 : i32 to index
          %get3A_578 = arith.constant 64 : index
          %get3A_579 = tpu.vector_load %arg16[%get3A_577, %get3A_578] {strides = array<i32>} : memref<128x128xf32, #tpu.memory_space<vmem>>, vector<16xf32>,
          %mul3A_580 = arith.mulf %get3A_579, %gather3A_544 : vector<16xf32>
          %swap3A_581 = arith.index_cast %add3A_548 : i32 to index
          %swap3A_582 = arith.constant 64 : index
          %swap3A_583 = tpu.vector_load %arg16[%swap3A_581, %swap3A_582] {strides = array<i32>} : memref<128x128xf32, #tpu.memory_space<vmem>>, vector<16xf32>,
          tpu.vector_store %arg16[%swap3A_581, %swap3A_582], %mul3A_580 {strides = array<i32>} : memref<128x128xf32, #tpu.memory_space<vmem>>, vector<16xf32>,
          %get3A_584 = arith.index_cast %add3A_548 : i32 to index
          %get3A_585 = arith.constant 80 : index
          %get3A_586 = tpu.vector_load %arg16[%get3A_584, %get3A_585] {strides = array<i32>} : memref<128x128xf32, #tpu.memory_space<vmem>>, vector<16xf32>,
          %mul3A_587 = arith.mulf %get3A_586, %gather3A_544 : vector<16xf32>
          %swap3A_588 = arith.index_cast %add3A_548 : i32 to index
          %swap3A_589 = arith.constant 80 : index
          %swap3A_590 = tpu.vector_load %arg16[%swap3A_588, %swap3A_589] {strides = array<i32>} : memref<128x128xf32, #tpu.memory_space<vmem>>, vector<16xf32>,
          tpu.vector_store %arg16[%swap3A_588, %swap3A_589], %mul3A_587 {strides = array<i32>} : memref<128x128xf32, #tpu.memory_space<vmem>>, vector<16xf32>,
          %get3A_591 = arith.index_cast %add3A_548 : i32 to index
          %get3A_592 = arith.constant 96 : index
          %get3A_593 = tpu.vector_load %arg16[%get3A_591, %get3A_592] {strides = array<i32>} : memref<128x128xf32, #tpu.memory_space<vmem>>, vector<16xf32>,
          %mul3A_594 = arith.mulf %get3A_593, %gather3A_544 : vector<16xf32>
          %swap3A_595 = arith.index_cast %add3A_548 : i32 to index
          %swap3A_596 = arith.constant 96 : index
          %swap3A_597 = tpu.vector_load %arg16[%swap3A_595, %swap3A_596] {strides = array<i32>} : memref<128x128xf32, #tpu.memory_space<vmem>>, vector<16xf32>,
          tpu.vector_store %arg16[%swap3A_595, %swap3A_596], %mul3A_594 {strides = array<i32>} : memref<128x128xf32, #tpu.memory_space<vmem>>, vector<16xf32>,
          %get3A_598 = arith.index_cast %add3A_548 : i32 to index
          %get3A_599 = arith.constant 112 : index
          %get3A_600 = tpu.vector_load %arg16[%get3A_598, %get3A_599] {strides = array<i32>} : memref<128x128xf32, #tpu.memory_space<vmem>>, vector<16xf32>,
          %mul3A_601 = arith.mulf %get3A_600, %gather3A_544 : vector<16xf32>
          %swap3A_602 = arith.index_cast %add3A_548 : i32 to index
          %swap3A_603 = arith.constant 112 : index
          %swap3A_604 = tpu.vector_load %arg16[%swap3A_602, %swap3A_603] {strides = array<i32>} : memref<128x128xf32, #tpu.memory_space<vmem>>, vector<16xf32>,
          tpu.vector_store %arg16[%swap3A_602, %swap3A_603], %mul3A_601 {strides = array<i32>} : memref<128x128xf32, #tpu.memory_space<vmem>>, vector<16xf32>,
          %broadcast_in_dim3A_605 = arith.constant 6 : i32
          %broadcast_in_dim3A_606 = vector.broadcast %broadcast_in_dim3A_605 : i32 to vector<16xi32>
          %lt3A_607 = arith.constant 0 : i32
          %lt3A_608 = vector.broadcast %lt3A_607 : i32 to vector<16xi32>
          %lt3A_609 = arith.cmpi slt, %broadcast_in_dim3A_606, %lt3A_608 : vector<16xi32>
          %add3A_610 = arith.constant 16 : i32
          %add3A_611 = vector.broadcast %add3A_610 : i32 to vector<16xi32>
          %add3A_612 = arith.addi %broadcast_in_dim3A_606, %add3A_611 : vector<16xi32>
          %select_n3A_613 = arith.select %lt3A_609, %add3A_612, %broadcast_in_dim3A_606 : vector<16xi1>, vector<16xi32>
          %broadcast_in_dim3A_614 = vector.shape_cast %select_n3A_613 : vector<16xi32> to vector<16x1xi32>
          %gather3A_615 = vector.shape_cast %broadcast_in_dim3A_614 : vector<16x1xi32> to vector<16xi32>
          %gather3A_616 = tpu.dynamic_gather %mul3A_174[%gather3A_615] in [0] : vector<16xf32>, vector<16xi32> -> vector<16xf32>
          %mul3A_617 = arith.constant 16 : i32
          %mul3A_618 = arith.muli %add3A_159, %mul3A_617 : i32
          %add3A_619 = arith.constant 6 : i32
          %add3A_620 = arith.addi %mul3A_618, %add3A_619 : i32
          %get3A_621 = arith.index_cast %add3A_620 : i32 to index
          %get3A_622 = arith.constant 0 : index
          %get3A_623 = tpu.vector_load %arg16[%get3A_621, %get3A_622] {strides = array<i32>} : memref<128x128xf32, #tpu.memory_space<vmem>>, vector<16xf32>,
          %mul3A_624 = arith.mulf %get3A_623, %gather3A_616 : vector<16xf32>
          %swap3A_625 = arith.index_cast %add3A_620 : i32 to index
          %swap3A_626 = arith.constant 0 : index
          %swap3A_627 = tpu.vector_load %arg16[%swap3A_625, %swap3A_626] {strides = array<i32>} : memref<128x128xf32, #tpu.memory_space<vmem>>, vector<16xf32>,
          tpu.vector_store %arg16[%swap3A_625, %swap3A_626], %mul3A_624 {strides = array<i32>} : memref<128x128xf32, #tpu.memory_space<vmem>>, vector<16xf32>,
          %get3A_628 = arith.index_cast %add3A_620 : i32 to index
          %get3A_629 = arith.constant 16 : index
          %get3A_630 = tpu.vector_load %arg16[%get3A_628, %get3A_629] {strides = array<i32>} : memref<128x128xf32, #tpu.memory_space<vmem>>, vector<16xf32>,
          %mul3A_631 = arith.mulf %get3A_630, %gather3A_616 : vector<16xf32>
          %swap3A_632 = arith.index_cast %add3A_620 : i32 to index
          %swap3A_633 = arith.constant 16 : index
          %swap3A_634 = tpu.vector_load %arg16[%swap3A_632, %swap3A_633] {strides = array<i32>} : memref<128x128xf32, #tpu.memory_space<vmem>>, vector<16xf32>,
          tpu.vector_store %arg16[%swap3A_632, %swap3A_633], %mul3A_631 {strides = array<i32>} : memref<128x128xf32, #tpu.memory_space<vmem>>, vector<16xf32>,
          %get3A_635 = arith.index_cast %add3A_620 : i32 to index
          %get3A_636 = arith.constant 32 : index
          %get3A_637 = tpu.vector_load %arg16[%get3A_635, %get3A_636] {strides = array<i32>} : memref<128x128xf32, #tpu.memory_space<vmem>>, vector<16xf32>,
          %mul3A_638 = arith.mulf %get3A_637, %gather3A_616 : vector<16xf32>
          %swap3A_639 = arith.index_cast %add3A_620 : i32 to index
          %swap3A_640 = arith.constant 32 : index
          %swap3A_641 = tpu.vector_load %arg16[%swap3A_639, %swap3A_640] {strides = array<i32>} : memref<128x128xf32, #tpu.memory_space<vmem>>, vector<16xf32>,
          tpu.vector_store %arg16[%swap3A_639, %swap3A_640], %mul3A_638 {strides = array<i32>} : memref<128x128xf32, #tpu.memory_space<vmem>>, vector<16xf32>,
          %get3A_642 = arith.index_cast %add3A_620 : i32 to index
          %get3A_643 = arith.constant 48 : index
          %get3A_644 = tpu.vector_load %arg16[%get3A_642, %get3A_643] {strides = array<i32>} : memref<128x128xf32, #tpu.memory_space<vmem>>, vector<16xf32>,
          %mul3A_645 = arith.mulf %get3A_644, %gather3A_616 : vector<16xf32>
          %swap3A_646 = arith.index_cast %add3A_620 : i32 to index
          %swap3A_647 = arith.constant 48 : index
          %swap3A_648 = tpu.vector_load %arg16[%swap3A_646, %swap3A_647] {strides = array<i32>} : memref<128x128xf32, #tpu.memory_space<vmem>>, vector<16xf32>,
          tpu.vector_store %arg16[%swap3A_646, %swap3A_647], %mul3A_645 {strides = array<i32>} : memref<128x128xf32, #tpu.memory_space<vmem>>, vector<16xf32>,
          %get3A_649 = arith.index_cast %add3A_620 : i32 to index
          %get3A_650 = arith.constant 64 : index
          %get3A_651 = tpu.vector_load %arg16[%get3A_649, %get3A_650] {strides = array<i32>} : memref<128x128xf32, #tpu.memory_space<vmem>>, vector<16xf32>,
          %mul3A_652 = arith.mulf %get3A_651, %gather3A_616 : vector<16xf32>
          %swap3A_653 = arith.index_cast %add3A_620 : i32 to index
          %swap3A_654 = arith.constant 64 : index
          %swap3A_655 = tpu.vector_load %arg16[%swap3A_653, %swap3A_654] {strides = array<i32>} : memref<128x128xf32, #tpu.memory_space<vmem>>, vector<16xf32>,
          tpu.vector_store %arg16[%swap3A_653, %swap3A_654], %mul3A_652 {strides = array<i32>} : memref<128x128xf32, #tpu.memory_space<vmem>>, vector<16xf32>,
          %get3A_656 = arith.index_cast %add3A_620 : i32 to index
          %get3A_657 = arith.constant 80 : index
          %get3A_658 = tpu.vector_load %arg16[%get3A_656, %get3A_657] {strides = array<i32>} : memref<128x128xf32, #tpu.memory_space<vmem>>, vector<16xf32>,
          %mul3A_659 = arith.mulf %get3A_658, %gather3A_616 : vector<16xf32>
          %swap3A_660 = arith.index_cast %add3A_620 : i32 to index
          %swap3A_661 = arith.constant 80 : index
          %swap3A_662 = tpu.vector_load %arg16[%swap3A_660, %swap3A_661] {strides = array<i32>} : memref<128x128xf32, #tpu.memory_space<vmem>>, vector<16xf32>,
          tpu.vector_store %arg16[%swap3A_660, %swap3A_661], %mul3A_659 {strides = array<i32>} : memref<128x128xf32, #tpu.memory_space<vmem>>, vector<16xf32>,
          %get3A_663 = arith.index_cast %add3A_620 : i32 to index
          %get3A_664 = arith.constant 96 : index
          %get3A_665 = tpu.vector_load %arg16[%get3A_663, %get3A_664] {strides = array<i32>} : memref<128x128xf32, #tpu.memory_space<vmem>>, vector<16xf32>,
          %mul3A_666 = arith.mulf %get3A_665, %gather3A_616 : vector<16xf32>
          %swap3A_667 = arith.index_cast %add3A_620 : i32 to index
          %swap3A_668 = arith.constant 96 : index
          %swap3A_669 = tpu.vector_load %arg16[%swap3A_667, %swap3A_668] {strides = array<i32>} : memref<128x128xf32, #tpu.memory_space<vmem>>, vector<16xf32>,
          tpu.vector_store %arg16[%swap3A_667, %swap3A_668], %mul3A_666 {strides = array<i32>} : memref<128x128xf32, #tpu.memory_space<vmem>>, vector<16xf32>,
          %get3A_670 = arith.index_cast %add3A_620 : i32 to index
          %get3A_671 = arith.constant 112 : index
          %get3A_672 = tpu.vector_load %arg16[%get3A_670, %get3A_671] {strides = array<i32>} : memref<128x128xf32, #tpu.memory_space<vmem>>, vector<16xf32>,
          %mul3A_673 = arith.mulf %get3A_672, %gather3A_616 : vector<16xf32>
          %swap3A_674 = arith.index_cast %add3A_620 : i32 to index
          %swap3A_675 = arith.constant 112 : index
          %swap3A_676 = tpu.vector_load %arg16[%swap3A_674, %swap3A_675] {strides = array<i32>} : memref<128x128xf32, #tpu.memory_space<vmem>>, vector<16xf32>,
          tpu.vector_store %arg16[%swap3A_674, %swap3A_675], %mul3A_673 {strides = array<i32>} : memref<128x128xf32, #tpu.memory_space<vmem>>, vector<16xf32>,
          %broadcast_in_dim3A_677 = arith.constant 7 : i32
          %broadcast_in_dim3A_678 = vector.broadcast %broadcast_in_dim3A_677 : i32 to vector<16xi32>
          %lt3A_679 = arith.constant 0 : i32
          %lt3A_680 = vector.broadcast %lt3A_679 : i32 to vector<16xi32>
          %lt3A_681 = arith.cmpi slt, %broadcast_in_dim3A_678, %lt3A_680 : vector<16xi32>
          %add3A_682 = arith.constant 16 : i32
          %add3A_683 = vector.broadcast %add3A_682 : i32 to vector<16xi32>
          %add3A_684 = arith.addi %broadcast_in_dim3A_678, %add3A_683 : vector<16xi32>
          %select_n3A_685 = arith.select %lt3A_681, %add3A_684, %broadcast_in_dim3A_678 : vector<16xi1>, vector<16xi32>
          %broadcast_in_dim3A_686 = vector.shape_cast %select_n3A_685 : vector<16xi32> to vector<16x1xi32>
          %gather3A_687 = vector.shape_cast %broadcast_in_dim3A_686 : vector<16x1xi32> to vector<16xi32>
          %gather3A_688 = tpu.dynamic_gather %mul3A_174[%gather3A_687] in [0] : vector<16xf32>, vector<16xi32> -> vector<16xf32>
          %mul3A_689 = arith.constant 16 : i32
          %mul3A_690 = arith.muli %add3A_159, %mul3A_689 : i32
          %add3A_691 = arith.constant 7 : i32
          %add3A_692 = arith.addi %mul3A_690, %add3A_691 : i32
          %get3A_693 = arith.index_cast %add3A_692 : i32 to index
          %get3A_694 = arith.constant 0 : index
          %get3A_695 = tpu.vector_load %arg16[%get3A_693, %get3A_694] {strides = array<i32>} : memref<128x128xf32, #tpu.memory_space<vmem>>, vector<16xf32>,
          %mul3A_696 = arith.mulf %get3A_695, %gather3A_688 : vector<16xf32>
          %swap3A_697 = arith.index_cast %add3A_692 : i32 to index
          %swap3A_698 = arith.constant 0 : index
          %swap3A_699 = tpu.vector_load %arg16[%swap3A_697, %swap3A_698] {strides = array<i32>} : memref<128x128xf32, #tpu.memory_space<vmem>>, vector<16xf32>,
          tpu.vector_store %arg16[%swap3A_697, %swap3A_698], %mul3A_696 {strides = array<i32>} : memref<128x128xf32, #tpu.memory_space<vmem>>, vector<16xf32>,
          %get3A_700 = arith.index_cast %add3A_692 : i32 to index
          %get3A_701 = arith.constant 16 : index
          %get3A_702 = tpu.vector_load %arg16[%get3A_700, %get3A_701] {strides = array<i32>} : memref<128x128xf32, #tpu.memory_space<vmem>>, vector<16xf32>,
          %mul3A_703 = arith.mulf %get3A_702, %gather3A_688 : vector<16xf32>
          %swap3A_704 = arith.index_cast %add3A_692 : i32 to index
          %swap3A_705 = arith.constant 16 : index
          %swap3A_706 = tpu.vector_load %arg16[%swap3A_704, %swap3A_705] {strides = array<i32>} : memref<128x128xf32, #tpu.memory_space<vmem>>, vector<16xf32>,
          tpu.vector_store %arg16[%swap3A_704, %swap3A_705], %mul3A_703 {strides = array<i32>} : memref<128x128xf32, #tpu.memory_space<vmem>>, vector<16xf32>,
          %get3A_707 = arith.index_cast %add3A_692 : i32 to index
          %get3A_708 = arith.constant 32 : index
          %get3A_709 = tpu.vector_load %arg16[%get3A_707, %get3A_708] {strides = array<i32>} : memref<128x128xf32, #tpu.memory_space<vmem>>, vector<16xf32>,
          %mul3A_710 = arith.mulf %get3A_709, %gather3A_688 : vector<16xf32>
          %swap3A_711 = arith.index_cast %add3A_692 : i32 to index
          %swap3A_712 = arith.constant 32 : index
          %swap3A_713 = tpu.vector_load %arg16[%swap3A_711, %swap3A_712] {strides = array<i32>} : memref<128x128xf32, #tpu.memory_space<vmem>>, vector<16xf32>,
          tpu.vector_store %arg16[%swap3A_711, %swap3A_712], %mul3A_710 {strides = array<i32>} : memref<128x128xf32, #tpu.memory_space<vmem>>, vector<16xf32>,
          %get3A_714 = arith.index_cast %add3A_692 : i32 to index
          %get3A_715 = arith.constant 48 : index
          %get3A_716 = tpu.vector_load %arg16[%get3A_714, %get3A_715] {strides = array<i32>} : memref<128x128xf32, #tpu.memory_space<vmem>>, vector<16xf32>,
          %mul3A_717 = arith.mulf %get3A_716, %gather3A_688 : vector<16xf32>
          %swap3A_718 = arith.index_cast %add3A_692 : i32 to index
          %swap3A_719 = arith.constant 48 : index
          %swap3A_720 = tpu.vector_load %arg16[%swap3A_718, %swap3A_719] {strides = array<i32>} : memref<128x128xf32, #tpu.memory_space<vmem>>, vector<16xf32>,
          tpu.vector_store %arg16[%swap3A_718, %swap3A_719], %mul3A_717 {strides = array<i32>} : memref<128x128xf32, #tpu.memory_space<vmem>>, vector<16xf32>,
          %get3A_721 = arith.index_cast %add3A_692 : i32 to index
          %get3A_722 = arith.constant 64 : index
          %get3A_723 = tpu.vector_load %arg16[%get3A_721, %get3A_722] {strides = array<i32>} : memref<128x128xf32, #tpu.memory_space<vmem>>, vector<16xf32>,
          %mul3A_724 = arith.mulf %get3A_723, %gather3A_688 : vector<16xf32>
          %swap3A_725 = arith.index_cast %add3A_692 : i32 to index
          %swap3A_726 = arith.constant 64 : index
          %swap3A_727 = tpu.vector_load %arg16[%swap3A_725, %swap3A_726] {strides = array<i32>} : memref<128x128xf32, #tpu.memory_space<vmem>>, vector<16xf32>,
          tpu.vector_store %arg16[%swap3A_725, %swap3A_726], %mul3A_724 {strides = array<i32>} : memref<128x128xf32, #tpu.memory_space<vmem>>, vector<16xf32>,
          %get3A_728 = arith.index_cast %add3A_692 : i32 to index
          %get3A_729 = arith.constant 80 : index
          %get3A_730 = tpu.vector_load %arg16[%get3A_728, %get3A_729] {strides = array<i32>} : memref<128x128xf32, #tpu.memory_space<vmem>>, vector<16xf32>,
          %mul3A_731 = arith.mulf %get3A_730, %gather3A_688 : vector<16xf32>
          %swap3A_732 = arith.index_cast %add3A_692 : i32 to index
          %swap3A_733 = arith.constant 80 : index
          %swap3A_734 = tpu.vector_load %arg16[%swap3A_732, %swap3A_733] {strides = array<i32>} : memref<128x128xf32, #tpu.memory_space<vmem>>, vector<16xf32>,
          tpu.vector_store %arg16[%swap3A_732, %swap3A_733], %mul3A_731 {strides = array<i32>} : memref<128x128xf32, #tpu.memory_space<vmem>>, vector<16xf32>,
          %get3A_735 = arith.index_cast %add3A_692 : i32 to index
          %get3A_736 = arith.constant 96 : index
          %get3A_737 = tpu.vector_load %arg16[%get3A_735, %get3A_736] {strides = array<i32>} : memref<128x128xf32, #tpu.memory_space<vmem>>, vector<16xf32>,
          %mul3A_738 = arith.mulf %get3A_737, %gather3A_688 : vector<16xf32>
          %swap3A_739 = arith.index_cast %add3A_692 : i32 to index
          %swap3A_740 = arith.constant 96 : index
          %swap3A_741 = tpu.vector_load %arg16[%swap3A_739, %swap3A_740] {strides = array<i32>} : memref<128x128xf32, #tpu.memory_space<vmem>>, vector<16xf32>,
          tpu.vector_store %arg16[%swap3A_739, %swap3A_740], %mul3A_738 {strides = array<i32>} : memref<128x128xf32, #tpu.memory_space<vmem>>, vector<16xf32>,
          %get3A_742 = arith.index_cast %add3A_692 : i32 to index
          %get3A_743 = arith.constant 112 : index
          %get3A_744 = tpu.vector_load %arg16[%get3A_742, %get3A_743] {strides = array<i32>} : memref<128x128xf32, #tpu.memory_space<vmem>>, vector<16xf32>,
          %mul3A_745 = arith.mulf %get3A_744, %gather3A_688 : vector<16xf32>
          %swap3A_746 = arith.index_cast %add3A_692 : i32 to index
          %swap3A_747 = arith.constant 112 : index
          %swap3A_748 = tpu.vector_load %arg16[%swap3A_746, %swap3A_747] {strides = array<i32>} : memref<128x128xf32, #tpu.memory_space<vmem>>, vector<16xf32>,
          tpu.vector_store %arg16[%swap3A_746, %swap3A_747], %mul3A_745 {strides = array<i32>} : memref<128x128xf32, #tpu.memory_space<vmem>>, vector<16xf32>,
          %broadcast_in_dim3A_749 = arith.constant 8 : i32
          %broadcast_in_dim3A_750 = vector.broadcast %broadcast_in_dim3A_749 : i32 to vector<16xi32>
          %lt3A_751 = arith.constant 0 : i32
          %lt3A_752 = vector.broadcast %lt3A_751 : i32 to vector<16xi32>
          %lt3A_753 = arith.cmpi slt, %broadcast_in_dim3A_750, %lt3A_752 : vector<16xi32>
          %add3A_754 = arith.constant 16 : i32
          %add3A_755 = vector.broadcast %add3A_754 : i32 to vector<16xi32>
          %add3A_756 = arith.addi %broadcast_in_dim3A_750, %add3A_755 : vector<16xi32>
          %select_n3A_757 = arith.select %lt3A_753, %add3A_756, %broadcast_in_dim3A_750 : vector<16xi1>, vector<16xi32>
          %broadcast_in_dim3A_758 = vector.shape_cast %select_n3A_757 : vector<16xi32> to vector<16x1xi32>
          %gather3A_759 = vector.shape_cast %broadcast_in_dim3A_758 : vector<16x1xi32> to vector<16xi32>
          %gather3A_760 = tpu.dynamic_gather %mul3A_174[%gather3A_759] in [0] : vector<16xf32>, vector<16xi32> -> vector<16xf32>
          %mul3A_761 = arith.constant 16 : i32
          %mul3A_762 = arith.muli %add3A_159, %mul3A_761 : i32
          %add3A_763 = arith.constant 8 : i32
          %add3A_764 = arith.addi %mul3A_762, %add3A_763 : i32
          %get3A_765 = arith.index_cast %add3A_764 : i32 to index
          %get3A_766 = arith.constant 0 : index
          %get3A_767 = tpu.vector_load %arg16[%get3A_765, %get3A_766] {strides = array<i32>} : memref<128x128xf32, #tpu.memory_space<vmem>>, vector<16xf32>,
          %mul3A_768 = arith.mulf %get3A_767, %gather3A_760 : vector<16xf32>
          %swap3A_769 = arith.index_cast %add3A_764 : i32 to index
          %swap3A_770 = arith.constant 0 : index
          %swap3A_771 = tpu.vector_load %arg16[%swap3A_769, %swap3A_770] {strides = array<i32>} : memref<128x128xf32, #tpu.memory_space<vmem>>, vector<16xf32>,
          tpu.vector_store %arg16[%swap3A_769, %swap3A_770], %mul3A_768 {strides = array<i32>} : memref<128x128xf32, #tpu.memory_space<vmem>>, vector<16xf32>,
          %get3A_772 = arith.index_cast %add3A_764 : i32 to index
          %get3A_773 = arith.constant 16 : index
          %get3A_774 = tpu.vector_load %arg16[%get3A_772, %get3A_773] {strides = array<i32>} : memref<128x128xf32, #tpu.memory_space<vmem>>, vector<16xf32>,
          %mul3A_775 = arith.mulf %get3A_774, %gather3A_760 : vector<16xf32>
          %swap3A_776 = arith.index_cast %add3A_764 : i32 to index
          %swap3A_777 = arith.constant 16 : index
          %swap3A_778 = tpu.vector_load %arg16[%swap3A_776, %swap3A_777] {strides = array<i32>} : memref<128x128xf32, #tpu.memory_space<vmem>>, vector<16xf32>,
          tpu.vector_store %arg16[%swap3A_776, %swap3A_777], %mul3A_775 {strides = array<i32>} : memref<128x128xf32, #tpu.memory_space<vmem>>, vector<16xf32>,
          %get3A_779 = arith.index_cast %add3A_764 : i32 to index
          %get3A_780 = arith.constant 32 : index
          %get3A_781 = tpu.vector_load %arg16[%get3A_779, %get3A_780] {strides = array<i32>} : memref<128x128xf32, #tpu.memory_space<vmem>>, vector<16xf32>,
          %mul3A_782 = arith.mulf %get3A_781, %gather3A_760 : vector<16xf32>
          %swap3A_783 = arith.index_cast %add3A_764 : i32 to index
          %swap3A_784 = arith.constant 32 : index
          %swap3A_785 = tpu.vector_load %arg16[%swap3A_783, %swap3A_784] {strides = array<i32>} : memref<128x128xf32, #tpu.memory_space<vmem>>, vector<16xf32>,
          tpu.vector_store %arg16[%swap3A_783, %swap3A_784], %mul3A_782 {strides = array<i32>} : memref<128x128xf32, #tpu.memory_space<vmem>>, vector<16xf32>,
          %get3A_786 = arith.index_cast %add3A_764 : i32 to index
          %get3A_787 = arith.constant 48 : index
          %get3A_788 = tpu.vector_load %arg16[%get3A_786, %get3A_787] {strides = array<i32>} : memref<128x128xf32, #tpu.memory_space<vmem>>, vector<16xf32>,
          %mul3A_789 = arith.mulf %get3A_788, %gather3A_760 : vector<16xf32>
          %swap3A_790 = arith.index_cast %add3A_764 : i32 to index
          %swap3A_791 = arith.constant 48 : index
          %swap3A_792 = tpu.vector_load %arg16[%swap3A_790, %swap3A_791] {strides = array<i32>} : memref<128x128xf32, #tpu.memory_space<vmem>>, vector<16xf32>,
          tpu.vector_store %arg16[%swap3A_790, %swap3A_791], %mul3A_789 {strides = array<i32>} : memref<128x128xf32, #tpu.memory_space<vmem>>, vector<16xf32>,
          %get3A_793 = arith.index_cast %add3A_764 : i32 to index
          %get3A_794 = arith.constant 64 : index
          %get3A_795 = tpu.vector_load %arg16[%get3A_793, %get3A_794] {strides = array<i32>} : memref<128x128xf32, #tpu.memory_space<vmem>>, vector<16xf32>,
          %mul3A_796 = arith.mulf %get3A_795, %gather3A_760 : vector<16xf32>
          %swap3A_797 = arith.index_cast %add3A_764 : i32 to index
          %swap3A_798 = arith.constant 64 : index
          %swap3A_799 = tpu.vector_load %arg16[%swap3A_797, %swap3A_798] {strides = array<i32>} : memref<128x128xf32, #tpu.memory_space<vmem>>, vector<16xf32>,
          tpu.vector_store %arg16[%swap3A_797, %swap3A_798], %mul3A_796 {strides = array<i32>} : memref<128x128xf32, #tpu.memory_space<vmem>>, vector<16xf32>,
          %get3A_800 = arith.index_cast %add3A_764 : i32 to index
          %get3A_801 = arith.constant 80 : index
          %get3A_802 = tpu.vector_load %arg16[%get3A_800, %get3A_801] {strides = array<i32>} : memref<128x128xf32, #tpu.memory_space<vmem>>, vector<16xf32>,
          %mul3A_803 = arith.mulf %get3A_802, %gather3A_760 : vector<16xf32>
          %swap3A_804 = arith.index_cast %add3A_764 : i32 to index
          %swap3A_805 = arith.constant 80 : index
          %swap3A_806 = tpu.vector_load %arg16[%swap3A_804, %swap3A_805] {strides = array<i32>} : memref<128x128xf32, #tpu.memory_space<vmem>>, vector<16xf32>,
          tpu.vector_store %arg16[%swap3A_804, %swap3A_805], %mul3A_803 {strides = array<i32>} : memref<128x128xf32, #tpu.memory_space<vmem>>, vector<16xf32>,
          %get3A_807 = arith.index_cast %add3A_764 : i32 to index
          %get3A_808 = arith.constant 96 : index
          %get3A_809 = tpu.vector_load %arg16[%get3A_807, %get3A_808] {strides = array<i32>} : memref<128x128xf32, #tpu.memory_space<vmem>>, vector<16xf32>,
          %mul3A_810 = arith.mulf %get3A_809, %gather3A_760 : vector<16xf32>
          %swap3A_811 = arith.index_cast %add3A_764 : i32 to index
          %swap3A_812 = arith.constant 96 : index
          %swap3A_813 = tpu.vector_load %arg16[%swap3A_811, %swap3A_812] {strides = array<i32>} : memref<128x128xf32, #tpu.memory_space<vmem>>, vector<16xf32>,
          tpu.vector_store %arg16[%swap3A_811, %swap3A_812], %mul3A_810 {strides = array<i32>} : memref<128x128xf32, #tpu.memory_space<vmem>>, vector<16xf32>,
          %get3A_814 = arith.index_cast %add3A_764 : i32 to index
          %get3A_815 = arith.constant 112 : index
          %get3A_816 = tpu.vector_load %arg16[%get3A_814, %get3A_815] {strides = array<i32>} : memref<128x128xf32, #tpu.memory_space<vmem>>, vector<16xf32>,
          %mul3A_817 = arith.mulf %get3A_816, %gather3A_760 : vector<16xf32>
          %swap3A_818 = arith.index_cast %add3A_764 : i32 to index
          %swap3A_819 = arith.constant 112 : index
          %swap3A_820 = tpu.vector_load %arg16[%swap3A_818, %swap3A_819] {strides = array<i32>} : memref<128x128xf32, #tpu.memory_space<vmem>>, vector<16xf32>,
          tpu.vector_store %arg16[%swap3A_818, %swap3A_819], %mul3A_817 {strides = array<i32>} : memref<128x128xf32, #tpu.memory_space<vmem>>, vector<16xf32>,
          %broadcast_in_dim3A_821 = arith.constant 9 : i32
          %broadcast_in_dim3A_822 = vector.broadcast %broadcast_in_dim3A_821 : i32 to vector<16xi32>
          %lt3A_823 = arith.constant 0 : i32
          %lt3A_824 = vector.broadcast %lt3A_823 : i32 to vector<16xi32>
          %lt3A_825 = arith.cmpi slt, %broadcast_in_dim3A_822, %lt3A_824 : vector<16xi32>
          %add3A_826 = arith.constant 16 : i32
          %add3A_827 = vector.broadcast %add3A_826 : i32 to vector<16xi32>
          %add3A_828 = arith.addi %broadcast_in_dim3A_822, %add3A_827 : vector<16xi32>
          %select_n3A_829 = arith.select %lt3A_825, %add3A_828, %broadcast_in_dim3A_822 : vector<16xi1>, vector<16xi32>
          %broadcast_in_dim3A_830 = vector.shape_cast %select_n3A_829 : vector<16xi32> to vector<16x1xi32>
          %gather3A_831 = vector.shape_cast %broadcast_in_dim3A_830 : vector<16x1xi32> to vector<16xi32>
          %gather3A_832 = tpu.dynamic_gather %mul3A_174[%gather3A_831] in [0] : vector<16xf32>, vector<16xi32> -> vector<16xf32>
          %mul3A_833 = arith.constant 16 : i32
          %mul3A_834 = arith.muli %add3A_159, %mul3A_833 : i32
          %add3A_835 = arith.constant 9 : i32
          %add3A_836 = arith.addi %mul3A_834, %add3A_835 : i32
          %get3A_837 = arith.index_cast %add3A_836 : i32 to index
          %get3A_838 = arith.constant 0 : index
          %get3A_839 = tpu.vector_load %arg16[%get3A_837, %get3A_838] {strides = array<i32>} : memref<128x128xf32, #tpu.memory_space<vmem>>, vector<16xf32>,
          %mul3A_840 = arith.mulf %get3A_839, %gather3A_832 : vector<16xf32>
          %swap3A_841 = arith.index_cast %add3A_836 : i32 to index
          %swap3A_842 = arith.constant 0 : index
          %swap3A_843 = tpu.vector_load %arg16[%swap3A_841, %swap3A_842] {strides = array<i32>} : memref<128x128xf32, #tpu.memory_space<vmem>>, vector<16xf32>,
          tpu.vector_store %arg16[%swap3A_841, %swap3A_842], %mul3A_840 {strides = array<i32>} : memref<128x128xf32, #tpu.memory_space<vmem>>, vector<16xf32>,
          %get3A_844 = arith.index_cast %add3A_836 : i32 to index
          %get3A_845 = arith.constant 16 : index
          %get3A_846 = tpu.vector_load %arg16[%get3A_844, %get3A_845] {strides = array<i32>} : memref<128x128xf32, #tpu.memory_space<vmem>>, vector<16xf32>,
          %mul3A_847 = arith.mulf %get3A_846, %gather3A_832 : vector<16xf32>
          %swap3A_848 = arith.index_cast %add3A_836 : i32 to index
          %swap3A_849 = arith.constant 16 : index
          %swap3A_850 = tpu.vector_load %arg16[%swap3A_848, %swap3A_849] {strides = array<i32>} : memref<128x128xf32, #tpu.memory_space<vmem>>, vector<16xf32>,
          tpu.vector_store %arg16[%swap3A_848, %swap3A_849], %mul3A_847 {strides = array<i32>} : memref<128x128xf32, #tpu.memory_space<vmem>>, vector<16xf32>,
          %get3A_851 = arith.index_cast %add3A_836 : i32 to index
          %get3A_852 = arith.constant 32 : index
          %get3A_853 = tpu.vector_load %arg16[%get3A_851, %get3A_852] {strides = array<i32>} : memref<128x128xf32, #tpu.memory_space<vmem>>, vector<16xf32>,
          %mul3A_854 = arith.mulf %get3A_853, %gather3A_832 : vector<16xf32>
          %swap3A_855 = arith.index_cast %add3A_836 : i32 to index
          %swap3A_856 = arith.constant 32 : index
          %swap3A_857 = tpu.vector_load %arg16[%swap3A_855, %swap3A_856] {strides = array<i32>} : memref<128x128xf32, #tpu.memory_space<vmem>>, vector<16xf32>,
          tpu.vector_store %arg16[%swap3A_855, %swap3A_856], %mul3A_854 {strides = array<i32>} : memref<128x128xf32, #tpu.memory_space<vmem>>, vector<16xf32>,
          %get3A_858 = arith.index_cast %add3A_836 : i32 to index
          %get3A_859 = arith.constant 48 : index
          %get3A_860 = tpu.vector_load %arg16[%get3A_858, %get3A_859] {strides = array<i32>} : memref<128x128xf32, #tpu.memory_space<vmem>>, vector<16xf32>,
          %mul3A_861 = arith.mulf %get3A_860, %gather3A_832 : vector<16xf32>
          %swap3A_862 = arith.index_cast %add3A_836 : i32 to index
          %swap3A_863 = arith.constant 48 : index
          %swap3A_864 = tpu.vector_load %arg16[%swap3A_862, %swap3A_863] {strides = array<i32>} : memref<128x128xf32, #tpu.memory_space<vmem>>, vector<16xf32>,
          tpu.vector_store %arg16[%swap3A_862, %swap3A_863], %mul3A_861 {strides = array<i32>} : memref<128x128xf32, #tpu.memory_space<vmem>>, vector<16xf32>,
          %get3A_865 = arith.index_cast %add3A_836 : i32 to index
          %get3A_866 = arith.constant 64 : index
          %get3A_867 = tpu.vector_load %arg16[%get3A_865, %get3A_866] {strides = array<i32>} : memref<128x128xf32, #tpu.memory_space<vmem>>, vector<16xf32>,
          %mul3A_868 = arith.mulf %get3A_867, %gather3A_832 : vector<16xf32>
          %swap3A_869 = arith.index_cast %add3A_836 : i32 to index
          %swap3A_870 = arith.constant 64 : index
          %swap3A_871 = tpu.vector_load %arg16[%swap3A_869, %swap3A_870] {strides = array<i32>} : memref<128x128xf32, #tpu.memory_space<vmem>>, vector<16xf32>,
          tpu.vector_store %arg16[%swap3A_869, %swap3A_870], %mul3A_868 {strides = array<i32>} : memref<128x128xf32, #tpu.memory_space<vmem>>, vector<16xf32>,
          %get3A_872 = arith.index_cast %add3A_836 : i32 to index
          %get3A_873 = arith.constant 80 : index
          %get3A_874 = tpu.vector_load %arg16[%get3A_872, %get3A_873] {strides = array<i32>} : memref<128x128xf32, #tpu.memory_space<vmem>>, vector<16xf32>,
          %mul3A_875 = arith.mulf %get3A_874, %gather3A_832 : vector<16xf32>
          %swap3A_876 = arith.index_cast %add3A_836 : i32 to index
          %swap3A_877 = arith.constant 80 : index
          %swap3A_878 = tpu.vector_load %arg16[%swap3A_876, %swap3A_877] {strides = array<i32>} : memref<128x128xf32, #tpu.memory_space<vmem>>, vector<16xf32>,
          tpu.vector_store %arg16[%swap3A_876, %swap3A_877], %mul3A_875 {strides = array<i32>} : memref<128x128xf32, #tpu.memory_space<vmem>>, vector<16xf32>,
          %get3A_879 = arith.index_cast %add3A_836 : i32 to index
          %get3A_880 = arith.constant 96 : index
          %get3A_881 = tpu.vector_load %arg16[%get3A_879, %get3A_880] {strides = array<i32>} : memref<128x128xf32, #tpu.memory_space<vmem>>, vector<16xf32>,
          %mul3A_882 = arith.mulf %get3A_881, %gather3A_832 : vector<16xf32>
          %swap3A_883 = arith.index_cast %add3A_836 : i32 to index
          %swap3A_884 = arith.constant 96 : index
          %swap3A_885 = tpu.vector_load %arg16[%swap3A_883, %swap3A_884] {strides = array<i32>} : memref<128x128xf32, #tpu.memory_space<vmem>>, vector<16xf32>,
          tpu.vector_store %arg16[%swap3A_883, %swap3A_884], %mul3A_882 {strides = array<i32>} : memref<128x128xf32, #tpu.memory_space<vmem>>, vector<16xf32>,
          %get3A_886 = arith.index_cast %add3A_836 : i32 to index
          %get3A_887 = arith.constant 112 : index
          %get3A_888 = tpu.vector_load %arg16[%get3A_886, %get3A_887] {strides = array<i32>} : memref<128x128xf32, #tpu.memory_space<vmem>>, vector<16xf32>,
          %mul3A_889 = arith.mulf %get3A_888, %gather3A_832 : vector<16xf32>
          %swap3A_890 = arith.index_cast %add3A_836 : i32 to index
          %swap3A_891 = arith.constant 112 : index
          %swap3A_892 = tpu.vector_load %arg16[%swap3A_890, %swap3A_891] {strides = array<i32>} : memref<128x128xf32, #tpu.memory_space<vmem>>, vector<16xf32>,
          tpu.vector_store %arg16[%swap3A_890, %swap3A_891], %mul3A_889 {strides = array<i32>} : memref<128x128xf32, #tpu.memory_space<vmem>>, vector<16xf32>,
          %broadcast_in_dim3A_893 = arith.constant 10 : i32
          %broadcast_in_dim3A_894 = vector.broadcast %broadcast_in_dim3A_893 : i32 to vector<16xi32>
          %lt3A_895 = arith.constant 0 : i32
          %lt3A_896 = vector.broadcast %lt3A_895 : i32 to vector<16xi32>
          %lt3A_897 = arith.cmpi slt, %broadcast_in_dim3A_894, %lt3A_896 : vector<16xi32>
          %add3A_898 = arith.constant 16 : i32
          %add3A_899 = vector.broadcast %add3A_898 : i32 to vector<16xi32>
          %add3A_900 = arith.addi %broadcast_in_dim3A_894, %add3A_899 : vector<16xi32>
          %select_n3A_901 = arith.select %lt3A_897, %add3A_900, %broadcast_in_dim3A_894 : vector<16xi1>, vector<16xi32>
          %broadcast_in_dim3A_902 = vector.shape_cast %select_n3A_901 : vector<16xi32> to vector<16x1xi32>
          %gather3A_903 = vector.shape_cast %broadcast_in_dim3A_902 : vector<16x1xi32> to vector<16xi32>
          %gather3A_904 = tpu.dynamic_gather %mul3A_174[%gather3A_903] in [0] : vector<16xf32>, vector<16xi32> -> vector<16xf32>
          %mul3A_905 = arith.constant 16 : i32
          %mul3A_906 = arith.muli %add3A_159, %mul3A_905 : i32
          %add3A_907 = arith.constant 10 : i32
          %add3A_908 = arith.addi %mul3A_906, %add3A_907 : i32
          %get3A_909 = arith.index_cast %add3A_908 : i32 to index
          %get3A_910 = arith.constant 0 : index
          %get3A_911 = tpu.vector_load %arg16[%get3A_909, %get3A_910] {strides = array<i32>} : memref<128x128xf32, #tpu.memory_space<vmem>>, vector<16xf32>,
          %mul3A_912 = arith.mulf %get3A_911, %gather3A_904 : vector<16xf32>
          %swap3A_913 = arith.index_cast %add3A_908 : i32 to index
          %swap3A_914 = arith.constant 0 : index
          %swap3A_915 = tpu.vector_load %arg16[%swap3A_913, %swap3A_914] {strides = array<i32>} : memref<128x128xf32, #tpu.memory_space<vmem>>, vector<16xf32>,
          tpu.vector_store %arg16[%swap3A_913, %swap3A_914], %mul3A_912 {strides = array<i32>} : memref<128x128xf32, #tpu.memory_space<vmem>>, vector<16xf32>,
          %get3A_916 = arith.index_cast %add3A_908 : i32 to index
          %get3A_917 = arith.constant 16 : index
          %get3A_918 = tpu.vector_load %arg16[%get3A_916, %get3A_917] {strides = array<i32>} : memref<128x128xf32, #tpu.memory_space<vmem>>, vector<16xf32>,
          %mul3A_919 = arith.mulf %get3A_918, %gather3A_904 : vector<16xf32>
          %swap3A_920 = arith.index_cast %add3A_908 : i32 to index
          %swap3A_921 = arith.constant 16 : index
          %swap3A_922 = tpu.vector_load %arg16[%swap3A_920, %swap3A_921] {strides = array<i32>} : memref<128x128xf32, #tpu.memory_space<vmem>>, vector<16xf32>,
          tpu.vector_store %arg16[%swap3A_920, %swap3A_921], %mul3A_919 {strides = array<i32>} : memref<128x128xf32, #tpu.memory_space<vmem>>, vector<16xf32>,
          %get3A_923 = arith.index_cast %add3A_908 : i32 to index
          %get3A_924 = arith.constant 32 : index
          %get3A_925 = tpu.vector_load %arg16[%get3A_923, %get3A_924] {strides = array<i32>} : memref<128x128xf32, #tpu.memory_space<vmem>>, vector<16xf32>,
          %mul3A_926 = arith.mulf %get3A_925, %gather3A_904 : vector<16xf32>
          %swap3A_927 = arith.index_cast %add3A_908 : i32 to index
          %swap3A_928 = arith.constant 32 : index
          %swap3A_929 = tpu.vector_load %arg16[%swap3A_927, %swap3A_928] {strides = array<i32>} : memref<128x128xf32, #tpu.memory_space<vmem>>, vector<16xf32>,
          tpu.vector_store %arg16[%swap3A_927, %swap3A_928], %mul3A_926 {strides = array<i32>} : memref<128x128xf32, #tpu.memory_space<vmem>>, vector<16xf32>,
          %get3A_930 = arith.index_cast %add3A_908 : i32 to index
          %get3A_931 = arith.constant 48 : index
          %get3A_932 = tpu.vector_load %arg16[%get3A_930, %get3A_931] {strides = array<i32>} : memref<128x128xf32, #tpu.memory_space<vmem>>, vector<16xf32>,
          %mul3A_933 = arith.mulf %get3A_932, %gather3A_904 : vector<16xf32>
          %swap3A_934 = arith.index_cast %add3A_908 : i32 to index
          %swap3A_935 = arith.constant 48 : index
          %swap3A_936 = tpu.vector_load %arg16[%swap3A_934, %swap3A_935] {strides = array<i32>} : memref<128x128xf32, #tpu.memory_space<vmem>>, vector<16xf32>,
          tpu.vector_store %arg16[%swap3A_934, %swap3A_935], %mul3A_933 {strides = array<i32>} : memref<128x128xf32, #tpu.memory_space<vmem>>, vector<16xf32>,
          %get3A_937 = arith.index_cast %add3A_908 : i32 to index
          %get3A_938 = arith.constant 64 : index
          %get3A_939 = tpu.vector_load %arg16[%get3A_937, %get3A_938] {strides = array<i32>} : memref<128x128xf32, #tpu.memory_space<vmem>>, vector<16xf32>,
          %mul3A_940 = arith.mulf %get3A_939, %gather3A_904 : vector<16xf32>
          %swap3A_941 = arith.index_cast %add3A_908 : i32 to index
          %swap3A_942 = arith.constant 64 : index
          %swap3A_943 = tpu.vector_load %arg16[%swap3A_941, %swap3A_942] {strides = array<i32>} : memref<128x128xf32, #tpu.memory_space<vmem>>, vector<16xf32>,
          tpu.vector_store %arg16[%swap3A_941, %swap3A_942], %mul3A_940 {strides = array<i32>} : memref<128x128xf32, #tpu.memory_space<vmem>>, vector<16xf32>,
          %get3A_944 = arith.index_cast %add3A_908 : i32 to index
          %get3A_945 = arith.constant 80 : index
          %get3A_946 = tpu.vector_load %arg16[%get3A_944, %get3A_945] {strides = array<i32>} : memref<128x128xf32, #tpu.memory_space<vmem>>, vector<16xf32>,
          %mul3A_947 = arith.mulf %get3A_946, %gather3A_904 : vector<16xf32>
          %swap3A_948 = arith.index_cast %add3A_908 : i32 to index
          %swap3A_949 = arith.constant 80 : index
          %swap3A_950 = tpu.vector_load %arg16[%swap3A_948, %swap3A_949] {strides = array<i32>} : memref<128x128xf32, #tpu.memory_space<vmem>>, vector<16xf32>,
          tpu.vector_store %arg16[%swap3A_948, %swap3A_949], %mul3A_947 {strides = array<i32>} : memref<128x128xf32, #tpu.memory_space<vmem>>, vector<16xf32>,
          %get3A_951 = arith.index_cast %add3A_908 : i32 to index
          %get3A_952 = arith.constant 96 : index
          %get3A_953 = tpu.vector_load %arg16[%get3A_951, %get3A_952] {strides = array<i32>} : memref<128x128xf32, #tpu.memory_space<vmem>>, vector<16xf32>,
          %mul3A_954 = arith.mulf %get3A_953, %gather3A_904 : vector<16xf32>
          %swap3A_955 = arith.index_cast %add3A_908 : i32 to index
          %swap3A_956 = arith.constant 96 : index
          %swap3A_957 = tpu.vector_load %arg16[%swap3A_955, %swap3A_956] {strides = array<i32>} : memref<128x128xf32, #tpu.memory_space<vmem>>, vector<16xf32>,
          tpu.vector_store %arg16[%swap3A_955, %swap3A_956], %mul3A_954 {strides = array<i32>} : memref<128x128xf32, #tpu.memory_space<vmem>>, vector<16xf32>,
          %get3A_958 = arith.index_cast %add3A_908 : i32 to index
          %get3A_959 = arith.constant 112 : index
          %get3A_960 = tpu.vector_load %arg16[%get3A_958, %get3A_959] {strides = array<i32>} : memref<128x128xf32, #tpu.memory_space<vmem>>, vector<16xf32>,
          %mul3A_961 = arith.mulf %get3A_960, %gather3A_904 : vector<16xf32>
          %swap3A_962 = arith.index_cast %add3A_908 : i32 to index
          %swap3A_963 = arith.constant 112 : index
          %swap3A_964 = tpu.vector_load %arg16[%swap3A_962, %swap3A_963] {strides = array<i32>} : memref<128x128xf32, #tpu.memory_space<vmem>>, vector<16xf32>,
          tpu.vector_store %arg16[%swap3A_962, %swap3A_963], %mul3A_961 {strides = array<i32>} : memref<128x128xf32, #tpu.memory_space<vmem>>, vector<16xf32>,
          %broadcast_in_dim3A_965 = arith.constant 11 : i32
          %broadcast_in_dim3A_966 = vector.broadcast %broadcast_in_dim3A_965 : i32 to vector<16xi32>
          %lt3A_967 = arith.constant 0 : i32
          %lt3A_968 = vector.broadcast %lt3A_967 : i32 to vector<16xi32>
          %lt3A_969 = arith.cmpi slt, %broadcast_in_dim3A_966, %lt3A_968 : vector<16xi32>
          %add3A_970 = arith.constant 16 : i32
          %add3A_971 = vector.broadcast %add3A_970 : i32 to vector<16xi32>
          %add3A_972 = arith.addi %broadcast_in_dim3A_966, %add3A_971 : vector<16xi32>
          %select_n3A_973 = arith.select %lt3A_969, %add3A_972, %broadcast_in_dim3A_966 : vector<16xi1>, vector<16xi32>
          %broadcast_in_dim3A_974 = vector.shape_cast %select_n3A_973 : vector<16xi32> to vector<16x1xi32>
          %gather3A_975 = vector.shape_cast %broadcast_in_dim3A_974 : vector<16x1xi32> to vector<16xi32>
          %gather3A_976 = tpu.dynamic_gather %mul3A_174[%gather3A_975] in [0] : vector<16xf32>, vector<16xi32> -> vector<16xf32>
          %mul3A_977 = arith.constant 16 : i32
          %mul3A_978 = arith.muli %add3A_159, %mul3A_977 : i32
          %add3A_979 = arith.constant 11 : i32
          %add3A_980 = arith.addi %mul3A_978, %add3A_979 : i32
          %get3A_981 = arith.index_cast %add3A_980 : i32 to index
          %get3A_982 = arith.constant 0 : index
          %get3A_983 = tpu.vector_load %arg16[%get3A_981, %get3A_982] {strides = array<i32>} : memref<128x128xf32, #tpu.memory_space<vmem>>, vector<16xf32>,
          %mul3A_984 = arith.mulf %get3A_983, %gather3A_976 : vector<16xf32>
          %swap3A_985 = arith.index_cast %add3A_980 : i32 to index
          %swap3A_986 = arith.constant 0 : index
          %swap3A_987 = tpu.vector_load %arg16[%swap3A_985, %swap3A_986] {strides = array<i32>} : memref<128x128xf32, #tpu.memory_space<vmem>>, vector<16xf32>,
          tpu.vector_store %arg16[%swap3A_985, %swap3A_986], %mul3A_984 {strides = array<i32>} : memref<128x128xf32, #tpu.memory_space<vmem>>, vector<16xf32>,
          %get3A_988 = arith.index_cast %add3A_980 : i32 to index
          %get3A_989 = arith.constant 16 : index
          %get3A_990 = tpu.vector_load %arg16[%get3A_988, %get3A_989] {strides = array<i32>} : memref<128x128xf32, #tpu.memory_space<vmem>>, vector<16xf32>,
          %mul3A_991 = arith.mulf %get3A_990, %gather3A_976 : vector<16xf32>
          %swap3A_992 = arith.index_cast %add3A_980 : i32 to index
          %swap3A_993 = arith.constant 16 : index
          %swap3A_994 = tpu.vector_load %arg16[%swap3A_992, %swap3A_993] {strides = array<i32>} : memref<128x128xf32, #tpu.memory_space<vmem>>, vector<16xf32>,
          tpu.vector_store %arg16[%swap3A_992, %swap3A_993], %mul3A_991 {strides = array<i32>} : memref<128x128xf32, #tpu.memory_space<vmem>>, vector<16xf32>,
          %get3A_995 = arith.index_cast %add3A_980 : i32 to index
          %get3A_996 = arith.constant 32 : index
          %get3A_997 = tpu.vector_load %arg16[%get3A_995, %get3A_996] {strides = array<i32>} : memref<128x128xf32, #tpu.memory_space<vmem>>, vector<16xf32>,
          %mul3A_998 = arith.mulf %get3A_997, %gather3A_976 : vector<16xf32>
          %swap3A_999 = arith.index_cast %add3A_980 : i32 to index
          %swap3A_1000 = arith.constant 32 : index
          %swap3A_1001 = tpu.vector_load %arg16[%swap3A_999, %swap3A_1000] {strides = array<i32>} : memref<128x128xf32, #tpu.memory_space<vmem>>, vector<16xf32>,
          tpu.vector_store %arg16[%swap3A_999, %swap3A_1000], %mul3A_998 {strides = array<i32>} : memref<128x128xf32, #tpu.memory_space<vmem>>, vector<16xf32>,
          %get3A_1002 = arith.index_cast %add3A_980 : i32 to index
          %get3A_1003 = arith.constant 48 : index
          %get3A_1004 = tpu.vector_load %arg16[%get3A_1002, %get3A_1003] {strides = array<i32>} : memref<128x128xf32, #tpu.memory_space<vmem>>, vector<16xf32>,
          %mul3A_1005 = arith.mulf %get3A_1004, %gather3A_976 : vector<16xf32>
          %swap3A_1006 = arith.index_cast %add3A_980 : i32 to index
          %swap3A_1007 = arith.constant 48 : index
          %swap3A_1008 = tpu.vector_load %arg16[%swap3A_1006, %swap3A_1007] {strides = array<i32>} : memref<128x128xf32, #tpu.memory_space<vmem>>, vector<16xf32>,
          tpu.vector_store %arg16[%swap3A_1006, %swap3A_1007], %mul3A_1005 {strides = array<i32>} : memref<128x128xf32, #tpu.memory_space<vmem>>, vector<16xf32>,
          %get3A_1009 = arith.index_cast %add3A_980 : i32 to index
          %get3A_1010 = arith.constant 64 : index
          %get3A_1011 = tpu.vector_load %arg16[%get3A_1009, %get3A_1010] {strides = array<i32>} : memref<128x128xf32, #tpu.memory_space<vmem>>, vector<16xf32>,
          %mul3A_1012 = arith.mulf %get3A_1011, %gather3A_976 : vector<16xf32>
          %swap3A_1013 = arith.index_cast %add3A_980 : i32 to index
          %swap3A_1014 = arith.constant 64 : index
          %swap3A_1015 = tpu.vector_load %arg16[%swap3A_1013, %swap3A_1014] {strides = array<i32>} : memref<128x128xf32, #tpu.memory_space<vmem>>, vector<16xf32>,
          tpu.vector_store %arg16[%swap3A_1013, %swap3A_1014], %mul3A_1012 {strides = array<i32>} : memref<128x128xf32, #tpu.memory_space<vmem>>, vector<16xf32>,
          %get3A_1016 = arith.index_cast %add3A_980 : i32 to index
          %get3A_1017 = arith.constant 80 : index
          %get3A_1018 = tpu.vector_load %arg16[%get3A_1016, %get3A_1017] {strides = array<i32>} : memref<128x128xf32, #tpu.memory_space<vmem>>, vector<16xf32>,
          %mul3A_1019 = arith.mulf %get3A_1018, %gather3A_976 : vector<16xf32>
          %swap3A_1020 = arith.index_cast %add3A_980 : i32 to index
          %swap3A_1021 = arith.constant 80 : index
          %swap3A_1022 = tpu.vector_load %arg16[%swap3A_1020, %swap3A_1021] {strides = array<i32>} : memref<128x128xf32, #tpu.memory_space<vmem>>, vector<16xf32>,
          tpu.vector_store %arg16[%swap3A_1020, %swap3A_1021], %mul3A_1019 {strides = array<i32>} : memref<128x128xf32, #tpu.memory_space<vmem>>, vector<16xf32>,
          %get3A_1023 = arith.index_cast %add3A_980 : i32 to index
          %get3A_1024 = arith.constant 96 : index
          %get3A_1025 = tpu.vector_load %arg16[%get3A_1023, %get3A_1024] {strides = array<i32>} : memref<128x128xf32, #tpu.memory_space<vmem>>, vector<16xf32>,
          %mul3A_1026 = arith.mulf %get3A_1025, %gather3A_976 : vector<16xf32>
          %swap3A_1027 = arith.index_cast %add3A_980 : i32 to index
          %swap3A_1028 = arith.constant 96 : index
          %swap3A_1029 = tpu.vector_load %arg16[%swap3A_1027, %swap3A_1028] {strides = array<i32>} : memref<128x128xf32, #tpu.memory_space<vmem>>, vector<16xf32>,
          tpu.vector_store %arg16[%swap3A_1027, %swap3A_1028], %mul3A_1026 {strides = array<i32>} : memref<128x128xf32, #tpu.memory_space<vmem>>, vector<16xf32>,
          %get3A_1030 = arith.index_cast %add3A_980 : i32 to index
          %get3A_1031 = arith.constant 112 : index
          %get3A_1032 = tpu.vector_load %arg16[%get3A_1030, %get3A_1031] {strides = array<i32>} : memref<128x128xf32, #tpu.memory_space<vmem>>, vector<16xf32>,
          %mul3A_1033 = arith.mulf %get3A_1032, %gather3A_976 : vector<16xf32>
          %swap3A_1034 = arith.index_cast %add3A_980 : i32 to index
          %swap3A_1035 = arith.constant 112 : index
          %swap3A_1036 = tpu.vector_load %arg16[%swap3A_1034, %swap3A_1035] {strides = array<i32>} : memref<128x128xf32, #tpu.memory_space<vmem>>, vector<16xf32>,
          tpu.vector_store %arg16[%swap3A_1034, %swap3A_1035], %mul3A_1033 {strides = array<i32>} : memref<128x128xf32, #tpu.memory_space<vmem>>, vector<16xf32>,
          %broadcast_in_dim3A_1037 = arith.constant 12 : i32
          %broadcast_in_dim3A_1038 = vector.broadcast %broadcast_in_dim3A_1037 : i32 to vector<16xi32>
          %lt3A_1039 = arith.constant 0 : i32
          %lt3A_1040 = vector.broadcast %lt3A_1039 : i32 to vector<16xi32>
          %lt3A_1041 = arith.cmpi slt, %broadcast_in_dim3A_1038, %lt3A_1040 : vector<16xi32>
          %add3A_1042 = arith.constant 16 : i32
          %add3A_1043 = vector.broadcast %add3A_1042 : i32 to vector<16xi32>
          %add3A_1044 = arith.addi %broadcast_in_dim3A_1038, %add3A_1043 : vector<16xi32>
          %select_n3A_1045 = arith.select %lt3A_1041, %add3A_1044, %broadcast_in_dim3A_1038 : vector<16xi1>, vector<16xi32>
          %broadcast_in_dim3A_1046 = vector.shape_cast %select_n3A_1045 : vector<16xi32> to vector<16x1xi32>
          %gather3A_1047 = vector.shape_cast %broadcast_in_dim3A_1046 : vector<16x1xi32> to vector<16xi32>
          %gather3A_1048 = tpu.dynamic_gather %mul3A_174[%gather3A_1047] in [0] : vector<16xf32>, vector<16xi32> -> vector<16xf32>
          %mul3A_1049 = arith.constant 16 : i32
          %mul3A_1050 = arith.muli %add3A_159, %mul3A_1049 : i32
          %add3A_1051 = arith.constant 12 : i32
          %add3A_1052 = arith.addi %mul3A_1050, %add3A_1051 : i32
          %get3A_1053 = arith.index_cast %add3A_1052 : i32 to index
          %get3A_1054 = arith.constant 0 : index
          %get3A_1055 = tpu.vector_load %arg16[%get3A_1053, %get3A_1054] {strides = array<i32>} : memref<128x128xf32, #tpu.memory_space<vmem>>, vector<16xf32>,
          %mul3A_1056 = arith.mulf %get3A_1055, %gather3A_1048 : vector<16xf32>
          %swap3A_1057 = arith.index_cast %add3A_1052 : i32 to index
          %swap3A_1058 = arith.constant 0 : index
          %swap3A_1059 = tpu.vector_load %arg16[%swap3A_1057, %swap3A_1058] {strides = array<i32>} : memref<128x128xf32, #tpu.memory_space<vmem>>, vector<16xf32>,
          tpu.vector_store %arg16[%swap3A_1057, %swap3A_1058], %mul3A_1056 {strides = array<i32>} : memref<128x128xf32, #tpu.memory_space<vmem>>, vector<16xf32>,
          %get3A_1060 = arith.index_cast %add3A_1052 : i32 to index
          %get3A_1061 = arith.constant 16 : index
          %get3A_1062 = tpu.vector_load %arg16[%get3A_1060, %get3A_1061] {strides = array<i32>} : memref<128x128xf32, #tpu.memory_space<vmem>>, vector<16xf32>,
          %mul3A_1063 = arith.mulf %get3A_1062, %gather3A_1048 : vector<16xf32>
          %swap3A_1064 = arith.index_cast %add3A_1052 : i32 to index
          %swap3A_1065 = arith.constant 16 : index
          %swap3A_1066 = tpu.vector_load %arg16[%swap3A_1064, %swap3A_1065] {strides = array<i32>} : memref<128x128xf32, #tpu.memory_space<vmem>>, vector<16xf32>,
          tpu.vector_store %arg16[%swap3A_1064, %swap3A_1065], %mul3A_1063 {strides = array<i32>} : memref<128x128xf32, #tpu.memory_space<vmem>>, vector<16xf32>,
          %get3A_1067 = arith.index_cast %add3A_1052 : i32 to index
          %get3A_1068 = arith.constant 32 : index
          %get3A_1069 = tpu.vector_load %arg16[%get3A_1067, %get3A_1068] {strides = array<i32>} : memref<128x128xf32, #tpu.memory_space<vmem>>, vector<16xf32>,
          %mul3A_1070 = arith.mulf %get3A_1069, %gather3A_1048 : vector<16xf32>
          %swap3A_1071 = arith.index_cast %add3A_1052 : i32 to index
          %swap3A_1072 = arith.constant 32 : index
          %swap3A_1073 = tpu.vector_load %arg16[%swap3A_1071, %swap3A_1072] {strides = array<i32>} : memref<128x128xf32, #tpu.memory_space<vmem>>, vector<16xf32>,
          tpu.vector_store %arg16[%swap3A_1071, %swap3A_1072], %mul3A_1070 {strides = array<i32>} : memref<128x128xf32, #tpu.memory_space<vmem>>, vector<16xf32>,
          %get3A_1074 = arith.index_cast %add3A_1052 : i32 to index
          %get3A_1075 = arith.constant 48 : index
          %get3A_1076 = tpu.vector_load %arg16[%get3A_1074, %get3A_1075] {strides = array<i32>} : memref<128x128xf32, #tpu.memory_space<vmem>>, vector<16xf32>,
          %mul3A_1077 = arith.mulf %get3A_1076, %gather3A_1048 : vector<16xf32>
          %swap3A_1078 = arith.index_cast %add3A_1052 : i32 to index
          %swap3A_1079 = arith.constant 48 : index
          %swap3A_1080 = tpu.vector_load %arg16[%swap3A_1078, %swap3A_1079] {strides = array<i32>} : memref<128x128xf32, #tpu.memory_space<vmem>>, vector<16xf32>,
          tpu.vector_store %arg16[%swap3A_1078, %swap3A_1079], %mul3A_1077 {strides = array<i32>} : memref<128x128xf32, #tpu.memory_space<vmem>>, vector<16xf32>,
          %get3A_1081 = arith.index_cast %add3A_1052 : i32 to index
          %get3A_1082 = arith.constant 64 : index
          %get3A_1083 = tpu.vector_load %arg16[%get3A_1081, %get3A_1082] {strides = array<i32>} : memref<128x128xf32, #tpu.memory_space<vmem>>, vector<16xf32>,
          %mul3A_1084 = arith.mulf %get3A_1083, %gather3A_1048 : vector<16xf32>
          %swap3A_1085 = arith.index_cast %add3A_1052 : i32 to index
          %swap3A_1086 = arith.constant 64 : index
          %swap3A_1087 = tpu.vector_load %arg16[%swap3A_1085, %swap3A_1086] {strides = array<i32>} : memref<128x128xf32, #tpu.memory_space<vmem>>, vector<16xf32>,
          tpu.vector_store %arg16[%swap3A_1085, %swap3A_1086], %mul3A_1084 {strides = array<i32>} : memref<128x128xf32, #tpu.memory_space<vmem>>, vector<16xf32>,
          %get3A_1088 = arith.index_cast %add3A_1052 : i32 to index
          %get3A_1089 = arith.constant 80 : index
          %get3A_1090 = tpu.vector_load %arg16[%get3A_1088, %get3A_1089] {strides = array<i32>} : memref<128x128xf32, #tpu.memory_space<vmem>>, vector<16xf32>,
          %mul3A_1091 = arith.mulf %get3A_1090, %gather3A_1048 : vector<16xf32>
          %swap3A_1092 = arith.index_cast %add3A_1052 : i32 to index
          %swap3A_1093 = arith.constant 80 : index
          %swap3A_1094 = tpu.vector_load %arg16[%swap3A_1092, %swap3A_1093] {strides = array<i32>} : memref<128x128xf32, #tpu.memory_space<vmem>>, vector<16xf32>,
          tpu.vector_store %arg16[%swap3A_1092, %swap3A_1093], %mul3A_1091 {strides = array<i32>} : memref<128x128xf32, #tpu.memory_space<vmem>>, vector<16xf32>,
          %get3A_1095 = arith.index_cast %add3A_1052 : i32 to index
          %get3A_1096 = arith.constant 96 : index
          %get3A_1097 = tpu.vector_load %arg16[%get3A_1095, %get3A_1096] {strides = array<i32>} : memref<128x128xf32, #tpu.memory_space<vmem>>, vector<16xf32>,
          %mul3A_1098 = arith.mulf %get3A_1097, %gather3A_1048 : vector<16xf32>
          %swap3A_1099 = arith.index_cast %add3A_1052 : i32 to index
          %swap3A_1100 = arith.constant 96 : index
          %swap3A_1101 = tpu.vector_load %arg16[%swap3A_1099, %swap3A_1100] {strides = array<i32>} : memref<128x128xf32, #tpu.memory_space<vmem>>, vector<16xf32>,
          tpu.vector_store %arg16[%swap3A_1099, %swap3A_1100], %mul3A_1098 {strides = array<i32>} : memref<128x128xf32, #tpu.memory_space<vmem>>, vector<16xf32>,
          %get3A_1102 = arith.index_cast %add3A_1052 : i32 to index
          %get3A_1103 = arith.constant 112 : index
          %get3A_1104 = tpu.vector_load %arg16[%get3A_1102, %get3A_1103] {strides = array<i32>} : memref<128x128xf32, #tpu.memory_space<vmem>>, vector<16xf32>,
          %mul3A_1105 = arith.mulf %get3A_1104, %gather3A_1048 : vector<16xf32>
          %swap3A_1106 = arith.index_cast %add3A_1052 : i32 to index
          %swap3A_1107 = arith.constant 112 : index
          %swap3A_1108 = tpu.vector_load %arg16[%swap3A_1106, %swap3A_1107] {strides = array<i32>} : memref<128x128xf32, #tpu.memory_space<vmem>>, vector<16xf32>,
          tpu.vector_store %arg16[%swap3A_1106, %swap3A_1107], %mul3A_1105 {strides = array<i32>} : memref<128x128xf32, #tpu.memory_space<vmem>>, vector<16xf32>,
          %broadcast_in_dim3A_1109 = arith.constant 13 : i32
          %broadcast_in_dim3A_1110 = vector.broadcast %broadcast_in_dim3A_1109 : i32 to vector<16xi32>
          %lt3A_1111 = arith.constant 0 : i32
          %lt3A_1112 = vector.broadcast %lt3A_1111 : i32 to vector<16xi32>
          %lt3A_1113 = arith.cmpi slt, %broadcast_in_dim3A_1110, %lt3A_1112 : vector<16xi32>
          %add3A_1114 = arith.constant 16 : i32
          %add3A_1115 = vector.broadcast %add3A_1114 : i32 to vector<16xi32>
          %add3A_1116 = arith.addi %broadcast_in_dim3A_1110, %add3A_1115 : vector<16xi32>
          %select_n3A_1117 = arith.select %lt3A_1113, %add3A_1116, %broadcast_in_dim3A_1110 : vector<16xi1>, vector<16xi32>
          %broadcast_in_dim3A_1118 = vector.shape_cast %select_n3A_1117 : vector<16xi32> to vector<16x1xi32>
          %gather3A_1119 = vector.shape_cast %broadcast_in_dim3A_1118 : vector<16x1xi32> to vector<16xi32>
          %gather3A_1120 = tpu.dynamic_gather %mul3A_174[%gather3A_1119] in [0] : vector<16xf32>, vector<16xi32> -> vector<16xf32>
          %mul3A_1121 = arith.constant 16 : i32
          %mul3A_1122 = arith.muli %add3A_159, %mul3A_1121 : i32
          %add3A_1123 = arith.constant 13 : i32
          %add3A_1124 = arith.addi %mul3A_1122, %add3A_1123 : i32
          %get3A_1125 = arith.index_cast %add3A_1124 : i32 to index
          %get3A_1126 = arith.constant 0 : index
          %get3A_1127 = tpu.vector_load %arg16[%get3A_1125, %get3A_1126] {strides = array<i32>} : memref<128x128xf32, #tpu.memory_space<vmem>>, vector<16xf32>,
          %mul3A_1128 = arith.mulf %get3A_1127, %gather3A_1120 : vector<16xf32>
          %swap3A_1129 = arith.index_cast %add3A_1124 : i32 to index
          %swap3A_1130 = arith.constant 0 : index
          %swap3A_1131 = tpu.vector_load %arg16[%swap3A_1129, %swap3A_1130] {strides = array<i32>} : memref<128x128xf32, #tpu.memory_space<vmem>>, vector<16xf32>,
          tpu.vector_store %arg16[%swap3A_1129, %swap3A_1130], %mul3A_1128 {strides = array<i32>} : memref<128x128xf32, #tpu.memory_space<vmem>>, vector<16xf32>,
          %get3A_1132 = arith.index_cast %add3A_1124 : i32 to index
          %get3A_1133 = arith.constant 16 : index
          %get3A_1134 = tpu.vector_load %arg16[%get3A_1132, %get3A_1133] {strides = array<i32>} : memref<128x128xf32, #tpu.memory_space<vmem>>, vector<16xf32>,
          %mul3A_1135 = arith.mulf %get3A_1134, %gather3A_1120 : vector<16xf32>
          %swap3A_1136 = arith.index_cast %add3A_1124 : i32 to index
          %swap3A_1137 = arith.constant 16 : index
          %swap3A_1138 = tpu.vector_load %arg16[%swap3A_1136, %swap3A_1137] {strides = array<i32>} : memref<128x128xf32, #tpu.memory_space<vmem>>, vector<16xf32>,
          tpu.vector_store %arg16[%swap3A_1136, %swap3A_1137], %mul3A_1135 {strides = array<i32>} : memref<128x128xf32, #tpu.memory_space<vmem>>, vector<16xf32>,
          %get3A_1139 = arith.index_cast %add3A_1124 : i32 to index
          %get3A_1140 = arith.constant 32 : index
          %get3A_1141 = tpu.vector_load %arg16[%get3A_1139, %get3A_1140] {strides = array<i32>} : memref<128x128xf32, #tpu.memory_space<vmem>>, vector<16xf32>,
          %mul3A_1142 = arith.mulf %get3A_1141, %gather3A_1120 : vector<16xf32>
          %swap3A_1143 = arith.index_cast %add3A_1124 : i32 to index
          %swap3A_1144 = arith.constant 32 : index
          %swap3A_1145 = tpu.vector_load %arg16[%swap3A_1143, %swap3A_1144] {strides = array<i32>} : memref<128x128xf32, #tpu.memory_space<vmem>>, vector<16xf32>,
          tpu.vector_store %arg16[%swap3A_1143, %swap3A_1144], %mul3A_1142 {strides = array<i32>} : memref<128x128xf32, #tpu.memory_space<vmem>>, vector<16xf32>,
          %get3A_1146 = arith.index_cast %add3A_1124 : i32 to index
          %get3A_1147 = arith.constant 48 : index
          %get3A_1148 = tpu.vector_load %arg16[%get3A_1146, %get3A_1147] {strides = array<i32>} : memref<128x128xf32, #tpu.memory_space<vmem>>, vector<16xf32>,
          %mul3A_1149 = arith.mulf %get3A_1148, %gather3A_1120 : vector<16xf32>
          %swap3A_1150 = arith.index_cast %add3A_1124 : i32 to index
          %swap3A_1151 = arith.constant 48 : index
          %swap3A_1152 = tpu.vector_load %arg16[%swap3A_1150, %swap3A_1151] {strides = array<i32>} : memref<128x128xf32, #tpu.memory_space<vmem>>, vector<16xf32>,
          tpu.vector_store %arg16[%swap3A_1150, %swap3A_1151], %mul3A_1149 {strides = array<i32>} : memref<128x128xf32, #tpu.memory_space<vmem>>, vector<16xf32>,
          %get3A_1153 = arith.index_cast %add3A_1124 : i32 to index
          %get3A_1154 = arith.constant 64 : index
          %get3A_1155 = tpu.vector_load %arg16[%get3A_1153, %get3A_1154] {strides = array<i32>} : memref<128x128xf32, #tpu.memory_space<vmem>>, vector<16xf32>,
          %mul3A_1156 = arith.mulf %get3A_1155, %gather3A_1120 : vector<16xf32>
          %swap3A_1157 = arith.index_cast %add3A_1124 : i32 to index
          %swap3A_1158 = arith.constant 64 : index
          %swap3A_1159 = tpu.vector_load %arg16[%swap3A_1157, %swap3A_1158] {strides = array<i32>} : memref<128x128xf32, #tpu.memory_space<vmem>>, vector<16xf32>,
          tpu.vector_store %arg16[%swap3A_1157, %swap3A_1158], %mul3A_1156 {strides = array<i32>} : memref<128x128xf32, #tpu.memory_space<vmem>>, vector<16xf32>,
          %get3A_1160 = arith.index_cast %add3A_1124 : i32 to index
          %get3A_1161 = arith.constant 80 : index
          %get3A_1162 = tpu.vector_load %arg16[%get3A_1160, %get3A_1161] {strides = array<i32>} : memref<128x128xf32, #tpu.memory_space<vmem>>, vector<16xf32>,
          %mul3A_1163 = arith.mulf %get3A_1162, %gather3A_1120 : vector<16xf32>
          %swap3A_1164 = arith.index_cast %add3A_1124 : i32 to index
          %swap3A_1165 = arith.constant 80 : index
          %swap3A_1166 = tpu.vector_load %arg16[%swap3A_1164, %swap3A_1165] {strides = array<i32>} : memref<128x128xf32, #tpu.memory_space<vmem>>, vector<16xf32>,
          tpu.vector_store %arg16[%swap3A_1164, %swap3A_1165], %mul3A_1163 {strides = array<i32>} : memref<128x128xf32, #tpu.memory_space<vmem>>, vector<16xf32>,
          %get3A_1167 = arith.index_cast %add3A_1124 : i32 to index
          %get3A_1168 = arith.constant 96 : index
          %get3A_1169 = tpu.vector_load %arg16[%get3A_1167, %get3A_1168] {strides = array<i32>} : memref<128x128xf32, #tpu.memory_space<vmem>>, vector<16xf32>,
          %mul3A_1170 = arith.mulf %get3A_1169, %gather3A_1120 : vector<16xf32>
          %swap3A_1171 = arith.index_cast %add3A_1124 : i32 to index
          %swap3A_1172 = arith.constant 96 : index
          %swap3A_1173 = tpu.vector_load %arg16[%swap3A_1171, %swap3A_1172] {strides = array<i32>} : memref<128x128xf32, #tpu.memory_space<vmem>>, vector<16xf32>,
          tpu.vector_store %arg16[%swap3A_1171, %swap3A_1172], %mul3A_1170 {strides = array<i32>} : memref<128x128xf32, #tpu.memory_space<vmem>>, vector<16xf32>,
          %get3A_1174 = arith.index_cast %add3A_1124 : i32 to index
          %get3A_1175 = arith.constant 112 : index
          %get3A_1176 = tpu.vector_load %arg16[%get3A_1174, %get3A_1175] {strides = array<i32>} : memref<128x128xf32, #tpu.memory_space<vmem>>, vector<16xf32>,
          %mul3A_1177 = arith.mulf %get3A_1176, %gather3A_1120 : vector<16xf32>
          %swap3A_1178 = arith.index_cast %add3A_1124 : i32 to index
          %swap3A_1179 = arith.constant 112 : index
          %swap3A_1180 = tpu.vector_load %arg16[%swap3A_1178, %swap3A_1179] {strides = array<i32>} : memref<128x128xf32, #tpu.memory_space<vmem>>, vector<16xf32>,
          tpu.vector_store %arg16[%swap3A_1178, %swap3A_1179], %mul3A_1177 {strides = array<i32>} : memref<128x128xf32, #tpu.memory_space<vmem>>, vector<16xf32>,
          %broadcast_in_dim3A_1181 = arith.constant 14 : i32
          %broadcast_in_dim3A_1182 = vector.broadcast %broadcast_in_dim3A_1181 : i32 to vector<16xi32>
          %lt3A_1183 = arith.constant 0 : i32
          %lt3A_1184 = vector.broadcast %lt3A_1183 : i32 to vector<16xi32>
          %lt3A_1185 = arith.cmpi slt, %broadcast_in_dim3A_1182, %lt3A_1184 : vector<16xi32>
          %add3A_1186 = arith.constant 16 : i32
          %add3A_1187 = vector.broadcast %add3A_1186 : i32 to vector<16xi32>
          %add3A_1188 = arith.addi %broadcast_in_dim3A_1182, %add3A_1187 : vector<16xi32>
          %select_n3A_1189 = arith.select %lt3A_1185, %add3A_1188, %broadcast_in_dim3A_1182 : vector<16xi1>, vector<16xi32>
          %broadcast_in_dim3A_1190 = vector.shape_cast %select_n3A_1189 : vector<16xi32> to vector<16x1xi32>
          %gather3A_1191 = vector.shape_cast %broadcast_in_dim3A_1190 : vector<16x1xi32> to vector<16xi32>
          %gather3A_1192 = tpu.dynamic_gather %mul3A_174[%gather3A_1191] in [0] : vector<16xf32>, vector<16xi32> -> vector<16xf32>
          %mul3A_1193 = arith.constant 16 : i32
          %mul3A_1194 = arith.muli %add3A_159, %mul3A_1193 : i32
          %add3A_1195 = arith.constant 14 : i32
          %add3A_1196 = arith.addi %mul3A_1194, %add3A_1195 : i32
          %get3A_1197 = arith.index_cast %add3A_1196 : i32 to index
          %get3A_1198 = arith.constant 0 : index
          %get3A_1199 = tpu.vector_load %arg16[%get3A_1197, %get3A_1198] {strides = array<i32>} : memref<128x128xf32, #tpu.memory_space<vmem>>, vector<16xf32>,
          %mul3A_1200 = arith.mulf %get3A_1199, %gather3A_1192 : vector<16xf32>
          %swap3A_1201 = arith.index_cast %add3A_1196 : i32 to index
          %swap3A_1202 = arith.constant 0 : index
          %swap3A_1203 = tpu.vector_load %arg16[%swap3A_1201, %swap3A_1202] {strides = array<i32>} : memref<128x128xf32, #tpu.memory_space<vmem>>, vector<16xf32>,
          tpu.vector_store %arg16[%swap3A_1201, %swap3A_1202], %mul3A_1200 {strides = array<i32>} : memref<128x128xf32, #tpu.memory_space<vmem>>, vector<16xf32>,
          %get3A_1204 = arith.index_cast %add3A_1196 : i32 to index
          %get3A_1205 = arith.constant 16 : index
          %get3A_1206 = tpu.vector_load %arg16[%get3A_1204, %get3A_1205] {strides = array<i32>} : memref<128x128xf32, #tpu.memory_space<vmem>>, vector<16xf32>,
          %mul3A_1207 = arith.mulf %get3A_1206, %gather3A_1192 : vector<16xf32>
          %swap3A_1208 = arith.index_cast %add3A_1196 : i32 to index
          %swap3A_1209 = arith.constant 16 : index
          %swap3A_1210 = tpu.vector_load %arg16[%swap3A_1208, %swap3A_1209] {strides = array<i32>} : memref<128x128xf32, #tpu.memory_space<vmem>>, vector<16xf32>,
          tpu.vector_store %arg16[%swap3A_1208, %swap3A_1209], %mul3A_1207 {strides = array<i32>} : memref<128x128xf32, #tpu.memory_space<vmem>>, vector<16xf32>,
          %get3A_1211 = arith.index_cast %add3A_1196 : i32 to index
          %get3A_1212 = arith.constant 32 : index
          %get3A_1213 = tpu.vector_load %arg16[%get3A_1211, %get3A_1212] {strides = array<i32>} : memref<128x128xf32, #tpu.memory_space<vmem>>, vector<16xf32>,
          %mul3A_1214 = arith.mulf %get3A_1213, %gather3A_1192 : vector<16xf32>
          %swap3A_1215 = arith.index_cast %add3A_1196 : i32 to index
          %swap3A_1216 = arith.constant 32 : index
          %swap3A_1217 = tpu.vector_load %arg16[%swap3A_1215, %swap3A_1216] {strides = array<i32>} : memref<128x128xf32, #tpu.memory_space<vmem>>, vector<16xf32>,
          tpu.vector_store %arg16[%swap3A_1215, %swap3A_1216], %mul3A_1214 {strides = array<i32>} : memref<128x128xf32, #tpu.memory_space<vmem>>, vector<16xf32>,
          %get3A_1218 = arith.index_cast %add3A_1196 : i32 to index
          %get3A_1219 = arith.constant 48 : index
          %get3A_1220 = tpu.vector_load %arg16[%get3A_1218, %get3A_1219] {strides = array<i32>} : memref<128x128xf32, #tpu.memory_space<vmem>>, vector<16xf32>,
          %mul3A_1221 = arith.mulf %get3A_1220, %gather3A_1192 : vector<16xf32>
          %swap3A_1222 = arith.index_cast %add3A_1196 : i32 to index
          %swap3A_1223 = arith.constant 48 : index
          %swap3A_1224 = tpu.vector_load %arg16[%swap3A_1222, %swap3A_1223] {strides = array<i32>} : memref<128x128xf32, #tpu.memory_space<vmem>>, vector<16xf32>,
          tpu.vector_store %arg16[%swap3A_1222, %swap3A_1223], %mul3A_1221 {strides = array<i32>} : memref<128x128xf32, #tpu.memory_space<vmem>>, vector<16xf32>,
          %get3A_1225 = arith.index_cast %add3A_1196 : i32 to index
          %get3A_1226 = arith.constant 64 : index
          %get3A_1227 = tpu.vector_load %arg16[%get3A_1225, %get3A_1226] {strides = array<i32>} : memref<128x128xf32, #tpu.memory_space<vmem>>, vector<16xf32>,
          %mul3A_1228 = arith.mulf %get3A_1227, %gather3A_1192 : vector<16xf32>
          %swap3A_1229 = arith.index_cast %add3A_1196 : i32 to index
          %swap3A_1230 = arith.constant 64 : index
          %swap3A_1231 = tpu.vector_load %arg16[%swap3A_1229, %swap3A_1230] {strides = array<i32>} : memref<128x128xf32, #tpu.memory_space<vmem>>, vector<16xf32>,
          tpu.vector_store %arg16[%swap3A_1229, %swap3A_1230], %mul3A_1228 {strides = array<i32>} : memref<128x128xf32, #tpu.memory_space<vmem>>, vector<16xf32>,
          %get3A_1232 = arith.index_cast %add3A_1196 : i32 to index
          %get3A_1233 = arith.constant 80 : index
          %get3A_1234 = tpu.vector_load %arg16[%get3A_1232, %get3A_1233] {strides = array<i32>} : memref<128x128xf32, #tpu.memory_space<vmem>>, vector<16xf32>,
          %mul3A_1235 = arith.mulf %get3A_1234, %gather3A_1192 : vector<16xf32>
          %swap3A_1236 = arith.index_cast %add3A_1196 : i32 to index
          %swap3A_1237 = arith.constant 80 : index
          %swap3A_1238 = tpu.vector_load %arg16[%swap3A_1236, %swap3A_1237] {strides = array<i32>} : memref<128x128xf32, #tpu.memory_space<vmem>>, vector<16xf32>,
          tpu.vector_store %arg16[%swap3A_1236, %swap3A_1237], %mul3A_1235 {strides = array<i32>} : memref<128x128xf32, #tpu.memory_space<vmem>>, vector<16xf32>,
          %get3A_1239 = arith.index_cast %add3A_1196 : i32 to index
          %get3A_1240 = arith.constant 96 : index
          %get3A_1241 = tpu.vector_load %arg16[%get3A_1239, %get3A_1240] {strides = array<i32>} : memref<128x128xf32, #tpu.memory_space<vmem>>, vector<16xf32>,
          %mul3A_1242 = arith.mulf %get3A_1241, %gather3A_1192 : vector<16xf32>
          %swap3A_1243 = arith.index_cast %add3A_1196 : i32 to index
          %swap3A_1244 = arith.constant 96 : index
          %swap3A_1245 = tpu.vector_load %arg16[%swap3A_1243, %swap3A_1244] {strides = array<i32>} : memref<128x128xf32, #tpu.memory_space<vmem>>, vector<16xf32>,
          tpu.vector_store %arg16[%swap3A_1243, %swap3A_1244], %mul3A_1242 {strides = array<i32>} : memref<128x128xf32, #tpu.memory_space<vmem>>, vector<16xf32>,
          %get3A_1246 = arith.index_cast %add3A_1196 : i32 to index
          %get3A_1247 = arith.constant 112 : index
          %get3A_1248 = tpu.vector_load %arg16[%get3A_1246, %get3A_1247] {strides = array<i32>} : memref<128x128xf32, #tpu.memory_space<vmem>>, vector<16xf32>,
          %mul3A_1249 = arith.mulf %get3A_1248, %gather3A_1192 : vector<16xf32>
          %swap3A_1250 = arith.index_cast %add3A_1196 : i32 to index
          %swap3A_1251 = arith.constant 112 : index
          %swap3A_1252 = tpu.vector_load %arg16[%swap3A_1250, %swap3A_1251] {strides = array<i32>} : memref<128x128xf32, #tpu.memory_space<vmem>>, vector<16xf32>,
          tpu.vector_store %arg16[%swap3A_1250, %swap3A_1251], %mul3A_1249 {strides = array<i32>} : memref<128x128xf32, #tpu.memory_space<vmem>>, vector<16xf32>,
          %broadcast_in_dim3A_1253 = arith.constant 15 : i32
          %broadcast_in_dim3A_1254 = vector.broadcast %broadcast_in_dim3A_1253 : i32 to vector<16xi32>
          %lt3A_1255 = arith.constant 0 : i32
          %lt3A_1256 = vector.broadcast %lt3A_1255 : i32 to vector<16xi32>
          %lt3A_1257 = arith.cmpi slt, %broadcast_in_dim3A_1254, %lt3A_1256 : vector<16xi32>
          %add3A_1258 = arith.constant 16 : i32
          %add3A_1259 = vector.broadcast %add3A_1258 : i32 to vector<16xi32>
          %add3A_1260 = arith.addi %broadcast_in_dim3A_1254, %add3A_1259 : vector<16xi32>
          %select_n3A_1261 = arith.select %lt3A_1257, %add3A_1260, %broadcast_in_dim3A_1254 : vector<16xi1>, vector<16xi32>
          %broadcast_in_dim3A_1262 = vector.shape_cast %select_n3A_1261 : vector<16xi32> to vector<16x1xi32>
          %gather3A_1263 = vector.shape_cast %broadcast_in_dim3A_1262 : vector<16x1xi32> to vector<16xi32>
          %gather3A_1264 = tpu.dynamic_gather %mul3A_174[%gather3A_1263] in [0] : vector<16xf32>, vector<16xi32> -> vector<16xf32>
          %mul3A_1265 = arith.constant 16 : i32
          %mul3A_1266 = arith.muli %add3A_159, %mul3A_1265 : i32
          %add3A_1267 = arith.constant 15 : i32
          %add3A_1268 = arith.addi %mul3A_1266, %add3A_1267 : i32
          %get3A_1269 = arith.index_cast %add3A_1268 : i32 to index
          %get3A_1270 = arith.constant 0 : index
          %get3A_1271 = tpu.vector_load %arg16[%get3A_1269, %get3A_1270] {strides = array<i32>} : memref<128x128xf32, #tpu.memory_space<vmem>>, vector<16xf32>,
          %mul3A_1272 = arith.mulf %get3A_1271, %gather3A_1264 : vector<16xf32>
          %swap3A_1273 = arith.index_cast %add3A_1268 : i32 to index
          %swap3A_1274 = arith.constant 0 : index
          %swap3A_1275 = tpu.vector_load %arg16[%swap3A_1273, %swap3A_1274] {strides = array<i32>} : memref<128x128xf32, #tpu.memory_space<vmem>>, vector<16xf32>,
          tpu.vector_store %arg16[%swap3A_1273, %swap3A_1274], %mul3A_1272 {strides = array<i32>} : memref<128x128xf32, #tpu.memory_space<vmem>>, vector<16xf32>,
          %get3A_1276 = arith.index_cast %add3A_1268 : i32 to index
          %get3A_1277 = arith.constant 16 : index
          %get3A_1278 = tpu.vector_load %arg16[%get3A_1276, %get3A_1277] {strides = array<i32>} : memref<128x128xf32, #tpu.memory_space<vmem>>, vector<16xf32>,
          %mul3A_1279 = arith.mulf %get3A_1278, %gather3A_1264 : vector<16xf32>
          %swap3A_1280 = arith.index_cast %add3A_1268 : i32 to index
          %swap3A_1281 = arith.constant 16 : index
          %swap3A_1282 = tpu.vector_load %arg16[%swap3A_1280, %swap3A_1281] {strides = array<i32>} : memref<128x128xf32, #tpu.memory_space<vmem>>, vector<16xf32>,
          tpu.vector_store %arg16[%swap3A_1280, %swap3A_1281], %mul3A_1279 {strides = array<i32>} : memref<128x128xf32, #tpu.memory_space<vmem>>, vector<16xf32>,
          %get3A_1283 = arith.index_cast %add3A_1268 : i32 to index
          %get3A_1284 = arith.constant 32 : index
          %get3A_1285 = tpu.vector_load %arg16[%get3A_1283, %get3A_1284] {strides = array<i32>} : memref<128x128xf32, #tpu.memory_space<vmem>>, vector<16xf32>,
          %mul3A_1286 = arith.mulf %get3A_1285, %gather3A_1264 : vector<16xf32>
          %swap3A_1287 = arith.index_cast %add3A_1268 : i32 to index
          %swap3A_1288 = arith.constant 32 : index
          %swap3A_1289 = tpu.vector_load %arg16[%swap3A_1287, %swap3A_1288] {strides = array<i32>} : memref<128x128xf32, #tpu.memory_space<vmem>>, vector<16xf32>,
          tpu.vector_store %arg16[%swap3A_1287, %swap3A_1288], %mul3A_1286 {strides = array<i32>} : memref<128x128xf32, #tpu.memory_space<vmem>>, vector<16xf32>,
          %get3A_1290 = arith.index_cast %add3A_1268 : i32 to index
          %get3A_1291 = arith.constant 48 : index
          %get3A_1292 = tpu.vector_load %arg16[%get3A_1290, %get3A_1291] {strides = array<i32>} : memref<128x128xf32, #tpu.memory_space<vmem>>, vector<16xf32>,
          %mul3A_1293 = arith.mulf %get3A_1292, %gather3A_1264 : vector<16xf32>
          %swap3A_1294 = arith.index_cast %add3A_1268 : i32 to index
          %swap3A_1295 = arith.constant 48 : index
          %swap3A_1296 = tpu.vector_load %arg16[%swap3A_1294, %swap3A_1295] {strides = array<i32>} : memref<128x128xf32, #tpu.memory_space<vmem>>, vector<16xf32>,
          tpu.vector_store %arg16[%swap3A_1294, %swap3A_1295], %mul3A_1293 {strides = array<i32>} : memref<128x128xf32, #tpu.memory_space<vmem>>, vector<16xf32>,
          %get3A_1297 = arith.index_cast %add3A_1268 : i32 to index
          %get3A_1298 = arith.constant 64 : index
          %get3A_1299 = tpu.vector_load %arg16[%get3A_1297, %get3A_1298] {strides = array<i32>} : memref<128x128xf32, #tpu.memory_space<vmem>>, vector<16xf32>,
          %mul3A_1300 = arith.mulf %get3A_1299, %gather3A_1264 : vector<16xf32>
          %swap3A_1301 = arith.index_cast %add3A_1268 : i32 to index
          %swap3A_1302 = arith.constant 64 : index
          %swap3A_1303 = tpu.vector_load %arg16[%swap3A_1301, %swap3A_1302] {strides = array<i32>} : memref<128x128xf32, #tpu.memory_space<vmem>>, vector<16xf32>,
          tpu.vector_store %arg16[%swap3A_1301, %swap3A_1302], %mul3A_1300 {strides = array<i32>} : memref<128x128xf32, #tpu.memory_space<vmem>>, vector<16xf32>,
          %get3A_1304 = arith.index_cast %add3A_1268 : i32 to index
          %get3A_1305 = arith.constant 80 : index
          %get3A_1306 = tpu.vector_load %arg16[%get3A_1304, %get3A_1305] {strides = array<i32>} : memref<128x128xf32, #tpu.memory_space<vmem>>, vector<16xf32>,
          %mul3A_1307 = arith.mulf %get3A_1306, %gather3A_1264 : vector<16xf32>
          %swap3A_1308 = arith.index_cast %add3A_1268 : i32 to index
          %swap3A_1309 = arith.constant 80 : index
          %swap3A_1310 = tpu.vector_load %arg16[%swap3A_1308, %swap3A_1309] {strides = array<i32>} : memref<128x128xf32, #tpu.memory_space<vmem>>, vector<16xf32>,
          tpu.vector_store %arg16[%swap3A_1308, %swap3A_1309], %mul3A_1307 {strides = array<i32>} : memref<128x128xf32, #tpu.memory_space<vmem>>, vector<16xf32>,
          %get3A_1311 = arith.index_cast %add3A_1268 : i32 to index
          %get3A_1312 = arith.constant 96 : index
          %get3A_1313 = tpu.vector_load %arg16[%get3A_1311, %get3A_1312] {strides = array<i32>} : memref<128x128xf32, #tpu.memory_space<vmem>>, vector<16xf32>,
          %mul3A_1314 = arith.mulf %get3A_1313, %gather3A_1264 : vector<16xf32>
          %swap3A_1315 = arith.index_cast %add3A_1268 : i32 to index
          %swap3A_1316 = arith.constant 96 : index
          %swap3A_1317 = tpu.vector_load %arg16[%swap3A_1315, %swap3A_1316] {strides = array<i32>} : memref<128x128xf32, #tpu.memory_space<vmem>>, vector<16xf32>,
          tpu.vector_store %arg16[%swap3A_1315, %swap3A_1316], %mul3A_1314 {strides = array<i32>} : memref<128x128xf32, #tpu.memory_space<vmem>>, vector<16xf32>,
          %get3A_1318 = arith.index_cast %add3A_1268 : i32 to index
          %get3A_1319 = arith.constant 112 : index
          %get3A_1320 = tpu.vector_load %arg16[%get3A_1318, %get3A_1319] {strides = array<i32>} : memref<128x128xf32, #tpu.memory_space<vmem>>, vector<16xf32>,
          %mul3A_1321 = arith.mulf %get3A_1320, %gather3A_1264 : vector<16xf32>
          %swap3A_1322 = arith.index_cast %add3A_1268 : i32 to index
          %swap3A_1323 = arith.constant 112 : index
          %swap3A_1324 = tpu.vector_load %arg16[%swap3A_1322, %swap3A_1323] {strides = array<i32>} : memref<128x128xf32, #tpu.memory_space<vmem>>, vector<16xf32>,
          tpu.vector_store %arg16[%swap3A_1322, %swap3A_1323], %mul3A_1321 {strides = array<i32>} : memref<128x128xf32, #tpu.memory_space<vmem>>, vector<16xf32>,
          %scan3A_1325 = arith.constant 0 : i32
          scf.yield %scan3A_1325 : i32
        }
        %scan3A_143 = arith.constant 2 : i32
        %mul3A_144 = arith.constant 32 : i32
        %mul3A_145 = arith.muli %scan3A_135, %mul3A_144 : i32
        %dma_start3A_146 = arith.constant 0 : i32
        %dma_start3A_147 = tpu.memref_slice %arg16[%mul3A_145, %dma_start3A_146] : memref<128x128xf32, #tpu.memory_space<vmem>> -> memref<32x128xf32, #tpu.memory_space<vmem>>
        %dma_start3A_148 = arith.constant 0 : i32
        %dma_start3A_149 = tpu.memref_slice %arg12[%scan3A_135, %dma_start3A_148] : memref<4x32xi32, #tpu.memory_space<vmem>> -> memref<1x32xi32, #tpu.memory_space<vmem>>
        %dma_start3A_150 = tpu.memref_squeeze %dma_start3A_149 : memref<1x32xi32, #tpu.memory_space<vmem>> -> memref<32xi32, #tpu.memory_space<vmem>>
        %dma_start3A_151 = arith.constant 0 : i32
        %dma_start3A_152 = arith.constant 0 : i32
        %dma_start3A_153 = tpu.memref_slice %arg21[%dma_start3A_151, %dma_start3A_152] : memref<10240x128xf32, #tpu.memory_space<vmem_shared>> -> memref<10240x128xf32, #tpu.memory_space<vmem_shared>>
        tpu.enqueue_indirect_dma source(%dma_start3A_147 : memref<32x128xf32, #tpu.memory_space<vmem>>) target(%dma_start3A_153 : memref<10240x128xf32, #tpu.memory_space<vmem_shared>>) offsets(%dma_start3A_150 : memref<32xi32, #tpu.memory_space<vmem>>) semaphore(%arg20 : memref<!tpu.dma_semaphore, #tpu.memory_space<semaphore_mem>>) {add = true}
        %scan3A_154 = arith.constant 0 : i32
        scf.yield %scan3A_154 : i32
      }
      %scan3A_133 = arith.constant 4 : i32
      %scan3A_134 = arith.constant 0 : i32
      scf.yield %scan3A_134 : i32
    }
    %scan3A_36 = arith.constant 40 : i32
    %dma_wait3A = arith.constant 0 : i32
    %dma_wait3A_37 = arith.constant 0 : i32
    %dma_wait3A_38 = arith.constant 0 : i32
    %dma_wait3A_39 = tpu.memref_slice %arg16[%dma_wait3A_37, %dma_wait3A_38] : memref<128x128xf32, #tpu.memory_space<vmem>> -> memref<32x128xf32, #tpu.memory_space<vmem>>
    %dma_wait3A_40 = arith.constant 0 : i32
    %dma_wait3A_41 = tpu.memref_slice %arg12[%dma_wait3A, %dma_wait3A_40] : memref<4x32xi32, #tpu.memory_space<vmem>> -> memref<1x32xi32, #tpu.memory_space<vmem>>
    %dma_wait3A_42 = tpu.memref_squeeze %dma_wait3A_41 : memref<1x32xi32, #tpu.memory_space<vmem>> -> memref<32xi32, #tpu.memory_space<vmem>>
    %dma_wait3A_43 = arith.constant 0 : i32
    %dma_wait3A_44 = arith.constant 0 : i32
    %dma_wait3A_45 = tpu.memref_slice %arg21[%dma_wait3A_43, %dma_wait3A_44] : memref<10240x128xf32, #tpu.memory_space<vmem_shared>> -> memref<10240x128xf32, #tpu.memory_space<vmem_shared>>
    tpu.wait_indirect_dma semaphore(%arg20 : memref<!tpu.dma_semaphore, #tpu.memory_space<semaphore_mem>>) src(%dma_wait3A_39 : memref<32x128xf32, #tpu.memory_space<vmem>>) dst(%dma_wait3A_45 : memref<10240x128xf32, #tpu.memory_space<vmem_shared>>)
    %dma_wait3A_46 = arith.constant 1 : i32
    %dma_wait3A_47 = arith.constant 32 : i32
    %dma_wait3A_48 = arith.constant 0 : i32
    %dma_wait3A_49 = tpu.memref_slice %arg16[%dma_wait3A_47, %dma_wait3A_48] : memref<128x128xf32, #tpu.memory_space<vmem>> -> memref<32x128xf32, #tpu.memory_space<vmem>>
    %dma_wait3A_50 = arith.constant 0 : i32
    %dma_wait3A_51 = tpu.memref_slice %arg12[%dma_wait3A_46, %dma_wait3A_50] : memref<4x32xi32, #tpu.memory_space<vmem>> -> memref<1x32xi32, #tpu.memory_space<vmem>>
    %dma_wait3A_52 = tpu.memref_squeeze %dma_wait3A_51 : memref<1x32xi32, #tpu.memory_space<vmem>> -> memref<32xi32, #tpu.memory_space<vmem>>
    %dma_wait3A_53 = arith.constant 0 : i32
    %dma_wait3A_54 = arith.constant 0 : i32
    %dma_wait3A_55 = tpu.memref_slice %arg21[%dma_wait3A_53, %dma_wait3A_54] : memref<10240x128xf32, #tpu.memory_space<vmem_shared>> -> memref<10240x128xf32, #tpu.memory_space<vmem_shared>>
    tpu.wait_indirect_dma semaphore(%arg20 : memref<!tpu.dma_semaphore, #tpu.memory_space<semaphore_mem>>) src(%dma_wait3A_49 : memref<32x128xf32, #tpu.memory_space<vmem>>) dst(%dma_wait3A_55 : memref<10240x128xf32, #tpu.memory_space<vmem_shared>>)
    %dma_wait3A_56 = arith.constant 2 : i32
    %dma_wait3A_57 = arith.constant 64 : i32
    %dma_wait3A_58 = arith.constant 0 : i32
    %dma_wait3A_59 = tpu.memref_slice %arg16[%dma_wait3A_57, %dma_wait3A_58] : memref<128x128xf32, #tpu.memory_space<vmem>> -> memref<32x128xf32, #tpu.memory_space<vmem>>
    %dma_wait3A_60 = arith.constant 0 : i32
    %dma_wait3A_61 = tpu.memref_slice %arg12[%dma_wait3A_56, %dma_wait3A_60] : memref<4x32xi32, #tpu.memory_space<vmem>> -> memref<1x32xi32, #tpu.memory_space<vmem>>
    %dma_wait3A_62 = tpu.memref_squeeze %dma_wait3A_61 : memref<1x32xi32, #tpu.memory_space<vmem>> -> memref<32xi32, #tpu.memory_space<vmem>>
    %dma_wait3A_63 = arith.constant 0 : i32
    %dma_wait3A_64 = arith.constant 0 : i32
    %dma_wait3A_65 = tpu.memref_slice %arg21[%dma_wait3A_63, %dma_wait3A_64] : memref<10240x128xf32, #tpu.memory_space<vmem_shared>> -> memref<10240x128xf32, #tpu.memory_space<vmem_shared>>
    tpu.wait_indirect_dma semaphore(%arg20 : memref<!tpu.dma_semaphore, #tpu.memory_space<semaphore_mem>>) src(%dma_wait3A_59 : memref<32x128xf32, #tpu.memory_space<vmem>>) dst(%dma_wait3A_65 : memref<10240x128xf32, #tpu.memory_space<vmem_shared>>)
    %dma_wait3A_66 = arith.constant 3 : i32
    %dma_wait3A_67 = arith.constant 96 : i32
    %dma_wait3A_68 = arith.constant 0 : i32
    %dma_wait3A_69 = tpu.memref_slice %arg16[%dma_wait3A_67, %dma_wait3A_68] : memref<128x128xf32, #tpu.memory_space<vmem>> -> memref<32x128xf32, #tpu.memory_space<vmem>>
    %dma_wait3A_70 = arith.constant 0 : i32
    %dma_wait3A_71 = tpu.memref_slice %arg12[%dma_wait3A_66, %dma_wait3A_70] : memref<4x32xi32, #tpu.memory_space<vmem>> -> memref<1x32xi32, #tpu.memory_space<vmem>>
    %dma_wait3A_72 = tpu.memref_squeeze %dma_wait3A_71 : memref<1x32xi32, #tpu.memory_space<vmem>> -> memref<32xi32, #tpu.memory_space<vmem>>
    %dma_wait3A_73 = arith.constant 0 : i32
    %dma_wait3A_74 = arith.constant 0 : i32
    %dma_wait3A_75 = tpu.memref_slice %arg21[%dma_wait3A_73, %dma_wait3A_74] : memref<10240x128xf32, #tpu.memory_space<vmem_shared>> -> memref<10240x128xf32, #tpu.memory_space<vmem_shared>>
    tpu.wait_indirect_dma semaphore(%arg20 : memref<!tpu.dma_semaphore, #tpu.memory_space<semaphore_mem>>) src(%dma_wait3A_69 : memref<32x128xf32, #tpu.memory_space<vmem>>) dst(%dma_wait3A_75 : memref<10240x128xf32, #tpu.memory_space<vmem_shared>>)
    %barrier3A_76 = arith.constant 0 : index
    tpu.barrier barrier_id(%barrier3A_76)
    %scan3A_77 = arith.constant 0 : i32
    %scan3A_78 = arith.constant 0 : i32
    %scan3A_79 = arith.constant 5 : i32
    %scan3A_80 = arith.addi %scan3A_78, %scan3A_79 : i32
    %scan3A_81 = arith.constant 1 : i32
    %scan3A_82 = scf.for %scan3A_84 = %scan3A_78 to %scan3A_80 step %scan3A_81 iter_args(%scan3A_85 = %scan3A_77) -> (i32)  : i32 {
      %mul3A_86 = arith.constant 640 : i32
      %mul3A_87 = arith.muli %arg1, %mul3A_86 : i32
      %mul3A_88 = arith.constant 128 : i32
      %mul3A_89 = arith.muli %scan3A_84, %mul3A_88 : i32
      %add3A_90 = arith.addi %mul3A_87, %mul3A_89 : i32
      "tpu.region"() ({
        %run_scoped3A = tpu.sem_alloc : memref<!tpu.dma_semaphore, #tpu.memory_space<semaphore_mem>>
        %dma_start3A_95 = arith.constant 0 : i32
        %dma_start3A_96 = tpu.memref_slice %arg21[%add3A_90, %dma_start3A_95] : memref<10240x128xf32, #tpu.memory_space<vmem_shared>> -> memref<128x128xf32, #tpu.memory_space<vmem_shared>>
        %dma_start3A_97 = arith.constant 0 : i32
        %dma_start3A_98 = tpu.memref_slice %arg21[%add3A_90, %dma_start3A_97] : memref<10240x128xf32, #tpu.memory_space<vmem_shared>> -> memref<128x128xf32, #tpu.memory_space<vmem_shared>>
        tpu.enqueue_dma source(%dma_start3A_98 : memref<128x128xf32, #tpu.memory_space<vmem_shared>>) target(%arg15 : memref<128x128xf32, #tpu.memory_space<vmem>>) target_semaphore(%run_scoped3A : memref<!tpu.dma_semaphore, #tpu.memory_space<semaphore_mem>>)
        %dma_wait3A_99 = arith.constant 0 : i32
        %dma_wait3A_100 = tpu.memref_slice %arg21[%add3A_90, %dma_wait3A_99] : memref<10240x128xf32, #tpu.memory_space<vmem_shared>> -> memref<128x128xf32, #tpu.memory_space<vmem_shared>>
        %dma_wait3A_101 = arith.constant 0 : i32
        %dma_wait3A_102 = tpu.memref_slice %arg21[%add3A_90, %dma_wait3A_101] : memref<10240x128xf32, #tpu.memory_space<vmem_shared>> -> memref<128x128xf32, #tpu.memory_space<vmem_shared>>
        tpu.wait_dma2 semaphore(%run_scoped3A : memref<!tpu.dma_semaphore, #tpu.memory_space<semaphore_mem>>) src(%dma_wait3A_102 : memref<128x128xf32, #tpu.memory_space<vmem_shared>>) dst(%arg15 : memref<128x128xf32, #tpu.memory_space<vmem>>)
        tpu.yield
      }) : () -> ()
      %mul3A_91 = arith.constant 10240 : i32
      %mul3A_92 = arith.muli %arg0, %mul3A_91 : i32
      %add3A_93 = arith.addi %mul3A_92, %add3A_90 : i32
      "tpu.region"() ({
        %run_scoped3A = tpu.sem_alloc : memref<!tpu.dma_semaphore, #tpu.memory_space<semaphore_mem>>
        %dma_start3A_95 = arith.constant 0 : i32
        %dma_start3A_96 = tpu.memref_slice %arg6[%add3A_93, %dma_start3A_95] : memref<20480x128xf32, #tpu.memory_space<hbm>> -> memref<128x128xf32, #tpu.memory_space<hbm>>
        %dma_start3A_97 = arith.constant 0 : i32
        %dma_start3A_98 = tpu.memref_slice %arg6[%add3A_93, %dma_start3A_97] : memref<20480x128xf32, #tpu.memory_space<hbm>> -> memref<128x128xf32, #tpu.memory_space<hbm>>
        tpu.enqueue_dma source(%arg15 : memref<128x128xf32, #tpu.memory_space<vmem>>) target(%dma_start3A_98 : memref<128x128xf32, #tpu.memory_space<hbm>>) target_semaphore(%run_scoped3A : memref<!tpu.dma_semaphore, #tpu.memory_space<semaphore_mem>>)
        %dma_wait3A_99 = arith.constant 0 : i32
        %dma_wait3A_100 = tpu.memref_slice %arg6[%add3A_93, %dma_wait3A_99] : memref<20480x128xf32, #tpu.memory_space<hbm>> -> memref<128x128xf32, #tpu.memory_space<hbm>>
        %dma_wait3A_101 = arith.constant 0 : i32
        %dma_wait3A_102 = tpu.memref_slice %arg6[%add3A_93, %dma_wait3A_101] : memref<20480x128xf32, #tpu.memory_space<hbm>> -> memref<128x128xf32, #tpu.memory_space<hbm>>
        tpu.wait_dma2 semaphore(%run_scoped3A : memref<!tpu.dma_semaphore, #tpu.memory_space<semaphore_mem>>) src(%arg15 : memref<128x128xf32, #tpu.memory_space<vmem>>) dst(%dma_wait3A_102 : memref<128x128xf32, #tpu.memory_space<hbm>>)
        tpu.yield
      }) : () -> ()
      %scan3A_94 = arith.constant 0 : i32
      scf.yield %scan3A_94 : i32
    }
    %scan3A_83 = arith.constant 5 : i32
    return
  }
}

#map = affine_map<(d0, d1) -> (0)>
module attributes {stable_mosaic.version = 14 : i64} {
  func.func @_deg_body(%arg0: i32, %arg1: i32, %arg2: memref<327680xi32, #tpu.memory_space<hbm>>, %arg3: memref<327680xf32, #tpu.memory_space<hbm>>, %arg4: memref<320000xf32, #tpu.memory_space<hbm>>, %arg5: memref<10240xi32, #tpu.memory_space<vmem>>, %arg6: memref<10240xf32, #tpu.memory_space<vmem>>, %arg7: memref<10000xf32, #tpu.memory_space<vmem>>) attributes {dimension_semantics = [#tpu.dimension_semantics<core_parallel>, #tpu.dimension_semantics<subcore_parallel>], iteration_bounds = array<i64: 2, 16>, scalar_prefetch = 0 : i64, scratch_operands = 3 : i64, tpu.core_type = #tpu.core_type<sc_vector_subcore>, window_params = [{transform_indices = #map}, {transform_indices = #map}, {transform_indices = #map}]} {
    %mul3A = arith.constant 2 : i32
    %mul3A_0 = arith.muli %arg1, %mul3A : i32
    %add3A = arith.addi %mul3A_0, %arg0 : i32
    %mul3A_1 = arith.constant 10240 : i32
    %mul3A_2 = arith.muli %add3A, %mul3A_1 : i32
    "tpu.region"() ({
      %run_scoped3A = tpu.sem_alloc : memref<!tpu.dma_semaphore, #tpu.memory_space<semaphore_mem>>
      %dma_start3A = tpu.memref_slice %arg2[%mul3A_2] : memref<327680xi32, #tpu.memory_space<hbm>> -> memref<10240xi32, #tpu.memory_space<hbm>>
      %dma_start3A_19 = tpu.memref_slice %arg2[%mul3A_2] : memref<327680xi32, #tpu.memory_space<hbm>> -> memref<10240xi32, #tpu.memory_space<hbm>>
      tpu.enqueue_dma source(%dma_start3A_19 : memref<10240xi32, #tpu.memory_space<hbm>>) target(%arg5 : memref<10240xi32, #tpu.memory_space<vmem>>) target_semaphore(%run_scoped3A : memref<!tpu.dma_semaphore, #tpu.memory_space<semaphore_mem>>)
      %dma_wait3A = tpu.memref_slice %arg2[%mul3A_2] : memref<327680xi32, #tpu.memory_space<hbm>> -> memref<10240xi32, #tpu.memory_space<hbm>>
      %dma_wait3A_20 = tpu.memref_slice %arg2[%mul3A_2] : memref<327680xi32, #tpu.memory_space<hbm>> -> memref<10240xi32, #tpu.memory_space<hbm>>
      tpu.wait_dma2 semaphore(%run_scoped3A : memref<!tpu.dma_semaphore, #tpu.memory_space<semaphore_mem>>) src(%dma_wait3A_20 : memref<10240xi32, #tpu.memory_space<hbm>>) dst(%arg5 : memref<10240xi32, #tpu.memory_space<vmem>>)
      tpu.yield
    }) : () -> ()
    "tpu.region"() ({
      %run_scoped3A = tpu.sem_alloc : memref<!tpu.dma_semaphore, #tpu.memory_space<semaphore_mem>>
      %dma_start3A = tpu.memref_slice %arg3[%mul3A_2] : memref<327680xf32, #tpu.memory_space<hbm>> -> memref<10240xf32, #tpu.memory_space<hbm>>
      %dma_start3A_19 = tpu.memref_slice %arg3[%mul3A_2] : memref<327680xf32, #tpu.memory_space<hbm>> -> memref<10240xf32, #tpu.memory_space<hbm>>
      tpu.enqueue_dma source(%dma_start3A_19 : memref<10240xf32, #tpu.memory_space<hbm>>) target(%arg6 : memref<10240xf32, #tpu.memory_space<vmem>>) target_semaphore(%run_scoped3A : memref<!tpu.dma_semaphore, #tpu.memory_space<semaphore_mem>>)
      %dma_wait3A = tpu.memref_slice %arg3[%mul3A_2] : memref<327680xf32, #tpu.memory_space<hbm>> -> memref<10240xf32, #tpu.memory_space<hbm>>
      %dma_wait3A_20 = tpu.memref_slice %arg3[%mul3A_2] : memref<327680xf32, #tpu.memory_space<hbm>> -> memref<10240xf32, #tpu.memory_space<hbm>>
      tpu.wait_dma2 semaphore(%run_scoped3A : memref<!tpu.dma_semaphore, #tpu.memory_space<semaphore_mem>>) src(%dma_wait3A_20 : memref<10240xf32, #tpu.memory_space<hbm>>) dst(%arg6 : memref<10240xf32, #tpu.memory_space<vmem>>)
      tpu.yield
    }) : () -> ()
    %broadcast_in_dim3A = arith.constant 0.000000e+00 : f32
    %broadcast_in_dim3A_3 = vector.broadcast %broadcast_in_dim3A : f32 to vector<16xf32>
    %scan3A = arith.constant 0 : i32
    %scan3A_4 = arith.constant 0 : i32
    %scan3A_5 = arith.constant 625 : i32
    %scan3A_6 = arith.addi %scan3A_4, %scan3A_5 : i32
    %scan3A_7 = arith.constant 1 : i32
    %scan3A_8 = scf.for %scan3A_19 = %scan3A_4 to %scan3A_6 step %scan3A_7 iter_args(%scan3A_20 = %scan3A) -> (i32)  : i32 {
      %mul3A_21 = arith.constant 16 : i32
      %mul3A_22 = arith.muli %scan3A_19, %mul3A_21 : i32
      %swap3A = arith.index_cast %mul3A_22 : i32 to index
      %swap3A_23 = tpu.vector_load %arg7[%swap3A] {strides = array<i32>} : memref<10000xf32, #tpu.memory_space<vmem>>, vector<16xf32>,
      tpu.vector_store %arg7[%swap3A], %broadcast_in_dim3A_3 {strides = array<i32>} : memref<10000xf32, #tpu.memory_space<vmem>>, vector<16xf32>,
      %scan3A_24 = arith.constant 0 : i32
      scf.yield %scan3A_24 : i32
    }
    %scan3A_9 = arith.constant 625 : i32
    %iota3A = tpu.iota {dimensions = array<i32: 0>} : vector<16xi32>
    %scan3A_10 = arith.constant 0 : i32
    %scan3A_11 = arith.constant 0 : i32
    %scan3A_12 = arith.constant 640 : i32
    %scan3A_13 = arith.addi %scan3A_11, %scan3A_12 : i32
    %scan3A_14 = arith.constant 1 : i32
    %scan3A_15 = scf.for %scan3A_19 = %scan3A_11 to %scan3A_13 step %scan3A_14 iter_args(%scan3A_20 = %scan3A_10) -> (i32)  : i32 {
      %mul3A_21 = arith.constant 16 : i32
      %mul3A_22 = arith.muli %scan3A_19, %mul3A_21 : i32
      %get3A = arith.index_cast %mul3A_22 : i32 to index
      %get3A_23 = tpu.vector_load %arg5[%get3A] {strides = array<i32>} : memref<10240xi32, #tpu.memory_space<vmem>>, vector<16xi32>,
      %mul3A_24 = arith.constant 16 : i32
      %mul3A_25 = arith.muli %scan3A_19, %mul3A_24 : i32
      %get3A_26 = arith.index_cast %mul3A_25 : i32 to index
      %get3A_27 = tpu.vector_load %arg6[%get3A_26] {strides = array<i32>} : memref<10240xf32, #tpu.memory_space<vmem>>, vector<16xf32>,
      %masked_sort3A = arith.constant dense<true> : vector<16xi1>
      %masked_sort3A_28 = arith.constant -2147483648 : i32
      %masked_sort3A_29 = vector.broadcast %masked_sort3A_28 : i32 to vector<16xi32>
      %masked_sort3A_30 = arith.xori %get3A_23, %masked_sort3A_29 : vector<16xi32>
      %masked_sort3A_31, %masked_sort3A_32, %masked_sort3A_33 = tpu.sort %masked_sort3A_30, %get3A_27 masked %masked_sort3A : (vector<16xi32>, vector<16xf32>, vector<16xi1>) -> (vector<16xi1>, vector<16xi32>, vector<16xf32>)
      %masked_sort3A_34 = arith.xori %masked_sort3A_32, %masked_sort3A_29 : vector<16xi32>
      %sub3A = arith.constant 1 : i32
      %sub3A_35 = vector.broadcast %sub3A : i32 to vector<16xi32>
      %sub3A_36 = arith.subi %iota3A, %sub3A_35 : vector<16xi32>
      %max3A = arith.constant 0 : i32
      %max3A_37 = vector.broadcast %max3A : i32 to vector<16xi32>
      %max3A_38 = arith.maxsi %sub3A_36, %max3A_37 : vector<16xi32>
      %lt3A = arith.constant 0 : i32
      %lt3A_39 = vector.broadcast %lt3A : i32 to vector<16xi32>
      %lt3A_40 = arith.cmpi slt, %max3A_38, %lt3A_39 : vector<16xi32>
      %add3A_41 = arith.constant 16 : i32
      %add3A_42 = vector.broadcast %add3A_41 : i32 to vector<16xi32>
      %add3A_43 = arith.addi %max3A_38, %add3A_42 : vector<16xi32>
      %select_n3A = arith.select %lt3A_40, %add3A_43, %max3A_38 : vector<16xi1>, vector<16xi32>
      %broadcast_in_dim3A_44 = vector.shape_cast %select_n3A : vector<16xi32> to vector<16x1xi32>
      %gather3A = vector.shape_cast %broadcast_in_dim3A_44 : vector<16x1xi32> to vector<16xi32>
      %gather3A_45 = tpu.dynamic_gather %masked_sort3A_34[%gather3A] in [0] : vector<16xi32>, vector<16xi32> -> vector<16xi32>
      %lt3A_46 = arith.constant 0 : i32
      %lt3A_47 = vector.broadcast %lt3A_46 : i32 to vector<16xi32>
      %lt3A_48 = arith.cmpi slt, %max3A_38, %lt3A_47 : vector<16xi32>
      %add3A_49 = arith.constant 16 : i32
      %add3A_50 = vector.broadcast %add3A_49 : i32 to vector<16xi32>
      %add3A_51 = arith.addi %max3A_38, %add3A_50 : vector<16xi32>
      %select_n3A_52 = arith.select %lt3A_48, %add3A_51, %max3A_38 : vector<16xi1>, vector<16xi32>
      %broadcast_in_dim3A_53 = vector.shape_cast %select_n3A_52 : vector<16xi32> to vector<16x1xi32>
      %gather3A_54 = vector.shape_cast %broadcast_in_dim3A_53 : vector<16x1xi32> to vector<16xi32>
      %gather3A_55 = tpu.dynamic_gather %masked_sort3A_33[%gather3A_54] in [0] : vector<16xf32>, vector<16xi32> -> vector<16xf32>
      %ge3A = arith.constant 1 : i32
      %ge3A_56 = vector.broadcast %ge3A : i32 to vector<16xi32>
      %ge3A_57 = arith.cmpi sge, %iota3A, %ge3A_56 : vector<16xi32>
      %eq3A = arith.cmpi eq, %gather3A_45, %masked_sort3A_34 : vector<16xi32>
      %and3A = arith.andi %ge3A_57, %eq3A : vector<16xi1>
      %jit3A = arith.constant 0.000000e+00 : f32
      %broadcast_in_dim3A_58 = vector.broadcast %jit3A : f32 to vector<16xf32>
      %select_n3A_59 = arith.select %and3A, %gather3A_55, %broadcast_in_dim3A_58 : vector<16xi1>, vector<16xf32>
      %add3A_60 = arith.addf %masked_sort3A_33, %select_n3A_59 : vector<16xf32>
      %sub3A_61 = arith.constant 2 : i32
      %sub3A_62 = vector.broadcast %sub3A_61 : i32 to vector<16xi32>
      %sub3A_63 = arith.subi %iota3A, %sub3A_62 : vector<16xi32>
      %max3A_64 = arith.constant 0 : i32
      %max3A_65 = vector.broadcast %max3A_64 : i32 to vector<16xi32>
      %max3A_66 = arith.maxsi %sub3A_63, %max3A_65 : vector<16xi32>
      %lt3A_67 = arith.constant 0 : i32
      %lt3A_68 = vector.broadcast %lt3A_67 : i32 to vector<16xi32>
      %lt3A_69 = arith.cmpi slt, %max3A_66, %lt3A_68 : vector<16xi32>
      %add3A_70 = arith.constant 16 : i32
      %add3A_71 = vector.broadcast %add3A_70 : i32 to vector<16xi32>
      %add3A_72 = arith.addi %max3A_66, %add3A_71 : vector<16xi32>
      %select_n3A_73 = arith.select %lt3A_69, %add3A_72, %max3A_66 : vector<16xi1>, vector<16xi32>
      %broadcast_in_dim3A_74 = vector.shape_cast %select_n3A_73 : vector<16xi32> to vector<16x1xi32>
      %gather3A_75 = vector.shape_cast %broadcast_in_dim3A_74 : vector<16x1xi32> to vector<16xi32>
      %gather3A_76 = tpu.dynamic_gather %masked_sort3A_34[%gather3A_75] in [0] : vector<16xi32>, vector<16xi32> -> vector<16xi32>
      %lt3A_77 = arith.constant 0 : i32
      %lt3A_78 = vector.broadcast %lt3A_77 : i32 to vector<16xi32>
      %lt3A_79 = arith.cmpi slt, %max3A_66, %lt3A_78 : vector<16xi32>
      %add3A_80 = arith.constant 16 : i32
      %add3A_81 = vector.broadcast %add3A_80 : i32 to vector<16xi32>
      %add3A_82 = arith.addi %max3A_66, %add3A_81 : vector<16xi32>
      %select_n3A_83 = arith.select %lt3A_79, %add3A_82, %max3A_66 : vector<16xi1>, vector<16xi32>
      %broadcast_in_dim3A_84 = vector.shape_cast %select_n3A_83 : vector<16xi32> to vector<16x1xi32>
      %gather3A_85 = vector.shape_cast %broadcast_in_dim3A_84 : vector<16x1xi32> to vector<16xi32>
      %gather3A_86 = tpu.dynamic_gather %add3A_60[%gather3A_85] in [0] : vector<16xf32>, vector<16xi32> -> vector<16xf32>
      %ge3A_87 = arith.constant 2 : i32
      %ge3A_88 = vector.broadcast %ge3A_87 : i32 to vector<16xi32>
      %ge3A_89 = arith.cmpi sge, %iota3A, %ge3A_88 : vector<16xi32>
      %eq3A_90 = arith.cmpi eq, %gather3A_76, %masked_sort3A_34 : vector<16xi32>
      %and3A_91 = arith.andi %ge3A_89, %eq3A_90 : vector<16xi1>
      %jit3A_92 = arith.constant 0.000000e+00 : f32
      %broadcast_in_dim3A_93 = vector.broadcast %jit3A_92 : f32 to vector<16xf32>
      %select_n3A_94 = arith.select %and3A_91, %gather3A_86, %broadcast_in_dim3A_93 : vector<16xi1>, vector<16xf32>
      %add3A_95 = arith.addf %add3A_60, %select_n3A_94 : vector<16xf32>
      %sub3A_96 = arith.constant 4 : i32
      %sub3A_97 = vector.broadcast %sub3A_96 : i32 to vector<16xi32>
      %sub3A_98 = arith.subi %iota3A, %sub3A_97 : vector<16xi32>
      %max3A_99 = arith.constant 0 : i32
      %max3A_100 = vector.broadcast %max3A_99 : i32 to vector<16xi32>
      %max3A_101 = arith.maxsi %sub3A_98, %max3A_100 : vector<16xi32>
      %lt3A_102 = arith.constant 0 : i32
      %lt3A_103 = vector.broadcast %lt3A_102 : i32 to vector<16xi32>
      %lt3A_104 = arith.cmpi slt, %max3A_101, %lt3A_103 : vector<16xi32>
      %add3A_105 = arith.constant 16 : i32
      %add3A_106 = vector.broadcast %add3A_105 : i32 to vector<16xi32>
      %add3A_107 = arith.addi %max3A_101, %add3A_106 : vector<16xi32>
      %select_n3A_108 = arith.select %lt3A_104, %add3A_107, %max3A_101 : vector<16xi1>, vector<16xi32>
      %broadcast_in_dim3A_109 = vector.shape_cast %select_n3A_108 : vector<16xi32> to vector<16x1xi32>
      %gather3A_110 = vector.shape_cast %broadcast_in_dim3A_109 : vector<16x1xi32> to vector<16xi32>
      %gather3A_111 = tpu.dynamic_gather %masked_sort3A_34[%gather3A_110] in [0] : vector<16xi32>, vector<16xi32> -> vector<16xi32>
      %lt3A_112 = arith.constant 0 : i32
      %lt3A_113 = vector.broadcast %lt3A_112 : i32 to vector<16xi32>
      %lt3A_114 = arith.cmpi slt, %max3A_101, %lt3A_113 : vector<16xi32>
      %add3A_115 = arith.constant 16 : i32
      %add3A_116 = vector.broadcast %add3A_115 : i32 to vector<16xi32>
      %add3A_117 = arith.addi %max3A_101, %add3A_116 : vector<16xi32>
      %select_n3A_118 = arith.select %lt3A_114, %add3A_117, %max3A_101 : vector<16xi1>, vector<16xi32>
      %broadcast_in_dim3A_119 = vector.shape_cast %select_n3A_118 : vector<16xi32> to vector<16x1xi32>
      %gather3A_120 = vector.shape_cast %broadcast_in_dim3A_119 : vector<16x1xi32> to vector<16xi32>
      %gather3A_121 = tpu.dynamic_gather %add3A_95[%gather3A_120] in [0] : vector<16xf32>, vector<16xi32> -> vector<16xf32>
      %ge3A_122 = arith.constant 4 : i32
      %ge3A_123 = vector.broadcast %ge3A_122 : i32 to vector<16xi32>
      %ge3A_124 = arith.cmpi sge, %iota3A, %ge3A_123 : vector<16xi32>
      %eq3A_125 = arith.cmpi eq, %gather3A_111, %masked_sort3A_34 : vector<16xi32>
      %and3A_126 = arith.andi %ge3A_124, %eq3A_125 : vector<16xi1>
      %jit3A_127 = arith.constant 0.000000e+00 : f32
      %broadcast_in_dim3A_128 = vector.broadcast %jit3A_127 : f32 to vector<16xf32>
      %select_n3A_129 = arith.select %and3A_126, %gather3A_121, %broadcast_in_dim3A_128 : vector<16xi1>, vector<16xf32>
      %add3A_130 = arith.addf %add3A_95, %select_n3A_129 : vector<16xf32>
      %sub3A_131 = arith.constant 8 : i32
      %sub3A_132 = vector.broadcast %sub3A_131 : i32 to vector<16xi32>
      %sub3A_133 = arith.subi %iota3A, %sub3A_132 : vector<16xi32>
      %max3A_134 = arith.constant 0 : i32
      %max3A_135 = vector.broadcast %max3A_134 : i32 to vector<16xi32>
      %max3A_136 = arith.maxsi %sub3A_133, %max3A_135 : vector<16xi32>
      %lt3A_137 = arith.constant 0 : i32
      %lt3A_138 = vector.broadcast %lt3A_137 : i32 to vector<16xi32>
      %lt3A_139 = arith.cmpi slt, %max3A_136, %lt3A_138 : vector<16xi32>
      %add3A_140 = arith.constant 16 : i32
      %add3A_141 = vector.broadcast %add3A_140 : i32 to vector<16xi32>
      %add3A_142 = arith.addi %max3A_136, %add3A_141 : vector<16xi32>
      %select_n3A_143 = arith.select %lt3A_139, %add3A_142, %max3A_136 : vector<16xi1>, vector<16xi32>
      %broadcast_in_dim3A_144 = vector.shape_cast %select_n3A_143 : vector<16xi32> to vector<16x1xi32>
      %gather3A_145 = vector.shape_cast %broadcast_in_dim3A_144 : vector<16x1xi32> to vector<16xi32>
      %gather3A_146 = tpu.dynamic_gather %masked_sort3A_34[%gather3A_145] in [0] : vector<16xi32>, vector<16xi32> -> vector<16xi32>
      %lt3A_147 = arith.constant 0 : i32
      %lt3A_148 = vector.broadcast %lt3A_147 : i32 to vector<16xi32>
      %lt3A_149 = arith.cmpi slt, %max3A_136, %lt3A_148 : vector<16xi32>
      %add3A_150 = arith.constant 16 : i32
      %add3A_151 = vector.broadcast %add3A_150 : i32 to vector<16xi32>
      %add3A_152 = arith.addi %max3A_136, %add3A_151 : vector<16xi32>
      %select_n3A_153 = arith.select %lt3A_149, %add3A_152, %max3A_136 : vector<16xi1>, vector<16xi32>
      %broadcast_in_dim3A_154 = vector.shape_cast %select_n3A_153 : vector<16xi32> to vector<16x1xi32>
      %gather3A_155 = vector.shape_cast %broadcast_in_dim3A_154 : vector<16x1xi32> to vector<16xi32>
      %gather3A_156 = tpu.dynamic_gather %add3A_130[%gather3A_155] in [0] : vector<16xf32>, vector<16xi32> -> vector<16xf32>
      %ge3A_157 = arith.constant 8 : i32
      %ge3A_158 = vector.broadcast %ge3A_157 : i32 to vector<16xi32>
      %ge3A_159 = arith.cmpi sge, %iota3A, %ge3A_158 : vector<16xi32>
      %eq3A_160 = arith.cmpi eq, %gather3A_146, %masked_sort3A_34 : vector<16xi32>
      %and3A_161 = arith.andi %ge3A_159, %eq3A_160 : vector<16xi1>
      %jit3A_162 = arith.constant 0.000000e+00 : f32
      %broadcast_in_dim3A_163 = vector.broadcast %jit3A_162 : f32 to vector<16xf32>
      %select_n3A_164 = arith.select %and3A_161, %gather3A_156, %broadcast_in_dim3A_163 : vector<16xi1>, vector<16xf32>
      %add3A_165 = arith.addf %add3A_130, %select_n3A_164 : vector<16xf32>
      %add3A_166 = arith.constant 1 : i32
      %add3A_167 = vector.broadcast %add3A_166 : i32 to vector<16xi32>
      %add3A_168 = arith.addi %iota3A, %add3A_167 : vector<16xi32>
      %min3A = arith.constant 15 : i32
      %min3A_169 = vector.broadcast %min3A : i32 to vector<16xi32>
      %min3A_170 = arith.minsi %add3A_168, %min3A_169 : vector<16xi32>
      %lt3A_171 = arith.constant 0 : i32
      %lt3A_172 = vector.broadcast %lt3A_171 : i32 to vector<16xi32>
      %lt3A_173 = arith.cmpi slt, %min3A_170, %lt3A_172 : vector<16xi32>
      %add3A_174 = arith.constant 16 : i32
      %add3A_175 = vector.broadcast %add3A_174 : i32 to vector<16xi32>
      %add3A_176 = arith.addi %min3A_170, %add3A_175 : vector<16xi32>
      %select_n3A_177 = arith.select %lt3A_173, %add3A_176, %min3A_170 : vector<16xi1>, vector<16xi32>
      %broadcast_in_dim3A_178 = vector.shape_cast %select_n3A_177 : vector<16xi32> to vector<16x1xi32>
      %gather3A_179 = vector.shape_cast %broadcast_in_dim3A_178 : vector<16x1xi32> to vector<16xi32>
      %gather3A_180 = tpu.dynamic_gather %masked_sort3A_34[%gather3A_179] in [0] : vector<16xi32>, vector<16xi32> -> vector<16xi32>
      %ne3A = arith.cmpi ne, %masked_sort3A_34, %gather3A_180 : vector<16xi32>
      %eq3A_181 = arith.constant 15 : i32
      %eq3A_182 = vector.broadcast %eq3A_181 : i32 to vector<16xi32>
      %eq3A_183 = arith.cmpi eq, %iota3A, %eq3A_182 : vector<16xi32>
      %or3A = arith.ori %ne3A, %eq3A_183 : vector<16xi1>
      tpu.vector_store_idx %arg7[%masked_sort3A_34], %add3A_165 masked %or3A {add = true} : memref<10000xf32, #tpu.memory_space<vmem>>[vector<16xi32>], vector<16xf32>, vector<16xi1>
      %scan3A_184 = arith.constant 0 : i32
      scf.yield %scan3A_184 : i32
    }
    %scan3A_16 = arith.constant 640 : i32
    %mul3A_17 = arith.constant 10000 : i32
    %mul3A_18 = arith.muli %add3A, %mul3A_17 : i32
    "tpu.region"() ({
      %run_scoped3A = tpu.sem_alloc : memref<!tpu.dma_semaphore, #tpu.memory_space<semaphore_mem>>
      %dma_start3A = tpu.memref_slice %arg4[%mul3A_18] : memref<320000xf32, #tpu.memory_space<hbm>> -> memref<10000xf32, #tpu.memory_space<hbm>>
      %dma_start3A_19 = tpu.memref_slice %arg4[%mul3A_18] : memref<320000xf32, #tpu.memory_space<hbm>> -> memref<10000xf32, #tpu.memory_space<hbm>>
      tpu.enqueue_dma source(%arg7 : memref<10000xf32, #tpu.memory_space<vmem>>) target(%dma_start3A_19 : memref<10000xf32, #tpu.memory_space<hbm>>) target_semaphore(%run_scoped3A : memref<!tpu.dma_semaphore, #tpu.memory_space<semaphore_mem>>)
      %dma_wait3A = tpu.memref_slice %arg4[%mul3A_18] : memref<320000xf32, #tpu.memory_space<hbm>> -> memref<10000xf32, #tpu.memory_space<hbm>>
      %dma_wait3A_20 = tpu.memref_slice %arg4[%mul3A_18] : memref<320000xf32, #tpu.memory_space<hbm>> -> memref<10000xf32, #tpu.memory_space<hbm>>
      tpu.wait_dma2 semaphore(%run_scoped3A : memref<!tpu.dma_semaphore, #tpu.memory_space<semaphore_mem>>) src(%arg7 : memref<10000xf32, #tpu.memory_space<vmem>>) dst(%dma_wait3A_20 : memref<10000xf32, #tpu.memory_space<hbm>>)
      tpu.yield
    }) : () -> ()
    return
  }
}

module attributes {stable_mosaic.version = 14 : i64} {
  func.func @_evolve_body(%arg0: memref<10240x128xf32, #tpu.memory_space<vmem>>, %arg1: memref<1x128xf32, #tpu.memory_space<vmem>>, %arg2: memref<384x128xf32, #tpu.memory_space<vmem>>, %arg3: memref<384x128xf32, #tpu.memory_space<vmem>>, %arg4: memref<1x384xf32, #tpu.memory_space<vmem>>, %arg5: memref<1x384xf32, #tpu.memory_space<vmem>>, %arg6: memref<128x128xf32, #tpu.memory_space<vmem>>, %arg7: memref<10000x128xf32, #tpu.memory_space<vmem>>, %arg8: memref<80x128xf32, #tpu.memory_space<vmem>>, %arg9: memref<128x128xf32, #tpu.memory_space<vmem>>) attributes {dimension_semantics = [], scalar_prefetch = 0 : i64, scratch_operands = 2 : i64, tpu.core_type = #tpu.core_type<tc>} {
    %get3A = arith.constant 0 : index
    %get3A_0 = arith.constant 0 : index
    %get3A_1 = vector.load %arg1[%get3A, %get3A_0] : memref<1x128xf32, #tpu.memory_space<vmem>>, vector<1x128xf32>
    %mul3A = arith.mulf %get3A_1, %get3A_1 : vector<1x128xf32>
    %reduce_sum3A = vector.shape_cast %mul3A : vector<1x128xf32> to vector<1x1x128xf32>
    %reduce_sum3A_2 = arith.constant dense<0.000000e+00> : vector<1xf32>
    %reduce_sum3A_3 = vector.multi_reduction <add>, %reduce_sum3A, %reduce_sum3A_2 [1, 2] : vector<1x1x128xf32> to vector<1xf32>
    %reduce_sum3A_4 = vector.shape_cast %reduce_sum3A_3 : vector<1xf32> to vector<1x1x1xf32>
    %reduce_sum3A_5 = vector.extract %reduce_sum3A_4[0, 0, 0] : f32 from vector<1x1x1xf32>
    %sqrt3A = math.sqrt %reduce_sum3A_5 : f32
    %scan3A = arith.constant 0 : i32
    %scan3A_6 = arith.constant 80 : i32
    %scan3A_7 = arith.addi %scan3A, %scan3A_6 : i32
    %scan3A_8 = arith.constant 1 : i32
    scf.for %scan3A_87 = %scan3A to %scan3A_7 step %scan3A_8  : i32 {
      %mul3A_88 = arith.constant 128 : i32
      %mul3A_89 = arith.muli %scan3A_87, %mul3A_88 : i32
      %get3A_90 = arith.index_cast %mul3A_89 : i32 to index
      %get3A_91 = arith.constant 0 : index
      %get3A_92 = vector.load %arg0[%get3A_90, %get3A_91] : memref<10240x128xf32, #tpu.memory_space<vmem>>, vector<128x128xf32>
      %dot_general3A_93 = arith.constant dense<0.000000e+00> : vector<1x128xf32>
      %dot_general3A_94 = tpu.matmul %get3A_1, %get3A_92, %dot_general3A_93 {dimension_numbers = #tpu.dot_dimension_numbers<[1], [1], [0], [0], [0, 0, 1, 0], [], []>, transpose_lhs_hint = false} : vector<1x128xf32>, vector<128x128xf32>, vector<1x128xf32> -> vector<1x128xf32>
      %div3A = vector.broadcast %sqrt3A : f32 to vector<1x128xf32>
      %div3A_95 = arith.divf %dot_general3A_94, %div3A : vector<1x128xf32>
      %tanh3A_96 = math.tanh %div3A_95 : vector<1x128xf32>
      %swap3A_97 = arith.index_cast %scan3A_87 : i32 to index
      %swap3A_98 = arith.constant 0 : index
      %swap3A_99 = vector.load %arg8[%swap3A_97, %swap3A_98] : memref<80x128xf32, #tpu.memory_space<vmem>>, vector<1x128xf32>
      tpu.vector_store %arg8[%swap3A_97, %swap3A_98], %tanh3A_96 {strides = array<i32>} : memref<80x128xf32, #tpu.memory_space<vmem>>, vector<1x128xf32>,
    }
    %scan3A_9 = arith.constant 80 : i32
    %iota3A = tpu.iota {dimensions = array<i32: 0>} : vector<80x128xi32>
    %iota3A_10 = tpu.iota {dimensions = array<i32: 1>} : vector<80x128xi32>
    %mul3A_11 = arith.constant 128 : i32
    %mul3A_12 = vector.broadcast %mul3A_11 : i32 to vector<80x128xi32>
    %mul3A_13 = arith.muli %iota3A, %mul3A_12 : vector<80x128xi32>
    %add3A = arith.addi %mul3A_13, %iota3A_10 : vector<80x128xi32>
    %lt3A = arith.constant 10000 : i32
    %lt3A_14 = vector.broadcast %lt3A : i32 to vector<80x128xi32>
    %lt3A_15 = arith.cmpi slt, %add3A, %lt3A_14 : vector<80x128xi32>
    %get3A_16 = arith.constant 0 : index
    %get3A_17 = arith.constant 0 : index
    %get3A_18 = vector.load %arg8[%get3A_16, %get3A_17] : memref<80x128xf32, #tpu.memory_space<vmem>>, vector<80x128xf32>
    %jit3A = arith.constant -2.000000e+00 : f32
    %broadcast_in_dim3A = vector.broadcast %jit3A : f32 to vector<80x128xf32>
    %select_n3A = arith.select %lt3A_15, %get3A_18, %broadcast_in_dim3A : vector<80x128xi1>, vector<80x128xf32>
    %swap3A = arith.constant 0 : index
    %swap3A_19 = arith.constant 0 : index
    %swap3A_20 = vector.load %arg8[%swap3A, %swap3A_19] : memref<80x128xf32, #tpu.memory_space<vmem>>, vector<80x128xf32>
    tpu.vector_store %arg8[%swap3A, %swap3A_19], %select_n3A {strides = array<i32>} : memref<80x128xf32, #tpu.memory_space<vmem>>, vector<80x128xf32>,
    %scan3A_21 = arith.constant 0 : i32
    %scan3A_22 = arith.constant 128 : i32
    %scan3A_23 = arith.addi %scan3A_21, %scan3A_22 : i32
    %scan3A_24 = arith.constant 1 : i32
    scf.for %scan3A_87 = %scan3A_21 to %scan3A_23 step %scan3A_24  : i32 {
      %get3A_88 = arith.constant 0 : index
      %get3A_89 = arith.constant 0 : index
      %get3A_90 = vector.load %arg8[%get3A_88, %get3A_89] : memref<80x128xf32, #tpu.memory_space<vmem>>, vector<80x128xf32>
      %reduce_max3A = vector.shape_cast %get3A_90 : vector<80x128xf32> to vector<1x80x128xf32>
      %reduce_max3A_91 = arith.constant dense<0xFF800000> : vector<1xf32>
      %reduce_max3A_92 = vector.multi_reduction <maximumf>, %reduce_max3A, %reduce_max3A_91 [1, 2] : vector<1x80x128xf32> to vector<1xf32>
      %reduce_max3A_93 = vector.shape_cast %reduce_max3A_92 : vector<1xf32> to vector<1x1x1xf32>
      %reduce_max3A_94 = vector.extract %reduce_max3A_93[0, 0, 0] : f32 from vector<1x1x1xf32>
      %eq3A = vector.broadcast %reduce_max3A_94 : f32 to vector<80x128xf32>
      %eq3A_95 = arith.cmpf oeq, %get3A_90, %eq3A : vector<80x128xf32>
      %jit3A_96 = arith.constant 1073741824 : i32
      %broadcast_in_dim3A_97 = vector.broadcast %jit3A_96 : i32 to vector<80x128xi32>
      %select_n3A_98 = arith.select %eq3A_95, %add3A, %broadcast_in_dim3A_97 : vector<80x128xi1>, vector<80x128xi32>
      %reduce_min3A = vector.shape_cast %select_n3A_98 : vector<80x128xi32> to vector<1x80x128xi32>
      %reduce_min3A_99 = arith.constant dense<2147483647> : vector<1xi32>
      %reduce_min3A_100 = vector.multi_reduction <minsi>, %reduce_min3A, %reduce_min3A_99 [1, 2] : vector<1x80x128xi32> to vector<1xi32>
      %reduce_min3A_101 = vector.shape_cast %reduce_min3A_100 : vector<1xi32> to vector<1x1x1xi32>
      %reduce_min3A_102 = vector.extract %reduce_min3A_101[0, 0, 0] : i32 from vector<1x1x1xi32>
      %get3A_103 = arith.index_cast %reduce_min3A_102 : i32 to index
      %get3A_104 = arith.constant 0 : index
      %get3A_105 = vector.load %arg0[%get3A_103, %get3A_104] : memref<10240x128xf32, #tpu.memory_space<vmem>>, vector<1x128xf32>
      %mul3A_106 = vector.broadcast %reduce_max3A_94 : f32 to vector<1x128xf32>
      %mul3A_107 = arith.mulf %get3A_105, %mul3A_106 : vector<1x128xf32>
      %swap3A_108 = arith.index_cast %scan3A_87 : i32 to index
      %swap3A_109 = arith.constant 0 : index
      %swap3A_110 = vector.load %arg9[%swap3A_108, %swap3A_109] : memref<128x128xf32, #tpu.memory_space<vmem>>, vector<1x128xf32>
      tpu.vector_store %arg9[%swap3A_108, %swap3A_109], %mul3A_107 {strides = array<i32>} : memref<128x128xf32, #tpu.memory_space<vmem>>, vector<1x128xf32>,
      %eq3A_111 = vector.broadcast %reduce_min3A_102 : i32 to vector<80x128xi32>
      %eq3A_112 = arith.cmpi eq, %add3A, %eq3A_111 : vector<80x128xi32>
      %jit3A_113 = arith.constant -3.000000e+00 : f32
      %broadcast_in_dim3A_114 = vector.broadcast %jit3A_113 : f32 to vector<80x128xf32>
      %select_n3A_115 = arith.select %eq3A_112, %broadcast_in_dim3A_114, %get3A_90 : vector<80x128xi1>, vector<80x128xf32>
      %swap3A_116 = arith.constant 0 : index
      %swap3A_117 = arith.constant 0 : index
      %swap3A_118 = vector.load %arg8[%swap3A_116, %swap3A_117] : memref<80x128xf32, #tpu.memory_space<vmem>>, vector<80x128xf32>
      tpu.vector_store %arg8[%swap3A_116, %swap3A_117], %select_n3A_115 {strides = array<i32>} : memref<80x128xf32, #tpu.memory_space<vmem>>, vector<80x128xf32>,
    }
    %scan3A_25 = arith.constant 128 : i32
    %get3A_26 = arith.constant 0 : index
    %get3A_27 = arith.constant 0 : index
    %get3A_28 = vector.load %arg9[%get3A_26, %get3A_27] : memref<128x128xf32, #tpu.memory_space<vmem>>, vector<128x128xf32>
    %get3A_29 = arith.constant 0 : index
    %get3A_30 = arith.constant 0 : index
    %get3A_31 = vector.load %arg2[%get3A_29, %get3A_30] : memref<384x128xf32, #tpu.memory_space<vmem>>, vector<384x128xf32>
    %dot_general3A = arith.constant dense<0.000000e+00> : vector<128x384xf32>
    %dot_general3A_32 = tpu.matmul %get3A_28, %get3A_31, %dot_general3A {dimension_numbers = #tpu.dot_dimension_numbers<[1], [1], [0], [0], [0, 0, 1, 0], [], []>, transpose_lhs_hint = false} : vector<128x128xf32>, vector<384x128xf32>, vector<128x384xf32> -> vector<128x384xf32>
    %get3A_33 = arith.constant 0 : index
    %get3A_34 = arith.constant 0 : index
    %get3A_35 = vector.load %arg4[%get3A_33, %get3A_34] : memref<1x384xf32, #tpu.memory_space<vmem>>, vector<1x384xf32>
    %add3A_36 = vector.broadcast %get3A_35 : vector<1x384xf32> to vector<128x384xf32>
    %add3A_37 = arith.addf %dot_general3A_32, %add3A_36 : vector<128x384xf32>
    %get3A_38 = arith.constant 0 : index
    %get3A_39 = arith.constant 0 : index
    %get3A_40 = vector.load %arg6[%get3A_38, %get3A_39] : memref<128x128xf32, #tpu.memory_space<vmem>>, vector<128x128xf32>
    %get3A_41 = arith.constant 0 : index
    %get3A_42 = arith.constant 0 : index
    %get3A_43 = vector.load %arg3[%get3A_41, %get3A_42] : memref<384x128xf32, #tpu.memory_space<vmem>>, vector<384x128xf32>
    %dot_general3A_44 = arith.constant dense<0.000000e+00> : vector<128x384xf32>
    %dot_general3A_45 = tpu.matmul %get3A_40, %get3A_43, %dot_general3A_44 {dimension_numbers = #tpu.dot_dimension_numbers<[1], [1], [0], [0], [0, 0, 1, 0], [], []>, transpose_lhs_hint = false} : vector<128x128xf32>, vector<384x128xf32>, vector<128x384xf32> -> vector<128x384xf32>
    %get3A_46 = arith.constant 0 : index
    %get3A_47 = arith.constant 0 : index
    %get3A_48 = vector.load %arg5[%get3A_46, %get3A_47] : memref<1x384xf32, #tpu.memory_space<vmem>>, vector<1x384xf32>
    %add3A_49 = vector.broadcast %get3A_48 : vector<1x384xf32> to vector<128x384xf32>
    %add3A_50 = arith.addf %dot_general3A_45, %add3A_49 : vector<128x384xf32>
    %slice3A = vector.extract_strided_slice %add3A_37 {offsets = [0, 0], sizes = [128, 128], strides = [1, 1]} : vector<128x384xf32> to vector<128x128xf32>
    %slice3A_51 = vector.extract_strided_slice %add3A_50 {offsets = [0, 0], sizes = [128, 128], strides = [1, 1]} : vector<128x384xf32> to vector<128x128xf32>
    %add3A_52 = arith.addf %slice3A, %slice3A_51 : vector<128x128xf32>
    %logistic3A = arith.negf %add3A_52 : vector<128x128xf32>
    %logistic3A_53 = math.exp %logistic3A : vector<128x128xf32>
    %logistic3A_54 = arith.constant 1.000000e+00 : f32
    %logistic3A_55 = vector.broadcast %logistic3A_54 : f32 to vector<128x128xf32>
    %logistic3A_56 = arith.addf %logistic3A_55, %logistic3A_53 : vector<128x128xf32>
    %logistic3A_57 = arith.divf %logistic3A_55, %logistic3A_56 : vector<128x128xf32>
    %slice3A_58 = vector.extract_strided_slice %add3A_37 {offsets = [0, 128], sizes = [128, 128], strides = [1, 1]} : vector<128x384xf32> to vector<128x128xf32>
    %slice3A_59 = vector.extract_strided_slice %add3A_50 {offsets = [0, 128], sizes = [128, 128], strides = [1, 1]} : vector<128x384xf32> to vector<128x128xf32>
    %add3A_60 = arith.addf %slice3A_58, %slice3A_59 : vector<128x128xf32>
    %logistic3A_61 = arith.negf %add3A_60 : vector<128x128xf32>
    %logistic3A_62 = math.exp %logistic3A_61 : vector<128x128xf32>
    %logistic3A_63 = arith.constant 1.000000e+00 : f32
    %logistic3A_64 = vector.broadcast %logistic3A_63 : f32 to vector<128x128xf32>
    %logistic3A_65 = arith.addf %logistic3A_64, %logistic3A_62 : vector<128x128xf32>
    %logistic3A_66 = arith.divf %logistic3A_64, %logistic3A_65 : vector<128x128xf32>
    %slice3A_67 = vector.extract_strided_slice %add3A_37 {offsets = [0, 256], sizes = [128, 128], strides = [1, 1]} : vector<128x384xf32> to vector<128x128xf32>
    %slice3A_68 = vector.extract_strided_slice %add3A_50 {offsets = [0, 256], sizes = [128, 128], strides = [1, 1]} : vector<128x384xf32> to vector<128x128xf32>
    %mul3A_69 = arith.mulf %logistic3A_57, %slice3A_68 : vector<128x128xf32>
    %add3A_70 = arith.addf %slice3A_67, %mul3A_69 : vector<128x128xf32>
    %tanh3A = math.tanh %add3A_70 : vector<128x128xf32>
    %sub3A = arith.constant 1.000000e+00 : f32
    %sub3A_71 = vector.broadcast %sub3A : f32 to vector<128x128xf32>
    %sub3A_72 = arith.subf %sub3A_71, %logistic3A_66 : vector<128x128xf32>
    %mul3A_73 = arith.mulf %sub3A_72, %tanh3A : vector<128x128xf32>
    %get3A_74 = arith.constant 0 : index
    %get3A_75 = arith.constant 0 : index
    %get3A_76 = vector.load %arg6[%get3A_74, %get3A_75] : memref<128x128xf32, #tpu.memory_space<vmem>>, vector<128x128xf32>
    %mul3A_77 = arith.mulf %logistic3A_66, %get3A_76 : vector<128x128xf32>
    %add3A_78 = arith.addf %mul3A_73, %mul3A_77 : vector<128x128xf32>
    %get3A_79 = arith.constant 0 : index
    %get3A_80 = arith.constant 0 : index
    %get3A_81 = vector.load %arg0[%get3A_79, %get3A_80] : memref<10240x128xf32, #tpu.memory_space<vmem>>, vector<10000x128xf32>
    %dot_general3A_82 = arith.constant dense<0.000000e+00> : vector<10000x128xf32>
    %dot_general3A_83 = tpu.matmul %get3A_81, %add3A_78, %dot_general3A_82 {dimension_numbers = #tpu.dot_dimension_numbers<[1], [0], [0], [1], [0, 0, 1, 1], [], []>, transpose_lhs_hint = false} : vector<10000x128xf32>, vector<128x128xf32>, vector<10000x128xf32> -> vector<10000x128xf32>
    %swap3A_84 = arith.constant 0 : index
    %swap3A_85 = arith.constant 0 : index
    %swap3A_86 = vector.load %arg7[%swap3A_84, %swap3A_85] : memref<10000x128xf32, #tpu.memory_space<vmem>>, vector<10000x128xf32>
    tpu.vector_store %arg7[%swap3A_84, %swap3A_85], %dot_general3A_83 {strides = array<i32>} : memref<10000x128xf32, #tpu.memory_space<vmem>>, vector<10000x128xf32>,
    return
  }
}

module attributes {stable_mosaic.version = 14 : i64} {
  func.func @_dis_body(%arg0: memref<32x10000xf32, #tpu.memory_space<vmem>>, %arg1: memref<1x10000xf32, #tpu.memory_space<vmem>>) attributes {dimension_semantics = [], scalar_prefetch = 0 : i64, scratch_operands = 0 : i64, tpu.core_type = #tpu.core_type<tc>} {
    %get3A = arith.constant 0 : index
    %get3A_0 = arith.constant 0 : index
    %get3A_1 = vector.load %arg0[%get3A, %get3A_0] : memref<32x10000xf32, #tpu.memory_space<vmem>>, vector<32x10000xf32>
    %reduce_sum3A = arith.constant dense<0.000000e+00> : vector<10000xf32>
    %reduce_sum3A_2 = vector.multi_reduction <add>, %get3A_1, %reduce_sum3A [0] : vector<32x10000xf32> to vector<10000xf32>
    %broadcast_in_dim3A = vector.shape_cast %reduce_sum3A_2 : vector<10000xf32> to vector<1x10000xf32>
    %add3A = arith.constant 1.000000e+00 : f32
    %add3A_3 = vector.broadcast %add3A : f32 to vector<1x10000xf32>
    %add3A_4 = arith.addf %add3A_3, %broadcast_in_dim3A : vector<1x10000xf32>
    %rsqrt3A = math.rsqrt %add3A_4 : vector<1x10000xf32>
    %swap3A = arith.constant 0 : index
    %swap3A_5 = arith.constant 0 : index
    %swap3A_6 = vector.load %arg1[%swap3A, %swap3A_5] : memref<1x10000xf32, #tpu.memory_space<vmem>>, vector<1x10000xf32>
    tpu.vector_store %arg1[%swap3A, %swap3A_5], %rsqrt3A {strides = array<i32>} : memref<1x10000xf32, #tpu.memory_space<vmem>>, vector<1x10000xf32>,
    return
  }
}

module attributes {stable_mosaic.version = 14 : i64} {
  func.func @_final_body(%arg0: i32, %arg1: memref<1x1000x128xf32, #tpu.memory_space<vmem>>, %arg2: memref<1x1000x128xf32, #tpu.memory_space<vmem>>, %arg3: memref<1000x128xf32, #tpu.memory_space<vmem>>, %arg4: memref<1000x1xf32, #tpu.memory_space<vmem>>, %arg5: memref<128x1xf32, #tpu.memory_space<vmem>>, %arg6: memref<1x1xf32, #tpu.memory_space<vmem>>, %arg7: memref<1000x1xf32, #tpu.memory_space<vmem>>) attributes {dimension_semantics = [#tpu.dimension_semantics<arbitrary>], iteration_bounds = array<i64: 10>, scalar_prefetch = 0 : i64, scratch_operands = 0 : i64, tpu.core_type = #tpu.core_type<tc>, window_params = [{transform_indices = @transform_0, window_bounds = array<i64: 1, 1000, 128>}, {transform_indices = @transform_1, window_bounds = array<i64: 1, 1000, 128>}, {transform_indices = @transform_2, window_bounds = array<i64: 1000, 128>}, {transform_indices = @transform_3, window_bounds = array<i64: 1000, 1>}, {pipeline_mode = #tpu.pipeline_mode<synchronous>, transform_indices = @transform_4, window_bounds = array<i64: 128, 1>}, {pipeline_mode = #tpu.pipeline_mode<synchronous>, transform_indices = @transform_5, window_bounds = array<i64: 1, 1>}, {transform_indices = @transform_6, window_bounds = array<i64: 1000, 1>}]} {
    %get3A = arith.constant 0 : index
    %get3A_0 = arith.constant 0 : index
    %get3A_1 = vector.load %arg4[%get3A, %get3A_0] : memref<1000x1xf32, #tpu.memory_space<vmem>>, vector<1000x1xf32>
    %get3A_2 = arith.constant 0 : index
    %get3A_3 = arith.constant 0 : index
    %get3A_4 = arith.constant 0 : index
    %get3A_5 = vector.load %arg1[%get3A_2, %get3A_3, %get3A_4] : memref<1x1000x128xf32, #tpu.memory_space<vmem>>, vector<1x1000x128xf32>
    %get3A_6 = vector.shape_cast %get3A_5 : vector<1x1000x128xf32> to vector<1000x128xf32>
    %get3A_7 = arith.constant 0 : index
    %get3A_8 = arith.constant 0 : index
    %get3A_9 = arith.constant 0 : index
    %get3A_10 = vector.load %arg2[%get3A_7, %get3A_8, %get3A_9] : memref<1x1000x128xf32, #tpu.memory_space<vmem>>, vector<1x1000x128xf32>
    %get3A_11 = vector.shape_cast %get3A_10 : vector<1x1000x128xf32> to vector<1000x128xf32>
    %add3A = arith.addf %get3A_6, %get3A_11 : vector<1000x128xf32>
    %mul3A = arith.mulf %get3A_1, %get3A_1 : vector<1000x1xf32>
    %get3A_12 = arith.constant 0 : index
    %get3A_13 = arith.constant 0 : index
    %get3A_14 = vector.load %arg3[%get3A_12, %get3A_13] : memref<1000x128xf32, #tpu.memory_space<vmem>>, vector<1000x128xf32>
    %mul3A_15 = vector.broadcast %mul3A : vector<1000x1xf32> to vector<1000x128xf32>
    %mul3A_16 = arith.mulf %mul3A_15, %get3A_14 : vector<1000x128xf32>
    %add3A_17 = arith.addf %add3A, %mul3A_16 : vector<1000x128xf32>
    %max3A = arith.constant 0.000000e+00 : f32
    %max3A_18 = vector.broadcast %max3A : f32 to vector<1000x128xf32>
    %max3A_19 = arith.maximumf %add3A_17, %max3A_18 : vector<1000x128xf32>
    %get3A_20 = arith.constant 0 : index
    %get3A_21 = arith.constant 0 : index
    %get3A_22 = vector.load %arg5[%get3A_20, %get3A_21] : memref<128x1xf32, #tpu.memory_space<vmem>>, vector<128x1xf32>
    %dot_general3A = arith.constant dense<0.000000e+00> : vector<1000x1xf32>
    %dot_general3A_23 = tpu.matmul %max3A_19, %get3A_22, %dot_general3A {dimension_numbers = #tpu.dot_dimension_numbers<[1], [0], [0], [1], [0, 0, 1, 1], [], []>, transpose_lhs_hint = false} : vector<1000x128xf32>, vector<128x1xf32>, vector<1000x1xf32> -> vector<1000x1xf32>
    %get3A_24 = arith.constant 0 : index
    %get3A_25 = arith.constant 0 : index
    %get3A_26 = vector.load %arg6[%get3A_24, %get3A_25] : memref<1x1xf32, #tpu.memory_space<vmem>>, vector<1x1xf32>
    %add3A_27 = vector.broadcast %get3A_26 : vector<1x1xf32> to vector<1000x1xf32>
    %add3A_28 = arith.addf %dot_general3A_23, %add3A_27 : vector<1000x1xf32>
    %swap3A = arith.constant 0 : index
    %swap3A_29 = arith.constant 0 : index
    %swap3A_30 = vector.load %arg7[%swap3A, %swap3A_29] : memref<1000x1xf32, #tpu.memory_space<vmem>>, vector<1000x1xf32>
    tpu.vector_store %arg7[%swap3A, %swap3A_29], %add3A_28 {strides = array<i32>} : memref<1000x1xf32, #tpu.memory_space<vmem>>, vector<1000x1xf32>,
    return
  }
  func.func @transform_0(%arg0: i32) -> (i32, i32, i32) {
    %c0_i32 = arith.constant 0 : i32
    %c0_i32_0 = arith.constant 0 : i32
    %c0_i32_1 = arith.constant 0 : i32
    return %c0_i32, %arg0, %c0_i32_0 : i32, i32, i32
  }
  func.func @transform_1(%arg0: i32) -> (i32, i32, i32) {
    %c1_i32 = arith.constant 1 : i32
    %c0_i32 = arith.constant 0 : i32
    %c0_i32_0 = arith.constant 0 : i32
    return %c1_i32, %arg0, %c0_i32 : i32, i32, i32
  }
  func.func @transform_2(%arg0: i32) -> (i32, i32) {
    %c0_i32 = arith.constant 0 : i32
    %c0_i32_0 = arith.constant 0 : i32
    return %arg0, %c0_i32 : i32, i32
  }
  func.func @transform_3(%arg0: i32) -> (i32, i32) {
    %c0_i32 = arith.constant 0 : i32
    %c0_i32_0 = arith.constant 0 : i32
    return %arg0, %c0_i32 : i32, i32
  }
  func.func @transform_4(%arg0: i32) -> (i32, i32) {
    %c0_i32 = arith.constant 0 : i32
    %c0_i32_0 = arith.constant 0 : i32
    %c0_i32_1 = arith.constant 0 : i32
    return %c0_i32, %c0_i32_0 : i32, i32
  }
  func.func @transform_5(%arg0: i32) -> (i32, i32) {
    %c0_i32 = arith.constant 0 : i32
    %c0_i32_0 = arith.constant 0 : i32
    %c0_i32_1 = arith.constant 0 : i32
    return %c0_i32, %c0_i32_0 : i32, i32
  }
  func.func @transform_6(%arg0: i32) -> (i32, i32) {
    %c0_i32 = arith.constant 0 : i32
    %c0_i32_0 = arith.constant 0 : i32
    return %arg0, %c0_i32 : i32, i32
  }
}

</mosaic_0001>

<sc_bundles>
// kernel: kernel.10.cloned.1.call-start
scs
__scs_entry_jumppad:
0x0: {  	(pc) =	sbr.rel $0x88, $3  }
0x1: {  	(tag) =	ssettag $0x0;
	lr =	simm.s32 $0x1  }
0x2: {  	[smem:$0x3F96] =	sst lr;
	_ =	strace $0xD0000000  }
0x3: {  	_ = 	snop  }
0x4: {  	_ = 	snop  }
0x5: {  	_ = 	snop  }
0x6: {  	_ = 	snop  }
0x7: {  	_ = 	snop  }
__scs_overlays_trampoline_lowered:
0x8: {  	[smem:$0x3FA5] =	sst s0  }
0x9: {  	[smem:$0x3FA6] =	sst s1  }
0xa: {  	[smem:$0x3FA7] =	sst s2  }
0xb: {  	[smem:$0x3FA8] =	sst s3  }
0xc: {  	[smem:$0x3FA9] =	sst s4  }
0xd: {  	[smem:$0x3FAA] =	sst s5  }
0xe: {  	[smem:$0x3FAB] =	sst s6  }
0xf: {  	[smem:$0x3FAC] =	sst s7  }
0x10: {  	[smem:$0x3FAD] =	sst s8  }
0x11: {  	[smem:$0x3FAE] =	sst s9;
	s0 =	simm.s32 @!p0 $0x0  }
0x12: {  	s1 =	sld [smem:$0x3F94];
	s0 =	simm.s32 @p0 $0x1  }
0x13: {  	[smem:$0x3FAF] =	sst s0;
	s0 =	simm.s32 @!p1 $0x0  }
0x14: {  	s2 =	sld [smem:$0x3F93];
	s0 =	simm.s32 @p1 $0x1  }
0x15: {  	[smem:$0x3FB0] =	sst s0;
	s0 =	simm.s32 @!p2 $0x0  }
0x16: {  	s3 =	sld [smem:$0x3FDB];
	s0 =	simm.s32 @p2 $0x1  }
0x17: {  	s4 =	simm.s32 $0x1BF5;
	[smem:$0x3FB2] =	sst s0  }
0x18: {  	s0 =	sld [smem:$0x3F95];
	_ =	swait.ge [sflag:s4], $0x0  }
0x19: {  	s7 =	sld [smem:$0x3F96]  }
0x1a: {  	s8 =	sadd.s32 $0xFFFFE003, lr  }
0x1b: {  	s9 =	sadd.s32 $0xFFFFFEF7, lr;
	s5 =	simm.s32 $0xFFFFFFFF;
	p2 =	slt.u32 s8, $0xFFFFF086  }
0x1c: {  	p1 =	slt.u32 s9, $0xF7A;
	s5 =	simm.s32 @!p2 $0x0  }
0x1d: {  	s5 =	simm.s32 @p1 $0x1;
	p0 =	seq.s32 s7, s2  }
0x1e: {  	s7 =	smul.u32 @!p0 $0xF7A, s2;
	p2 =	seq.s32 @!p0 s5, $0x0  }
0x1f: {  	s9 =	smul.u32 $0xF7A, s1;
	s8 =	simm.s32 @!p0 $0x1BF5;
	p2 =	por !p2, p0  }
0x20: {  	[sflag:s8] =	ssyncset.s32 @!p0 $0xFFFFF086;
	s6 =	sadd.s32 @!p0 s3, s7;
	s7 =	simm.s32 @!p0 $0x108  }
0x21: {  	s3 =	sadd.s32 s3, s9;
	s6 =	sadd.s32 @!p0 $0x88, s6;
	s7 =	simm.s32 @p2 $0x1082  }
0x22: {  	[simem:s7], [sflag:s8] =	dma.local @!p0 [hbm:s6], $0xF7A  }
0x23: {  	s9 =	sor.u32 $0xD0000000, s2;
	s6 =	simm.s32 $0x108;
	_ =	swait.ge @!p0 [sflag:s8], $0x0  }
0x24: {  	s3 =	sadd.s32 $0x88, s3;
	s6 =	simm.s32 @!p1 $0x1082;
	[sflag:s4] =	ssyncset.s32 $0xFFFFF086  }
0x25: {  	[simem:s6], [sflag:s4] =	dma.local [hbm:s3], $0xF7A  }
0x26: {  	[smem:$0x3F96] =	sst s1;
	(tag) =	ssettag s2;
	_ =	strace s9  }
0x27: {  	s1 =	sld [smem:$0x3FA6]  }
0x28: {  	s2 =	sld [smem:$0x3FA7]  }
0x29: {  	s4 =	sld [smem:$0x3FA9]  }
0x2a: {  	p0 =	seq.s32 s5, $0x0;
	s5 =	sld [smem:$0x3FAA]  }
0x2b: {  	s6 =	sld [smem:$0x3FAB]  }
0x2c: {  	s7 =	sld [smem:$0x3FAC]  }
0x2d: {  	s3 =	simm.s32 $0x108;
	s8 =	sld [smem:$0x3FAD]  }
0x2e: {  	s3 =	simm.s32 @!p0 $0x1082;
	s9 =	sld [smem:$0x3FAE]  }
0x2f: {  	lr =	sadd.s32 s0, s3;
	s0 =	sld [smem:$0x3FA5]  }
0x30: {  	s3 =	sld [smem:$0x3FA8]  }
0x31: {  	[smem:$0x3FB1] =	sst s10  }
0x32: {  	s10 =	sld [smem:$0x3FAF];
	_ =	sdelay $0x3  }
0x33: {  	p0 =	seq.s32 s10, $0x1;
	s10 =	sld [smem:$0x3FB1];
	_ =	sdelay $0x3  }
0x34: {  	[smem:$0x3FB1] =	sst s10  }
0x35: {  	s10 =	sld [smem:$0x3FB0];
	_ =	sdelay $0x3  }
0x36: {  	p1 =	seq.s32 s10, $0x1;
	s10 =	sld [smem:$0x3FB1];
	_ =	sdelay $0x3  }
0x37: {  	[smem:$0x3FB1] =	sst s10  }
0x38: {  	s10 =	sld [smem:$0x3FB2]  }
0x39: {  	_ = 	snop;
	(pc) =	sbr.ind lr, $3  }
0x3a: {  	_ = 	snop  }
0x3b: {  	_ = 	snop  }
0x3c: {  	p2 =	seq.s32 s10, $0x1;
	s10 =	sld [smem:$0x3FB1]  }
0x3d: {  	_ =	shalt  }
0x3e: {  	_ =	shalt  }
0x3f: {  	_ =	shalt  }
0x40: {  	_ =	shalt  }
0x41: {  	_ =	shalt  }
0x42: {  	_ =	shalt  }
0x43: {  	_ =	shalt  }
0x44: {  	_ =	shalt  }
0x45: {  	_ =	shalt  }
0x46: {  	_ =	shalt  }
0x47: {  	_ =	shalt  }
0x48: {  	_ =	shalt  }
0x49: {  	_ =	shalt  }
0x4a: {  	_ =	shalt  }
0x4b: {  	_ =	shalt  }
0x4c: {  	_ =	shalt  }
0x4d: {  	_ =	shalt  }
0x4e: {  	_ =	shalt  }
0x4f: {  	_ =	shalt  }
0x50: {  	_ =	shalt  }
0x51: {  	_ =	shalt  }
0x52: {  	_ =	shalt  }
0x53: {  	_ =	shalt  }
0x54: {  	_ =	shalt  }
0x55: {  	_ =	shalt  }
0x56: {  	_ =	shalt  }
0x57: {  	_ =	shalt  }
0x58: {  	_ =	shalt  }
0x59: {  	_ =	shalt  }
0x5a: {  	_ =	shalt  }
0x5b: {  	_ =	shalt  }
0x5c: {  	_ =	shalt  }
0x5d: {  	_ =	shalt  }
0x5e: {  	_ =	shalt  }
0x5f: {  	_ =	shalt  }
0x60: {  	_ =	shalt  }
0x61: {  	_ =	shalt  }
0x62: {  	_ =	shalt  }
0x63: {  	_ =	shalt  }
0x64: {  	_ =	shalt  }
0x65: {  	_ =	shalt  }
0x66: {  	_ =	shalt  }
0x67: {  	_ =	shalt  }
0x68: {  	_ =	shalt  }
0x69: {  	_ =	shalt  }
0x6a: {  	_ =	shalt  }
0x6b: {  	_ =	shalt  }
0x6c: {  	_ =	shalt  }
0x6d: {  	_ =	shalt  }
0x6e: {  	_ =	shalt  }
0x6f: {  	_ =	shalt  }
0x70: {  	_ =	shalt  }
0x71: {  	_ =	shalt  }
0x72: {  	_ =	shalt  }
0x73: {  	_ =	shalt  }
0x74: {  	_ =	shalt  }
0x75: {  	_ =	shalt  }
0x76: {  	_ =	shalt  }
0x77: {  	_ =	shalt  }
0x78: {  	_ =	shalt  }
0x79: {  	_ =	shalt  }
0x7a: {  	_ =	shalt  }
0x7b: {  	_ =	shalt  }
0x7c: {  	_ =	shalt  }
0x7d: {  	_ =	shalt  }
0x7e: {  	_ =	shalt  }
0x7f: {  	_ =	shalt  }
0x80: {  	_ =	shalt  }
0x81: {  	_ =	shalt  }
0x82: {  	_ =	shalt  }
0x83: {  	_ =	shalt  }
0x84: {  	_ =	shalt  }
0x85: {  	_ =	shalt  }
0x86: {  	_ =	shalt  }
0x87: {  	_ =	shalt  }
.Lfunc_end0:
.L_simem_size_0:
called_computation.1_lowered:
.L_overlay_start_0:
0x88: {  	s2 =	sld [smem:$0x3FD9]  }
0x89: {  	s3 =	sld [smem:$0x3FFE];
	_ =	sdelay $0x1  }
0x8a: {  	s1 =	srdreg.scid  }
0x8b: {  	s0 =	sand.u32 $0x1, s1  }
0x8c: {  	s16 =	sshll.u32 s0, $0xA;
	s2 =	sadd.s32 s3, s2  }
0x8d: {  	s2 =	sadd.s32 s2, s16  }
0x8e: {  	[smem:$0x3FBD] =	sst s2  }
0x8f: {  	_ = 	snop  }
0x90: {  	(tm) =	ssettm $0x1  }
0x91: {  	s17 =	sld [smem:$0x3FFB];
	_ =	sdelay $0x3  }
0x92: {  	_ =	strace s17  }
0x93: {  	s2 =	sld [smem:$0x3FFC];
	_ =	sdelay $0x3  }
0x94: {  	_ =	strace s2  }
0x95: {  	s2 =	sld [smem:$0x3FFD];
	_ =	sdelay $0x3  }
0x96: {  	_ =	strace s2  }
0x97: {  	_ =	strace $0x8FFFFFFF  }
0x98: {  	s18 =	sld [smem:$0x3FDB];
	_ =	sdelay $0x1  }
0x99: {  	s19 =	simm.s32 $_scs_section_size  }
0x9a: {  	s4 =	simm.s32 $_size__tile_overlayer_lowered;
	s5 =	simm.s32 $_tile_overlayer_lowered  }
0x9b: {  	s22 =	simm.s32 $0x1BFF;
	s21 =	sshll.u32 s5, $0x1;
	s2 =	sadd.s32 s19, s18  }
0x9c: {  	s6 =	simm.s32 $0x0;
	s20 =	sshll.u32 s4, $0x1;
	s4 =	sadd.s32 s21, s2  }
0x9d: {  	[timem:s6], [sflag:s22] =	dma.local [hbm:s4], s20  }
0x9e: {  	_ =	swait.ge [sflag:s22], s20  }
0x9f: {  	s3 =	ssub.s32 $0x0, s20;
	[sflag:s22] =	ssyncset.done $0x0  }
0xa0: {  	[sflag:s22] =	ssyncadd.s32 s3;
	_ =	sdelay $0x1  }
0xa1: {  	s23 =	simm.s32 $0x1B8B  }
0xa2: {  	_ =	swait.ge [sflag:s23], $0x1  }
0xa3: {  	[sflag:s23] =	ssyncset.done $0x0  }
0xa4: {  	s25 =	simm.s32 $0x1B8E;
	s24 =	sld [smem:$0x3FFE];
	[sflag:s23] =	ssyncadd.s32 $0xFFFFFFFF  }
0xa5: {  	s26 =	simm.s32 $execute0_lowered;
	[smem:$0x3FD2] =	sst s25  }
0xa6: {  	s4 =	sshll.u32 s26, $0x1;
	_ =	strace $0x80000049;
	[dreg:$0x1] =	wrdreg $0xFFFFFFFF  }
0xa7: {  	s28 =	simm.s32 $_size_execute0_lowered;
	s2 =	sadd.s32 s2, s4;
	[dreg:$0x0] =	wrdreg $0x0  }
0xa8: {  	s4 =	sshll.u32 s28, $0x1;
	[dreg:$0x2] =	wrdreg s2  }
0xa9: {  	[dreg:$0x3] =	wrdreg s4  }
0xaa: {  	[dreg:$0x4] =	wrdreg $0xC0  }
0xab: {  	_ =	task [dreg:s6], $0x5FFFF  }
0xac: {  	[dreg:$0x1] =	wrdreg $0xFFFFFFFF  }
0xad: {  	[dreg:$0x0] =	wrdreg $0x60  }
0xae: {  	[dreg:$0x2] =	wrdreg s24  }
0xaf: {  	[dreg:$0x3] =	wrdreg $0xAE000  }
0xb0: {  	[dreg:$0x4] =	wrdreg $0x9  }
0xb1: {  	_ =	task.clear_ibuf [dreg:s6], $0x5FFFF;
	_ =	strace $0x90000049  }
0xb2: {  	s29 =	simm.s32 $0x9;
	_ =	strace $0x8000004B  }
0xb3: {  	_ =	swait.ge [sflag:s29], $0x1  }
0xb4: {  	[sflag:s29] =	ssyncadd.s32 $0xFFFFFFFF  }
0xb5: {  	_ =	strace $0x9000004B  }
0xb6: {  	_ =	sfence  }
0xb7: {  	s30 =	sld [smem:$0x0];
	_ =	sdelay $0x2  }
0xb8: {  	s31 =	sshll.u32 s1, $0xD;
	s1 =	sshrl.u32 s1, $0x2  }
0xb9: {  	s3 =	sand.u32 $0x4000, s31;
	s1 =	sadd.s32 s1, s30  }
0xba: {  	s0 =	sor.u32 s3, s0;
	s1 =	sshll.u32 s1, $0x11  }
0xbb: {  	s0 =	sor.u32 s1, s0  }
0xbc: {  	s0 =	sadd.s32 $0x8F2B, s0  }
0xbd: {  	[sflag:s0] =	ssyncadd.remote.s32 $0x1  }
0xbe: {  	_ =	sfence.sel $0xFFFF  }
0xbf: {  	[dreg:$0x0] =	wrdreg $0xFFFFFFFF;
	(pc) =	sbr.abs _section_cstart, $3  }
0xc0: {  	[dreg:$0x1] =	wrdreg $0xFFFFFFFF  }
0xc1: {  	_ =	task.clear_ibuf [dreg:s6], $0x2FFFF;
	_ =	strace $0x9FFFFFFF  }
0xc2: {  	(tm) =	ssettm $0x7FFFFFFF  }
0xc3: {  	_ =	shalt  }
tec
execute0_lowered:
.L_overlay_start_1:
0x0: {  	(tag) =	ssettag $0x1  }
0x1: {  	s0 =	rddreg [dreg:$0x0]  }
0x2: {  	s1 =	rddreg [dreg:$0x1];
	s2 =	simm.s32 $0x0  }
0x3: {  	s21 =	srdreg.scid;
	s11 =	stileid.u32;
	s28 =	simm.s32 $0x80  }
0x4: {  	s29 =	simm.s32 $0x5;
	s30 =	simm.s32 $0x2E00;
	s31 =	simm.s32 $0x2880  }
0x5: {  	[smem:$0x7FF] =	sst s2;
	s4 =	sadd.s32 $0x29C00, s0;
	s3 =	sadd.s32 $0x1FE00, s0  }
0x6: {  	s6 =	sadd.s32 $0x15E00, s0;
	s5 =	sshll.u32 s11, $0x1;
	s9 =	smul.u32 $0x50000, s11  }
0x7: {  	s7 =	sadd.s32 $0x1E00, s0;
	s0 =	sadd.s32 $0x50E00, s0;
	s13 =	smul.u32 $0x280, s11  }
0x8: {  	_ =	strace $0x8000004A;
	[dreg:$0x3] =	wrdreg s3;
	s3 =	sand.u32 $0x1, s21  }
0x9: {  	s8 =	ssub.s32 $0x2, s3;
	s5 =	sor.u32 s3, s5;
	s22 =	sshrl.u32 s9, $0x2  }
0xa: {  	s3 =	smul.u32 $0x2800, s3;
	s14 =	sadd.s32 $0x80, s13;
	s19 =	sadd.s32 $0x100, s13  }
0xb: {  	s20 =	sadd.s32 $0x180, s13;
	s10 =	sshrl.u32 s8, $0x1;
	s5 =	smul.u32 $0x2800, s5  }
0xc: {  	s17 =	sshll.u32 s14, $0x7;
	s10 =	ssub.s32 s8, s10;
	s8 =	sadd.s32 s22, s1  }
0xd: {  	s16 =	sadd.s32 s3, s14;
	s14 =	sadd.s32 s3, s19;
	s23 =	sshrl.u32 s5, $0x3  }
0xe: {  	s11 =	sor.u32 $0x80, s5;
	s12 =	sor.u32 $0x100, s5;
	s25 =	smax.u32 s10, $0x1  }
0xf: {  	s26 =	sadd.s32 $0x4000, s8;
	s15 =	sadd.s32 $0x8000, s8;
	[dreg:$0x6] =	wrdreg s25  }
0x10: {  	s18 =	sshll.u32 s16, $0x4;
	s14 =	sshll.u32 s14, $0x4;
	[dreg:$0x7] =	wrdreg s26  }
0x11: {  	s22 =	sadd.s32 $0xC000, s8;
	s10 =	simm.s32 $0x3;
	[dreg:$0x8] =	wrdreg s15  }
0x12: {  	s24 =	sadd.s32 s6, s23;
	s9 =	sadd.s32 s7, s23;
	[dreg:$0xe] =	wrdreg s22  }
0x13: {  	s15 =	sadd.s32 s3, s20;
	s14 =	sadd.s32 s0, s14;
	[dreg:$0x4] =	wrdreg s24  }
0x14: {  	s23 =	sadd.s32 s17, s1;
	s25 =	sshll.u32 s20, $0x7;
	[dreg:$0x5] =	wrdreg s9  }
0x15: {  	s9 =	sadd.s32 s3, s13;
	s13 =	sadd.s32 $0x200, s13;
	[dreg:$0xb] =	wrdreg s14  }
0x16: {  	s15 =	sshll.u32 s15, $0x4;
	[dreg:$0xf] =	wrdreg s23;
	s24 =	sshll.u32 s19, $0x7  }
0x17: {  	s14 =	simm.s32 $0x4;
	s5 =	sshll.u32 s9, $0x4;
	s9 =	sadd.s32 s0, s18  }
0x18: {  	s3 =	sadd.s32 s3, s13;
	s21 =	sadd.s32 s0, s15;
	s26 =	sshll.u32 s13, $0x7  }
0x19: {  	v0 =	vimm.f32 $0.0e+00;
	v1 =	vimm.s32 $0x0;
	s13 =	simm.s32 $0x2;
	s15 =	simm.s32 $0x0;
	[dreg:$0xa] =	wrdreg s9  }
0x1a: {  	v2 =	vimm.s32 $0x1;
	v3 =	vimm.s32 $0x2;
	v4 =	vimm.s32 $0x3;
	s5 =	sadd.s32 s0, s5;
	[dreg:$0xc] =	wrdreg s21;
	s3 =	sshll.u32 s3, $0x4  }
0x1b: {  	v5 =	vimm.s32 $0x4;
	v6 =	vimm.s32 $0x5;
	v7 =	vimm.s32 $0x6;
	s9 =	simm.s32 $0x20;
	[dreg:$0x9] =	wrdreg s5;
	s0 =	sadd.s32 s0, s3  }
0x1c: {  	v8 =	vimm.s32 $0x7;
	v9 =	vimm.s32 $0x8;
	v10 =	vimm.s32 $0x9;
	s3 =	simm.s32 $0x2D80;
	s5 =	simm.s32 $0x1;
	[dreg:$0xd] =	wrdreg s0  }
0x1d: {  	v11 =	vimm.s32 $0xA;
	v12 =	vimm.s32 $0xB;
	v13 =	vimm.s32 $0xC;
	s0 =	sadd.s32 s24, s1;
	s24 =	sadd.s32 s25, s1;
	s25 =	sadd.s32 s26, s1  }
0x1e: {  	v14 =	vimm.s32 $0xD;
	v15 =	vimm.s32 $0xE;
	v16 =	vimm.s32 $0xF;
	s26 =	sadd.s32 $0x10000, s8;
	[dreg:$0x10] =	wrdreg s0;
	s0 =	simm.s32 $0x6E00  }
.LBB2_1:
0x1f: {  	s16 =	rddreg [dreg:$0x3]  }
0x20: {  	[tilespmem:s28], [sflag:$0x5] =	stream.linear.gather [hbm4b:s16+s2], $0x2780, $0x38;
	[tilespmem:$0x1EE00] =	vst v63  }
0x21: {  	_ =	swait.ge [sflag:s29], $0x2780  }
0x22: {  	[sflag:s29] =	ssyncset.done $0x0  }
0x23: {  	s17 =	simm.s32 $0x200;
	s16 =	simm.s32 $0x0;
	[sflag:s29] =	ssyncadd.s32 $0xFFFFD880  }
.LBB2_2:
0x24: {  	p0 =	sne.s32 s17, $0xFE00;
	[tilespmem:s16+$0x2E70] =	vst v0  }
0x25: {  	[tilespmem:s16+$0x2E00] =	vst v0  }
0x26: {  	[tilespmem:s16+$0x2E10] =	vst v0  }
.Ltmp0:
0x27: {  	[tilespmem:s16+$0x2E20] =	vst v0;
	(pc) =	sbr.rel @p0 .LBB2_2-.Ltmp0, $4  }
0x28: {  	[tilespmem:s16+$0x2E30] =	vst v0  }
0x29: {  	[tilespmem:s16+$0x2E40] =	vst v0  }
0x2a: {  	[tilespmem:s16+$0x2E50] =	vst v0  }
0x2b: {  	[tilespmem:s16+$0x2E60] =	vst v0;
	s16 =	sshra.s32 s17, $0x2;
	s17 =	sadd.s32 $0x200, s17  }
0x2c: {  	[tilespmem:s16+$0x2E70] =	vst v0  }
0x2d: {  	[tilespmem:s16+$0x2E00] =	vst v0  }
0x2e: {  	[tilespmem:s16+$0x2E10] =	vst v0  }
0x2f: {  	[tilespmem:s16+$0x2E20] =	vst v0  }
0x30: {  	[tilespmem:s16+$0x2E30] =	vst v0  }
0x31: {  	[tilespmem:s16+$0x2E40] =	vst v0  }
0x32: {  	[tilespmem:s16+$0x2E50] =	vst v0  }
0x33: {  	[tilespmem:s16+$0x2E60] =	vst v0  }
0x34: {  	[spmem:s8] =	stream.linear.scatter [tilespmem:s30], [sflag:$0x5], $0x4000, $0x38;
	[tilespmem:$0x1EE00] =	vst v63  }
0x35: {  	_ =	swait.ge [sflag:s29], $0x4000  }
0x36: {  	[sflag:s29] =	ssyncset.done $0x0  }
0x37: {  	s19 =	rddreg [dreg:$0x7];
	[sflag:s29] =	ssyncadd.s32 $0xFFFFC000  }
0x38: {  	[spmem:s19] =	stream.linear.scatter [tilespmem:s30], [sflag:$0x5], $0x4000, $0x38;
	[tilespmem:$0x1EE00] =	vst v63  }
0x39: {  	_ =	swait.ge [sflag:s29], $0x4000  }
0x3a: {  	[sflag:s29] =	ssyncset.done $0x0  }
0x3b: {  	s20 =	rddreg [dreg:$0x8];
	[sflag:s29] =	ssyncadd.s32 $0xFFFFC000  }
0x3c: {  	[spmem:s20] =	stream.linear.scatter [tilespmem:s30], [sflag:$0x5], $0x4000, $0x38;
	[tilespmem:$0x1EE00] =	vst v63  }
0x3d: {  	_ =	swait.ge [sflag:s29], $0x4000  }
0x3e: {  	[sflag:s29] =	ssyncset.done $0x0  }
0x3f: {  	s21 =	rddreg [dreg:$0xe];
	[sflag:s29] =	ssyncadd.s32 $0xFFFFC000  }
0x40: {  	[spmem:s21] =	stream.linear.scatter [tilespmem:s30], [sflag:$0x5], $0x4000, $0x38;
	[tilespmem:$0x1EE00] =	vst v63  }
0x41: {  	_ =	swait.ge [sflag:s29], $0x4000  }
0x42: {  	[sflag:s29] =	ssyncset.done $0x0  }
0x43: {  	[sflag:s29] =	ssyncadd.s32 $0xFFFFC000  }
0x44: {  	[spmem:s26] =	stream.linear.scatter [tilespmem:s30], [sflag:$0x5], $0x4000, $0x38;
	[tilespmem:$0x1EE00] =	vst v63  }
0x45: {  	_ =	swait.ge [sflag:s29], $0x4000  }
0x46: {  	[sflag:s29] =	ssyncset.done $0x0  }
0x47: {  	[sflag:s29] =	ssyncadd.s32 $0xFFFFC000  }
0x48: {  	[bflag:$0x0] =	sbarrier.arrive $0xFFFF  }
0x49: {  	s16 =	simm.s32 $0x0;
	s17 =	rddreg [dreg:$0x4]  }
0x4a: {  	[tilespmem:s16], [sflag:$0x5] =	stream.linear.gather [hbm4b:s17+s16], $0x80, $0x38;
	[tilespmem:$0x1EE00] =	vst v63  }
0x4b: {  	_ =	swait.ge [sflag:s29], $0x80  }
0x4c: {  	[sflag:s29] =	ssyncset.done $0x0  }
0x4d: {  	s18 =	simm.s32 $0x2D00;
	s22 =	rddreg [dreg:$0x5];
	[sflag:s29] =	ssyncadd.s32 $0xFFFFFF80  }
0x4e: {  	[tilespmem:s18], [sflag:$0x5] =	stream.linear.gather [hbm4b:s22+s16], $0x80, $0x38;
	[tilespmem:$0x1EE00] =	vst v63  }
0x4f: {  	_ =	swait.ge [sflag:s29], $0x80  }
0x50: {  	[sflag:s29] =	ssyncset.done $0x0  }
0x51: {  	[sflag:s29] =	ssyncadd.s32 $0xFFFFFF80  }
0x52: {  	v17 =	vld [tilespmem:$0x0];
	_ =	sdelay $0x1  }
0x53: {  	v18 =	vld [tilespmem:$0x10];
	_ =	sdelay $0x1  }
0x54: {  	v19 =	vld [tilespmem:$0x20]  }
0x55: {  	v20 =	vshra.s32 v17, $0xE  }
0x56: {  	v62 =	vld [tilespmem:$0x30];
	v17 =	vand.u32 $0x3FFF, v17;
	[tilespmem:$0x2800] =	vst v20  }
0x57: {  	[tilespmem:$0x2900] =	vst v17;
	v17 =	vshra.s32 v18, $0xE  }
0x58: {  	[tilespmem:$0x2810] =	vst v17;
	v17 =	vand.u32 $0x3FFF, v18;
	v18 =	vld [tilespmem:$0x40]  }
0x59: {  	[tilespmem:$0x2910] =	vst v17;
	v17 =	vshra.s32 v19, $0xE  }
0x5a: {  	[tilespmem:$0x2820] =	vst v17;
	v17 =	vand.u32 $0x3FFF, v19;
	v19 =	vld [tilespmem:$0x50]  }
0x5b: {  	[tilespmem:$0x2980] =	vst v17;
	v17 =	vshra.s32 v62, $0xE  }
0x5c: {  	v63 =	vld [tilespmem:$0x60];
	[tilespmem:$0x2830] =	vst v17;
	v17 =	vand.u32 $0x3FFF, v62  }
0x5d: {  	[tilespmem:$0x2990] =	vst v17;
	v17 =	vshra.s32 v18, $0xE  }
0x5e: {  	[tilespmem:$0x2840] =	vst v17;
	v17 =	vand.u32 $0x3FFF, v18;
	v18 =	vld [tilespmem:$0x70]  }
0x5f: {  	[tilespmem:$0x2A00] =	vst v17;
	v17 =	vshra.s32 v19, $0xE  }
0x60: {  	[tilespmem:$0x2850] =	vst v17;
	v17 =	vand.u32 $0x3FFF, v19  }
0x61: {  	[tilespmem:$0x2A10] =	vst v17;
	v17 =	vshra.s32 v63, $0xE  }
0x62: {  	[tilespmem:$0x2860] =	vst v17;
	v17 =	vand.u32 $0x3FFF, v63  }
0x63: {  	[tilespmem:$0x2A80] =	vst v17;
	v17 =	vshra.s32 v18, $0xE  }
0x64: {  	[tilespmem:$0x2870] =	vst v17;
	v17 =	vand.u32 $0x3FFF, v18  }
0x65: {  	s23 =	simm.s32 $0x2800;
	s17 =	simm.s32 $0x0;
	[tilespmem:$0x2A90] =	vst v17  }
0x66: {  	[tilespmem:s30], [sflag:$0x1] =	stream.indirect.gather [hbm4b:s4+s28], $0x80, s23, s28, $0xb8;
	[tilespmem:$0x1EE00] =	vst v63  }
.LBB2_4:
0x67: {  	p0 =	seq.s32 s17, $0x0  }
0x68: {  	s19 =	simm.s32 @!p0 $0x4  }
0x69: {  	_ =	swait.ge @!p0 [sflag:s19], $0x1000  }
0x6a: {  	[sflag:s19] =	ssyncset.done @!p0 $0x0  }
0x6b: {  	[sflag:s19] =	ssyncadd.s32 @!p0 $0xFFFFF000  }
0x6c: {  	_ =	swait.ge @!p0 [sflag:s19], $0x1000  }
0x6d: {  	[sflag:s19] =	ssyncset.done @!p0 $0x0  }
0x6e: {  	[sflag:s19] =	ssyncadd.s32 @!p0 $0xFFFFF000  }
0x6f: {  	_ =	swait.ge @!p0 [sflag:s19], $0x1000  }
0x70: {  	[sflag:s19] =	ssyncset.done @!p0 $0x0  }
0x71: {  	s18 =	sshll.u32 s17, $0x8;
	[sflag:s19] =	ssyncadd.s32 @!p0 $0xFFFFF000  }
0x72: {  	s20 =	sadd.s32 s18, s11;
	_ =	swait.ge @!p0 [sflag:s19], $0x1000  }
0x73: {  	s20 =	sshrl.u32 s20, $0x3;
	[sflag:s19] =	ssyncset.done @!p0 $0x0  }
0x74: {  	s22 =	sadd.s32 s6, s20;
	[sflag:s19] =	ssyncadd.s32 @!p0 $0xFFFFF000  }
0x75: {  	[tilespmem:s16], [sflag:$0x5] =	stream.linear.gather [hbm4b:s22+s16], $0x80, $0x38;
	[tilespmem:$0x1EE00] =	vst v63  }
0x76: {  	_ =	swait.ge [sflag:s29], $0x80  }
0x77: {  	[sflag:s29] =	ssyncset.done $0x0  }
0x78: {  	s23 =	sadd.s32 s7, s20;
	[sflag:s29] =	ssyncadd.s32 $0xFFFFFF80  }
0x79: {  	[tilespmem:s3], [sflag:$0x5] =	stream.linear.gather [hbm4b:s23+s16], $0x80, $0x38;
	[tilespmem:$0x1EE00] =	vst v63  }
0x7a: {  	_ =	swait.ge [sflag:s29], $0x80  }
0x7b: {  	[sflag:s29] =	ssyncset.done $0x0  }
0x7c: {  	[sflag:s29] =	ssyncadd.s32 $0xFFFFFF80  }
0x7d: {  	v17 =	vld [tilespmem:$0x0];
	_ =	sdelay $0x1  }
0x7e: {  	v18 =	vld [tilespmem:$0x10];
	_ =	sdelay $0x1  }
0x7f: {  	v19 =	vld [tilespmem:$0x20]  }
0x80: {  	v20 =	vshra.s32 v17, $0xE  }
0x81: {  	v62 =	vld [tilespmem:$0x30];
	v17 =	vand.u32 $0x3FFF, v17;
	[tilespmem:$0x2880] =	vst v20  }
0x82: {  	[tilespmem:$0x2B00] =	vst v17;
	v17 =	vshra.s32 v18, $0xE  }
0x83: {  	[tilespmem:$0x2890] =	vst v17;
	v17 =	vand.u32 $0x3FFF, v18;
	v18 =	vld [tilespmem:$0x40]  }
0x84: {  	[tilespmem:$0x2B10] =	vst v17;
	v17 =	vshra.s32 v19, $0xE  }
0x85: {  	[tilespmem:$0x28A0] =	vst v17;
	v17 =	vand.u32 $0x3FFF, v19;
	v19 =	vld [tilespmem:$0x50]  }
0x86: {  	[tilespmem:$0x2B80] =	vst v17;
	v17 =	vshra.s32 v62, $0xE  }
0x87: {  	v63 =	vld [tilespmem:$0x60];
	[tilespmem:$0x28B0] =	vst v17;
	v17 =	vand.u32 $0x3FFF, v62  }
0x88: {  	[tilespmem:$0x2B90] =	vst v17;
	v17 =	vshra.s32 v18, $0xE  }
0x89: {  	[tilespmem:$0x28C0] =	vst v17;
	v17 =	vand.u32 $0x3FFF, v18;
	v18 =	vld [tilespmem:$0x70]  }
0x8a: {  	[tilespmem:$0x2C00] =	vst v17;
	v17 =	vshra.s32 v19, $0xE  }
0x8b: {  	[tilespmem:$0x28D0] =	vst v17;
	v17 =	vand.u32 $0x3FFF, v19  }
0x8c: {  	[tilespmem:$0x2C10] =	vst v17;
	v17 =	vshra.s32 v63, $0xE  }
0x8d: {  	[tilespmem:$0x28E0] =	vst v17;
	v17 =	vand.u32 $0x3FFF, v63  }
0x8e: {  	[tilespmem:$0x2C80] =	vst v17;
	v17 =	vshra.s32 v18, $0xE  }
0x8f: {  	[tilespmem:$0x28F0] =	vst v17;
	v17 =	vand.u32 $0x3FFF, v18  }
0x90: {  	[tilespmem:$0x2C90] =	vst v17  }
0x91: {  	[tilespmem:s0], [sflag:$0x2] =	stream.indirect.gather [hbm4b:s4+s28], $0x80, s31, s28, $0xb8;
	[tilespmem:$0x1EE00] =	vst v63  }
0x92: {  	_ =	swait.ge [sflag:s5], $0x4000  }
0x93: {  	[sflag:s5] =	ssyncset.done $0x0  }
0x94: {  	s19 =	simm.s32 $0x0;
	[sflag:s5] =	ssyncadd.s32 $0xFFFFC000  }
.LBB2_5:
0x95: {  	s20 =	sshll.u32 s19, $0x7  }
0x96: {  	s20 =	sand.u32 $0x3FFFFF80, s20  }
0x97: {  	s20 =	sadd.s32 $0x2900, s20  }
0x98: {  	v17 =	vmov s20;
	_ =	sdelay $0x1  }
0x99: {  	s21 =	sshll.u32 s19, $0x5;
	s22 =	simm.s32 $0x0;
	p0 =	por $0x1, $0x1  }
.LBB2_6:
0x9a: {  	s22 =	sshll.u32 s22, $0x4  }
0x9b: {  	s23 =	sand.u32 $0x3FFFFFF0, s22  }
0x9c: {  	v18 =	vld.idx.msk [tilespmem:v17+s23+$0x0 ss:$0x1], $0xffff  }
0x9d: {  	s22 =	sor.u32 s21, s22  }
0x9e: {  	v19 =	vld [tilespmem:s22+$0x2800];
	_ =	sdelay $0x4  }
0x9f: {  	v20 =	vld [tilespmem:s22+$0x2D00]  }
0xa0: {  	v18 =	vld.idx.msk [tilespmem:v18+s28+$0x0], $0xffff;
	_ =	sdelay $0x1  }
0xa1: {  	v19 =	vld.idx.msk [tilespmem:v19+s28+$0x0], $0xffff  }
0xa2: {  	s22 =	sshll.u32 s22, $0x7  }
0xa3: {  	s22 =	sand.u32 $0x3FFFFF80, s22  }
0xa4: {  	v40 =	vld [tilespmem:s22+$0x2E00];
	v18 =	vmul.f32 v18, v20  }
0xa5: {  	v21 =	vld [tilespmem:s22+$0x2E20]  }
0xa6: {  	v23 =	vld [tilespmem:s22+$0x2E30];
	v18 =	vmul.f32 v19, v18  }
0xa7: {  	v19 =	vld [tilespmem:s22+$0x2E10]  }
0xa8: {  	v24 =	vld [tilespmem:s22+$0x2E40];
	v22 =	vperm.xlane v18, v1  }
0xa9: {  	v25 =	vld [tilespmem:s22+$0x2E50]  }
0xaa: {  	v26 =	vld [tilespmem:s22+$0x2E60];
	v20 =	vmul.f32 v40, v22  }
0xab: {  	v42 =	vld [tilespmem:s22+$0x2E70];
	v41 =	vmul.f32 v21, v22  }
0xac: {  	v43 =	vld [tilespmem:s22+$0x2E80];
	v19 =	vmul.f32 v19, v22;
	[tilespmem:s22+$0x2E00] =	vst v20  }
0xad: {  	v45 =	vld [tilespmem:s22+$0x2E90];
	v44 =	vmul.f32 v24, v22;
	[tilespmem:s22+$0x2E20] =	vst v41  }
0xae: {  	v46 =	vld [tilespmem:s22+$0x2EA0];
	[tilespmem:s22+$0x2E10] =	vst v19;
	v19 =	vmul.f32 v23, v22  }
0xaf: {  	v27 =	vld [tilespmem:s22+$0x2EB0];
	v48 =	vperm.xlane v18, v2;
	v47 =	vmul.f32 v26, v22;
	[tilespmem:s22+$0x2E40] =	vst v44  }
0xb0: {  	v49 =	vld [tilespmem:s22+$0x2EC0];
	[tilespmem:s22+$0x2E30] =	vst v19;
	v19 =	vmul.f32 v25, v22  }
0xb1: {  	v51 =	vld [tilespmem:s22+$0x2ED0];
	v50 =	vmul.f32 v43, v48;
	[tilespmem:s22+$0x2E60] =	vst v47  }
0xb2: {  	v52 =	vld [tilespmem:s22+$0x2EE0];
	[tilespmem:s22+$0x2E50] =	vst v19;
	v19 =	vmul.f32 v42, v22  }
0xb3: {  	v54 =	vld [tilespmem:s22+$0x2EF0];
	v53 =	vmul.f32 v46, v48;
	[tilespmem:s22+$0x2E80] =	vst v50  }
0xb4: {  	v55 =	vld [tilespmem:s22+$0x2F00];
	[tilespmem:s22+$0x2E70] =	vst v19;
	v19 =	vmul.f32 v45, v48  }
0xb5: {  	v57 =	vld [tilespmem:s22+$0x2F10];
	v56 =	vmul.f32 v49, v48;
	[tilespmem:s22+$0x2EA0] =	vst v53  }
0xb6: {  	v58 =	vld [tilespmem:s22+$0x2F20];
	[tilespmem:s22+$0x2E90] =	vst v19;
	v19 =	vmul.f32 v27, v48  }
0xb7: {  	v61 =	vld [tilespmem:s22+$0x2F30];
	v60 =	vperm.xlane v18, v3;
	v59 =	vmul.f32 v52, v48;
	[tilespmem:s22+$0x2EC0] =	vst v56  }
0xb8: {  	v62 =	vld [tilespmem:s22+$0x2F40];
	[tilespmem:s22+$0x2EB0] =	vst v19;
	v19 =	vmul.f32 v51, v48  }
0xb9: {  	v28 =	vld [tilespmem:s22+$0x2F50];
	v63 =	vmul.f32 v55, v60;
	[tilespmem:s22+$0x2EE0] =	vst v59  }
0xba: {  	v29 =	vld [tilespmem:s22+$0x2F60];
	[tilespmem:s22+$0x2ED0] =	vst v19;
	v19 =	vmul.f32 v54, v48  }
0xbb: {  	v31 =	vld [tilespmem:s22+$0x2F70];
	v30 =	vmul.f32 v58, v60;
	[tilespmem:s22+$0x2F00] =	vst v63  }
0xbc: {  	v32 =	vld [tilespmem:s22+$0x2F80];
	[tilespmem:s22+$0x2EF0] =	vst v19;
	v19 =	vmul.f32 v57, v60  }
0xbd: {  	v34 =	vld [tilespmem:s22+$0x2F90];
	v33 =	vmul.f32 v62, v60;
	[tilespmem:s22+$0x2F20] =	vst v30  }
0xbe: {  	v35 =	vld [tilespmem:s22+$0x2FA0];
	[tilespmem:s22+$0x2F10] =	vst v19;
	v19 =	vmul.f32 v61, v60  }
0xbf: {  	v38 =	vld [tilespmem:s22+$0x2FB0];
	v37 =	vperm.xlane v18, v4;
	v36 =	vmul.f32 v29, v60;
	[tilespmem:s22+$0x2F40] =	vst v33  }
0xc0: {  	v39 =	vld [tilespmem:s22+$0x2FC0];
	[tilespmem:s22+$0x2F30] =	vst v19;
	v19 =	vmul.f32 v28, v60  }
0xc1: {  	v40 =	vmul.f32 v32, v37;
	v52 =	vld [tilespmem:s22+$0x3040];
	[tilespmem:s22+$0x2F60] =	vst v36  }
0xc2: {  	v55 =	vld [tilespmem:s22+$0x3060];
	[tilespmem:s22+$0x2F50] =	vst v19;
	v19 =	vmul.f32 v31, v60  }
0xc3: {  	v43 =	vmul.f32 v35, v37;
	v41 =	vld [tilespmem:s22+$0x2FD0];
	[tilespmem:s22+$0x2F80] =	vst v40  }
0xc4: {  	v58 =	vld [tilespmem:s22+$0x3080];
	[tilespmem:s22+$0x2F70] =	vst v19;
	v19 =	vmul.f32 v34, v37  }
0xc5: {  	v46 =	vmul.f32 v39, v37;
	v44 =	vld [tilespmem:s22+$0x2FF0];
	[tilespmem:s22+$0x2FA0] =	vst v43;
	v50 =	vperm.xlane v18, v5  }
0xc6: {  	v39 =	vld [tilespmem:s22+$0x3110];
	[tilespmem:s22+$0x2F90] =	vst v19;
	v19 =	vmul.f32 v38, v37  }
0xc7: {  	v47 =	vld [tilespmem:s22+$0x3010];
	[tilespmem:s22+$0x2FC0] =	vst v46;
	v59 =	vmul.f32 v52, v50  }
0xc8: {  	v42 =	vld [tilespmem:s22+$0x2FE0];
	[tilespmem:s22+$0x2FB0] =	vst v19;
	v19 =	vmul.f32 v41, v37  }
0xc9: {  	v63 =	vperm.xlane v18, v6;
	v62 =	vmul.f32 v55, v50;
	[tilespmem:s22+$0x3040] =	vst v59;
	v51 =	vld [tilespmem:s22+$0x3030]  }
0xca: {  	v45 =	vld [tilespmem:s22+$0x3000];
	[tilespmem:s22+$0x2FD0] =	vst v19;
	v19 =	vmul.f32 v44, v37  }
0xcb: {  	v32 =	vmul.f32 v58, v63;
	[tilespmem:s22+$0x3060] =	vst v62;
	v54 =	vld [tilespmem:s22+$0x3050]  }
0xcc: {  	v48 =	vld [tilespmem:s22+$0x3020];
	[tilespmem:s22+$0x2FF0] =	vst v19;
	v19 =	vmul.f32 v47, v50  }
0xcd: {  	[tilespmem:s22+$0x3080] =	vst v32;
	v49 =	vmul.f32 v42, v37;
	v57 =	vld [tilespmem:s22+$0x3070]  }
0xce: {  	v40 =	vld [tilespmem:s22+$0x3120];
	[tilespmem:s22+$0x3010] =	vst v19;
	v19 =	vmul.f32 v51, v50  }
0xcf: {  	[tilespmem:s22+$0x2FE0] =	vst v49;
	v53 =	vmul.f32 v45, v50;
	v60 =	vld [tilespmem:s22+$0x3090]  }
0xd0: {  	v61 =	vld [tilespmem:s22+$0x30A0];
	[tilespmem:s22+$0x3030] =	vst v19;
	v19 =	vmul.f32 v54, v50  }
0xd1: {  	v30 =	vld [tilespmem:s22+$0x30B0];
	v42 =	vperm.xlane v18, v7;
	[tilespmem:s22+$0x3000] =	vst v53;
	v56 =	vmul.f32 v48, v50  }
0xd2: {  	v53 =	vld [tilespmem:s22+$0x31A0];
	[tilespmem:s22+$0x3050] =	vst v19;
	v19 =	vmul.f32 v57, v50  }
0xd3: {  	v33 =	vld [tilespmem:s22+$0x30D0];
	v48 =	vmul.f32 v40, v42;
	[tilespmem:s22+$0x3020] =	vst v56  }
0xd4: {  	v31 =	vld [tilespmem:s22+$0x30C0];
	[tilespmem:s22+$0x3070] =	vst v19;
	v19 =	vmul.f32 v60, v63  }
0xd5: {  	v36 =	vld [tilespmem:s22+$0x30F0];
	v55 =	vperm.xlane v18, v8;
	[tilespmem:s22+$0x3120] =	vst v48;
	v35 =	vmul.f32 v61, v63  }
0xd6: {  	v34 =	vld [tilespmem:s22+$0x30E0];
	[tilespmem:s22+$0x3090] =	vst v19;
	v19 =	vmul.f32 v30, v63  }
0xd7: {  	v29 =	vld [tilespmem:s22+$0x3360];
	v61 =	vmul.f32 v53, v55;
	[tilespmem:s22+$0x30A0] =	vst v35  }
0xd8: {  	v32 =	vld [tilespmem:s22+$0x3220];
	[tilespmem:s22+$0x30B0] =	vst v19;
	v19 =	vmul.f32 v33, v63  }
0xd9: {  	v43 =	vld [tilespmem:s22+$0x3130];
	[tilespmem:s22+$0x31A0] =	vst v61;
	v38 =	vmul.f32 v31, v63  }
0xda: {  	v37 =	vld [tilespmem:s22+$0x3100];
	[tilespmem:s22+$0x30D0] =	vst v19;
	v19 =	vmul.f32 v36, v63  }
0xdb: {  	v46 =	vld [tilespmem:s22+$0x3150];
	[tilespmem:s22+$0x30C0] =	vst v38;
	v41 =	vmul.f32 v34, v63;
	v34 =	vperm.xlane v18, v9  }
0xdc: {  	v44 =	vld [tilespmem:s22+$0x3140];
	[tilespmem:s22+$0x30F0] =	vst v19;
	v19 =	vmul.f32 v39, v42  }
0xdd: {  	v49 =	vld [tilespmem:s22+$0x3170];
	[tilespmem:s22+$0x30E0] =	vst v41;
	v40 =	vmul.f32 v32, v34  }
0xde: {  	v47 =	vld [tilespmem:s22+$0x3160];
	[tilespmem:s22+$0x3110] =	vst v19;
	v19 =	vmul.f32 v43, v42  }
0xdf: {  	v52 =	vld [tilespmem:s22+$0x3190];
	[tilespmem:s22+$0x3220] =	vst v40;
	v45 =	vmul.f32 v37, v42  }
0xe0: {  	v50 =	vld [tilespmem:s22+$0x3180];
	[tilespmem:s22+$0x3130] =	vst v19;
	v19 =	vmul.f32 v46, v42  }
0xe1: {  	v56 =	vld [tilespmem:s22+$0x31B0];
	v51 =	vmul.f32 v44, v42;
	[tilespmem:s22+$0x3100] =	vst v45  }
0xe2: {  	v45 =	vld [tilespmem:s22+$0x32A0];
	[tilespmem:s22+$0x3150] =	vst v19;
	v19 =	vmul.f32 v49, v42  }
0xe3: {  	v59 =	vld [tilespmem:s22+$0x31D0];
	[tilespmem:s22+$0x3140] =	vst v51;
	v54 =	vmul.f32 v47, v42  }
0xe4: {  	v57 =	vld [tilespmem:s22+$0x31C0];
	[tilespmem:s22+$0x3170] =	vst v19;
	v19 =	vmul.f32 v52, v55  }
0xe5: {  	v62 =	vld [tilespmem:s22+$0x31F0];
	v47 =	vperm.xlane v18, v10;
	[tilespmem:s22+$0x3160] =	vst v54;
	v58 =	vmul.f32 v50, v55  }
0xe6: {  	v60 =	vld [tilespmem:s22+$0x31E0];
	[tilespmem:s22+$0x3190] =	vst v19;
	v19 =	vmul.f32 v56, v55  }
0xe7: {  	v31 =	vld [tilespmem:s22+$0x3210];
	v53 =	vmul.f32 v45, v47;
	[tilespmem:s22+$0x3180] =	vst v58  }
0xe8: {  	v58 =	vld [tilespmem:s22+$0x3320];
	[tilespmem:s22+$0x31B0] =	vst v19;
	v19 =	vmul.f32 v59, v55  }
0xe9: {  	v35 =	vld [tilespmem:s22+$0x3230];
	v30 =	vmul.f32 v57, v55;
	[tilespmem:s22+$0x32A0] =	vst v53  }
0xea: {  	v63 =	vld [tilespmem:s22+$0x3200];
	[tilespmem:s22+$0x31D0] =	vst v19;
	v19 =	vmul.f32 v62, v55  }
0xeb: {  	v38 =	vld [tilespmem:s22+$0x3250];
	[tilespmem:s22+$0x31C0] =	vst v30;
	v33 =	vmul.f32 v60, v55;
	v60 =	vperm.xlane v18, v11  }
0xec: {  	v36 =	vld [tilespmem:s22+$0x3240];
	[tilespmem:s22+$0x31F0] =	vst v19;
	v19 =	vmul.f32 v31, v34  }
0xed: {  	v41 =	vld [tilespmem:s22+$0x3270];
	[tilespmem:s22+$0x31E0] =	vst v33;
	v30 =	vmul.f32 v58, v60  }
0xee: {  	v44 =	vld [tilespmem:s22+$0x3290];
	[tilespmem:s22+$0x3210] =	vst v19;
	v19 =	vmul.f32 v35, v34  }
0xef: {  	v39 =	vld [tilespmem:s22+$0x3260];
	v37 =	vmul.f32 v63, v34;
	[tilespmem:s22+$0x3320] =	vst v30  }
0xf0: {  	[tilespmem:s22+$0x3230] =	vst v19;
	v19 =	vmul.f32 v38, v34  }
0xf1: {  	v48 =	vld [tilespmem:s22+$0x32B0];
	v43 =	vmul.f32 v36, v34;
	[tilespmem:s22+$0x3200] =	vst v37  }
0xf2: {  	v32 =	vld [tilespmem:s22+$0x3380];
	[tilespmem:s22+$0x3250] =	vst v19;
	v19 =	vmul.f32 v41, v34  }
0xf3: {  	v51 =	vld [tilespmem:s22+$0x32D0];
	v36 =	vmul.f32 v29, v60;
	[tilespmem:s22+$0x3240] =	vst v43  }
0xf4: {  	v46 =	vmul.f32 v39, v34;
	v39 =	vld [tilespmem:s22+$0x33C0];
	[tilespmem:s22+$0x3270] =	vst v19;
	v19 =	vmul.f32 v44, v47  }
0xf5: {  	v54 =	vld [tilespmem:s22+$0x32F0];
	v37 =	vperm.xlane v18, v12;
	[tilespmem:s22+$0x3360] =	vst v36  }
0xf6: {  	v42 =	vld [tilespmem:s22+$0x3280];
	[tilespmem:s22+$0x3290] =	vst v19;
	v19 =	vmul.f32 v48, v47  }
0xf7: {  	v57 =	vld [tilespmem:s22+$0x3310];
	[tilespmem:s22+$0x3260] =	vst v46;
	v40 =	vmul.f32 v32, v37  }
0xf8: {  	v49 =	vld [tilespmem:s22+$0x32C0];
	[tilespmem:s22+$0x32B0] =	vst v19;
	v19 =	vmul.f32 v51, v47  }
0xf9: {  	v61 =	vld [tilespmem:s22+$0x3330];
	[tilespmem:s22+$0x3380] =	vst v40;
	v46 =	vmul.f32 v39, v37  }
0xfa: {  	v52 =	vld [tilespmem:s22+$0x32E0];
	[tilespmem:s22+$0x32D0] =	vst v19;
	v19 =	vmul.f32 v54, v47  }
0xfb: {  	v28 =	vld [tilespmem:s22+$0x3350];
	v50 =	vmul.f32 v42, v47;
	[tilespmem:s22+$0x33C0] =	vst v46  }
0xfc: {  	v45 =	vld [tilespmem:s22+$0x3400];
	[tilespmem:s22+$0x32F0] =	vst v19;
	v19 =	vmul.f32 v57, v60  }
0xfd: {  	v56 =	vmul.f32 v49, v47;
	[tilespmem:s22+$0x3280] =	vst v50;
	v31 =	vld [tilespmem:s22+$0x3370]  }
0xfe: {  	v42 =	vld [tilespmem:s22+$0x33E0];
	[tilespmem:s22+$0x3310] =	vst v19;
	v19 =	vmul.f32 v61, v60  }
0xff: {  	[tilespmem:s22+$0x32C0] =	vst v56;
	v59 =	vmul.f32 v52, v47;
	v50 =	vperm.xlane v18, v13;
	v34 =	vld [tilespmem:s22+$0x3390]  }
0x100: {  	v52 =	vld [tilespmem:s22+$0x3440];
	[tilespmem:s22+$0x3330] =	vst v19;
	v19 =	vmul.f32 v28, v60  }
0x101: {  	[tilespmem:s22+$0x32E0] =	vst v59;
	v53 =	vmul.f32 v45, v50;
	v38 =	vld [tilespmem:s22+$0x33B0]  }
0x102: {  	v55 =	vld [tilespmem:s22+$0x3300];
	[tilespmem:s22+$0x3350] =	vst v19;
	v19 =	vmul.f32 v31, v60  }
0x103: {  	v49 =	vmul.f32 v42, v37;
	[tilespmem:s22+$0x3400] =	vst v53;
	v41 =	vld [tilespmem:s22+$0x33D0]  }
0x104: {  	v62 =	vld [tilespmem:s22+$0x3340];
	[tilespmem:s22+$0x3370] =	vst v19;
	v19 =	vmul.f32 v34, v37  }
0x105: {  	[tilespmem:s22+$0x33E0] =	vst v49;
	v59 =	vmul.f32 v52, v50;
	v44 =	vld [tilespmem:s22+$0x33F0]  }
0x106: {  	v35 =	vld [tilespmem:s22+$0x33A0];
	[tilespmem:s22+$0x3390] =	vst v19;
	v19 =	vmul.f32 v38, v37  }
0x107: {  	v63 =	vmul.f32 v55, v60;
	[tilespmem:s22+$0x3440] =	vst v59;
	v47 =	vld [tilespmem:s22+$0x3410]  }
0x108: {  	v48 =	vld [tilespmem:s22+$0x3420];
	[tilespmem:s22+$0x33B0] =	vst v19;
	v19 =	vmul.f32 v41, v37  }
0x109: {  	v33 =	vmul.f32 v62, v60;
	[tilespmem:s22+$0x3300] =	vst v63;
	v51 =	vld [tilespmem:s22+$0x3430]  }
0x10a: {  	v58 =	vld [tilespmem:s22+$0x3480];
	[tilespmem:s22+$0x33D0] =	vst v19;
	v19 =	vmul.f32 v44, v37  }
0x10b: {  	[tilespmem:s22+$0x3340] =	vst v33;
	v43 =	vmul.f32 v35, v37;
	v54 =	vld [tilespmem:s22+$0x3450]  }
0x10c: {  	v55 =	vld [tilespmem:s22+$0x3460];
	[tilespmem:s22+$0x33F0] =	vst v19;
	v19 =	vmul.f32 v47, v50  }
0x10d: {  	v63 =	vperm.xlane v18, v14;
	[tilespmem:s22+$0x33A0] =	vst v43;
	v56 =	vmul.f32 v48, v50;
	v57 =	vld [tilespmem:s22+$0x3470]  }
0x10e: {  	v40 =	vld [tilespmem:s22+$0x3520];
	[tilespmem:s22+$0x3410] =	vst v19;
	v19 =	vmul.f32 v51, v50  }
0x10f: {  	v32 =	vmul.f32 v58, v63;
	[tilespmem:s22+$0x3420] =	vst v56;
	v60 =	vld [tilespmem:s22+$0x3490]  }
0x110: {  	v56 =	vld [tilespmem:s22+$0x35C0];
	[tilespmem:s22+$0x3430] =	vst v19;
	v19 =	vmul.f32 v54, v50  }
0x111: {  	v30 =	vld [tilespmem:s22+$0x34B0];
	v42 =	vperm.xlane v18, v15;
	v62 =	vmul.f32 v55, v50;
	[tilespmem:s22+$0x3480] =	vst v32  }
0x112: {  	v61 =	vld [tilespmem:s22+$0x34A0];
	[tilespmem:s22+$0x3450] =	vst v19;
	v19 =	vmul.f32 v57, v50  }
0x113: {  	v33 =	vld [tilespmem:s22+$0x34D0];
	v18 =	vperm.xlane v18, v16;
	[tilespmem:s22+$0x3460] =	vst v62;
	v48 =	vmul.f32 v40, v42  }
0x114: {  	v31 =	vld [tilespmem:s22+$0x34C0];
	[tilespmem:s22+$0x3470] =	vst v19;
	v19 =	vmul.f32 v60, v63  }
0x115: {  	v36 =	vld [tilespmem:s22+$0x34F0];
	[tilespmem:s22+$0x3520] =	vst v48;
	v62 =	vmul.f32 v56, v18  }
0x116: {  	v34 =	vld [tilespmem:s22+$0x34E0];
	[tilespmem:s22+$0x3490] =	vst v19;
	v19 =	vmul.f32 v30, v63  }
0x117: {  	v39 =	vld [tilespmem:s22+$0x3510];
	v35 =	vmul.f32 v61, v63;
	[tilespmem:s22+$0x35C0] =	vst v62  }
0x118: {  	v37 =	vld [tilespmem:s22+$0x3500];
	[tilespmem:s22+$0x34B0] =	vst v19;
	v19 =	vmul.f32 v33, v63  }
0x119: {  	v43 =	vld [tilespmem:s22+$0x3530];
	[tilespmem:s22+$0x34A0] =	vst v35;
	v38 =	vmul.f32 v31, v63  }
0x11a: {  	v44 =	vld [tilespmem:s22+$0x3540];
	[tilespmem:s22+$0x34D0] =	vst v19;
	v19 =	vmul.f32 v36, v63  }
0x11b: {  	v46 =	vld [tilespmem:s22+$0x3550];
	[tilespmem:s22+$0x34C0] =	vst v38;
	v41 =	vmul.f32 v34, v63  }
0x11c: {  	v47 =	vld [tilespmem:s22+$0x3560];
	[tilespmem:s22+$0x34F0] =	vst v19;
	v19 =	vmul.f32 v39, v42  }
0x11d: {  	v49 =	vld [tilespmem:s22+$0x3570];
	[tilespmem:s22+$0x34E0] =	vst v41;
	v45 =	vmul.f32 v37, v42  }
0x11e: {  	v53 =	vld [tilespmem:s22+$0x35A0];
	[tilespmem:s22+$0x3510] =	vst v19;
	v19 =	vmul.f32 v43, v42  }
0x11f: {  	v52 =	vld [tilespmem:s22+$0x3590];
	v51 =	vmul.f32 v44, v42;
	[tilespmem:s22+$0x3500] =	vst v45  }
0x120: {  	v50 =	vld [tilespmem:s22+$0x3580];
	[tilespmem:s22+$0x3530] =	vst v19;
	v19 =	vmul.f32 v46, v42  }
0x121: {  	v55 =	vld [tilespmem:s22+$0x35B0];
	[tilespmem:s22+$0x3540] =	vst v51;
	v54 =	vmul.f32 v47, v42  }
0x122: {  	v59 =	vld [tilespmem:s22+$0x35E0];
	[tilespmem:s22+$0x3550] =	vst v19;
	v19 =	vmul.f32 v49, v42  }
0x123: {  	v58 =	vld [tilespmem:s22+$0x35D0];
	[tilespmem:s22+$0x3560] =	vst v54;
	v60 =	vmul.f32 v53, v18  }
0x124: {  	v61 =	vld [tilespmem:s22+$0x35F0];
	[tilespmem:s22+$0x3570] =	vst v19;
	v19 =	vmul.f32 v52, v18  }
0x125: {  	[tilespmem:s22+$0x35A0] =	vst v60;
	v57 =	vmul.f32 v50, v18  }
0x126: {  	p1 =	por p0, p0;
	[tilespmem:s22+$0x3590] =	vst v19;
	v19 =	vmul.f32 v55, v18  }
.Ltmp1:
0x127: {  	[tilespmem:s22+$0x3580] =	vst v57;
	v63 =	vmul.f32 v59, v18;
	(pc) =	sbr.rel @p1 .LBB2_6-.Ltmp1, $4  }
0x128: {  	[tilespmem:s22+$0x35B0] =	vst v19;
	v19 =	vmul.f32 v58, v18  }
0x129: {  	[tilespmem:s22+$0x35E0] =	vst v63;
	v18 =	vmul.f32 v61, v18  }
0x12a: {  	[tilespmem:s22+$0x35D0] =	vst v19  }
0x12b: {  	p0 =	por $0x0, $0x0;
	[tilespmem:s22+$0x35F0] =	vst v18;
	s22 =	simm.s32 $0x1  }
0x12c: {  	s21 =	sshll.u32 s19, $0xC;
	s19 =	sadd.s32 $0x1, s19  }
0x12d: {  	p0 =	sne.s32 s19, $0x4  }
.Ltmp2:
0x12e: {  	_ = 	snop;
	(pc) =	sbr.rel @p0 .LBB2_5-.Ltmp2, $4  }
0x12f: {  	_ = 	snop  }
0x130: {  	s21 =	sand.u32 $0x3FFFF000, s21  }
0x131: {  	s21 =	sadd.s32 $0x2E00, s21  }
0x132: {  	[spmem:s1] =	stream.indirect.scatter.add.f32 [tilespmem:s21], [sflag:$0x3], $0x80, s20, s9, $0xb8;
	[tilespmem:$0x1EE00] =	vst v63  }
0x133: {  	_ =	swait.ge [sflag:s10], $0x1000  }
0x134: {  	[sflag:s10] =	ssyncset.done $0x0  }
0x135: {  	[sflag:s10] =	ssyncadd.s32 $0xFFFFF000  }
0x136: {  	_ =	swait.ge [sflag:s10], $0x1000  }
0x137: {  	[sflag:s10] =	ssyncset.done $0x0  }
0x138: {  	[sflag:s10] =	ssyncadd.s32 $0xFFFFF000  }
0x139: {  	_ =	swait.ge [sflag:s10], $0x1000  }
0x13a: {  	[sflag:s10] =	ssyncset.done $0x0  }
0x13b: {  	p0 =	seq.s32 s17, $0x27;
	[sflag:s10] =	ssyncadd.s32 $0xFFFFF000  }
0x13c: {  	s18 =	sadd.s32 @!p0 s18, s12;
	_ =	swait.ge [sflag:s10], $0x1000  }
0x13d: {  	s18 =	sshrl.u32 @!p0 s18, $0x3;
	[sflag:s10] =	ssyncset.done $0x0  }
0x13e: {  	s20 =	simm.s32 @!p0 $0x0;
	s19 =	sadd.s32 @!p0 s6, s18;
	[sflag:s10] =	ssyncadd.s32 $0xFFFFF000  }
0x13f: {  	[tilespmem:s20], [sflag:$0x5] =	stream.linear.gather @!p0 [hbm4b:s19+s20], $0x80, $0x38;
	[tilespmem:$0x1EE00] =	vst v63  }
0x140: {  	s19 =	simm.s32 @!p0 $0x5  }
0x141: {  	_ =	swait.ge @!p0 [sflag:s19], $0x80  }
0x142: {  	[sflag:s19] =	ssyncset.done @!p0 $0x0  }
0x143: {  	s21 =	simm.s32 @!p0 $0x2D00;
	s18 =	sadd.s32 @!p0 s7, s18;
	[sflag:s19] =	ssyncadd.s32 @!p0 $0xFFFFFF80  }
0x144: {  	[tilespmem:s21], [sflag:$0x5] =	stream.linear.gather @!p0 [hbm4b:s18+s20], $0x80, $0x38;
	[tilespmem:$0x1EE00] =	vst v63  }
0x145: {  	_ =	swait.ge @!p0 [sflag:s19], $0x80  }
0x146: {  	[sflag:s19] =	ssyncset.done @!p0 $0x0  }
0x147: {  	[sflag:s19] =	ssyncadd.s32 @!p0 $0xFFFFFF80  }
0x148: {  	v17 =	vld @!p0 [tilespmem:$0x0];
	_ =	sdelay $0x1  }
0x149: {  	v18 =	vld @!p0 [tilespmem:$0x10];
	_ =	sdelay $0x1  }
0x14a: {  	v19 =	vld @!p0 [tilespmem:$0x20]  }
0x14b: {  	v20 =	vshra.s32 @!p0 v17, $0xE  }
0x14c: {  	v17 =	vand.u32 @!p0 $0x3FFF, v17;
	[tilespmem:$0x2800] =	vst @!p0 v20;
	v20 =	vld @!p0 [tilespmem:$0x30]  }
0x14d: {  	[tilespmem:$0x2900] =	vst @!p0 v17;
	v17 =	vshra.s32 @!p0 v18, $0xE  }
0x14e: {  	[tilespmem:$0x2810] =	vst @!p0 v17;
	v17 =	vand.u32 @!p0 $0x3FFF, v18;
	v18 =	vld @!p0 [tilespmem:$0x40]  }
0x14f: {  	[tilespmem:$0x2910] =	vst @!p0 v17;
	v17 =	vshra.s32 @!p0 v19, $0xE  }
0x150: {  	[tilespmem:$0x2820] =	vst @!p0 v17;
	v17 =	vand.u32 @!p0 $0x3FFF, v19;
	v19 =	vld @!p0 [tilespmem:$0x50]  }
0x151: {  	[tilespmem:$0x2980] =	vst @!p0 v17;
	v17 =	vshra.s32 @!p0 v20, $0xE  }
0x152: {  	[tilespmem:$0x2830] =	vst @!p0 v17;
	v17 =	vand.u32 @!p0 $0x3FFF, v20;
	v20 =	vld @!p0 [tilespmem:$0x60]  }
0x153: {  	[tilespmem:$0x2990] =	vst @!p0 v17;
	v17 =	vshra.s32 @!p0 v18, $0xE  }
0x154: {  	[tilespmem:$0x2840] =	vst @!p0 v17;
	v17 =	vand.u32 @!p0 $0x3FFF, v18;
	v18 =	vld @!p0 [tilespmem:$0x70]  }
0x155: {  	[tilespmem:$0x2A00] =	vst @!p0 v17;
	v17 =	vshra.s32 @!p0 v19, $0xE  }
0x156: {  	[tilespmem:$0x2850] =	vst @!p0 v17;
	v17 =	vand.u32 @!p0 $0x3FFF, v19  }
0x157: {  	[tilespmem:$0x2A10] =	vst @!p0 v17;
	v17 =	vshra.s32 @!p0 v20, $0xE  }
0x158: {  	[tilespmem:$0x2860] =	vst @!p0 v17;
	v17 =	vand.u32 @!p0 $0x3FFF, v20  }
0x159: {  	[tilespmem:$0x2A80] =	vst @!p0 v17;
	v17 =	vshra.s32 @!p0 v18, $0xE  }
0x15a: {  	[tilespmem:$0x2870] =	vst @!p0 v17;
	v17 =	vand.u32 @!p0 $0x3FFF, v18  }
0x15b: {  	s18 =	simm.s32 @!p0 $0x80;
	s20 =	simm.s32 @!p0 $0x2E00;
	s19 =	simm.s32 @!p0 $0x2800;
	[tilespmem:$0x2A90] =	vst @!p0 v17  }
0x15c: {  	[tilespmem:s20], [sflag:$0x1] =	stream.indirect.gather @!p0 [hbm4b:s4+s18], $0x80, s19, s18, $0xb8;
	[tilespmem:$0x1EE00] =	vst v63  }
0x15d: {  	_ =	swait.ge [sflag:s13], $0x4000  }
0x15e: {  	[sflag:s13] =	ssyncset.done $0x0  }
0x15f: {  	s18 =	simm.s32 $0x0;
	[sflag:s13] =	ssyncadd.s32 $0xFFFFC000  }
.LBB2_9:
0x160: {  	s19 =	sshll.u32 s18, $0x7  }
0x161: {  	s19 =	sand.u32 $0x3FFFFF80, s19  }
0x162: {  	s19 =	sadd.s32 $0x2B00, s19  }
0x163: {  	v17 =	vmov s19;
	_ =	sdelay $0x1  }
0x164: {  	s20 =	sshll.u32 s18, $0x5;
	p0 =	por $0x1, $0x1;
	s21 =	simm.s32 $0x0  }
.LBB2_10:
0x165: {  	s21 =	sshll.u32 s21, $0x4  }
0x166: {  	s22 =	sand.u32 $0x3FFFFFF0, s21  }
0x167: {  	v18 =	vld.idx.msk [tilespmem:v17+s22+$0x0 ss:$0x1], $0xffff  }
0x168: {  	s21 =	sor.u32 s20, s21  }
0x169: {  	v19 =	vld [tilespmem:s21+$0x2880];
	_ =	sdelay $0x4  }
0x16a: {  	v20 =	vld [tilespmem:s21+$0x2D80]  }
0x16b: {  	v18 =	vld.idx.msk [tilespmem:v18+s28+$0x0], $0xffff;
	_ =	sdelay $0x1  }
0x16c: {  	v19 =	vld.idx.msk [tilespmem:v19+s28+$0x0], $0xffff  }
0x16d: {  	s21 =	sshll.u32 s21, $0x7  }
0x16e: {  	s21 =	sand.u32 $0x3FFFFF80, s21  }
0x16f: {  	v40 =	vld [tilespmem:s21+$0x6E00];
	v18 =	vmul.f32 v18, v20  }
0x170: {  	v21 =	vld [tilespmem:s21+$0x6E20]  }
0x171: {  	v23 =	vld [tilespmem:s21+$0x6E30];
	v18 =	vmul.f32 v19, v18  }
0x172: {  	v19 =	vld [tilespmem:s21+$0x6E10]  }
0x173: {  	v24 =	vld [tilespmem:s21+$0x6E40];
	v22 =	vperm.xlane v18, v1  }
0x174: {  	v25 =	vld [tilespmem:s21+$0x6E50]  }
0x175: {  	v26 =	vld [tilespmem:s21+$0x6E60];
	v20 =	vmul.f32 v40, v22  }
0x176: {  	v42 =	vld [tilespmem:s21+$0x6E70];
	v41 =	vmul.f32 v21, v22  }
0x177: {  	v43 =	vld [tilespmem:s21+$0x6E80];
	v19 =	vmul.f32 v19, v22;
	[tilespmem:s21+$0x6E00] =	vst v20  }
0x178: {  	v45 =	vld [tilespmem:s21+$0x6E90];
	v44 =	vmul.f32 v24, v22;
	[tilespmem:s21+$0x6E20] =	vst v41  }
0x179: {  	v46 =	vld [tilespmem:s21+$0x6EA0];
	[tilespmem:s21+$0x6E10] =	vst v19;
	v19 =	vmul.f32 v23, v22  }
0x17a: {  	v27 =	vld [tilespmem:s21+$0x6EB0];
	v48 =	vperm.xlane v18, v2;
	v47 =	vmul.f32 v26, v22;
	[tilespmem:s21+$0x6E40] =	vst v44  }
0x17b: {  	v49 =	vld [tilespmem:s21+$0x6EC0];
	[tilespmem:s21+$0x6E30] =	vst v19;
	v19 =	vmul.f32 v25, v22  }
0x17c: {  	v51 =	vld [tilespmem:s21+$0x6ED0];
	v50 =	vmul.f32 v43, v48;
	[tilespmem:s21+$0x6E60] =	vst v47  }
0x17d: {  	v52 =	vld [tilespmem:s21+$0x6EE0];
	[tilespmem:s21+$0x6E50] =	vst v19;
	v19 =	vmul.f32 v42, v22  }
0x17e: {  	v54 =	vld [tilespmem:s21+$0x6EF0];
	v53 =	vmul.f32 v46, v48;
	[tilespmem:s21+$0x6E80] =	vst v50  }
0x17f: {  	v55 =	vld [tilespmem:s21+$0x6F00];
	[tilespmem:s21+$0x6E70] =	vst v19;
	v19 =	vmul.f32 v45, v48  }
0x180: {  	v57 =	vld [tilespmem:s21+$0x6F10];
	v56 =	vmul.f32 v49, v48;
	[tilespmem:s21+$0x6EA0] =	vst v53  }
0x181: {  	v58 =	vld [tilespmem:s21+$0x6F20];
	[tilespmem:s21+$0x6E90] =	vst v19;
	v19 =	vmul.f32 v27, v48  }
0x182: {  	v61 =	vld [tilespmem:s21+$0x6F30];
	v60 =	vperm.xlane v18, v3;
	v59 =	vmul.f32 v52, v48;
	[tilespmem:s21+$0x6EC0] =	vst v56  }
0x183: {  	v62 =	vld [tilespmem:s21+$0x6F40];
	[tilespmem:s21+$0x6EB0] =	vst v19;
	v19 =	vmul.f32 v51, v48  }
0x184: {  	v28 =	vld [tilespmem:s21+$0x6F50];
	v63 =	vmul.f32 v55, v60;
	[tilespmem:s21+$0x6EE0] =	vst v59  }
0x185: {  	v29 =	vld [tilespmem:s21+$0x6F60];
	[tilespmem:s21+$0x6ED0] =	vst v19;
	v19 =	vmul.f32 v54, v48  }
0x186: {  	v31 =	vld [tilespmem:s21+$0x6F70];
	v30 =	vmul.f32 v58, v60;
	[tilespmem:s21+$0x6F00] =	vst v63  }
0x187: {  	v32 =	vld [tilespmem:s21+$0x6F80];
	[tilespmem:s21+$0x6EF0] =	vst v19;
	v19 =	vmul.f32 v57, v60  }
0x188: {  	v34 =	vld [tilespmem:s21+$0x6F90];
	v33 =	vmul.f32 v62, v60;
	[tilespmem:s21+$0x6F20] =	vst v30  }
0x189: {  	v35 =	vld [tilespmem:s21+$0x6FA0];
	[tilespmem:s21+$0x6F10] =	vst v19;
	v19 =	vmul.f32 v61, v60  }
0x18a: {  	v38 =	vld [tilespmem:s21+$0x6FB0];
	v37 =	vperm.xlane v18, v4;
	v36 =	vmul.f32 v29, v60;
	[tilespmem:s21+$0x6F40] =	vst v33  }
0x18b: {  	v39 =	vld [tilespmem:s21+$0x6FC0];
	[tilespmem:s21+$0x6F30] =	vst v19;
	v19 =	vmul.f32 v28, v60  }
0x18c: {  	v40 =	vmul.f32 v32, v37;
	v52 =	vld [tilespmem:s21+$0x7040];
	[tilespmem:s21+$0x6F60] =	vst v36  }
0x18d: {  	v55 =	vld [tilespmem:s21+$0x7060];
	[tilespmem:s21+$0x6F50] =	vst v19;
	v19 =	vmul.f32 v31, v60  }
0x18e: {  	v43 =	vmul.f32 v35, v37;
	v41 =	vld [tilespmem:s21+$0x6FD0];
	[tilespmem:s21+$0x6F80] =	vst v40  }
0x18f: {  	v58 =	vld [tilespmem:s21+$0x7080];
	[tilespmem:s21+$0x6F70] =	vst v19;
	v19 =	vmul.f32 v34, v37  }
0x190: {  	v46 =	vmul.f32 v39, v37;
	v44 =	vld [tilespmem:s21+$0x6FF0];
	[tilespmem:s21+$0x6FA0] =	vst v43;
	v50 =	vperm.xlane v18, v5  }
0x191: {  	v39 =	vld [tilespmem:s21+$0x7110];
	[tilespmem:s21+$0x6F90] =	vst v19;
	v19 =	vmul.f32 v38, v37  }
0x192: {  	v47 =	vld [tilespmem:s21+$0x7010];
	[tilespmem:s21+$0x6FC0] =	vst v46;
	v59 =	vmul.f32 v52, v50  }
0x193: {  	v42 =	vld [tilespmem:s21+$0x6FE0];
	[tilespmem:s21+$0x6FB0] =	vst v19;
	v19 =	vmul.f32 v41, v37  }
0x194: {  	v63 =	vperm.xlane v18, v6;
	v62 =	vmul.f32 v55, v50;
	[tilespmem:s21+$0x7040] =	vst v59;
	v51 =	vld [tilespmem:s21+$0x7030]  }
0x195: {  	v45 =	vld [tilespmem:s21+$0x7000];
	[tilespmem:s21+$0x6FD0] =	vst v19;
	v19 =	vmul.f32 v44, v37  }
0x196: {  	v32 =	vmul.f32 v58, v63;
	[tilespmem:s21+$0x7060] =	vst v62;
	v54 =	vld [tilespmem:s21+$0x7050]  }
0x197: {  	v48 =	vld [tilespmem:s21+$0x7020];
	[tilespmem:s21+$0x6FF0] =	vst v19;
	v19 =	vmul.f32 v47, v50  }
0x198: {  	[tilespmem:s21+$0x7080] =	vst v32;
	v49 =	vmul.f32 v42, v37;
	v57 =	vld [tilespmem:s21+$0x7070]  }
0x199: {  	v40 =	vld [tilespmem:s21+$0x7120];
	[tilespmem:s21+$0x7010] =	vst v19;
	v19 =	vmul.f32 v51, v50  }
0x19a: {  	[tilespmem:s21+$0x6FE0] =	vst v49;
	v53 =	vmul.f32 v45, v50;
	v60 =	vld [tilespmem:s21+$0x7090]  }
0x19b: {  	v61 =	vld [tilespmem:s21+$0x70A0];
	[tilespmem:s21+$0x7030] =	vst v19;
	v19 =	vmul.f32 v54, v50  }
0x19c: {  	v30 =	vld [tilespmem:s21+$0x70B0];
	v42 =	vperm.xlane v18, v7;
	[tilespmem:s21+$0x7000] =	vst v53;
	v56 =	vmul.f32 v48, v50  }
0x19d: {  	v53 =	vld [tilespmem:s21+$0x71A0];
	[tilespmem:s21+$0x7050] =	vst v19;
	v19 =	vmul.f32 v57, v50  }
0x19e: {  	v33 =	vld [tilespmem:s21+$0x70D0];
	v48 =	vmul.f32 v40, v42;
	[tilespmem:s21+$0x7020] =	vst v56  }
0x19f: {  	v31 =	vld [tilespmem:s21+$0x70C0];
	[tilespmem:s21+$0x7070] =	vst v19;
	v19 =	vmul.f32 v60, v63  }
0x1a0: {  	v36 =	vld [tilespmem:s21+$0x70F0];
	v55 =	vperm.xlane v18, v8;
	[tilespmem:s21+$0x7120] =	vst v48;
	v35 =	vmul.f32 v61, v63  }
0x1a1: {  	v34 =	vld [tilespmem:s21+$0x70E0];
	[tilespmem:s21+$0x7090] =	vst v19;
	v19 =	vmul.f32 v30, v63  }
0x1a2: {  	v29 =	vld [tilespmem:s21+$0x7360];
	v61 =	vmul.f32 v53, v55;
	[tilespmem:s21+$0x70A0] =	vst v35  }
0x1a3: {  	v32 =	vld [tilespmem:s21+$0x7220];
	[tilespmem:s21+$0x70B0] =	vst v19;
	v19 =	vmul.f32 v33, v63  }
0x1a4: {  	v43 =	vld [tilespmem:s21+$0x7130];
	[tilespmem:s21+$0x71A0] =	vst v61;
	v38 =	vmul.f32 v31, v63  }
0x1a5: {  	v37 =	vld [tilespmem:s21+$0x7100];
	[tilespmem:s21+$0x70D0] =	vst v19;
	v19 =	vmul.f32 v36, v63  }
0x1a6: {  	v46 =	vld [tilespmem:s21+$0x7150];
	[tilespmem:s21+$0x70C0] =	vst v38;
	v41 =	vmul.f32 v34, v63;
	v34 =	vperm.xlane v18, v9  }
0x1a7: {  	v44 =	vld [tilespmem:s21+$0x7140];
	[tilespmem:s21+$0x70F0] =	vst v19;
	v19 =	vmul.f32 v39, v42  }
0x1a8: {  	v49 =	vld [tilespmem:s21+$0x7170];
	[tilespmem:s21+$0x70E0] =	vst v41;
	v40 =	vmul.f32 v32, v34  }
0x1a9: {  	v47 =	vld [tilespmem:s21+$0x7160];
	[tilespmem:s21+$0x7110] =	vst v19;
	v19 =	vmul.f32 v43, v42  }
0x1aa: {  	v52 =	vld [tilespmem:s21+$0x7190];
	[tilespmem:s21+$0x7220] =	vst v40;
	v45 =	vmul.f32 v37, v42  }
0x1ab: {  	v50 =	vld [tilespmem:s21+$0x7180];
	[tilespmem:s21+$0x7130] =	vst v19;
	v19 =	vmul.f32 v46, v42  }
0x1ac: {  	v56 =	vld [tilespmem:s21+$0x71B0];
	v51 =	vmul.f32 v44, v42;
	[tilespmem:s21+$0x7100] =	vst v45  }
0x1ad: {  	v45 =	vld [tilespmem:s21+$0x72A0];
	[tilespmem:s21+$0x7150] =	vst v19;
	v19 =	vmul.f32 v49, v42  }
0x1ae: {  	v59 =	vld [tilespmem:s21+$0x71D0];
	[tilespmem:s21+$0x7140] =	vst v51;
	v54 =	vmul.f32 v47, v42  }
0x1af: {  	v57 =	vld [tilespmem:s21+$0x71C0];
	[tilespmem:s21+$0x7170] =	vst v19;
	v19 =	vmul.f32 v52, v55  }
0x1b0: {  	v62 =	vld [tilespmem:s21+$0x71F0];
	v47 =	vperm.xlane v18, v10;
	[tilespmem:s21+$0x7160] =	vst v54;
	v58 =	vmul.f32 v50, v55  }
0x1b1: {  	v60 =	vld [tilespmem:s21+$0x71E0];
	[tilespmem:s21+$0x7190] =	vst v19;
	v19 =	vmul.f32 v56, v55  }
0x1b2: {  	v31 =	vld [tilespmem:s21+$0x7210];
	v53 =	vmul.f32 v45, v47;
	[tilespmem:s21+$0x7180] =	vst v58  }
0x1b3: {  	v58 =	vld [tilespmem:s21+$0x7320];
	[tilespmem:s21+$0x71B0] =	vst v19;
	v19 =	vmul.f32 v59, v55  }
0x1b4: {  	v35 =	vld [tilespmem:s21+$0x7230];
	v30 =	vmul.f32 v57, v55;
	[tilespmem:s21+$0x72A0] =	vst v53  }
0x1b5: {  	v63 =	vld [tilespmem:s21+$0x7200];
	[tilespmem:s21+$0x71D0] =	vst v19;
	v19 =	vmul.f32 v62, v55  }
0x1b6: {  	v38 =	vld [tilespmem:s21+$0x7250];
	[tilespmem:s21+$0x71C0] =	vst v30;
	v33 =	vmul.f32 v60, v55;
	v60 =	vperm.xlane v18, v11  }
0x1b7: {  	v36 =	vld [tilespmem:s21+$0x7240];
	[tilespmem:s21+$0x71F0] =	vst v19;
	v19 =	vmul.f32 v31, v34  }
0x1b8: {  	v41 =	vld [tilespmem:s21+$0x7270];
	[tilespmem:s21+$0x71E0] =	vst v33;
	v30 =	vmul.f32 v58, v60  }
0x1b9: {  	v44 =	vld [tilespmem:s21+$0x7290];
	[tilespmem:s21+$0x7210] =	vst v19;
	v19 =	vmul.f32 v35, v34  }
0x1ba: {  	v39 =	vld [tilespmem:s21+$0x7260];
	v37 =	vmul.f32 v63, v34;
	[tilespmem:s21+$0x7320] =	vst v30  }
0x1bb: {  	[tilespmem:s21+$0x7230] =	vst v19;
	v19 =	vmul.f32 v38, v34  }
0x1bc: {  	v48 =	vld [tilespmem:s21+$0x72B0];
	v43 =	vmul.f32 v36, v34;
	[tilespmem:s21+$0x7200] =	vst v37  }
0x1bd: {  	v32 =	vld [tilespmem:s21+$0x7380];
	[tilespmem:s21+$0x7250] =	vst v19;
	v19 =	vmul.f32 v41, v34  }
0x1be: {  	v51 =	vld [tilespmem:s21+$0x72D0];
	v36 =	vmul.f32 v29, v60;
	[tilespmem:s21+$0x7240] =	vst v43  }
0x1bf: {  	v46 =	vmul.f32 v39, v34;
	v39 =	vld [tilespmem:s21+$0x73C0];
	[tilespmem:s21+$0x7270] =	vst v19;
	v19 =	vmul.f32 v44, v47  }
0x1c0: {  	v54 =	vld [tilespmem:s21+$0x72F0];
	v37 =	vperm.xlane v18, v12;
	[tilespmem:s21+$0x7360] =	vst v36  }
0x1c1: {  	v42 =	vld [tilespmem:s21+$0x7280];
	[tilespmem:s21+$0x7290] =	vst v19;
	v19 =	vmul.f32 v48, v47  }
0x1c2: {  	v57 =	vld [tilespmem:s21+$0x7310];
	[tilespmem:s21+$0x7260] =	vst v46;
	v40 =	vmul.f32 v32, v37  }
0x1c3: {  	v49 =	vld [tilespmem:s21+$0x72C0];
	[tilespmem:s21+$0x72B0] =	vst v19;
	v19 =	vmul.f32 v51, v47  }
0x1c4: {  	v61 =	vld [tilespmem:s21+$0x7330];
	[tilespmem:s21+$0x7380] =	vst v40;
	v46 =	vmul.f32 v39, v37  }
0x1c5: {  	v52 =	vld [tilespmem:s21+$0x72E0];
	[tilespmem:s21+$0x72D0] =	vst v19;
	v19 =	vmul.f32 v54, v47  }
0x1c6: {  	v28 =	vld [tilespmem:s21+$0x7350];
	v50 =	vmul.f32 v42, v47;
	[tilespmem:s21+$0x73C0] =	vst v46  }
0x1c7: {  	v45 =	vld [tilespmem:s21+$0x7400];
	[tilespmem:s21+$0x72F0] =	vst v19;
	v19 =	vmul.f32 v57, v60  }
0x1c8: {  	v56 =	vmul.f32 v49, v47;
	[tilespmem:s21+$0x7280] =	vst v50;
	v31 =	vld [tilespmem:s21+$0x7370]  }
0x1c9: {  	v42 =	vld [tilespmem:s21+$0x73E0];
	[tilespmem:s21+$0x7310] =	vst v19;
	v19 =	vmul.f32 v61, v60  }
0x1ca: {  	[tilespmem:s21+$0x72C0] =	vst v56;
	v59 =	vmul.f32 v52, v47;
	v50 =	vperm.xlane v18, v13;
	v34 =	vld [tilespmem:s21+$0x7390]  }
0x1cb: {  	v52 =	vld [tilespmem:s21+$0x7440];
	[tilespmem:s21+$0x7330] =	vst v19;
	v19 =	vmul.f32 v28, v60  }
0x1cc: {  	[tilespmem:s21+$0x72E0] =	vst v59;
	v53 =	vmul.f32 v45, v50;
	v38 =	vld [tilespmem:s21+$0x73B0]  }
0x1cd: {  	v55 =	vld [tilespmem:s21+$0x7300];
	[tilespmem:s21+$0x7350] =	vst v19;
	v19 =	vmul.f32 v31, v60  }
0x1ce: {  	v49 =	vmul.f32 v42, v37;
	[tilespmem:s21+$0x7400] =	vst v53;
	v41 =	vld [tilespmem:s21+$0x73D0]  }
0x1cf: {  	v62 =	vld [tilespmem:s21+$0x7340];
	[tilespmem:s21+$0x7370] =	vst v19;
	v19 =	vmul.f32 v34, v37  }
0x1d0: {  	[tilespmem:s21+$0x73E0] =	vst v49;
	v59 =	vmul.f32 v52, v50;
	v44 =	vld [tilespmem:s21+$0x73F0]  }
0x1d1: {  	v35 =	vld [tilespmem:s21+$0x73A0];
	[tilespmem:s21+$0x7390] =	vst v19;
	v19 =	vmul.f32 v38, v37  }
0x1d2: {  	v63 =	vmul.f32 v55, v60;
	[tilespmem:s21+$0x7440] =	vst v59;
	v47 =	vld [tilespmem:s21+$0x7410]  }
0x1d3: {  	v48 =	vld [tilespmem:s21+$0x7420];
	[tilespmem:s21+$0x73B0] =	vst v19;
	v19 =	vmul.f32 v41, v37  }
0x1d4: {  	v33 =	vmul.f32 v62, v60;
	[tilespmem:s21+$0x7300] =	vst v63;
	v51 =	vld [tilespmem:s21+$0x7430]  }
0x1d5: {  	v58 =	vld [tilespmem:s21+$0x7480];
	[tilespmem:s21+$0x73D0] =	vst v19;
	v19 =	vmul.f32 v44, v37  }
0x1d6: {  	[tilespmem:s21+$0x7340] =	vst v33;
	v43 =	vmul.f32 v35, v37;
	v54 =	vld [tilespmem:s21+$0x7450]  }
0x1d7: {  	v55 =	vld [tilespmem:s21+$0x7460];
	[tilespmem:s21+$0x73F0] =	vst v19;
	v19 =	vmul.f32 v47, v50  }
0x1d8: {  	v63 =	vperm.xlane v18, v14;
	[tilespmem:s21+$0x73A0] =	vst v43;
	v56 =	vmul.f32 v48, v50;
	v57 =	vld [tilespmem:s21+$0x7470]  }
0x1d9: {  	v40 =	vld [tilespmem:s21+$0x7520];
	[tilespmem:s21+$0x7410] =	vst v19;
	v19 =	vmul.f32 v51, v50  }
0x1da: {  	v32 =	vmul.f32 v58, v63;
	[tilespmem:s21+$0x7420] =	vst v56;
	v60 =	vld [tilespmem:s21+$0x7490]  }
0x1db: {  	v56 =	vld [tilespmem:s21+$0x75C0];
	[tilespmem:s21+$0x7430] =	vst v19;
	v19 =	vmul.f32 v54, v50  }
0x1dc: {  	v30 =	vld [tilespmem:s21+$0x74B0];
	v42 =	vperm.xlane v18, v15;
	v62 =	vmul.f32 v55, v50;
	[tilespmem:s21+$0x7480] =	vst v32  }
0x1dd: {  	v61 =	vld [tilespmem:s21+$0x74A0];
	[tilespmem:s21+$0x7450] =	vst v19;
	v19 =	vmul.f32 v57, v50  }
0x1de: {  	v33 =	vld [tilespmem:s21+$0x74D0];
	v18 =	vperm.xlane v18, v16;
	[tilespmem:s21+$0x7460] =	vst v62;
	v48 =	vmul.f32 v40, v42  }
0x1df: {  	v31 =	vld [tilespmem:s21+$0x74C0];
	[tilespmem:s21+$0x7470] =	vst v19;
	v19 =	vmul.f32 v60, v63  }
0x1e0: {  	v36 =	vld [tilespmem:s21+$0x74F0];
	[tilespmem:s21+$0x7520] =	vst v48;
	v62 =	vmul.f32 v56, v18  }
0x1e1: {  	v34 =	vld [tilespmem:s21+$0x74E0];
	[tilespmem:s21+$0x7490] =	vst v19;
	v19 =	vmul.f32 v30, v63  }
0x1e2: {  	v39 =	vld [tilespmem:s21+$0x7510];
	v35 =	vmul.f32 v61, v63;
	[tilespmem:s21+$0x75C0] =	vst v62  }
0x1e3: {  	v37 =	vld [tilespmem:s21+$0x7500];
	[tilespmem:s21+$0x74B0] =	vst v19;
	v19 =	vmul.f32 v33, v63  }
0x1e4: {  	v43 =	vld [tilespmem:s21+$0x7530];
	[tilespmem:s21+$0x74A0] =	vst v35;
	v38 =	vmul.f32 v31, v63  }
0x1e5: {  	v44 =	vld [tilespmem:s21+$0x7540];
	[tilespmem:s21+$0x74D0] =	vst v19;
	v19 =	vmul.f32 v36, v63  }
0x1e6: {  	v46 =	vld [tilespmem:s21+$0x7550];
	[tilespmem:s21+$0x74C0] =	vst v38;
	v41 =	vmul.f32 v34, v63  }
0x1e7: {  	v47 =	vld [tilespmem:s21+$0x7560];
	[tilespmem:s21+$0x74F0] =	vst v19;
	v19 =	vmul.f32 v39, v42  }
0x1e8: {  	v49 =	vld [tilespmem:s21+$0x7570];
	[tilespmem:s21+$0x74E0] =	vst v41;
	v45 =	vmul.f32 v37, v42  }
0x1e9: {  	v53 =	vld [tilespmem:s21+$0x75A0];
	[tilespmem:s21+$0x7510] =	vst v19;
	v19 =	vmul.f32 v43, v42  }
0x1ea: {  	v52 =	vld [tilespmem:s21+$0x7590];
	v51 =	vmul.f32 v44, v42;
	[tilespmem:s21+$0x7500] =	vst v45  }
0x1eb: {  	v50 =	vld [tilespmem:s21+$0x7580];
	[tilespmem:s21+$0x7530] =	vst v19;
	v19 =	vmul.f32 v46, v42  }
0x1ec: {  	v55 =	vld [tilespmem:s21+$0x75B0];
	[tilespmem:s21+$0x7540] =	vst v51;
	v54 =	vmul.f32 v47, v42  }
0x1ed: {  	v59 =	vld [tilespmem:s21+$0x75E0];
	[tilespmem:s21+$0x7550] =	vst v19;
	v19 =	vmul.f32 v49, v42  }
0x1ee: {  	v58 =	vld [tilespmem:s21+$0x75D0];
	[tilespmem:s21+$0x7560] =	vst v54;
	v60 =	vmul.f32 v53, v18  }
0x1ef: {  	v61 =	vld [tilespmem:s21+$0x75F0];
	[tilespmem:s21+$0x7570] =	vst v19;
	v19 =	vmul.f32 v52, v18  }
0x1f0: {  	[tilespmem:s21+$0x75A0] =	vst v60;
	v57 =	vmul.f32 v50, v18  }
0x1f1: {  	p1 =	por p0, p0;
	[tilespmem:s21+$0x7590] =	vst v19;
	v19 =	vmul.f32 v55, v18  }
.Ltmp3:
0x1f2: {  	[tilespmem:s21+$0x7580] =	vst v57;
	v63 =	vmul.f32 v59, v18;
	(pc) =	sbr.rel @p1 .LBB2_10-.Ltmp3, $4  }
0x1f3: {  	[tilespmem:s21+$0x75B0] =	vst v19;
	v19 =	vmul.f32 v58, v18  }
0x1f4: {  	[tilespmem:s21+$0x75E0] =	vst v63;
	v18 =	vmul.f32 v61, v18  }
0x1f5: {  	[tilespmem:s21+$0x75D0] =	vst v19  }
0x1f6: {  	p0 =	por $0x0, $0x0;
	[tilespmem:s21+$0x75F0] =	vst v18;
	s21 =	simm.s32 $0x1  }
0x1f7: {  	s20 =	sshll.u32 s18, $0xC;
	s18 =	sadd.s32 $0x1, s18  }
0x1f8: {  	p0 =	sne.s32 s18, $0x4  }
.Ltmp4:
0x1f9: {  	_ = 	snop;
	(pc) =	sbr.rel @p0 .LBB2_9-.Ltmp4, $4  }
0x1fa: {  	_ = 	snop  }
0x1fb: {  	s20 =	sand.u32 $0x3FFFF000, s20  }
0x1fc: {  	s20 =	sadd.s32 $0x6E00, s20  }
0x1fd: {  	[spmem:s1] =	stream.indirect.scatter.add.f32 [tilespmem:s20], [sflag:$0x4], $0x80, s19, s9, $0xb8;
	[tilespmem:$0x1EE00] =	vst v63  }
0x1fe: {  	s17 =	sadd.s32 $0x1, s17  }
0x1ff: {  	p0 =	sne.s32 s17, $0x28  }
.Ltmp5:
0x200: {  	_ = 	snop;
	(pc) =	sbr.rel @p0 .LBB2_4-.Ltmp5, $1  }
0x201: {  	_ =	sdelay $0x3  }
0x202: {  	_ =	swait.ge [sflag:s14], $0x1000  }
0x203: {  	[sflag:s14] =	ssyncset.done $0x0  }
0x204: {  	[sflag:s14] =	ssyncadd.s32 $0xFFFFF000  }
0x205: {  	_ =	swait.ge [sflag:s14], $0x1000  }
0x206: {  	[sflag:s14] =	ssyncset.done $0x0  }
0x207: {  	[sflag:s14] =	ssyncadd.s32 $0xFFFFF000  }
0x208: {  	_ =	swait.ge [sflag:s14], $0x1000  }
0x209: {  	[sflag:s14] =	ssyncset.done $0x0  }
0x20a: {  	[sflag:s14] =	ssyncadd.s32 $0xFFFFF000  }
0x20b: {  	_ =	swait.ge [sflag:s14], $0x1000  }
0x20c: {  	[sflag:s14] =	ssyncset.done $0x0  }
0x20d: {  	[sflag:s14] =	ssyncadd.s32 $0xFFFFF000  }
0x20e: {  	[bflag:$0x0] =	sbarrier.arrive $0xFFFF  }
0x20f: {  	[tilespmem:s30], [sflag:$0x5] =	stream.linear.gather [spmem:s8], $0x4000, $0x38;
	[tilespmem:$0x1EE00] =	vst v63  }
0x210: {  	_ =	swait.ge [sflag:s29], $0x4000  }
0x211: {  	[sflag:s29] =	ssyncset.done $0x0  }
0x212: {  	s16 =	rddreg [dreg:$0x9];
	[sflag:s29] =	ssyncadd.s32 $0xFFFFC000  }
0x213: {  	[hbm4b:s16+s2] =	stream.linear.scatter [tilespmem:s30], [sflag:$0x5], $0x4000, $0x38;
	[tilespmem:$0x1EE00] =	vst v63  }
0x214: {  	_ =	swait.ge [sflag:s29], $0x4000  }
0x215: {  	[sflag:s29] =	ssyncset.done $0x0  }
0x216: {  	s17 =	rddreg [dreg:$0xf];
	[sflag:s29] =	ssyncadd.s32 $0xFFFFC000  }
0x217: {  	[tilespmem:s30], [sflag:$0x5] =	stream.linear.gather [spmem:s17], $0x4000, $0x38;
	[tilespmem:$0x1EE00] =	vst v63  }
0x218: {  	_ =	swait.ge [sflag:s29], $0x4000  }
0x219: {  	[sflag:s29] =	ssyncset.done $0x0  }
0x21a: {  	s18 =	rddreg [dreg:$0xa];
	[sflag:s29] =	ssyncadd.s32 $0xFFFFC000  }
0x21b: {  	[hbm4b:s18+s2] =	stream.linear.scatter [tilespmem:s30], [sflag:$0x5], $0x4000, $0x38;
	[tilespmem:$0x1EE00] =	vst v63  }
0x21c: {  	_ =	swait.ge [sflag:s29], $0x4000  }
0x21d: {  	[sflag:s29] =	ssyncset.done $0x0  }
0x21e: {  	s19 =	rddreg [dreg:$0x10];
	[sflag:s29] =	ssyncadd.s32 $0xFFFFC000  }
0x21f: {  	[tilespmem:s30], [sflag:$0x5] =	stream.linear.gather [spmem:s19], $0x4000, $0x38;
	[tilespmem:$0x1EE00] =	vst v63  }
0x220: {  	_ =	swait.ge [sflag:s29], $0x4000  }
0x221: {  	[sflag:s29] =	ssyncset.done $0x0  }
0x222: {  	s20 =	rddreg [dreg:$0xb];
	[sflag:s29] =	ssyncadd.s32 $0xFFFFC000  }
0x223: {  	[hbm4b:s20+s2] =	stream.linear.scatter [tilespmem:s30], [sflag:$0x5], $0x4000, $0x38;
	[tilespmem:$0x1EE00] =	vst v63  }
0x224: {  	_ =	swait.ge [sflag:s29], $0x4000  }
0x225: {  	[sflag:s29] =	ssyncset.done $0x0  }
0x226: {  	[sflag:s29] =	ssyncadd.s32 $0xFFFFC000  }
0x227: {  	[tilespmem:s30], [sflag:$0x5] =	stream.linear.gather [spmem:s24], $0x4000, $0x38;
	[tilespmem:$0x1EE00] =	vst v63  }
0x228: {  	_ =	swait.ge [sflag:s29], $0x4000  }
0x229: {  	[sflag:s29] =	ssyncset.done $0x0  }
0x22a: {  	s21 =	rddreg [dreg:$0xc];
	[sflag:s29] =	ssyncadd.s32 $0xFFFFC000  }
0x22b: {  	[hbm4b:s21+s2] =	stream.linear.scatter [tilespmem:s30], [sflag:$0x5], $0x4000, $0x38;
	[tilespmem:$0x1EE00] =	vst v63  }
0x22c: {  	_ =	swait.ge [sflag:s29], $0x4000  }
0x22d: {  	[sflag:s29] =	ssyncset.done $0x0  }
0x22e: {  	[sflag:s29] =	ssyncadd.s32 $0xFFFFC000  }
0x22f: {  	[tilespmem:s30], [sflag:$0x5] =	stream.linear.gather [spmem:s25], $0x4000, $0x38;
	[tilespmem:$0x1EE00] =	vst v63  }
0x230: {  	_ =	swait.ge [sflag:s29], $0x4000  }
0x231: {  	[sflag:s29] =	ssyncset.done $0x0  }
0x232: {  	s22 =	rddreg [dreg:$0xd];
	[sflag:s29] =	ssyncadd.s32 $0xFFFFC000  }
0x233: {  	[hbm4b:s22+s2] =	stream.linear.scatter [tilespmem:s30], [sflag:$0x5], $0x4000, $0x38;
	[tilespmem:$0x1EE00] =	vst v63  }
0x234: {  	_ =	swait.ge [sflag:s29], $0x4000  }
0x235: {  	s15 =	sadd.s32 $0x1, s15;
	s23 =	rddreg [dreg:$0x6]  }
0x236: {  	p0 =	sne.s32 s15, s23  }
.Ltmp6:
0x237: {  	_ = 	snop;
	(pc) =	sbr.rel @p0 .LBB2_1-.Ltmp6, $3  }
0x238: {  	_ =	sdelay $0x1  }
0x239: {  	[sflag:s29] =	ssyncset.done $0x0  }
0x23a: {  	[sflag:s29] =	ssyncadd.s32 $0xFFFFC000  }
0x23b: {  	_ =	sfence.sel $0x180000  }
0x23c: {  	[bflag:$0x0] =	sbarrier.arrive $0xFFFF  }
0x23d: {  	_ =	strace $0x9000004A  }
0x23e: {  	s0 =	stileid.u32;
	[bflag:$0x2] =	sbarrier.arrive $0xFFFF  }
0x23f: {  	p0 =	sne.s32 s0, $0x0;
	s0 =	rddreg [dreg:$0x2]  }
0x240: {  	s0 =	sadd.s32 @!p0 $0x100000, s0  }
0x241: {  	[sflag:s0] =	ssyncadd.tile.s32 @!p0 $0x1;
	_ =	shalt  }
.Lfunc_end2:
_tile_overlayer_lowered:
.L_overlay_start_2:
0x242: {  	(tag) =	ssettag $0x2  }
0x243: {  	s0 =	rddreg [dreg:$0x0];
	s2 =	stileid.u32  }
0x244: {  	s1 =	rddreg [dreg:$0x1];
	p0 =	sne.s32 s2, $0x0  }
0x245: {  	s3 =	rddreg [dreg:$0x2];
	[bflag:$0x3] =	sbarrier.arrive $0xFFFF;
	s2 =	simm.s32 @!p0 $0x1C05  }
0x246: {  	[timem:s3], [sflag:s2] =	dma.local @!p0 [hbm:s0], s1  }
0x247: {  	s0 =	simm.s32 @!p0 $0x5  }
0x248: {  	_ =	swait.ge @!p0 [sflag:s0], s1  }
0x249: {  	s1 =	ssub.s32 @!p0 $0x0, s1;
	[sflag:s0] =	ssyncset.done @!p0 $0x0  }
0x24a: {  	[sflag:s0] =	ssyncadd.s32 @!p0 s1  }
0x24b: {  	[bflag:$0x3] =	sbarrier.arrive $0xFFFF  }
0x24c: {  	_ =	shalt  }

// kernel: kernel.7.cloned.1.call-start
scs
__scs_entry_jumppad:
0x0: {  	(pc) =	sbr.rel $0x88, $3  }
0x1: {  	(tag) =	ssettag $0x0;
	lr =	simm.s32 $0x1  }
0x2: {  	[smem:$0x3F96] =	sst lr;
	_ =	strace $0xD0000000  }
0x3: {  	_ = 	snop  }
0x4: {  	_ = 	snop  }
0x5: {  	_ = 	snop  }
0x6: {  	_ = 	snop  }
0x7: {  	_ = 	snop  }
__scs_overlays_trampoline_lowered:
0x8: {  	[smem:$0x3FA5] =	sst s0  }
0x9: {  	[smem:$0x3FA6] =	sst s1  }
0xa: {  	[smem:$0x3FA7] =	sst s2  }
0xb: {  	[smem:$0x3FA8] =	sst s3  }
0xc: {  	[smem:$0x3FA9] =	sst s4  }
0xd: {  	[smem:$0x3FAA] =	sst s5  }
0xe: {  	[smem:$0x3FAB] =	sst s6  }
0xf: {  	[smem:$0x3FAC] =	sst s7  }
0x10: {  	[smem:$0x3FAD] =	sst s8  }
0x11: {  	[smem:$0x3FAE] =	sst s9;
	s0 =	simm.s32 @!p0 $0x0  }
0x12: {  	s1 =	sld [smem:$0x3F94];
	s0 =	simm.s32 @p0 $0x1  }
0x13: {  	[smem:$0x3FAF] =	sst s0;
	s0 =	simm.s32 @!p1 $0x0  }
0x14: {  	s2 =	sld [smem:$0x3F93];
	s0 =	simm.s32 @p1 $0x1  }
0x15: {  	[smem:$0x3FB0] =	sst s0;
	s0 =	simm.s32 @!p2 $0x0  }
0x16: {  	s3 =	sld [smem:$0x3FDB];
	s0 =	simm.s32 @p2 $0x1  }
0x17: {  	s4 =	simm.s32 $0x1BF5;
	[smem:$0x3FB2] =	sst s0  }
0x18: {  	s0 =	sld [smem:$0x3F95];
	_ =	swait.ge [sflag:s4], $0x0  }
0x19: {  	s7 =	sld [smem:$0x3F96]  }
0x1a: {  	s8 =	sadd.s32 $0xFFFFE003, lr  }
0x1b: {  	s9 =	sadd.s32 $0xFFFFFEF7, lr;
	s5 =	simm.s32 $0xFFFFFFFF;
	p2 =	slt.u32 s8, $0xFFFFF086  }
0x1c: {  	p1 =	slt.u32 s9, $0xF7A;
	s5 =	simm.s32 @!p2 $0x0  }
0x1d: {  	s5 =	simm.s32 @p1 $0x1;
	p0 =	seq.s32 s7, s2  }
0x1e: {  	s7 =	smul.u32 @!p0 $0xF7A, s2;
	p2 =	seq.s32 @!p0 s5, $0x0  }
0x1f: {  	s9 =	smul.u32 $0xF7A, s1;
	s8 =	simm.s32 @!p0 $0x1BF5;
	p2 =	por !p2, p0  }
0x20: {  	[sflag:s8] =	ssyncset.s32 @!p0 $0xFFFFF086;
	s6 =	sadd.s32 @!p0 s3, s7;
	s7 =	simm.s32 @!p0 $0x108  }
0x21: {  	s3 =	sadd.s32 s3, s9;
	s6 =	sadd.s32 @!p0 $0x88, s6;
	s7 =	simm.s32 @p2 $0x1082  }
0x22: {  	[simem:s7], [sflag:s8] =	dma.local @!p0 [hbm:s6], $0xF7A  }
0x23: {  	s9 =	sor.u32 $0xD0000000, s2;
	s6 =	simm.s32 $0x108;
	_ =	swait.ge @!p0 [sflag:s8], $0x0  }
0x24: {  	s3 =	sadd.s32 $0x88, s3;
	s6 =	simm.s32 @!p1 $0x1082;
	[sflag:s4] =	ssyncset.s32 $0xFFFFF086  }
0x25: {  	[simem:s6], [sflag:s4] =	dma.local [hbm:s3], $0xF7A  }
0x26: {  	[smem:$0x3F96] =	sst s1;
	(tag) =	ssettag s2;
	_ =	strace s9  }
0x27: {  	s1 =	sld [smem:$0x3FA6]  }
0x28: {  	s2 =	sld [smem:$0x3FA7]  }
0x29: {  	s4 =	sld [smem:$0x3FA9]  }
0x2a: {  	p0 =	seq.s32 s5, $0x0;
	s5 =	sld [smem:$0x3FAA]  }
0x2b: {  	s6 =	sld [smem:$0x3FAB]  }
0x2c: {  	s7 =	sld [smem:$0x3FAC]  }
0x2d: {  	s3 =	simm.s32 $0x108;
	s8 =	sld [smem:$0x3FAD]  }
0x2e: {  	s3 =	simm.s32 @!p0 $0x1082;
	s9 =	sld [smem:$0x3FAE]  }
0x2f: {  	lr =	sadd.s32 s0, s3;
	s0 =	sld [smem:$0x3FA5]  }
0x30: {  	s3 =	sld [smem:$0x3FA8]  }
0x31: {  	[smem:$0x3FB1] =	sst s10  }
0x32: {  	s10 =	sld [smem:$0x3FAF];
	_ =	sdelay $0x3  }
0x33: {  	p0 =	seq.s32 s10, $0x1;
	s10 =	sld [smem:$0x3FB1];
	_ =	sdelay $0x3  }
0x34: {  	[smem:$0x3FB1] =	sst s10  }
0x35: {  	s10 =	sld [smem:$0x3FB0];
	_ =	sdelay $0x3  }
0x36: {  	p1 =	seq.s32 s10, $0x1;
	s10 =	sld [smem:$0x3FB1];
	_ =	sdelay $0x3  }
0x37: {  	[smem:$0x3FB1] =	sst s10  }
0x38: {  	s10 =	sld [smem:$0x3FB2]  }
0x39: {  	_ = 	snop;
	(pc) =	sbr.ind lr, $3  }
0x3a: {  	_ = 	snop  }
0x3b: {  	_ = 	snop  }
0x3c: {  	p2 =	seq.s32 s10, $0x1;
	s10 =	sld [smem:$0x3FB1]  }
0x3d: {  	_ =	shalt  }
0x3e: {  	_ =	shalt  }
0x3f: {  	_ =	shalt  }
0x40: {  	_ =	shalt  }
0x41: {  	_ =	shalt  }
0x42: {  	_ =	shalt  }
0x43: {  	_ =	shalt  }
0x44: {  	_ =	shalt  }
0x45: {  	_ =	shalt  }
0x46: {  	_ =	shalt  }
0x47: {  	_ =	shalt  }
0x48: {  	_ =	shalt  }
0x49: {  	_ =	shalt  }
0x4a: {  	_ =	shalt  }
0x4b: {  	_ =	shalt  }
0x4c: {  	_ =	shalt  }
0x4d: {  	_ =	shalt  }
0x4e: {  	_ =	shalt  }
0x4f: {  	_ =	shalt  }
0x50: {  	_ =	shalt  }
0x51: {  	_ =	shalt  }
0x52: {  	_ =	shalt  }
0x53: {  	_ =	shalt  }
0x54: {  	_ =	shalt  }
0x55: {  	_ =	shalt  }
0x56: {  	_ =	shalt  }
0x57: {  	_ =	shalt  }
0x58: {  	_ =	shalt  }
0x59: {  	_ =	shalt  }
0x5a: {  	_ =	shalt  }
0x5b: {  	_ =	shalt  }
0x5c: {  	_ =	shalt  }
0x5d: {  	_ =	shalt  }
0x5e: {  	_ =	shalt  }
0x5f: {  	_ =	shalt  }
0x60: {  	_ =	shalt  }
0x61: {  	_ =	shalt  }
0x62: {  	_ =	shalt  }
0x63: {  	_ =	shalt  }
0x64: {  	_ =	shalt  }
0x65: {  	_ =	shalt  }
0x66: {  	_ =	shalt  }
0x67: {  	_ =	shalt  }
0x68: {  	_ =	shalt  }
0x69: {  	_ =	shalt  }
0x6a: {  	_ =	shalt  }
0x6b: {  	_ =	shalt  }
0x6c: {  	_ =	shalt  }
0x6d: {  	_ =	shalt  }
0x6e: {  	_ =	shalt  }
0x6f: {  	_ =	shalt  }
0x70: {  	_ =	shalt  }
0x71: {  	_ =	shalt  }
0x72: {  	_ =	shalt  }
0x73: {  	_ =	shalt  }
0x74: {  	_ =	shalt  }
0x75: {  	_ =	shalt  }
0x76: {  	_ =	shalt  }
0x77: {  	_ =	shalt  }
0x78: {  	_ =	shalt  }
0x79: {  	_ =	shalt  }
0x7a: {  	_ =	shalt  }
0x7b: {  	_ =	shalt  }
0x7c: {  	_ =	shalt  }
0x7d: {  	_ =	shalt  }
0x7e: {  	_ =	shalt  }
0x7f: {  	_ =	shalt  }
0x80: {  	_ =	shalt  }
0x81: {  	_ =	shalt  }
0x82: {  	_ =	shalt  }
0x83: {  	_ =	shalt  }
0x84: {  	_ =	shalt  }
0x85: {  	_ =	shalt  }
0x86: {  	_ =	shalt  }
0x87: {  	_ =	shalt  }
.Lfunc_end0:
.L_simem_size_0:
called_computation_lowered:
.L_overlay_start_0:
0x88: {  	s2 =	sld [smem:$0x3FD9]  }
0x89: {  	s3 =	sld [smem:$0x3FFE];
	_ =	sdelay $0x1  }
0x8a: {  	s1 =	srdreg.scid  }
0x8b: {  	s0 =	sand.u32 $0x1, s1  }
0x8c: {  	s16 =	sshll.u32 s0, $0xA;
	s2 =	sadd.s32 s3, s2  }
0x8d: {  	s2 =	sadd.s32 s2, s16  }
0x8e: {  	[smem:$0x3FBD] =	sst s2  }
0x8f: {  	_ = 	snop  }
0x90: {  	(tm) =	ssettm $0x1  }
0x91: {  	s17 =	sld [smem:$0x3FFB];
	_ =	sdelay $0x3  }
0x92: {  	_ =	strace s17  }
0x93: {  	s2 =	sld [smem:$0x3FFC];
	_ =	sdelay $0x3  }
0x94: {  	_ =	strace s2  }
0x95: {  	s2 =	sld [smem:$0x3FFD];
	_ =	sdelay $0x3  }
0x96: {  	_ =	strace s2  }
0x97: {  	_ =	strace $0x8FFFFFFF  }
0x98: {  	s18 =	sld [smem:$0x3FDB];
	_ =	sdelay $0x1  }
0x99: {  	s19 =	simm.s32 $_scs_section_size  }
0x9a: {  	s4 =	simm.s32 $_size__tile_overlayer_lowered;
	s5 =	simm.s32 $_tile_overlayer_lowered  }
0x9b: {  	s22 =	simm.s32 $0x1BFF;
	s21 =	sshll.u32 s5, $0x1;
	s2 =	sadd.s32 s19, s18  }
0x9c: {  	s6 =	simm.s32 $0x0;
	s20 =	sshll.u32 s4, $0x1;
	s4 =	sadd.s32 s21, s2  }
0x9d: {  	[timem:s6], [sflag:s22] =	dma.local [hbm:s4], s20  }
0x9e: {  	_ =	swait.ge [sflag:s22], s20  }
0x9f: {  	s3 =	ssub.s32 $0x0, s20;
	[sflag:s22] =	ssyncset.done $0x0  }
0xa0: {  	[sflag:s22] =	ssyncadd.s32 s3;
	_ =	sdelay $0x1  }
0xa1: {  	s23 =	simm.s32 $0x1B8B  }
0xa2: {  	_ =	swait.ge [sflag:s23], $0x1  }
0xa3: {  	[sflag:s23] =	ssyncset.done $0x0  }
0xa4: {  	s25 =	simm.s32 $0x1B8E;
	s24 =	sld [smem:$0x3FFE];
	[sflag:s23] =	ssyncadd.s32 $0xFFFFFFFF  }
0xa5: {  	s26 =	simm.s32 $execute0_lowered;
	[smem:$0x3FD2] =	sst s25  }
0xa6: {  	s4 =	sshll.u32 s26, $0x1;
	_ =	strace $0x80000046;
	[dreg:$0x1] =	wrdreg $0xFFFFFFFF  }
0xa7: {  	s28 =	simm.s32 $_size_execute0_lowered;
	s2 =	sadd.s32 s2, s4;
	[dreg:$0x0] =	wrdreg $0x0  }
0xa8: {  	s4 =	sshll.u32 s28, $0x1;
	[dreg:$0x2] =	wrdreg s2  }
0xa9: {  	[dreg:$0x3] =	wrdreg s4  }
0xaa: {  	[dreg:$0x4] =	wrdreg $0xC0  }
0xab: {  	_ =	task [dreg:s6], $0x5FFFF  }
0xac: {  	[dreg:$0x1] =	wrdreg $0xFFFFFFFF  }
0xad: {  	[dreg:$0x0] =	wrdreg $0x60  }
0xae: {  	[dreg:$0x2] =	wrdreg s24  }
0xaf: {  	[dreg:$0x3] =	wrdreg $0x9  }
0xb0: {  	_ =	task.clear_ibuf [dreg:s6], $0x4FFFF;
	_ =	strace $0x90000046  }
0xb1: {  	s29 =	simm.s32 $0x9;
	_ =	strace $0x80000048  }
0xb2: {  	_ =	swait.ge [sflag:s29], $0x1  }
0xb3: {  	[sflag:s29] =	ssyncadd.s32 $0xFFFFFFFF  }
0xb4: {  	_ =	strace $0x90000048  }
0xb5: {  	_ =	sfence  }
0xb6: {  	s30 =	sld [smem:$0x0];
	_ =	sdelay $0x2  }
0xb7: {  	s31 =	sshll.u32 s1, $0xD;
	s1 =	sshrl.u32 s1, $0x2  }
0xb8: {  	s3 =	sand.u32 $0x4000, s31;
	s1 =	sadd.s32 s1, s30  }
0xb9: {  	s0 =	sor.u32 s3, s0;
	s1 =	sshll.u32 s1, $0x11  }
0xba: {  	s0 =	sor.u32 s1, s0  }
0xbb: {  	s0 =	sadd.s32 $0x8F2B, s0  }
0xbc: {  	[sflag:s0] =	ssyncadd.remote.s32 $0x1  }
0xbd: {  	_ =	sfence.sel $0xFFFF  }
0xbe: {  	[dreg:$0x0] =	wrdreg $0xFFFFFFFF;
	(pc) =	sbr.abs _section_cstart, $3  }
0xbf: {  	[dreg:$0x1] =	wrdreg $0xFFFFFFFF  }
0xc0: {  	_ =	task.clear_ibuf [dreg:s6], $0x2FFFF;
	_ =	strace $0x9FFFFFFF  }
0xc1: {  	(tm) =	ssettm $0x7FFFFFFF  }
tec
execute0_lowered:
.L_overlay_start_1:
0x0: {  	(tag) =	ssettag $0x1  }
0x1: {  	v0 =	vimm.s32 $0xEDCBA987  }
0x2: {  	v1 =	vimm.s32 $0x65432100;
	v2 =	vimm.s32 $0x54321000;
	v3 =	vimm.s32 $0xDCBA9876  }
0x3: {  	v4 =	vimm.s32 $0xE40000;
	v5 =	vimm.s32 $0xBA987654;
	v0 =	vunpack.c.l.s4.s8 v0  }
0x4: {  	v6 =	vimm.s32 $0x7060504;
	v7 =	vimm.s32 $0xFFEDCBA9;
	v1 =	vunpack.c.l.s4.s8 v1  }
0x5: {  	v8 =	vimm.s32 $0x87654321;
	vm0 =	vcmask $0x3F30;
	v0 =	vunpack.c.0.s8.s32 v0  }
0x6: {  	vm1 =	vcmask $0x3F08;
	v4 =	vunpack.c.l.s2.s4 v4;
	v1 =	vunpack.c.0.s8.s32 v1  }
0x7: {  	v3 =	vunpack.c.l.s4.s8 v3;
	v6 =	vunpack.c.0.s8.s32 v6;
	v0 =	vand.u32 $0xF, v0  }
0x8: {  	s1 =	srdreg.scid;
	v7 =	vunpack.c.l.s4.s8 v7;
	v4 =	vunpack.c.l.s4.s8 v4;
	v0 =	vcombine.low v1, v0  }
0x9: {  	s0 =	stileid.u32;
	s4 =	rddreg [dreg:$0x0];
	s2 =	simm.s32 $0x0;
	v1 =	vunpack.c.l.s4.s8 v2;
	v2 =	vunpack.c.l.s4.s8 v5;
	v5 =	vimm.s32 $0x32100000  }
0xa: {  	s8 =	simm.s32 $0x2800;
	s3 =	sand.u32 $0x1, s1;
	s30 =	sshll.u32 s0, $0x1;
	v3 =	vunpack.c.0.s8.s32 v3;
	v4 =	vunpack.c.0.s8.s32 v4;
	v5 =	vunpack.c.l.s4.s8 v5  }
0xb: {  	s9 =	simm.s32 $0x5000;
	s10 =	simm.s32 $0x0;
	v8 =	vunpack.c.l.s4.s8 v8;
	s5 =	sor.u32 s3, s30;
	v1 =	vunpack.c.0.s8.s32 v1;
	v2 =	vunpack.c.0.s8.s32 v2  }
0xc: {  	s1 =	rddreg [dreg:$0x1];
	s3 =	ssub.s32 $0x2, s3;
	s6 =	smul.u32 $0x500, s5;
	v3 =	vand.u32 $0xF, v3;
	v4 =	vand.u32 $0x3, v4;
	v5 =	vunpack.c.0.s8.s32 v5  }
0xd: {  	[smem:$0x7FF] =	sst s2;
	s5 =	smul.u32 $0x4E2, s5;
	s31 =	sshrl.u32 s3, $0x1;
	v2 =	vand.u32 $0xF, v2;
	v1 =	vcombine.low v1, v3;
	v3 =	vsel vm0, v6, v4  }
0xe: {  	_ =	strace $0x80000047;
	s7 =	ssub.s32 s3, s31;
	s6 =	sadd.s32 s6, s4;
	v6 =	vunpack.c.0.s8.s32 v8;
	v2 =	vcombine.low v5, v2;
	v5 =	vunpack.c.0.s8.s32 v7  }
0xf: {  	vm2 =	vcmask $0x3F10;
	vm3 =	vcmask $0x3F20;
	vm4 =	vcmask $0x3F3C;
	s5 =	sadd.s32 s5, s4;
	s3 =	sadd.s32 $0xBE00, s6;
	s4 =	sadd.s32 $0x1E00, s6  }
0x10: {  	s5 =	sadd.s32 $0x1FE00, s5;
	s6 =	smax.u32 s7, $0x1;
	s7 =	simm.s32 $0x1;
	v4 =	vimm.f32 $0.0e+00;
	vm0 =	vcmask $0x3F04;
	v5 =	vcombine.low v6, v5  }
.LBB2_1:
0x11: {  	[tilespmem:s2], [sflag:$0x1] =	stream.linear.gather [hbm4b:s3+s2], $0x2800, $0x38;
	[tilespmem:$0x7780] =	vst v63  }
0x12: {  	_ =	swait.ge [sflag:s7], $0x2800  }
0x13: {  	[sflag:s7] =	ssyncset.done $0x0  }
0x14: {  	[sflag:s7] =	ssyncadd.s32 $0xFFFFD800  }
0x15: {  	[tilespmem:s8], [sflag:$0x1] =	stream.linear.gather [hbm4b:s4+s2], $0x2800, $0x38;
	[tilespmem:$0x7780] =	vst v63  }
0x16: {  	_ =	swait.ge [sflag:s7], $0x2800  }
0x17: {  	[sflag:s7] =	ssyncset.done $0x0  }
0x18: {  	s11 =	simm.s32 $0x0;
	[sflag:s7] =	ssyncadd.s32 $0xFFFFD800  }
.LBB2_2:
0x19: {  	p0 =	sne.s32 s11, $0x9C00  }
.Ltmp0:
0x1a: {  	_ = 	snop;
	(pc) =	sbr.rel @p0 .LBB2_2-.Ltmp0, $3  }
0x1b: {  	_ =	sdelay $0x1  }
0x1c: {  	s12 =	sshra.s32 s11, $0x2  }
0x1d: {  	s11 =	sadd.s32 $0x40, s11;
	[tilespmem:s12+$0x5000] =	vst v4  }
0x1e: {  	s12 =	simm.s32 $0x0;
	s11 =	simm.s32 $0x40  }
.LBB2_4:
0x1f: {  	p0 =	sne.s32 s11, $0x9FC0;
	v6 =	vld [tilespmem:s12+$0x0]  }
0x20: {  	v7 =	vld [tilespmem:s12+$0x2800];
	_ =	sdelay $0x3  }
0x21: {  	v6 =	vxor.u32 $0x80000000, v6  }
0x22: {  	(xrf1) =	vsort.ascd.msk.u32 $0xffff, v6, v7;
	_ =	sdelay $0xd  }
0x23: {  	v6, v7, _ =	vpop (xrf1)  }
0x24: {  	v6 =	vxor.u32 $0x80000000, v6  }
0x25: {  	v8 =	vperm.xlane v6, v0;
	_ =	sdelay $0x1  }
0x26: {  	v9 =	vperm.xlane v7, v0;
	vm5 =	veq.s32 v8, v6  }
0x27: {  	vm5 =	vmand vm5, vm0  }
0x28: {  	v8 =	vnsel vm5, $0x0, v9  }
0x29: {  	v7 =	vadd.f32 v8, v7;
	v8 =	vperm.xlane v6, v1;
	_ =	sdelay $0x1  }
0x2a: {  	v9 =	vperm.xlane v7, v1;
	vm5 =	veq.s32 v8, v6  }
0x2b: {  	vm5 =	vmand vm5, vm1  }
0x2c: {  	v8 =	vnsel vm5, $0x0, v9  }
0x2d: {  	v7 =	vadd.f32 v7, v8;
	v8 =	vperm.xlane v6, v2;
	_ =	sdelay $0x1  }
0x2e: {  	v9 =	vperm.xlane v7, v2;
	vm5 =	veq.s32 v8, v6  }
0x2f: {  	v8 =	vperm.xlane v6, v5;
	vm5 =	vmand vm5, vm2  }
0x30: {  	v9 =	vnsel vm5, $0x0, v9  }
0x31: {  	vm5 =	vne.s32 v6, v8;
	v7 =	vadd.f32 v9, v7;
	v9 =	vperm.xlane v6, v3  }
0x32: {  	vm5 =	vmor vm5, vm4  }
0x33: {  	v8 =	vperm.xlane v7, v3;
	vm6 =	veq.s32 v9, v6  }
.Ltmp1:
0x34: {  	vm6 =	vmand vm6, vm3;
	(pc) =	sbr.rel @p0 .LBB2_4-.Ltmp1, $3  }
0x35: {  	v8 =	vnsel vm6, $0x0, v8  }
0x36: {  	v7 =	vadd.f32 v8, v7;
	_ =	sdelay $0x1  }
0x37: {  	s12 =	sshra.s32 s11, $0x2;
	s11 =	sadd.s32 $0x40, s11;
	[tilespmem:v6+s9+$0x0] =	vst.idx.add.f32.msk vm5, v7  }
0x38: {  	v6 =	vld [tilespmem:s12+$0x0]  }
0x39: {  	v7 =	vld [tilespmem:s12+$0x2800];
	_ =	sdelay $0x3  }
0x3a: {  	v6 =	vxor.u32 $0x80000000, v6  }
0x3b: {  	(xrf1) =	vsort.ascd.msk.u32 $0xffff, v6, v7;
	_ =	sdelay $0xd  }
0x3c: {  	v6, v7, _ =	vpop (xrf1)  }
0x3d: {  	v6 =	vxor.u32 $0x80000000, v6  }
0x3e: {  	v8 =	vperm.xlane v6, v0;
	_ =	sdelay $0x1  }
0x3f: {  	v9 =	vperm.xlane v7, v0;
	vm5 =	veq.s32 v8, v6  }
0x40: {  	vm5 =	vmand vm5, vm0  }
0x41: {  	v55 =	vnsel vm5, $0x0, v9  }
0x42: {  	v56 =	vperm.xlane v6, v1;
	v7 =	vadd.f32 v55, v7;
	_ =	sdelay $0x1  }
0x43: {  	vm5 =	veq.s32 v56, v6;
	v57 =	vperm.xlane v7, v1  }
0x44: {  	vm5 =	vmand vm5, vm1  }
0x45: {  	v58 =	vnsel vm5, $0x0, v57  }
0x46: {  	v59 =	vperm.xlane v6, v2;
	v7 =	vadd.f32 v7, v58;
	_ =	sdelay $0x1  }
0x47: {  	vm5 =	veq.s32 v59, v6;
	v60 =	vperm.xlane v7, v2  }
0x48: {  	v61 =	vperm.xlane v6, v5;
	vm5 =	vmand vm5, vm2  }
0x49: {  	v9 =	vnsel vm5, $0x0, v60  }
0x4a: {  	v62 =	vperm.xlane v6, v3;
	vm5 =	vne.s32 v6, v61;
	v7 =	vadd.f32 v9, v7  }
0x4b: {  	vm5 =	vmor vm5, vm4  }
0x4c: {  	vm6 =	veq.s32 v62, v6;
	v63 =	vperm.xlane v7, v3  }
0x4d: {  	vm6 =	vmand vm6, vm3  }
0x4e: {  	v8 =	vnsel vm6, $0x0, v63  }
0x4f: {  	s10 =	sadd.s32 $0x1, s10;
	v7 =	vadd.f32 v8, v7  }
0x50: {  	p0 =	sne.s32 s10, s6  }
.Ltmp2:
0x51: {  	[tilespmem:v6+s9+$0x0] =	vst.idx.add.f32.msk vm5, v7;
	(pc) =	sbr.rel @p0 .LBB2_1-.Ltmp2, $4  }
0x52: {  	[hbm4b:s5+s2] =	stream.linear.scatter [tilespmem:s9], [sflag:$0x1], $0x2710, $0x38;
	[tilespmem:$0x7780] =	vst v63  }
0x53: {  	_ =	swait.ge [sflag:s7], $0x2710  }
0x54: {  	[sflag:s7] =	ssyncset.done $0x0  }
0x55: {  	[sflag:s7] =	ssyncadd.s32 $0xFFFFD8F0  }
0x56: {  	_ =	sfence.sel $0x180000  }
0x57: {  	[bflag:$0x0] =	sbarrier.arrive $0xFFFF  }
0x58: {  	p0 =	sne.s32 s0, $0x0;
	_ =	strace $0x90000047  }
0x59: {  	s0 =	sadd.s32 @!p0 $0x100000, s1;
	[bflag:$0x2] =	sbarrier.arrive $0xFFFF  }
0x5a: {  	[sflag:s0] =	ssyncadd.tile.s32 @!p0 $0x1;
	_ =	shalt  }
.Lfunc_end2:
_tile_overlayer_lowered:
.L_overlay_start_2:
0x5b: {  	(tag) =	ssettag $0x2  }
0x5c: {  	s0 =	rddreg [dreg:$0x0];
	s2 =	stileid.u32  }
0x5d: {  	s1 =	rddreg [dreg:$0x1];
	p0 =	sne.s32 s2, $0x0  }
0x5e: {  	s3 =	rddreg [dreg:$0x2];
	[bflag:$0x3] =	sbarrier.arrive $0xFFFF;
	s2 =	simm.s32 @!p0 $0x1C01  }
0x5f: {  	[timem:s3], [sflag:s2] =	dma.local @!p0 [hbm:s0], s1  }
0x60: {  	s0 =	simm.s32 @!p0 $0x1  }
0x61: {  	_ =	swait.ge @!p0 [sflag:s0], s1  }
0x62: {  	s1 =	ssub.s32 @!p0 $0x0, s1;
	[sflag:s0] =	ssyncset.done @!p0 $0x0  }
0x63: {  	[sflag:s0] =	ssyncadd.s32 @!p0 s1  }
0x64: {  	[bflag:$0x3] =	sbarrier.arrive $0xFFFF  }
0x65: {  	_ =	shalt  }

</sc_bundles>
